<compile_context>
chip_gen: v7x
topology: tpu7x:2x2x1
jax: 0.10.2.dev20260603
libtpu: 0.0.44.dev20260713+nightly
codegen_flags: <defaults>
</compile_context>

<pallas_src>
import functools

import jax
import jax.numpy as jnp
from jax import lax
from jax.experimental import pallas as pl
from jax.experimental.pallas import tpu as pltpu
from jax.experimental.pallas import tpu_sc as plsc

N_NODE = 50000
E_EDGES = 800000
H_HEADS = 4
D_HEAD = 16
HID = 64
NG = 256

NC = 2
NS = 16
NW = NC * NS
CHUNK = 128
GROUP = 512
CPG = GROUP // CHUNK
E_PAD = 819200
N_PAD = 50176
GROUPS_PER_TILE = E_PAD // (NW * GROUP)
ZERO_ITERS = N_PAD // GROUP
ZERO_LOOPS = -(-ZERO_ITERS // NS)

_BLK = 2000
_NBLK = N_NODE // _BLK


def _pre_body(xt_ref, xa_ref, wt_ref, bt_ref, wa_ref, ba_ref, asrc_ref,
              adst_ref, z0_ref, z1_ref, msrc_ref, mdst_ref, msum_ref,
              mxs_ref, mxd_ref):
    i = pl.program_id(0)
    zt = jnp.dot(xt_ref[...], wt_ref[...].T,
                 preferred_element_type=jnp.float32, precision=lax.Precision.HIGHEST) + bt_ref[...]
    za = jnp.dot(xa_ref[...], wa_ref[...].T,
                 preferred_element_type=jnp.float32, precision=lax.Precision.HIGHEST) + ba_ref[...]
    z0_ref[0] = za[:, 0:16]
    z0_ref[1] = za[:, 16:32]
    z1_ref[0] = za[:, 32:48]
    z1_ref[1] = za[:, 48:64]
    pad = jnp.zeros((za.shape[0], 12), jnp.float32)
    a_s = jnp.dot(za, asrc_ref[...], preferred_element_type=jnp.float32, precision=lax.Precision.HIGHEST)
    a_d = jnp.dot(zt, adst_ref[...], preferred_element_type=jnp.float32, precision=lax.Precision.HIGHEST)
    msrc_ref[...] = jnp.concatenate([a_s, pad], axis=1)
    mdst_ref[...] = jnp.concatenate([a_d, pad], axis=1)
    bs = jnp.max(a_s, axis=0, keepdims=True)
    bd = jnp.max(a_d, axis=0, keepdims=True)

    @pl.when(i == 0)
    def _():
        mxs_ref[...] = bs
        mxd_ref[...] = bd

    @pl.when(i > 0)
    def _():
        mxs_ref[...] = jnp.maximum(mxs_ref[...], bs)
        mxd_ref[...] = jnp.maximum(mxd_ref[...], bd)

    @pl.when(i == _NBLK - 1)
    def _():
        msum_ref[...] = jnp.concatenate(
            [mxs_ref[...] + mxd_ref[...], jnp.zeros((1, 12), jnp.float32)],
            axis=1)


def _run_pre(x_tx, x_addr, w_tx, b_tx, w_ad, b_ad, a_src_m, a_dst_m):
    f32 = jnp.float32
    row_spec = pl.BlockSpec((_BLK, 65), lambda i: (i, 0))
    full = lambda shape: pl.BlockSpec(shape, lambda i: tuple(0 for _ in shape))
    out16 = pl.BlockSpec((_BLK, 16), lambda i: (i, 0))
    zspec = pl.BlockSpec((2, _BLK, 16), lambda i: (0, i, 0))
    return pl.pallas_call(
        _pre_body,
        grid=(_NBLK,),
        in_specs=[row_spec, row_spec, full((64, 65)), full((1, 64)),
                  full((64, 65)), full((1, 64)), full((64, 4)), full((64, 4))],
        out_specs=[zspec, zspec, out16, out16,
                   pl.BlockSpec((1, 16), lambda i: (0, 0))],
        out_shape=[jax.ShapeDtypeStruct((2, N_NODE, 16), f32)] * 2
        + [jax.ShapeDtypeStruct((N_NODE, 16), f32),
           jax.ShapeDtypeStruct((N_PAD, 16), f32),
           jax.ShapeDtypeStruct((1, 16), f32)],
        scratch_shapes=[pltpu.VMEM((1, 4), f32), pltpu.VMEM((1, 4), f32)],
    )(x_tx, x_addr, w_tx, b_tx, w_ad, b_ad, a_src_m, a_dst_m)


def _copy_idx(src_ref, dst_ref):
    for j in range(CPG):
        for k in range(8):
            sl = pl.ds(k * 16, 16)
            dst_ref[j, sl] = src_ref[j, sl]


def _pass1_body(src_hbm, dst_hbm, msrc_hbm, mdst_hbm, msum_hbm, e_hbm,
                ssum_hbm,
                srcv0, srcv1, dstv0, dstv1, msv0, msv1, mdv0, mdv1,
                ev0, ev1, sc0, sc1, mxv, ssum_sh,
                si0, si1, sg0, sg1, ss0, ss1):
    cid = lax.axis_index("c")
    sid = lax.axis_index("s")
    w = cid * NS + sid
    srcv = (srcv0, srcv1)
    dstv = (dstv0, dstv1)
    msv = (msv0, msv1)
    mdv = (mdv0, mdv1)
    ev = (ev0, ev1)
    scx = (sc0, sc1)
    si = (si0, si1)
    sg = (sg0, sg1)
    ss = (ss0, ss1)

    pltpu.sync_copy(msum_hbm, mxv)

    @pl.loop(0, GROUP)
    def _zero_ev(r):
        ev0[pl.ds(r, 1), :] = jnp.zeros((1, 16), jnp.float32)

    @pl.loop(0, ZERO_LOOPS)
    def _zero_shared(g):
        idx = sid + g * NS

        @pl.when(idx < ZERO_ITERS)
        def _():
            pltpu.sync_copy(ev0, ssum_sh.at[pl.ds(idx * GROUP, GROUP)])

    plsc.subcore_barrier()

    def fire_idx(b, g):
        chunk0 = w * (GROUPS_PER_TILE * CPG) + g * CPG
        pltpu.async_copy(src_hbm.at[pl.ds(chunk0, CPG)], srcv[b], si[b])
        pltpu.async_copy(dst_hbm.at[pl.ds(chunk0, CPG)], dstv[b], si[b])

    def wait_idx(b):
        pltpu.make_async_copy(src_hbm.at[pl.ds(0, CPG)], srcv[b], si[b]).wait()
        pltpu.make_async_copy(dst_hbm.at[pl.ds(0, CPG)], dstv[b], si[b]).wait()

    def fire_gathers(b):
        for j in range(CPG):
            pltpu.async_copy(msrc_hbm.at[srcv[b].at[j]],
                             msv[b].at[pl.ds(j * CHUNK, CHUNK)], sg[b])
            pltpu.async_copy(mdst_hbm.at[dstv[b].at[j]],
                             mdv[b].at[pl.ds(j * CHUNK, CHUNK)], sg[b])

    def wait_gathers(b):
        for j in range(CPG):
            pltpu.make_async_copy(msrc_hbm.at[srcv[b].at[j]],
                                  msv[b].at[pl.ds(j * CHUNK, CHUNK)],
                                  sg[b]).wait()
            pltpu.make_async_copy(mdst_hbm.at[dstv[b].at[j]],
                                  mdv[b].at[pl.ds(j * CHUNK, CHUNK)],
                                  sg[b]).wait()

    def compute(b):
        mrow = mxv[pl.ds(0, 1), :]

        @pl.loop(0, GROUP, step=4)
        def _row(r):
            for k in range(4):
                sl = pl.ds(r + k, 1)
                s = msv[b][sl, :] + mdv[b][sl, :]
                ev[b][sl, :] = jnp.exp(jnp.maximum(s, 0.2 * s) - mrow)

    def step(b, g):
        nb = 1 - b

        @pl.when(g + 1 < GROUPS_PER_TILE)
        def _():
            fire_idx(nb, g + 1)

        wait_gathers(b)

        @pl.when(g + 1 < GROUPS_PER_TILE)
        def _():
            wait_idx(nb)
            fire_gathers(nb)

        compute(b)
        pltpu.async_copy(
            ev[b], e_hbm.at[pl.ds((w * GROUPS_PER_TILE + g) * GROUP, GROUP)],
            ss[b])
        for j in range(CPG):
            pltpu.sync_copy(ev[b].at[pl.ds(j * CHUNK, CHUNK)],
                            ssum_sh.at[dstv[b].at[j]], add=True)
        pltpu.make_async_copy(ev[b], e_hbm.at[pl.ds(0, GROUP)], ss[b]).wait()

    fire_idx(0, 0)
    wait_idx(0)
    fire_gathers(0)

    @pl.loop(0, GROUPS_PER_TILE)
    def _group(g):
        @pl.when(g % 2 == 0)
        def _():
            step(0, g)

        @pl.when(g % 2 == 1)
        def _():
            step(1, g)

    plsc.subcore_barrier()

    @pl.loop(0, ZERO_LOOPS)
    def _writeout(g):
        idx = sid + g * NS

        @pl.when(idx < ZERO_ITERS)
        def _():
            pltpu.sync_copy(ssum_sh.at[pl.ds(idx * GROUP, GROUP)],
                            ssum_hbm.at[cid, pl.ds(idx * GROUP, GROUP)])


def _run_pass1(src2d, dst2d, msrc, mdst, msum):
    f32 = jnp.float32
    mesh = plsc.VectorSubcoreMesh(core_axis_name="c", subcore_axis_name="s")
    return pl.kernel(
        _pass1_body,
        mesh=mesh,
        compiler_params=pltpu.CompilerParams(use_tc_tiling_on_sc=False),
        out_type=[jax.ShapeDtypeStruct((E_PAD, 16), f32),
                  jax.ShapeDtypeStruct((NC, N_PAD, 16), f32)],
        scratch_types=[pltpu.VMEM((CPG, CHUNK), jnp.int32)] * 4
        + [pltpu.VMEM((GROUP, 16), f32)] * 6
        + [pltpu.VMEM((CPG, CHUNK), jnp.int32)] * 2
        + [pltpu.VMEM((1, 16), f32)]
        + [pltpu.VMEM_SHARED((N_PAD, 16), f32)]
        + [pltpu.SemaphoreType.DMA] * 6,
    )(src2d, dst2d, msrc, mdst, msum)


P2_GROUPS = E_PAD // (NS * GROUP)


def _pass2_body(h0, h1, src_hbm, dst_hbm, e_hbm, z_hbm, acc_hbm,
                srcv0, srcv1, dstv0, dstv1, ev0, ev1, zv0, zv1, mv0, mv1,
                sc0, sc1, acc_sh, si0, si1, sg0, sg1, ss0, ss1):
    cid = lax.axis_index("c")
    sid = lax.axis_index("s")
    srcv = (srcv0, srcv1)
    dstv = (dstv0, dstv1)
    ev = (ev0, ev1)
    zv = (zv0, zv1)
    mv = (mv0, mv1)
    scx = (sc0, sc1)
    si = (si0, si1)
    sg = (sg0, sg1)
    ss = (ss0, ss1)

    @pl.loop(0, GROUP)
    def _zero_mv(r):
        mv0[pl.ds(r, 1), :] = jnp.zeros((1, 16), jnp.float32)

    @pl.loop(0, ZERO_LOOPS)
    def _zero_shared(g):
        idx = sid + g * NS

        @pl.when(idx < ZERO_ITERS)
        def _():
            pltpu.sync_copy(mv0, acc_sh.at[pl.ds(idx * GROUP, GROUP)])

    plsc.subcore_barrier()

    def fire_idx(b, g):
        chunk0 = sid * (P2_GROUPS * CPG) + g * CPG
        base_e = (sid * P2_GROUPS + g) * GROUP
        pltpu.async_copy(src_hbm.at[pl.ds(chunk0, CPG)], srcv[b], si[b])
        pltpu.async_copy(dst_hbm.at[pl.ds(chunk0, CPG)], dstv[b], si[b])
        pltpu.async_copy(e_hbm.at[pl.ds(base_e, GROUP)], ev[b], si[b])

    def wait_idx(b):
        pltpu.make_async_copy(src_hbm.at[pl.ds(0, CPG)], srcv[b], si[b]).wait()
        pltpu.make_async_copy(dst_hbm.at[pl.ds(0, CPG)], dstv[b], si[b]).wait()
        pltpu.make_async_copy(e_hbm.at[pl.ds(0, GROUP)], ev[b], si[b]).wait()

    def fire_gathers(b):
        for j in range(CPG):
            pltpu.async_copy(z_hbm.at[cid].at[srcv[b].at[j]],
                             zv[b].at[pl.ds(j * CHUNK, CHUNK)], sg[b])

    def wait_gathers(b):
        for j in range(CPG):
            pltpu.make_async_copy(z_hbm.at[cid].at[srcv[b].at[j]],
                                  zv[b].at[pl.ds(j * CHUNK, CHUNK)],
                                  sg[b]).wait()

    def compute(b):
        @pl.loop(0, GROUP, step=4)
        def _row(r):
            for k in range(4):
                sl = pl.ds(r + k, 1)
                e_row = ev[b][sl, :]
                ea = jnp.where(cid == 0, e_row[0, h0], e_row[0, h1])
                mv[b][sl, :] = zv[b][sl, :] * ea

    def step(b, g):
        nb = 1 - b

        @pl.when(g + 1 < P2_GROUPS)
        def _():
            fire_idx(nb, g + 1)

        wait_gathers(b)

        @pl.when(g + 1 < P2_GROUPS)
        def _():
            wait_idx(nb)
            fire_gathers(nb)

        compute(b)
        for j in range(CPG):
            pltpu.sync_copy(mv[b].at[pl.ds(j * CHUNK, CHUNK)],
                            acc_sh.at[dstv[b].at[j]], add=True)

    fire_idx(0, 0)
    wait_idx(0)
    fire_gathers(0)

    @pl.loop(0, P2_GROUPS)
    def _group(g):
        @pl.when(g % 2 == 0)
        def _():
            step(0, g)

        @pl.when(g % 2 == 1)
        def _():
            step(1, g)

    plsc.subcore_barrier()

    @pl.loop(0, ZERO_LOOPS)
    def _writeout(g):
        idx = sid + g * NS

        @pl.when(idx < ZERO_ITERS)
        def _():
            pltpu.sync_copy(acc_sh.at[pl.ds(idx * GROUP, GROUP)],
                            acc_hbm.at[cid, pl.ds(idx * GROUP, GROUP)])


def _run_pass2(h0, h1, src2d, dst2d, e_all, zpair):
    f32 = jnp.float32
    mesh = plsc.VectorSubcoreMesh(core_axis_name="c", subcore_axis_name="s")
    return pl.kernel(
        functools.partial(_pass2_body, h0, h1),
        mesh=mesh,
        compiler_params=pltpu.CompilerParams(use_tc_tiling_on_sc=False),
        out_type=jax.ShapeDtypeStruct((NC, N_PAD, 16), f32),
        scratch_types=[pltpu.VMEM((CPG, CHUNK), jnp.int32)] * 4
        + [pltpu.VMEM((GROUP, 16), f32)] * 6
        + [pltpu.VMEM((CPG, CHUNK), jnp.int32)] * 2
        + [pltpu.VMEM_SHARED((N_PAD, 16), f32)]
        + [pltpu.SemaphoreType.DMA] * 6,
    )(src2d, dst2d, e_all, zpair)


def _post_body(ssum_ref, acc01_ref, acc23_ref, bt_ref, w1_ref, b1_ref,
               w2_ref, b2_ref, out_ref, sums_ref):
    i = pl.program_id(0)
    ssum = ssum_ref[0] + ssum_ref[1]
    cols = []
    for pair, ref in ((0, acc01_ref), (1, acc23_ref)):
        for k in range(2):
            h = pair * 2 + k
            a = ref[k]
            denom = ssum[:, h:h + 1] + 1e-16
            cols.append(a / denom)
    out_blk = jnp.maximum(jnp.concatenate(cols, axis=1), 0.0)
    ids = bt_ref[0, 0, :]
    onehot = (ids[:, None] == lax.broadcasted_iota(jnp.int32, (_BLK, NG), 1))
    onehot = onehot.astype(jnp.float32)
    feat = jnp.concatenate(
        [out_blk, jnp.ones((_BLK, 1), jnp.float32)], axis=1)
    part = lax.dot_general(onehot, feat, (((0,), (0,)), ((), ())),
                           preferred_element_type=jnp.float32, precision=lax.Precision.HIGHEST)

    @pl.when(i == 0)
    def _():
        sums_ref[...] = part

    @pl.when(i > 0)
    def _():
        sums_ref[...] += part

    @pl.when(i == _NBLK - 1)
    def _():
        s = sums_ref[...]
        g = s[:, :64] / jnp.maximum(s[:, 64:65], 1.0)
        h1 = jnp.maximum(
            jnp.dot(g, w1_ref[...].T, preferred_element_type=jnp.float32, precision=lax.Precision.HIGHEST)
            + b1_ref[...], 0.0)
        out8 = jnp.dot(h1, w2_ref[...].T, preferred_element_type=jnp.float32, precision=lax.Precision.HIGHEST)
        out_ref[...] = out8[:, 0:1] + b2_ref[0, 0]


def _run_post(ssum, acc01, acc23, batch3d, w1, b1, w2, b2):
    f32 = jnp.float32
    full = lambda shape: pl.BlockSpec(shape, lambda i: tuple(0 for _ in shape))
    return pl.pallas_call(
        _post_body,
        grid=(_NBLK,),
        in_specs=[pl.BlockSpec((NC, _BLK, 16), lambda i: (0, i, 0)),
                  pl.BlockSpec((NC, _BLK, 16), lambda i: (0, i, 0)),
                  pl.BlockSpec((NC, _BLK, 16), lambda i: (0, i, 0)),
                  pl.BlockSpec((1, 1, _BLK), lambda i: (i, 0, 0)),
                  full((32, 64)), full((1, 32)), full((8, 32)), full((1, 1))],
        out_specs=pl.BlockSpec((NG, 1), lambda i: (0, 0)),
        out_shape=jax.ShapeDtypeStruct((NG, 1), f32),
        scratch_shapes=[pltpu.VMEM((NG, 65), f32)],
    )(ssum, acc01, acc23, batch3d, w1, b1, w2, b2)


def kernel(x_tx, x_addr, edge_t2a, edge_a2t, batch_tx,
           proj_tx_W, proj_tx_b, proj_addr_W, proj_addr_b,
           han_tx_W, han_tx_b, han_addr_W, han_addr_b,
           att_src_t2a, att_dst_t2a, att_src_a2t, att_dst_a2t,
           q_sem, k_lin_W, k_lin_b, cls1_W, cls1_b, cls2_W, cls2_b):
    f32 = jnp.float32
    w_tx = han_tx_W @ proj_tx_W
    b_tx = (han_tx_W @ proj_tx_b + han_tx_b)[None, :]
    w_ad = han_addr_W @ proj_addr_W
    b_ad = (han_addr_W @ proj_addr_b + han_addr_b)[None, :]
    blockdiag = jnp.kron(jnp.eye(H_HEADS, dtype=f32),
                         jnp.ones((D_HEAD, 1), f32))
    a_src_m = blockdiag * att_src_a2t.reshape(HID, 1)
    a_dst_m = blockdiag * att_dst_a2t.reshape(HID, 1)

    z01, z23, msrc, mdst, msum = _run_pre(
        x_tx, x_addr, w_tx, b_tx, w_ad, b_ad, a_src_m, a_dst_m)

    npad = E_PAD - E_EDGES
    src_p = jnp.concatenate(
        [edge_a2t[0], jnp.zeros((npad,), jnp.int32)]).reshape(E_PAD // CHUNK,
                                                             CHUNK)
    dst_p = jnp.concatenate(
        [edge_a2t[1], jnp.full((npad,), N_NODE, jnp.int32)]).reshape(
            E_PAD // CHUNK, CHUNK)

    e_all, ssum = _run_pass1(src_p, dst_p, msrc, mdst, msum)
    acc01 = _run_pass2(0, 1, src_p, dst_p, e_all, z01)
    acc23 = _run_pass2(2, 3, src_p, dst_p, e_all, z23)

    batch3d = batch_tx.reshape(_NBLK, 1, _BLK)
    w2p = jnp.concatenate([cls2_W, jnp.zeros((7, 32), f32)], axis=0)
    return _run_post(ssum, acc01, acc23, batch3d,
                     cls1_W, cls1_b[None, :], w2p, cls2_b[None, :])

# --- scband reference (transcript-rebuilt; emitter-appended) ---
"""Pipeline reference for scband-pure-han-89060441850553 (READ-ONLY COPY).

The authoritative reference and input builder live on the scoring server;
editing this copy changes nothing except your own understanding.
"""

import jax, jax.numpy as jnp
import numpy as np

N_TX = 50000
N_ADDR = 50000
E = 800000
H = 4
D = 16
HID = 64
NG = 256


def setup_inputs(seed: int = 0):
    key = jax.random.key(seed)
    ks = jax.random.split(key, 32)
    s = lambda fan: 1.0 / np.sqrt(fan)
    inp = {}
    inp["x_tx"] = jax.random.normal(ks[0], (N_TX, 65), dtype=jnp.float32)
    inp["x_addr"] = jax.random.normal(ks[1], (N_ADDR, 65), dtype=jnp.float32)
    inp["edge_t2a"] = jnp.stack([
        jax.random.randint(ks[2], (E,), 0, N_TX, dtype=jnp.int32),
        jax.random.randint(ks[3], (E,), 0, N_ADDR, dtype=jnp.int32)])
    inp["edge_a2t"] = jnp.stack([
        jax.random.randint(ks[4], (E,), 0, N_ADDR, dtype=jnp.int32),
        jax.random.randint(ks[5], (E,), 0, N_TX, dtype=jnp.int32)])
    inp["batch_tx"] = jnp.sort(jax.random.randint(ks[6], (N_TX,), 0, NG, dtype=jnp.int32))
    inp["proj_tx_W"] = jax.random.normal(ks[7], (HID, 65), dtype=jnp.float32) * s(65)
    inp["proj_tx_b"] = jnp.zeros((HID,), jnp.float32)
    inp["proj_addr_W"] = jax.random.normal(ks[8], (HID, 65), dtype=jnp.float32) * s(65)
    inp["proj_addr_b"] = jnp.zeros((HID,), jnp.float32)
    inp["han_tx_W"] = jax.random.normal(ks[9], (HID, HID), dtype=jnp.float32) * s(HID)
    inp["han_tx_b"] = jnp.zeros((HID,), jnp.float32)
    inp["han_addr_W"] = jax.random.normal(ks[10], (HID, HID), dtype=jnp.float32) * s(HID)
    inp["han_addr_b"] = jnp.zeros((HID,), jnp.float32)
    inp["att_src_t2a"] = jax.random.normal(ks[11], (H, D), dtype=jnp.float32) * s(D)
    inp["att_dst_t2a"] = jax.random.normal(ks[12], (H, D), dtype=jnp.float32) * s(D)
    inp["att_src_a2t"] = jax.random.normal(ks[13], (H, D), dtype=jnp.float32) * s(D)
    inp["att_dst_a2t"] = jax.random.normal(ks[14], (H, D), dtype=jnp.float32) * s(D)
    inp["q_sem"] = jax.random.normal(ks[15], (HID,), dtype=jnp.float32) * s(HID)
    inp["k_lin_W"] = jax.random.normal(ks[16], (HID, HID), dtype=jnp.float32) * s(HID)
    inp["k_lin_b"] = jnp.zeros((HID,), jnp.float32)
    inp["cls1_W"] = jax.random.normal(ks[17], (HID // 2, HID), dtype=jnp.float32) * s(HID)
    inp["cls1_b"] = jnp.zeros((HID // 2,), jnp.float32)
    inp["cls2_W"] = jax.random.normal(ks[18], (1, HID // 2), dtype=jnp.float32) * s(HID // 2)
    inp["cls2_b"] = jnp.zeros((1,), jnp.float32)
    return inp


def _edge_attention(z_src, z_dst, att_src, att_dst, edge, n_dst):
    # GAT-style attention for one edge type (PyG HANConv message/aggregate), eval mode (no dropout)
    src = edge[0]
    dst = edge[1]
    a_src = (z_src * att_src[None]).sum(-1)  # [N_src, H]
    a_dst = (z_dst * att_dst[None]).sum(-1)  # [N_dst, H]
    alpha = a_src[src] + a_dst[dst]          # [E, H]
    alpha = jnp.where(alpha >= 0, alpha, 0.2 * alpha)  # leaky_relu(0.2)
    amax = jax.ops.segment_max(alpha, dst, num_segments=n_dst)
    amax = jnp.where(jnp.isfinite(amax), amax, 0.0)
    e = jnp.exp(alpha - amax[dst])
    ssum = jax.ops.segment_sum(e, dst, num_segments=n_dst)
    alpha = e / (ssum[dst] + 1e-16)
    msg = z_src[src] * alpha[:, :, None]     # [E, H, D]
    out = jax.ops.segment_sum(msg.reshape(msg.shape[0], H * D), dst, num_segments=n_dst)
    return jax.nn.relu(out)


def _group(outs, q_sem, k_lin_W, k_lin_b):
    # HANConv semantic attention across edge types targeting one node type
    out = jnp.stack(outs)  # [T, N, C]
    score = (q_sem * jnp.tanh(out @ k_lin_W.T + k_lin_b).mean(axis=1)).sum(-1)  # [T]
    attn = jax.nn.softmax(score, axis=0)
    return (attn[:, None, None] * out).sum(0)


def _forward(x_tx, x_addr, proj_tx_W, proj_tx_b, proj_addr_W, proj_addr_b,
             han_tx_W, han_tx_b, han_addr_W, han_addr_b,
             att_src_t2a, att_dst_t2a, att_src_a2t, att_dst_a2t,
             q_sem, k_lin_W, k_lin_b, cls1_W, cls1_b, cls2_W, cls2_b,
             edge_t2a, edge_a2t, batch_tx):
    h_tx = x_tx @ proj_tx_W.T + proj_tx_b
    h_addr = x_addr @ proj_addr_W.T + proj_addr_b
    z_tx = (h_tx @ han_tx_W.T + han_tx_b).reshape(-1, H, D)
    z_addr = (h_addr @ han_addr_W.T + han_addr_b).reshape(-1, H, D)
    out_addr = _edge_attention(z_tx, z_addr, att_src_t2a, att_dst_t2a, edge_t2a, N_ADDR)
    out_tx = _edge_attention(z_addr, z_tx, att_src_a2t, att_dst_a2t, edge_a2t, N_TX)
    tx_feat = _group([out_tx], q_sem, k_lin_W, k_lin_b)
    _ = _group([out_addr], q_sem, k_lin_W, k_lin_b)
    sums = jax.ops.segment_sum(tx_feat, batch_tx, num_segments=NG)
    cnt = jax.ops.segment_sum(jnp.ones((tx_feat.shape[0],), jnp.float32), batch_tx, num_segments=NG)
    g = sums / jnp.maximum(cnt, 1.0)[:, None]
    hcls = jax.nn.relu(g @ cls1_W.T + cls1_b)
    return hcls @ cls2_W.T + cls2_b


def reference(x_tx, x_addr, edge_t2a, edge_a2t, batch_tx,
              proj_tx_W, proj_tx_b, proj_addr_W, proj_addr_b,
              han_tx_W, han_tx_b, han_addr_W, han_addr_b,
              att_src_t2a, att_dst_t2a, att_src_a2t, att_dst_a2t,
              q_sem, k_lin_W, k_lin_b, cls1_W, cls1_b, cls2_W, cls2_b):
    return _forward(x_tx, x_addr, proj_tx_W, proj_tx_b, proj_addr_W, proj_addr_b,
                    han_tx_W, han_tx_b, han_addr_W, han_addr_b,
                    att_src_t2a, att_dst_t2a, att_src_a2t, att_dst_a2t,
                    q_sem, k_lin_W, k_lin_b, cls1_W, cls1_b, cls2_W, cls2_b,
                    edge_t2a, edge_a2t, batch_tx)

if __name__ == "__main__":
    import jax
    _d = setup_inputs()
    print(jax.jit(kernel)(*tuple(_d.values())))

</pallas_src>

<mosaic_0001>
#map = affine_map<(d0, d1) -> (0, 0)>
#map1 = affine_map<(d0, d1) -> (0, 0, 0)>
module attributes {stable_mosaic.version = 14 : i64} {
  func.func @_pass2_body(%arg0: i32, %arg1: i32, %arg2: memref<6400x128xi32, #tpu.memory_space<hbm>>, %arg3: memref<6400x128xi32, #tpu.memory_space<hbm>>, %arg4: memref<819200x16xf32, #tpu.memory_space<hbm>>, %arg5: memref<2x50000x16xf32, #tpu.memory_space<hbm>>, %arg6: memref<2x50176x16xf32, #tpu.memory_space<hbm>>, %arg7: memref<4x128xi32, #tpu.memory_space<vmem>>, %arg8: memref<4x128xi32, #tpu.memory_space<vmem>>, %arg9: memref<4x128xi32, #tpu.memory_space<vmem>>, %arg10: memref<4x128xi32, #tpu.memory_space<vmem>>, %arg11: memref<512x16xf32, #tpu.memory_space<vmem>>, %arg12: memref<512x16xf32, #tpu.memory_space<vmem>>, %arg13: memref<512x16xf32, #tpu.memory_space<vmem>>, %arg14: memref<512x16xf32, #tpu.memory_space<vmem>>, %arg15: memref<512x16xf32, #tpu.memory_space<vmem>>, %arg16: memref<512x16xf32, #tpu.memory_space<vmem>>, %arg17: memref<4x128xi32, #tpu.memory_space<vmem>>, %arg18: memref<4x128xi32, #tpu.memory_space<vmem>>, %arg19: memref<50176x16xf32, #tpu.memory_space<vmem_shared>>, %arg20: memref<!tpu.dma_semaphore, #tpu.memory_space<semaphore_mem>>, %arg21: memref<!tpu.dma_semaphore, #tpu.memory_space<semaphore_mem>>, %arg22: memref<!tpu.dma_semaphore, #tpu.memory_space<semaphore_mem>>, %arg23: memref<!tpu.dma_semaphore, #tpu.memory_space<semaphore_mem>>, %arg24: memref<!tpu.dma_semaphore, #tpu.memory_space<semaphore_mem>>, %arg25: memref<!tpu.dma_semaphore, #tpu.memory_space<semaphore_mem>>) attributes {dimension_semantics = [#tpu.dimension_semantics<core_parallel>, #tpu.dimension_semantics<subcore_parallel>], iteration_bounds = array<i64: 2, 16>, scalar_prefetch = 0 : i64, scratch_operands = 19 : i64, tpu.core_type = #tpu.core_type<sc_vector_subcore>, window_params = [{transform_indices = #map}, {transform_indices = #map}, {transform_indices = #map}, {transform_indices = #map1}, {transform_indices = #map1}]} {
    %scan3A = arith.constant 0 : i32
    %scan3A_0 = arith.constant 512 : i32
    %scan3A_1 = arith.addi %scan3A, %scan3A_0 : i32
    %scan3A_2 = arith.constant 1 : i32
    scf.for %scan3A_112 = %scan3A to %scan3A_1 step %scan3A_2  : i32 {
      %mul3A_113 = arith.constant 1 : i32
      %mul3A_114 = arith.muli %scan3A_112, %mul3A_113 : i32
      %add3A_115 = arith.constant 0 : i32
      %add3A_116 = arith.addi %add3A_115, %mul3A_114 : i32
      %broadcast_in_dim3A = arith.constant 0.000000e+00 : f32
      %broadcast_in_dim3A_117 = vector.broadcast %broadcast_in_dim3A : f32 to vector<1x16xf32>
      %swap3A = arith.index_cast %add3A_116 : i32 to index
      %swap3A_118 = arith.constant 0 : index
      %swap3A_119 = tpu.vector_load %arg15[%swap3A, %swap3A_118] {strides = array<i32>} : memref<512x16xf32, #tpu.memory_space<vmem>>, vector<1x16xf32>,
      %swap3A_120 = vector.shape_cast %swap3A_119 : vector<1x16xf32> to vector<1x16xf32>
      %swap3A_121 = vector.shape_cast %broadcast_in_dim3A_117 : vector<1x16xf32> to vector<1x16xf32>
      tpu.vector_store %arg15[%swap3A, %swap3A_118], %swap3A_121 {strides = array<i32>} : memref<512x16xf32, #tpu.memory_space<vmem>>, vector<1x16xf32>,
    }
    %scan3A_3 = arith.constant 512 : i32
    %scan3A_4 = arith.constant 0 : i32
    %scan3A_5 = arith.constant 7 : i32
    %scan3A_6 = arith.addi %scan3A_4, %scan3A_5 : i32
    %scan3A_7 = arith.constant 1 : i32
    scf.for %scan3A_112 = %scan3A_4 to %scan3A_6 step %scan3A_7  : i32 {
      %mul3A_113 = arith.constant 1 : i32
      %mul3A_114 = arith.muli %scan3A_112, %mul3A_113 : i32
      %add3A_115 = arith.constant 0 : i32
      %add3A_116 = arith.addi %add3A_115, %mul3A_114 : i32
      %mul3A_117 = arith.constant 16 : i32
      %mul3A_118 = arith.muli %add3A_116, %mul3A_117 : i32
      %add3A_119 = arith.addi %arg1, %mul3A_118 : i32
      %lt3A = arith.constant 98 : i32
      %lt3A_120 = arith.cmpi slt, %add3A_119, %lt3A : i32
      %convert_element_type3A = arith.extui %lt3A_120 : i1 to i32
      %cond3A = arith.constant 0 : i32
      %cond3A_121 = arith.cmpi ne, %convert_element_type3A, %cond3A : i32
      scf.if %cond3A_121 {
        %mul3A_122 = arith.constant 512 : i32
        %mul3A_123 = arith.muli %add3A_119, %mul3A_122 : i32
        "tpu.region"() ({
          %run_scoped3A = tpu.sem_alloc : memref<!tpu.dma_semaphore, #tpu.memory_space<semaphore_mem>>
          %dma_start3A_124 = arith.constant 0 : i32
          %dma_start3A_125 = tpu.memref_slice %arg19[%mul3A_123, %dma_start3A_124] : memref<50176x16xf32, #tpu.memory_space<vmem_shared>> -> memref<512x16xf32, #tpu.memory_space<vmem_shared>>
          %dma_start3A_126 = arith.constant 0 : i32
          %dma_start3A_127 = tpu.memref_slice %arg19[%mul3A_123, %dma_start3A_126] : memref<50176x16xf32, #tpu.memory_space<vmem_shared>> -> memref<512x16xf32, #tpu.memory_space<vmem_shared>>
          tpu.enqueue_dma source(%arg15 : memref<512x16xf32, #tpu.memory_space<vmem>>) target(%dma_start3A_127 : memref<512x16xf32, #tpu.memory_space<vmem_shared>>) target_semaphore(%run_scoped3A : memref<!tpu.dma_semaphore, #tpu.memory_space<semaphore_mem>>)
          %dma_wait3A_128 = arith.constant 0 : i32
          %dma_wait3A_129 = tpu.memref_slice %arg19[%mul3A_123, %dma_wait3A_128] : memref<50176x16xf32, #tpu.memory_space<vmem_shared>> -> memref<512x16xf32, #tpu.memory_space<vmem_shared>>
          %dma_wait3A_130 = arith.constant 0 : i32
          %dma_wait3A_131 = tpu.memref_slice %arg19[%mul3A_123, %dma_wait3A_130] : memref<50176x16xf32, #tpu.memory_space<vmem_shared>> -> memref<512x16xf32, #tpu.memory_space<vmem_shared>>
          tpu.wait_dma2 semaphore(%run_scoped3A : memref<!tpu.dma_semaphore, #tpu.memory_space<semaphore_mem>>) src(%arg15 : memref<512x16xf32, #tpu.memory_space<vmem>>) dst(%dma_wait3A_131 : memref<512x16xf32, #tpu.memory_space<vmem_shared>>)
          tpu.yield
        }) : () -> ()
      } else {
      }
    }
    %scan3A_8 = arith.constant 7 : i32
    %barrier3A = arith.constant 0 : index
    tpu.barrier barrier_id(%barrier3A)
    %mul3A = arith.constant 400 : i32
    %mul3A_9 = arith.muli %arg1, %mul3A : i32
    %add3A = arith.constant 0 : i32
    %add3A_10 = arith.addi %mul3A_9, %add3A : i32
    %mul3A_11 = arith.constant 100 : i32
    %mul3A_12 = arith.muli %arg1, %mul3A_11 : i32
    %add3A_13 = arith.constant 0 : i32
    %add3A_14 = arith.addi %mul3A_12, %add3A_13 : i32
    %mul3A_15 = arith.constant 512 : i32
    %mul3A_16 = arith.muli %add3A_14, %mul3A_15 : i32
    %dma_start3A = arith.constant 0 : i32
    %dma_start3A_17 = tpu.memref_slice %arg2[%add3A_10, %dma_start3A] : memref<6400x128xi32, #tpu.memory_space<hbm>> -> memref<4x128xi32, #tpu.memory_space<hbm>>
    %dma_start3A_18 = arith.constant 0 : i32
    %dma_start3A_19 = tpu.memref_slice %arg2[%add3A_10, %dma_start3A_18] : memref<6400x128xi32, #tpu.memory_space<hbm>> -> memref<4x128xi32, #tpu.memory_space<hbm>>
    tpu.enqueue_dma source(%dma_start3A_19 : memref<4x128xi32, #tpu.memory_space<hbm>>) target(%arg7 : memref<4x128xi32, #tpu.memory_space<vmem>>) target_semaphore(%arg20 : memref<!tpu.dma_semaphore, #tpu.memory_space<semaphore_mem>>)
    %dma_start3A_20 = arith.constant 0 : i32
    %dma_start3A_21 = tpu.memref_slice %arg3[%add3A_10, %dma_start3A_20] : memref<6400x128xi32, #tpu.memory_space<hbm>> -> memref<4x128xi32, #tpu.memory_space<hbm>>
    %dma_start3A_22 = arith.constant 0 : i32
    %dma_start3A_23 = tpu.memref_slice %arg3[%add3A_10, %dma_start3A_22] : memref<6400x128xi32, #tpu.memory_space<hbm>> -> memref<4x128xi32, #tpu.memory_space<hbm>>
    tpu.enqueue_dma source(%dma_start3A_23 : memref<4x128xi32, #tpu.memory_space<hbm>>) target(%arg9 : memref<4x128xi32, #tpu.memory_space<vmem>>) target_semaphore(%arg20 : memref<!tpu.dma_semaphore, #tpu.memory_space<semaphore_mem>>)
    %dma_start3A_24 = arith.constant 0 : i32
    %dma_start3A_25 = tpu.memref_slice %arg4[%mul3A_16, %dma_start3A_24] : memref<819200x16xf32, #tpu.memory_space<hbm>> -> memref<512x16xf32, #tpu.memory_space<hbm>>
    %dma_start3A_26 = arith.constant 0 : i32
    %dma_start3A_27 = tpu.memref_slice %arg4[%mul3A_16, %dma_start3A_26] : memref<819200x16xf32, #tpu.memory_space<hbm>> -> memref<512x16xf32, #tpu.memory_space<hbm>>
    tpu.enqueue_dma source(%dma_start3A_27 : memref<512x16xf32, #tpu.memory_space<hbm>>) target(%arg11 : memref<512x16xf32, #tpu.memory_space<vmem>>) target_semaphore(%arg20 : memref<!tpu.dma_semaphore, #tpu.memory_space<semaphore_mem>>)
    %dma_wait3A = arith.constant 0 : i32
    %dma_wait3A_28 = arith.constant 0 : i32
    %dma_wait3A_29 = tpu.memref_slice %arg2[%dma_wait3A, %dma_wait3A_28] : memref<6400x128xi32, #tpu.memory_space<hbm>> -> memref<4x128xi32, #tpu.memory_space<hbm>>
    %dma_wait3A_30 = arith.constant 0 : i32
    %dma_wait3A_31 = arith.constant 0 : i32
    %dma_wait3A_32 = tpu.memref_slice %arg2[%dma_wait3A_30, %dma_wait3A_31] : memref<6400x128xi32, #tpu.memory_space<hbm>> -> memref<4x128xi32, #tpu.memory_space<hbm>>
    tpu.wait_dma2 semaphore(%arg20 : memref<!tpu.dma_semaphore, #tpu.memory_space<semaphore_mem>>) src(%dma_wait3A_32 : memref<4x128xi32, #tpu.memory_space<hbm>>) dst(%arg7 : memref<4x128xi32, #tpu.memory_space<vmem>>)
    %dma_wait3A_33 = arith.constant 0 : i32
    %dma_wait3A_34 = arith.constant 0 : i32
    %dma_wait3A_35 = tpu.memref_slice %arg3[%dma_wait3A_33, %dma_wait3A_34] : memref<6400x128xi32, #tpu.memory_space<hbm>> -> memref<4x128xi32, #tpu.memory_space<hbm>>
    %dma_wait3A_36 = arith.constant 0 : i32
    %dma_wait3A_37 = arith.constant 0 : i32
    %dma_wait3A_38 = tpu.memref_slice %arg3[%dma_wait3A_36, %dma_wait3A_37] : memref<6400x128xi32, #tpu.memory_space<hbm>> -> memref<4x128xi32, #tpu.memory_space<hbm>>
    tpu.wait_dma2 semaphore(%arg20 : memref<!tpu.dma_semaphore, #tpu.memory_space<semaphore_mem>>) src(%dma_wait3A_38 : memref<4x128xi32, #tpu.memory_space<hbm>>) dst(%arg9 : memref<4x128xi32, #tpu.memory_space<vmem>>)
    %dma_wait3A_39 = arith.constant 0 : i32
    %dma_wait3A_40 = arith.constant 0 : i32
    %dma_wait3A_41 = tpu.memref_slice %arg4[%dma_wait3A_39, %dma_wait3A_40] : memref<819200x16xf32, #tpu.memory_space<hbm>> -> memref<512x16xf32, #tpu.memory_space<hbm>>
    %dma_wait3A_42 = arith.constant 0 : i32
    %dma_wait3A_43 = arith.constant 0 : i32
    %dma_wait3A_44 = tpu.memref_slice %arg4[%dma_wait3A_42, %dma_wait3A_43] : memref<819200x16xf32, #tpu.memory_space<hbm>> -> memref<512x16xf32, #tpu.memory_space<hbm>>
    tpu.wait_dma2 semaphore(%arg20 : memref<!tpu.dma_semaphore, #tpu.memory_space<semaphore_mem>>) src(%dma_wait3A_44 : memref<512x16xf32, #tpu.memory_space<hbm>>) dst(%arg11 : memref<512x16xf32, #tpu.memory_space<vmem>>)
    %dma_start3A_45 = arith.constant 0 : i32
    %dma_start3A_46 = arith.constant 0 : i32
    %dma_start3A_47 = arith.constant 0 : i32
    %dma_start3A_48 = tpu.memref_slice %arg13[%dma_start3A_46, %dma_start3A_47] : memref<512x16xf32, #tpu.memory_space<vmem>> -> memref<128x16xf32, #tpu.memory_space<vmem>>
    %dma_start3A_49 = arith.constant 0 : i32
    %dma_start3A_50 = tpu.memref_slice %arg7[%dma_start3A_45, %dma_start3A_49] : memref<4x128xi32, #tpu.memory_space<vmem>> -> memref<1x128xi32, #tpu.memory_space<vmem>>
    %dma_start3A_51 = tpu.memref_squeeze %dma_start3A_50 : memref<1x128xi32, #tpu.memory_space<vmem>> -> memref<128xi32, #tpu.memory_space<vmem>>
    %dma_start3A_52 = arith.constant 0 : i32
    %dma_start3A_53 = arith.constant 0 : i32
    %dma_start3A_54 = tpu.memref_slice %arg5[%arg0, %dma_start3A_52, %dma_start3A_53] : memref<2x50000x16xf32, #tpu.memory_space<hbm>> -> memref<1x50000x16xf32, #tpu.memory_space<hbm>>
    %dma_start3A_55 = tpu.memref_squeeze %dma_start3A_54 : memref<1x50000x16xf32, #tpu.memory_space<hbm>> -> memref<50000x16xf32, #tpu.memory_space<hbm>>
    %dma_start3A_56 = arith.constant 0 : i32
    %dma_start3A_57 = arith.constant 0 : i32
    %dma_start3A_58 = tpu.memref_slice %dma_start3A_55[%dma_start3A_56, %dma_start3A_57] : memref<50000x16xf32, #tpu.memory_space<hbm>> -> memref<50000x16xf32, #tpu.memory_space<hbm>>
    tpu.enqueue_indirect_dma source(%dma_start3A_58 : memref<50000x16xf32, #tpu.memory_space<hbm>>) target(%dma_start3A_48 : memref<128x16xf32, #tpu.memory_space<vmem>>) offsets(%dma_start3A_51 : memref<128xi32, #tpu.memory_space<vmem>>) semaphore(%arg22 : memref<!tpu.dma_semaphore, #tpu.memory_space<semaphore_mem>>)
    %dma_start3A_59 = arith.constant 1 : i32
    %dma_start3A_60 = arith.constant 128 : i32
    %dma_start3A_61 = arith.constant 0 : i32
    %dma_start3A_62 = tpu.memref_slice %arg13[%dma_start3A_60, %dma_start3A_61] : memref<512x16xf32, #tpu.memory_space<vmem>> -> memref<128x16xf32, #tpu.memory_space<vmem>>
    %dma_start3A_63 = arith.constant 0 : i32
    %dma_start3A_64 = tpu.memref_slice %arg7[%dma_start3A_59, %dma_start3A_63] : memref<4x128xi32, #tpu.memory_space<vmem>> -> memref<1x128xi32, #tpu.memory_space<vmem>>
    %dma_start3A_65 = tpu.memref_squeeze %dma_start3A_64 : memref<1x128xi32, #tpu.memory_space<vmem>> -> memref<128xi32, #tpu.memory_space<vmem>>
    %dma_start3A_66 = arith.constant 0 : i32
    %dma_start3A_67 = arith.constant 0 : i32
    %dma_start3A_68 = tpu.memref_slice %arg5[%arg0, %dma_start3A_66, %dma_start3A_67] : memref<2x50000x16xf32, #tpu.memory_space<hbm>> -> memref<1x50000x16xf32, #tpu.memory_space<hbm>>
    %dma_start3A_69 = tpu.memref_squeeze %dma_start3A_68 : memref<1x50000x16xf32, #tpu.memory_space<hbm>> -> memref<50000x16xf32, #tpu.memory_space<hbm>>
    %dma_start3A_70 = arith.constant 0 : i32
    %dma_start3A_71 = arith.constant 0 : i32
    %dma_start3A_72 = tpu.memref_slice %dma_start3A_69[%dma_start3A_70, %dma_start3A_71] : memref<50000x16xf32, #tpu.memory_space<hbm>> -> memref<50000x16xf32, #tpu.memory_space<hbm>>
    tpu.enqueue_indirect_dma source(%dma_start3A_72 : memref<50000x16xf32, #tpu.memory_space<hbm>>) target(%dma_start3A_62 : memref<128x16xf32, #tpu.memory_space<vmem>>) offsets(%dma_start3A_65 : memref<128xi32, #tpu.memory_space<vmem>>) semaphore(%arg22 : memref<!tpu.dma_semaphore, #tpu.memory_space<semaphore_mem>>)
    %dma_start3A_73 = arith.constant 2 : i32
    %dma_start3A_74 = arith.constant 256 : i32
    %dma_start3A_75 = arith.constant 0 : i32
    %dma_start3A_76 = tpu.memref_slice %arg13[%dma_start3A_74, %dma_start3A_75] : memref<512x16xf32, #tpu.memory_space<vmem>> -> memref<128x16xf32, #tpu.memory_space<vmem>>
    %dma_start3A_77 = arith.constant 0 : i32
    %dma_start3A_78 = tpu.memref_slice %arg7[%dma_start3A_73, %dma_start3A_77] : memref<4x128xi32, #tpu.memory_space<vmem>> -> memref<1x128xi32, #tpu.memory_space<vmem>>
    %dma_start3A_79 = tpu.memref_squeeze %dma_start3A_78 : memref<1x128xi32, #tpu.memory_space<vmem>> -> memref<128xi32, #tpu.memory_space<vmem>>
    %dma_start3A_80 = arith.constant 0 : i32
    %dma_start3A_81 = arith.constant 0 : i32
    %dma_start3A_82 = tpu.memref_slice %arg5[%arg0, %dma_start3A_80, %dma_start3A_81] : memref<2x50000x16xf32, #tpu.memory_space<hbm>> -> memref<1x50000x16xf32, #tpu.memory_space<hbm>>
    %dma_start3A_83 = tpu.memref_squeeze %dma_start3A_82 : memref<1x50000x16xf32, #tpu.memory_space<hbm>> -> memref<50000x16xf32, #tpu.memory_space<hbm>>
    %dma_start3A_84 = arith.constant 0 : i32
    %dma_start3A_85 = arith.constant 0 : i32
    %dma_start3A_86 = tpu.memref_slice %dma_start3A_83[%dma_start3A_84, %dma_start3A_85] : memref<50000x16xf32, #tpu.memory_space<hbm>> -> memref<50000x16xf32, #tpu.memory_space<hbm>>
    tpu.enqueue_indirect_dma source(%dma_start3A_86 : memref<50000x16xf32, #tpu.memory_space<hbm>>) target(%dma_start3A_76 : memref<128x16xf32, #tpu.memory_space<vmem>>) offsets(%dma_start3A_79 : memref<128xi32, #tpu.memory_space<vmem>>) semaphore(%arg22 : memref<!tpu.dma_semaphore, #tpu.memory_space<semaphore_mem>>)
    %dma_start3A_87 = arith.constant 3 : i32
    %dma_start3A_88 = arith.constant 384 : i32
    %dma_start3A_89 = arith.constant 0 : i32
    %dma_start3A_90 = tpu.memref_slice %arg13[%dma_start3A_88, %dma_start3A_89] : memref<512x16xf32, #tpu.memory_space<vmem>> -> memref<128x16xf32, #tpu.memory_space<vmem>>
    %dma_start3A_91 = arith.constant 0 : i32
    %dma_start3A_92 = tpu.memref_slice %arg7[%dma_start3A_87, %dma_start3A_91] : memref<4x128xi32, #tpu.memory_space<vmem>> -> memref<1x128xi32, #tpu.memory_space<vmem>>
    %dma_start3A_93 = tpu.memref_squeeze %dma_start3A_92 : memref<1x128xi32, #tpu.memory_space<vmem>> -> memref<128xi32, #tpu.memory_space<vmem>>
    %dma_start3A_94 = arith.constant 0 : i32
    %dma_start3A_95 = arith.constant 0 : i32
    %dma_start3A_96 = tpu.memref_slice %arg5[%arg0, %dma_start3A_94, %dma_start3A_95] : memref<2x50000x16xf32, #tpu.memory_space<hbm>> -> memref<1x50000x16xf32, #tpu.memory_space<hbm>>
    %dma_start3A_97 = tpu.memref_squeeze %dma_start3A_96 : memref<1x50000x16xf32, #tpu.memory_space<hbm>> -> memref<50000x16xf32, #tpu.memory_space<hbm>>
    %dma_start3A_98 = arith.constant 0 : i32
    %dma_start3A_99 = arith.constant 0 : i32
    %dma_start3A_100 = tpu.memref_slice %dma_start3A_97[%dma_start3A_98, %dma_start3A_99] : memref<50000x16xf32, #tpu.memory_space<hbm>> -> memref<50000x16xf32, #tpu.memory_space<hbm>>
    tpu.enqueue_indirect_dma source(%dma_start3A_100 : memref<50000x16xf32, #tpu.memory_space<hbm>>) target(%dma_start3A_90 : memref<128x16xf32, #tpu.memory_space<vmem>>) offsets(%dma_start3A_93 : memref<128xi32, #tpu.memory_space<vmem>>) semaphore(%arg22 : memref<!tpu.dma_semaphore, #tpu.memory_space<semaphore_mem>>)
    %scan3A_101 = arith.constant 0 : i32
    %scan3A_102 = arith.constant 100 : i32
    %scan3A_103 = arith.addi %scan3A_101, %scan3A_102 : i32
    %scan3A_104 = arith.constant 1 : i32
    scf.for %scan3A_112 = %scan3A_101 to %scan3A_103 step %scan3A_104  : i32 {
      %mul3A_113 = arith.constant 1 : i32
      %mul3A_114 = arith.muli %scan3A_112, %mul3A_113 : i32
      %add3A_115 = arith.constant 0 : i32
      %add3A_116 = arith.addi %add3A_115, %mul3A_114 : i32
      %jit3A = arith.constant 2 : i32
      %eq3A = arith.constant 0 : i32
      %eq3A_117 = arith.cmpi eq, %jit3A, %eq3A : i32
      %jit3A_118 = arith.constant 1 : i32
      %select_n3A = arith.select %eq3A_117, %jit3A_118, %jit3A : i32
      %rem3A = arith.remsi %add3A_116, %select_n3A : i32
      %ne3A = arith.constant 0 : i32
      %ne3A_119 = arith.cmpi ne, %rem3A, %ne3A : i32
      %lt3A = arith.constant 0 : i32
      %lt3A_120 = arith.cmpi slt, %rem3A, %lt3A : i32
      %lt3A_121 = arith.constant 0 : i32
      %lt3A_122 = arith.cmpi slt, %select_n3A, %lt3A_121 : i32
      %ne3A_123 = arith.xori %lt3A_120, %lt3A_122 : i1
      %and3A = arith.andi %ne3A_123, %ne3A_119 : i1
      %add3A_124 = arith.addi %rem3A, %select_n3A : i32
      %select_n3A_125 = arith.select %and3A, %add3A_124, %rem3A : i32
      %eq3A_126 = arith.constant 0 : i32
      %eq3A_127 = arith.cmpi eq, %select_n3A_125, %eq3A_126 : i32
      %convert_element_type3A = arith.extui %eq3A_127 : i1 to i32
      %cond3A = arith.constant 0 : i32
      %cond3A_128 = arith.cmpi ne, %convert_element_type3A, %cond3A : i32
      scf.if %cond3A_128 {
        %add3A_150 = arith.constant 1 : i32
        %add3A_151 = arith.addi %add3A_116, %add3A_150 : i32
        %lt3A_152 = arith.constant 100 : i32
        %lt3A_153 = arith.cmpi slt, %add3A_151, %lt3A_152 : i32
        %convert_element_type3A_154 = arith.extui %lt3A_153 : i1 to i32
        %cond3A_155 = arith.constant 0 : i32
        %cond3A_156 = arith.cmpi ne, %convert_element_type3A_154, %cond3A_155 : i32
        scf.if %cond3A_156 {
          %add3A_228 = arith.constant 1 : i32
          %add3A_229 = arith.addi %add3A_116, %add3A_228 : i32
          %mul3A_230 = arith.constant 400 : i32
          %mul3A_231 = arith.muli %arg1, %mul3A_230 : i32
          %mul3A_232 = arith.constant 4 : i32
          %mul3A_233 = arith.muli %add3A_229, %mul3A_232 : i32
          %add3A_234 = arith.addi %mul3A_231, %mul3A_233 : i32
          %mul3A_235 = arith.constant 100 : i32
          %mul3A_236 = arith.muli %arg1, %mul3A_235 : i32
          %add3A_237 = arith.addi %mul3A_236, %add3A_229 : i32
          %mul3A_238 = arith.constant 512 : i32
          %mul3A_239 = arith.muli %add3A_237, %mul3A_238 : i32
          %dma_start3A_240 = arith.constant 0 : i32
          %dma_start3A_241 = tpu.memref_slice %arg2[%add3A_234, %dma_start3A_240] : memref<6400x128xi32, #tpu.memory_space<hbm>> -> memref<4x128xi32, #tpu.memory_space<hbm>>
          %dma_start3A_242 = arith.constant 0 : i32
          %dma_start3A_243 = tpu.memref_slice %arg2[%add3A_234, %dma_start3A_242] : memref<6400x128xi32, #tpu.memory_space<hbm>> -> memref<4x128xi32, #tpu.memory_space<hbm>>
          tpu.enqueue_dma source(%dma_start3A_243 : memref<4x128xi32, #tpu.memory_space<hbm>>) target(%arg8 : memref<4x128xi32, #tpu.memory_space<vmem>>) target_semaphore(%arg21 : memref<!tpu.dma_semaphore, #tpu.memory_space<semaphore_mem>>)
          %dma_start3A_244 = arith.constant 0 : i32
          %dma_start3A_245 = tpu.memref_slice %arg3[%add3A_234, %dma_start3A_244] : memref<6400x128xi32, #tpu.memory_space<hbm>> -> memref<4x128xi32, #tpu.memory_space<hbm>>
          %dma_start3A_246 = arith.constant 0 : i32
          %dma_start3A_247 = tpu.memref_slice %arg3[%add3A_234, %dma_start3A_246] : memref<6400x128xi32, #tpu.memory_space<hbm>> -> memref<4x128xi32, #tpu.memory_space<hbm>>
          tpu.enqueue_dma source(%dma_start3A_247 : memref<4x128xi32, #tpu.memory_space<hbm>>) target(%arg10 : memref<4x128xi32, #tpu.memory_space<vmem>>) target_semaphore(%arg21 : memref<!tpu.dma_semaphore, #tpu.memory_space<semaphore_mem>>)
          %dma_start3A_248 = arith.constant 0 : i32
          %dma_start3A_249 = tpu.memref_slice %arg4[%mul3A_239, %dma_start3A_248] : memref<819200x16xf32, #tpu.memory_space<hbm>> -> memref<512x16xf32, #tpu.memory_space<hbm>>
          %dma_start3A_250 = arith.constant 0 : i32
          %dma_start3A_251 = tpu.memref_slice %arg4[%mul3A_239, %dma_start3A_250] : memref<819200x16xf32, #tpu.memory_space<hbm>> -> memref<512x16xf32, #tpu.memory_space<hbm>>
          tpu.enqueue_dma source(%dma_start3A_251 : memref<512x16xf32, #tpu.memory_space<hbm>>) target(%arg12 : memref<512x16xf32, #tpu.memory_space<vmem>>) target_semaphore(%arg21 : memref<!tpu.dma_semaphore, #tpu.memory_space<semaphore_mem>>)
        } else {
        }
        %dma_wait3A_157 = arith.constant 0 : i32
        %dma_wait3A_158 = arith.constant 0 : i32
        %dma_wait3A_159 = arith.constant 0 : i32
        %dma_wait3A_160 = tpu.memref_slice %arg13[%dma_wait3A_158, %dma_wait3A_159] : memref<512x16xf32, #tpu.memory_space<vmem>> -> memref<128x16xf32, #tpu.memory_space<vmem>>
        %dma_wait3A_161 = arith.constant 0 : i32
        %dma_wait3A_162 = tpu.memref_slice %arg7[%dma_wait3A_157, %dma_wait3A_161] : memref<4x128xi32, #tpu.memory_space<vmem>> -> memref<1x128xi32, #tpu.memory_space<vmem>>
        %dma_wait3A_163 = tpu.memref_squeeze %dma_wait3A_162 : memref<1x128xi32, #tpu.memory_space<vmem>> -> memref<128xi32, #tpu.memory_space<vmem>>
        %dma_wait3A_164 = arith.constant 0 : i32
        %dma_wait3A_165 = arith.constant 0 : i32
        %dma_wait3A_166 = tpu.memref_slice %arg5[%arg0, %dma_wait3A_164, %dma_wait3A_165] : memref<2x50000x16xf32, #tpu.memory_space<hbm>> -> memref<1x50000x16xf32, #tpu.memory_space<hbm>>
        %dma_wait3A_167 = tpu.memref_squeeze %dma_wait3A_166 : memref<1x50000x16xf32, #tpu.memory_space<hbm>> -> memref<50000x16xf32, #tpu.memory_space<hbm>>
        %dma_wait3A_168 = arith.constant 0 : i32
        %dma_wait3A_169 = arith.constant 0 : i32
        %dma_wait3A_170 = tpu.memref_slice %dma_wait3A_167[%dma_wait3A_168, %dma_wait3A_169] : memref<50000x16xf32, #tpu.memory_space<hbm>> -> memref<50000x16xf32, #tpu.memory_space<hbm>>
        tpu.wait_indirect_dma semaphore(%arg22 : memref<!tpu.dma_semaphore, #tpu.memory_space<semaphore_mem>>) src(%dma_wait3A_170 : memref<50000x16xf32, #tpu.memory_space<hbm>>) dst(%dma_wait3A_160 : memref<128x16xf32, #tpu.memory_space<vmem>>)
        %dma_wait3A_171 = arith.constant 1 : i32
        %dma_wait3A_172 = arith.constant 128 : i32
        %dma_wait3A_173 = arith.constant 0 : i32
        %dma_wait3A_174 = tpu.memref_slice %arg13[%dma_wait3A_172, %dma_wait3A_173] : memref<512x16xf32, #tpu.memory_space<vmem>> -> memref<128x16xf32, #tpu.memory_space<vmem>>
        %dma_wait3A_175 = arith.constant 0 : i32
        %dma_wait3A_176 = tpu.memref_slice %arg7[%dma_wait3A_171, %dma_wait3A_175] : memref<4x128xi32, #tpu.memory_space<vmem>> -> memref<1x128xi32, #tpu.memory_space<vmem>>
        %dma_wait3A_177 = tpu.memref_squeeze %dma_wait3A_176 : memref<1x128xi32, #tpu.memory_space<vmem>> -> memref<128xi32, #tpu.memory_space<vmem>>
        %dma_wait3A_178 = arith.constant 0 : i32
        %dma_wait3A_179 = arith.constant 0 : i32
        %dma_wait3A_180 = tpu.memref_slice %arg5[%arg0, %dma_wait3A_178, %dma_wait3A_179] : memref<2x50000x16xf32, #tpu.memory_space<hbm>> -> memref<1x50000x16xf32, #tpu.memory_space<hbm>>
        %dma_wait3A_181 = tpu.memref_squeeze %dma_wait3A_180 : memref<1x50000x16xf32, #tpu.memory_space<hbm>> -> memref<50000x16xf32, #tpu.memory_space<hbm>>
        %dma_wait3A_182 = arith.constant 0 : i32
        %dma_wait3A_183 = arith.constant 0 : i32
        %dma_wait3A_184 = tpu.memref_slice %dma_wait3A_181[%dma_wait3A_182, %dma_wait3A_183] : memref<50000x16xf32, #tpu.memory_space<hbm>> -> memref<50000x16xf32, #tpu.memory_space<hbm>>
        tpu.wait_indirect_dma semaphore(%arg22 : memref<!tpu.dma_semaphore, #tpu.memory_space<semaphore_mem>>) src(%dma_wait3A_184 : memref<50000x16xf32, #tpu.memory_space<hbm>>) dst(%dma_wait3A_174 : memref<128x16xf32, #tpu.memory_space<vmem>>)
        %dma_wait3A_185 = arith.constant 2 : i32
        %dma_wait3A_186 = arith.constant 256 : i32
        %dma_wait3A_187 = arith.constant 0 : i32
        %dma_wait3A_188 = tpu.memref_slice %arg13[%dma_wait3A_186, %dma_wait3A_187] : memref<512x16xf32, #tpu.memory_space<vmem>> -> memref<128x16xf32, #tpu.memory_space<vmem>>
        %dma_wait3A_189 = arith.constant 0 : i32
        %dma_wait3A_190 = tpu.memref_slice %arg7[%dma_wait3A_185, %dma_wait3A_189] : memref<4x128xi32, #tpu.memory_space<vmem>> -> memref<1x128xi32, #tpu.memory_space<vmem>>
        %dma_wait3A_191 = tpu.memref_squeeze %dma_wait3A_190 : memref<1x128xi32, #tpu.memory_space<vmem>> -> memref<128xi32, #tpu.memory_space<vmem>>
        %dma_wait3A_192 = arith.constant 0 : i32
        %dma_wait3A_193 = arith.constant 0 : i32
        %dma_wait3A_194 = tpu.memref_slice %arg5[%arg0, %dma_wait3A_192, %dma_wait3A_193] : memref<2x50000x16xf32, #tpu.memory_space<hbm>> -> memref<1x50000x16xf32, #tpu.memory_space<hbm>>
        %dma_wait3A_195 = tpu.memref_squeeze %dma_wait3A_194 : memref<1x50000x16xf32, #tpu.memory_space<hbm>> -> memref<50000x16xf32, #tpu.memory_space<hbm>>
        %dma_wait3A_196 = arith.constant 0 : i32
        %dma_wait3A_197 = arith.constant 0 : i32
        %dma_wait3A_198 = tpu.memref_slice %dma_wait3A_195[%dma_wait3A_196, %dma_wait3A_197] : memref<50000x16xf32, #tpu.memory_space<hbm>> -> memref<50000x16xf32, #tpu.memory_space<hbm>>
        tpu.wait_indirect_dma semaphore(%arg22 : memref<!tpu.dma_semaphore, #tpu.memory_space<semaphore_mem>>) src(%dma_wait3A_198 : memref<50000x16xf32, #tpu.memory_space<hbm>>) dst(%dma_wait3A_188 : memref<128x16xf32, #tpu.memory_space<vmem>>)
        %dma_wait3A_199 = arith.constant 3 : i32
        %dma_wait3A_200 = arith.constant 384 : i32
        %dma_wait3A_201 = arith.constant 0 : i32
        %dma_wait3A_202 = tpu.memref_slice %arg13[%dma_wait3A_200, %dma_wait3A_201] : memref<512x16xf32, #tpu.memory_space<vmem>> -> memref<128x16xf32, #tpu.memory_space<vmem>>
        %dma_wait3A_203 = arith.constant 0 : i32
        %dma_wait3A_204 = tpu.memref_slice %arg7[%dma_wait3A_199, %dma_wait3A_203] : memref<4x128xi32, #tpu.memory_space<vmem>> -> memref<1x128xi32, #tpu.memory_space<vmem>>
        %dma_wait3A_205 = tpu.memref_squeeze %dma_wait3A_204 : memref<1x128xi32, #tpu.memory_space<vmem>> -> memref<128xi32, #tpu.memory_space<vmem>>
        %dma_wait3A_206 = arith.constant 0 : i32
        %dma_wait3A_207 = arith.constant 0 : i32
        %dma_wait3A_208 = tpu.memref_slice %arg5[%arg0, %dma_wait3A_206, %dma_wait3A_207] : memref<2x50000x16xf32, #tpu.memory_space<hbm>> -> memref<1x50000x16xf32, #tpu.memory_space<hbm>>
        %dma_wait3A_209 = tpu.memref_squeeze %dma_wait3A_208 : memref<1x50000x16xf32, #tpu.memory_space<hbm>> -> memref<50000x16xf32, #tpu.memory_space<hbm>>
        %dma_wait3A_210 = arith.constant 0 : i32
        %dma_wait3A_211 = arith.constant 0 : i32
        %dma_wait3A_212 = tpu.memref_slice %dma_wait3A_209[%dma_wait3A_210, %dma_wait3A_211] : memref<50000x16xf32, #tpu.memory_space<hbm>> -> memref<50000x16xf32, #tpu.memory_space<hbm>>
        tpu.wait_indirect_dma semaphore(%arg22 : memref<!tpu.dma_semaphore, #tpu.memory_space<semaphore_mem>>) src(%dma_wait3A_212 : memref<50000x16xf32, #tpu.memory_space<hbm>>) dst(%dma_wait3A_202 : memref<128x16xf32, #tpu.memory_space<vmem>>)
        %add3A_213 = arith.constant 1 : i32
        %add3A_214 = arith.addi %add3A_116, %add3A_213 : i32
        %lt3A_215 = arith.constant 100 : i32
        %lt3A_216 = arith.cmpi slt, %add3A_214, %lt3A_215 : i32
        %convert_element_type3A_217 = arith.extui %lt3A_216 : i1 to i32
        %cond3A_218 = arith.constant 0 : i32
        %cond3A_219 = arith.cmpi ne, %convert_element_type3A_217, %cond3A_218 : i32
        scf.if %cond3A_219 {
          %dma_wait3A_228 = arith.constant 0 : i32
          %dma_wait3A_229 = arith.constant 0 : i32
          %dma_wait3A_230 = tpu.memref_slice %arg2[%dma_wait3A_228, %dma_wait3A_229] : memref<6400x128xi32, #tpu.memory_space<hbm>> -> memref<4x128xi32, #tpu.memory_space<hbm>>
          %dma_wait3A_231 = arith.constant 0 : i32
          %dma_wait3A_232 = arith.constant 0 : i32
          %dma_wait3A_233 = tpu.memref_slice %arg2[%dma_wait3A_231, %dma_wait3A_232] : memref<6400x128xi32, #tpu.memory_space<hbm>> -> memref<4x128xi32, #tpu.memory_space<hbm>>
          tpu.wait_dma2 semaphore(%arg21 : memref<!tpu.dma_semaphore, #tpu.memory_space<semaphore_mem>>) src(%dma_wait3A_233 : memref<4x128xi32, #tpu.memory_space<hbm>>) dst(%arg8 : memref<4x128xi32, #tpu.memory_space<vmem>>)
          %dma_wait3A_234 = arith.constant 0 : i32
          %dma_wait3A_235 = arith.constant 0 : i32
          %dma_wait3A_236 = tpu.memref_slice %arg3[%dma_wait3A_234, %dma_wait3A_235] : memref<6400x128xi32, #tpu.memory_space<hbm>> -> memref<4x128xi32, #tpu.memory_space<hbm>>
          %dma_wait3A_237 = arith.constant 0 : i32
          %dma_wait3A_238 = arith.constant 0 : i32
          %dma_wait3A_239 = tpu.memref_slice %arg3[%dma_wait3A_237, %dma_wait3A_238] : memref<6400x128xi32, #tpu.memory_space<hbm>> -> memref<4x128xi32, #tpu.memory_space<hbm>>
          tpu.wait_dma2 semaphore(%arg21 : memref<!tpu.dma_semaphore, #tpu.memory_space<semaphore_mem>>) src(%dma_wait3A_239 : memref<4x128xi32, #tpu.memory_space<hbm>>) dst(%arg10 : memref<4x128xi32, #tpu.memory_space<vmem>>)
          %dma_wait3A_240 = arith.constant 0 : i32
          %dma_wait3A_241 = arith.constant 0 : i32
          %dma_wait3A_242 = tpu.memref_slice %arg4[%dma_wait3A_240, %dma_wait3A_241] : memref<819200x16xf32, #tpu.memory_space<hbm>> -> memref<512x16xf32, #tpu.memory_space<hbm>>
          %dma_wait3A_243 = arith.constant 0 : i32
          %dma_wait3A_244 = arith.constant 0 : i32
          %dma_wait3A_245 = tpu.memref_slice %arg4[%dma_wait3A_243, %dma_wait3A_244] : memref<819200x16xf32, #tpu.memory_space<hbm>> -> memref<512x16xf32, #tpu.memory_space<hbm>>
          tpu.wait_dma2 semaphore(%arg21 : memref<!tpu.dma_semaphore, #tpu.memory_space<semaphore_mem>>) src(%dma_wait3A_245 : memref<512x16xf32, #tpu.memory_space<hbm>>) dst(%arg12 : memref<512x16xf32, #tpu.memory_space<vmem>>)
          %dma_start3A_246 = arith.constant 0 : i32
          %dma_start3A_247 = arith.constant 0 : i32
          %dma_start3A_248 = arith.constant 0 : i32
          %dma_start3A_249 = tpu.memref_slice %arg14[%dma_start3A_247, %dma_start3A_248] : memref<512x16xf32, #tpu.memory_space<vmem>> -> memref<128x16xf32, #tpu.memory_space<vmem>>
          %dma_start3A_250 = arith.constant 0 : i32
          %dma_start3A_251 = tpu.memref_slice %arg8[%dma_start3A_246, %dma_start3A_250] : memref<4x128xi32, #tpu.memory_space<vmem>> -> memref<1x128xi32, #tpu.memory_space<vmem>>
          %dma_start3A_252 = tpu.memref_squeeze %dma_start3A_251 : memref<1x128xi32, #tpu.memory_space<vmem>> -> memref<128xi32, #tpu.memory_space<vmem>>
          %dma_start3A_253 = arith.constant 0 : i32
          %dma_start3A_254 = arith.constant 0 : i32
          %dma_start3A_255 = tpu.memref_slice %arg5[%arg0, %dma_start3A_253, %dma_start3A_254] : memref<2x50000x16xf32, #tpu.memory_space<hbm>> -> memref<1x50000x16xf32, #tpu.memory_space<hbm>>
          %dma_start3A_256 = tpu.memref_squeeze %dma_start3A_255 : memref<1x50000x16xf32, #tpu.memory_space<hbm>> -> memref<50000x16xf32, #tpu.memory_space<hbm>>
          %dma_start3A_257 = arith.constant 0 : i32
          %dma_start3A_258 = arith.constant 0 : i32
          %dma_start3A_259 = tpu.memref_slice %dma_start3A_256[%dma_start3A_257, %dma_start3A_258] : memref<50000x16xf32, #tpu.memory_space<hbm>> -> memref<50000x16xf32, #tpu.memory_space<hbm>>
          tpu.enqueue_indirect_dma source(%dma_start3A_259 : memref<50000x16xf32, #tpu.memory_space<hbm>>) target(%dma_start3A_249 : memref<128x16xf32, #tpu.memory_space<vmem>>) offsets(%dma_start3A_252 : memref<128xi32, #tpu.memory_space<vmem>>) semaphore(%arg23 : memref<!tpu.dma_semaphore, #tpu.memory_space<semaphore_mem>>)
          %dma_start3A_260 = arith.constant 1 : i32
          %dma_start3A_261 = arith.constant 128 : i32
          %dma_start3A_262 = arith.constant 0 : i32
          %dma_start3A_263 = tpu.memref_slice %arg14[%dma_start3A_261, %dma_start3A_262] : memref<512x16xf32, #tpu.memory_space<vmem>> -> memref<128x16xf32, #tpu.memory_space<vmem>>
          %dma_start3A_264 = arith.constant 0 : i32
          %dma_start3A_265 = tpu.memref_slice %arg8[%dma_start3A_260, %dma_start3A_264] : memref<4x128xi32, #tpu.memory_space<vmem>> -> memref<1x128xi32, #tpu.memory_space<vmem>>
          %dma_start3A_266 = tpu.memref_squeeze %dma_start3A_265 : memref<1x128xi32, #tpu.memory_space<vmem>> -> memref<128xi32, #tpu.memory_space<vmem>>
          %dma_start3A_267 = arith.constant 0 : i32
          %dma_start3A_268 = arith.constant 0 : i32
          %dma_start3A_269 = tpu.memref_slice %arg5[%arg0, %dma_start3A_267, %dma_start3A_268] : memref<2x50000x16xf32, #tpu.memory_space<hbm>> -> memref<1x50000x16xf32, #tpu.memory_space<hbm>>
          %dma_start3A_270 = tpu.memref_squeeze %dma_start3A_269 : memref<1x50000x16xf32, #tpu.memory_space<hbm>> -> memref<50000x16xf32, #tpu.memory_space<hbm>>
          %dma_start3A_271 = arith.constant 0 : i32
          %dma_start3A_272 = arith.constant 0 : i32
          %dma_start3A_273 = tpu.memref_slice %dma_start3A_270[%dma_start3A_271, %dma_start3A_272] : memref<50000x16xf32, #tpu.memory_space<hbm>> -> memref<50000x16xf32, #tpu.memory_space<hbm>>
          tpu.enqueue_indirect_dma source(%dma_start3A_273 : memref<50000x16xf32, #tpu.memory_space<hbm>>) target(%dma_start3A_263 : memref<128x16xf32, #tpu.memory_space<vmem>>) offsets(%dma_start3A_266 : memref<128xi32, #tpu.memory_space<vmem>>) semaphore(%arg23 : memref<!tpu.dma_semaphore, #tpu.memory_space<semaphore_mem>>)
          %dma_start3A_274 = arith.constant 2 : i32
          %dma_start3A_275 = arith.constant 256 : i32
          %dma_start3A_276 = arith.constant 0 : i32
          %dma_start3A_277 = tpu.memref_slice %arg14[%dma_start3A_275, %dma_start3A_276] : memref<512x16xf32, #tpu.memory_space<vmem>> -> memref<128x16xf32, #tpu.memory_space<vmem>>
          %dma_start3A_278 = arith.constant 0 : i32
          %dma_start3A_279 = tpu.memref_slice %arg8[%dma_start3A_274, %dma_start3A_278] : memref<4x128xi32, #tpu.memory_space<vmem>> -> memref<1x128xi32, #tpu.memory_space<vmem>>
          %dma_start3A_280 = tpu.memref_squeeze %dma_start3A_279 : memref<1x128xi32, #tpu.memory_space<vmem>> -> memref<128xi32, #tpu.memory_space<vmem>>
          %dma_start3A_281 = arith.constant 0 : i32
          %dma_start3A_282 = arith.constant 0 : i32
          %dma_start3A_283 = tpu.memref_slice %arg5[%arg0, %dma_start3A_281, %dma_start3A_282] : memref<2x50000x16xf32, #tpu.memory_space<hbm>> -> memref<1x50000x16xf32, #tpu.memory_space<hbm>>
          %dma_start3A_284 = tpu.memref_squeeze %dma_start3A_283 : memref<1x50000x16xf32, #tpu.memory_space<hbm>> -> memref<50000x16xf32, #tpu.memory_space<hbm>>
          %dma_start3A_285 = arith.constant 0 : i32
          %dma_start3A_286 = arith.constant 0 : i32
          %dma_start3A_287 = tpu.memref_slice %dma_start3A_284[%dma_start3A_285, %dma_start3A_286] : memref<50000x16xf32, #tpu.memory_space<hbm>> -> memref<50000x16xf32, #tpu.memory_space<hbm>>
          tpu.enqueue_indirect_dma source(%dma_start3A_287 : memref<50000x16xf32, #tpu.memory_space<hbm>>) target(%dma_start3A_277 : memref<128x16xf32, #tpu.memory_space<vmem>>) offsets(%dma_start3A_280 : memref<128xi32, #tpu.memory_space<vmem>>) semaphore(%arg23 : memref<!tpu.dma_semaphore, #tpu.memory_space<semaphore_mem>>)
          %dma_start3A_288 = arith.constant 3 : i32
          %dma_start3A_289 = arith.constant 384 : i32
          %dma_start3A_290 = arith.constant 0 : i32
          %dma_start3A_291 = tpu.memref_slice %arg14[%dma_start3A_289, %dma_start3A_290] : memref<512x16xf32, #tpu.memory_space<vmem>> -> memref<128x16xf32, #tpu.memory_space<vmem>>
          %dma_start3A_292 = arith.constant 0 : i32
          %dma_start3A_293 = tpu.memref_slice %arg8[%dma_start3A_288, %dma_start3A_292] : memref<4x128xi32, #tpu.memory_space<vmem>> -> memref<1x128xi32, #tpu.memory_space<vmem>>
          %dma_start3A_294 = tpu.memref_squeeze %dma_start3A_293 : memref<1x128xi32, #tpu.memory_space<vmem>> -> memref<128xi32, #tpu.memory_space<vmem>>
          %dma_start3A_295 = arith.constant 0 : i32
          %dma_start3A_296 = arith.constant 0 : i32
          %dma_start3A_297 = tpu.memref_slice %arg5[%arg0, %dma_start3A_295, %dma_start3A_296] : memref<2x50000x16xf32, #tpu.memory_space<hbm>> -> memref<1x50000x16xf32, #tpu.memory_space<hbm>>
          %dma_start3A_298 = tpu.memref_squeeze %dma_start3A_297 : memref<1x50000x16xf32, #tpu.memory_space<hbm>> -> memref<50000x16xf32, #tpu.memory_space<hbm>>
          %dma_start3A_299 = arith.constant 0 : i32
          %dma_start3A_300 = arith.constant 0 : i32
          %dma_start3A_301 = tpu.memref_slice %dma_start3A_298[%dma_start3A_299, %dma_start3A_300] : memref<50000x16xf32, #tpu.memory_space<hbm>> -> memref<50000x16xf32, #tpu.memory_space<hbm>>
          tpu.enqueue_indirect_dma source(%dma_start3A_301 : memref<50000x16xf32, #tpu.memory_space<hbm>>) target(%dma_start3A_291 : memref<128x16xf32, #tpu.memory_space<vmem>>) offsets(%dma_start3A_294 : memref<128xi32, #tpu.memory_space<vmem>>) semaphore(%arg23 : memref<!tpu.dma_semaphore, #tpu.memory_space<semaphore_mem>>)
        } else {
        }
        %scan3A_220 = arith.constant 0 : i32
        %scan3A_221 = arith.constant 128 : i32
        %scan3A_222 = arith.addi %scan3A_220, %scan3A_221 : i32
        %scan3A_223 = arith.constant 1 : i32
        scf.for %scan3A_228 = %scan3A_220 to %scan3A_222 step %scan3A_223  : i32 {
          %mul3A_229 = arith.constant 4 : i32
          %mul3A_230 = arith.muli %scan3A_228, %mul3A_229 : i32
          %add3A_231 = arith.constant 0 : i32
          %add3A_232 = arith.addi %add3A_231, %mul3A_230 : i32
          %add3A_233 = arith.constant 0 : i32
          %add3A_234 = arith.addi %add3A_232, %add3A_233 : i32
          %get3A = arith.index_cast %add3A_234 : i32 to index
          %get3A_235 = arith.constant 0 : index
          %get3A_236 = tpu.vector_load %arg11[%get3A, %get3A_235] {strides = array<i32>} : memref<512x16xf32, #tpu.memory_space<vmem>>, vector<1x16xf32>,
          %get3A_237 = vector.shape_cast %get3A_236 : vector<1x16xf32> to vector<1x16xf32>
          %eq3A_238 = arith.constant 0 : i32
          %eq3A_239 = arith.cmpi eq, %arg0, %eq3A_238 : i32
          %slice3A = vector.extract_strided_slice %get3A_237 {offsets = [0, 0], sizes = [1, 1], strides = [1, 1]} : vector<1x16xf32> to vector<1x1xf32>
          %squeeze3A = vector.extract %slice3A[0, 0] : f32 from vector<1x1xf32>
          %slice3A_240 = vector.extract_strided_slice %get3A_237 {offsets = [0, 1], sizes = [1, 1], strides = [1, 1]} : vector<1x16xf32> to vector<1x1xf32>
          %squeeze3A_241 = vector.extract %slice3A_240[0, 0] : f32 from vector<1x1xf32>
          %select_n3A_242 = arith.select %eq3A_239, %squeeze3A, %squeeze3A_241 : f32
          %get3A_243 = arith.index_cast %add3A_234 : i32 to index
          %get3A_244 = arith.constant 0 : index
          %get3A_245 = tpu.vector_load %arg13[%get3A_243, %get3A_244] {strides = array<i32>} : memref<512x16xf32, #tpu.memory_space<vmem>>, vector<1x16xf32>,
          %get3A_246 = vector.shape_cast %get3A_245 : vector<1x16xf32> to vector<1x16xf32>
          %mul3A_247 = vector.broadcast %select_n3A_242 : f32 to vector<1x16xf32>
          %mul3A_248 = arith.mulf %get3A_246, %mul3A_247 : vector<1x16xf32>
          %swap3A = arith.index_cast %add3A_234 : i32 to index
          %swap3A_249 = arith.constant 0 : index
          %swap3A_250 = tpu.vector_load %arg15[%swap3A, %swap3A_249] {strides = array<i32>} : memref<512x16xf32, #tpu.memory_space<vmem>>, vector<1x16xf32>,
          %swap3A_251 = vector.shape_cast %swap3A_250 : vector<1x16xf32> to vector<1x16xf32>
          %swap3A_252 = vector.shape_cast %mul3A_248 : vector<1x16xf32> to vector<1x16xf32>
          tpu.vector_store %arg15[%swap3A, %swap3A_249], %swap3A_252 {strides = array<i32>} : memref<512x16xf32, #tpu.memory_space<vmem>>, vector<1x16xf32>,
          %add3A_253 = arith.constant 1 : i32
          %add3A_254 = arith.addi %add3A_232, %add3A_253 : i32
          %get3A_255 = arith.index_cast %add3A_254 : i32 to index
          %get3A_256 = arith.constant 0 : index
          %get3A_257 = tpu.vector_load %arg11[%get3A_255, %get3A_256] {strides = array<i32>} : memref<512x16xf32, #tpu.memory_space<vmem>>, vector<1x16xf32>,
          %get3A_258 = vector.shape_cast %get3A_257 : vector<1x16xf32> to vector<1x16xf32>
          %eq3A_259 = arith.constant 0 : i32
          %eq3A_260 = arith.cmpi eq, %arg0, %eq3A_259 : i32
          %slice3A_261 = vector.extract_strided_slice %get3A_258 {offsets = [0, 0], sizes = [1, 1], strides = [1, 1]} : vector<1x16xf32> to vector<1x1xf32>
          %squeeze3A_262 = vector.extract %slice3A_261[0, 0] : f32 from vector<1x1xf32>
          %slice3A_263 = vector.extract_strided_slice %get3A_258 {offsets = [0, 1], sizes = [1, 1], strides = [1, 1]} : vector<1x16xf32> to vector<1x1xf32>
          %squeeze3A_264 = vector.extract %slice3A_263[0, 0] : f32 from vector<1x1xf32>
          %select_n3A_265 = arith.select %eq3A_260, %squeeze3A_262, %squeeze3A_264 : f32
          %get3A_266 = arith.index_cast %add3A_254 : i32 to index
          %get3A_267 = arith.constant 0 : index
          %get3A_268 = tpu.vector_load %arg13[%get3A_266, %get3A_267] {strides = array<i32>} : memref<512x16xf32, #tpu.memory_space<vmem>>, vector<1x16xf32>,
          %get3A_269 = vector.shape_cast %get3A_268 : vector<1x16xf32> to vector<1x16xf32>
          %mul3A_270 = vector.broadcast %select_n3A_265 : f32 to vector<1x16xf32>
          %mul3A_271 = arith.mulf %get3A_269, %mul3A_270 : vector<1x16xf32>
          %swap3A_272 = arith.index_cast %add3A_254 : i32 to index
          %swap3A_273 = arith.constant 0 : index
          %swap3A_274 = tpu.vector_load %arg15[%swap3A_272, %swap3A_273] {strides = array<i32>} : memref<512x16xf32, #tpu.memory_space<vmem>>, vector<1x16xf32>,
          %swap3A_275 = vector.shape_cast %swap3A_274 : vector<1x16xf32> to vector<1x16xf32>
          %swap3A_276 = vector.shape_cast %mul3A_271 : vector<1x16xf32> to vector<1x16xf32>
          tpu.vector_store %arg15[%swap3A_272, %swap3A_273], %swap3A_276 {strides = array<i32>} : memref<512x16xf32, #tpu.memory_space<vmem>>, vector<1x16xf32>,
          %add3A_277 = arith.constant 2 : i32
          %add3A_278 = arith.addi %add3A_232, %add3A_277 : i32
          %get3A_279 = arith.index_cast %add3A_278 : i32 to index
          %get3A_280 = arith.constant 0 : index
          %get3A_281 = tpu.vector_load %arg11[%get3A_279, %get3A_280] {strides = array<i32>} : memref<512x16xf32, #tpu.memory_space<vmem>>, vector<1x16xf32>,
          %get3A_282 = vector.shape_cast %get3A_281 : vector<1x16xf32> to vector<1x16xf32>
          %eq3A_283 = arith.constant 0 : i32
          %eq3A_284 = arith.cmpi eq, %arg0, %eq3A_283 : i32
          %slice3A_285 = vector.extract_strided_slice %get3A_282 {offsets = [0, 0], sizes = [1, 1], strides = [1, 1]} : vector<1x16xf32> to vector<1x1xf32>
          %squeeze3A_286 = vector.extract %slice3A_285[0, 0] : f32 from vector<1x1xf32>
          %slice3A_287 = vector.extract_strided_slice %get3A_282 {offsets = [0, 1], sizes = [1, 1], strides = [1, 1]} : vector<1x16xf32> to vector<1x1xf32>
          %squeeze3A_288 = vector.extract %slice3A_287[0, 0] : f32 from vector<1x1xf32>
          %select_n3A_289 = arith.select %eq3A_284, %squeeze3A_286, %squeeze3A_288 : f32
          %get3A_290 = arith.index_cast %add3A_278 : i32 to index
          %get3A_291 = arith.constant 0 : index
          %get3A_292 = tpu.vector_load %arg13[%get3A_290, %get3A_291] {strides = array<i32>} : memref<512x16xf32, #tpu.memory_space<vmem>>, vector<1x16xf32>,
          %get3A_293 = vector.shape_cast %get3A_292 : vector<1x16xf32> to vector<1x16xf32>
          %mul3A_294 = vector.broadcast %select_n3A_289 : f32 to vector<1x16xf32>
          %mul3A_295 = arith.mulf %get3A_293, %mul3A_294 : vector<1x16xf32>
          %swap3A_296 = arith.index_cast %add3A_278 : i32 to index
          %swap3A_297 = arith.constant 0 : index
          %swap3A_298 = tpu.vector_load %arg15[%swap3A_296, %swap3A_297] {strides = array<i32>} : memref<512x16xf32, #tpu.memory_space<vmem>>, vector<1x16xf32>,
          %swap3A_299 = vector.shape_cast %swap3A_298 : vector<1x16xf32> to vector<1x16xf32>
          %swap3A_300 = vector.shape_cast %mul3A_295 : vector<1x16xf32> to vector<1x16xf32>
          tpu.vector_store %arg15[%swap3A_296, %swap3A_297], %swap3A_300 {strides = array<i32>} : memref<512x16xf32, #tpu.memory_space<vmem>>, vector<1x16xf32>,
          %add3A_301 = arith.constant 3 : i32
          %add3A_302 = arith.addi %add3A_232, %add3A_301 : i32
          %get3A_303 = arith.index_cast %add3A_302 : i32 to index
          %get3A_304 = arith.constant 0 : index
          %get3A_305 = tpu.vector_load %arg11[%get3A_303, %get3A_304] {strides = array<i32>} : memref<512x16xf32, #tpu.memory_space<vmem>>, vector<1x16xf32>,
          %get3A_306 = vector.shape_cast %get3A_305 : vector<1x16xf32> to vector<1x16xf32>
          %eq3A_307 = arith.constant 0 : i32
          %eq3A_308 = arith.cmpi eq, %arg0, %eq3A_307 : i32
          %slice3A_309 = vector.extract_strided_slice %get3A_306 {offsets = [0, 0], sizes = [1, 1], strides = [1, 1]} : vector<1x16xf32> to vector<1x1xf32>
          %squeeze3A_310 = vector.extract %slice3A_309[0, 0] : f32 from vector<1x1xf32>
          %slice3A_311 = vector.extract_strided_slice %get3A_306 {offsets = [0, 1], sizes = [1, 1], strides = [1, 1]} : vector<1x16xf32> to vector<1x1xf32>
          %squeeze3A_312 = vector.extract %slice3A_311[0, 0] : f32 from vector<1x1xf32>
          %select_n3A_313 = arith.select %eq3A_308, %squeeze3A_310, %squeeze3A_312 : f32
          %get3A_314 = arith.index_cast %add3A_302 : i32 to index
          %get3A_315 = arith.constant 0 : index
          %get3A_316 = tpu.vector_load %arg13[%get3A_314, %get3A_315] {strides = array<i32>} : memref<512x16xf32, #tpu.memory_space<vmem>>, vector<1x16xf32>,
          %get3A_317 = vector.shape_cast %get3A_316 : vector<1x16xf32> to vector<1x16xf32>
          %mul3A_318 = vector.broadcast %select_n3A_313 : f32 to vector<1x16xf32>
          %mul3A_319 = arith.mulf %get3A_317, %mul3A_318 : vector<1x16xf32>
          %swap3A_320 = arith.index_cast %add3A_302 : i32 to index
          %swap3A_321 = arith.constant 0 : index
          %swap3A_322 = tpu.vector_load %arg15[%swap3A_320, %swap3A_321] {strides = array<i32>} : memref<512x16xf32, #tpu.memory_space<vmem>>, vector<1x16xf32>,
          %swap3A_323 = vector.shape_cast %swap3A_322 : vector<1x16xf32> to vector<1x16xf32>
          %swap3A_324 = vector.shape_cast %mul3A_319 : vector<1x16xf32> to vector<1x16xf32>
          tpu.vector_store %arg15[%swap3A_320, %swap3A_321], %swap3A_324 {strides = array<i32>} : memref<512x16xf32, #tpu.memory_space<vmem>>, vector<1x16xf32>,
        }
        %scan3A_224 = arith.constant 128 : i32
        %run_scoped3A = arith.constant 0 : i32
        "tpu.region"() ({
          %run_scoped3A_228 = tpu.sem_alloc : memref<!tpu.dma_semaphore, #tpu.memory_space<semaphore_mem>>
          %dma_start3A_229 = arith.constant 0 : i32
          %dma_start3A_230 = arith.constant 0 : i32
          %dma_start3A_231 = tpu.memref_slice %arg15[%dma_start3A_229, %dma_start3A_230] : memref<512x16xf32, #tpu.memory_space<vmem>> -> memref<128x16xf32, #tpu.memory_space<vmem>>
          %dma_start3A_232 = arith.constant 0 : i32
          %dma_start3A_233 = tpu.memref_slice %arg9[%run_scoped3A, %dma_start3A_232] : memref<4x128xi32, #tpu.memory_space<vmem>> -> memref<1x128xi32, #tpu.memory_space<vmem>>
          %dma_start3A_234 = tpu.memref_squeeze %dma_start3A_233 : memref<1x128xi32, #tpu.memory_space<vmem>> -> memref<128xi32, #tpu.memory_space<vmem>>
          %dma_start3A_235 = arith.constant 0 : i32
          %dma_start3A_236 = arith.constant 0 : i32
          %dma_start3A_237 = tpu.memref_slice %arg19[%dma_start3A_235, %dma_start3A_236] : memref<50176x16xf32, #tpu.memory_space<vmem_shared>> -> memref<50176x16xf32, #tpu.memory_space<vmem_shared>>
          tpu.enqueue_indirect_dma source(%dma_start3A_231 : memref<128x16xf32, #tpu.memory_space<vmem>>) target(%dma_start3A_237 : memref<50176x16xf32, #tpu.memory_space<vmem_shared>>) offsets(%dma_start3A_234 : memref<128xi32, #tpu.memory_space<vmem>>) semaphore(%run_scoped3A_228 : memref<!tpu.dma_semaphore, #tpu.memory_space<semaphore_mem>>) {add = true}
          %dma_wait3A_238 = arith.constant 0 : i32
          %dma_wait3A_239 = arith.constant 0 : i32
          %dma_wait3A_240 = tpu.memref_slice %arg15[%dma_wait3A_238, %dma_wait3A_239] : memref<512x16xf32, #tpu.memory_space<vmem>> -> memref<128x16xf32, #tpu.memory_space<vmem>>
          %dma_wait3A_241 = arith.constant 0 : i32
          %dma_wait3A_242 = tpu.memref_slice %arg9[%run_scoped3A, %dma_wait3A_241] : memref<4x128xi32, #tpu.memory_space<vmem>> -> memref<1x128xi32, #tpu.memory_space<vmem>>
          %dma_wait3A_243 = tpu.memref_squeeze %dma_wait3A_242 : memref<1x128xi32, #tpu.memory_space<vmem>> -> memref<128xi32, #tpu.memory_space<vmem>>
          %dma_wait3A_244 = arith.constant 0 : i32
          %dma_wait3A_245 = arith.constant 0 : i32
          %dma_wait3A_246 = tpu.memref_slice %arg19[%dma_wait3A_244, %dma_wait3A_245] : memref<50176x16xf32, #tpu.memory_space<vmem_shared>> -> memref<50176x16xf32, #tpu.memory_space<vmem_shared>>
          tpu.wait_indirect_dma semaphore(%run_scoped3A_228 : memref<!tpu.dma_semaphore, #tpu.memory_space<semaphore_mem>>) src(%dma_wait3A_240 : memref<128x16xf32, #tpu.memory_space<vmem>>) dst(%dma_wait3A_246 : memref<50176x16xf32, #tpu.memory_space<vmem_shared>>)
          tpu.yield
        }) : () -> ()
        %run_scoped3A_225 = arith.constant 1 : i32
        "tpu.region"() ({
          %run_scoped3A_228 = tpu.sem_alloc : memref<!tpu.dma_semaphore, #tpu.memory_space<semaphore_mem>>
          %dma_start3A_229 = arith.constant 128 : i32
          %dma_start3A_230 = arith.constant 0 : i32
          %dma_start3A_231 = tpu.memref_slice %arg15[%dma_start3A_229, %dma_start3A_230] : memref<512x16xf32, #tpu.memory_space<vmem>> -> memref<128x16xf32, #tpu.memory_space<vmem>>
          %dma_start3A_232 = arith.constant 0 : i32
          %dma_start3A_233 = tpu.memref_slice %arg9[%run_scoped3A_225, %dma_start3A_232] : memref<4x128xi32, #tpu.memory_space<vmem>> -> memref<1x128xi32, #tpu.memory_space<vmem>>
          %dma_start3A_234 = tpu.memref_squeeze %dma_start3A_233 : memref<1x128xi32, #tpu.memory_space<vmem>> -> memref<128xi32, #tpu.memory_space<vmem>>
          %dma_start3A_235 = arith.constant 0 : i32
          %dma_start3A_236 = arith.constant 0 : i32
          %dma_start3A_237 = tpu.memref_slice %arg19[%dma_start3A_235, %dma_start3A_236] : memref<50176x16xf32, #tpu.memory_space<vmem_shared>> -> memref<50176x16xf32, #tpu.memory_space<vmem_shared>>
          tpu.enqueue_indirect_dma source(%dma_start3A_231 : memref<128x16xf32, #tpu.memory_space<vmem>>) target(%dma_start3A_237 : memref<50176x16xf32, #tpu.memory_space<vmem_shared>>) offsets(%dma_start3A_234 : memref<128xi32, #tpu.memory_space<vmem>>) semaphore(%run_scoped3A_228 : memref<!tpu.dma_semaphore, #tpu.memory_space<semaphore_mem>>) {add = true}
          %dma_wait3A_238 = arith.constant 128 : i32
          %dma_wait3A_239 = arith.constant 0 : i32
          %dma_wait3A_240 = tpu.memref_slice %arg15[%dma_wait3A_238, %dma_wait3A_239] : memref<512x16xf32, #tpu.memory_space<vmem>> -> memref<128x16xf32, #tpu.memory_space<vmem>>
          %dma_wait3A_241 = arith.constant 0 : i32
          %dma_wait3A_242 = tpu.memref_slice %arg9[%run_scoped3A_225, %dma_wait3A_241] : memref<4x128xi32, #tpu.memory_space<vmem>> -> memref<1x128xi32, #tpu.memory_space<vmem>>
          %dma_wait3A_243 = tpu.memref_squeeze %dma_wait3A_242 : memref<1x128xi32, #tpu.memory_space<vmem>> -> memref<128xi32, #tpu.memory_space<vmem>>
          %dma_wait3A_244 = arith.constant 0 : i32
          %dma_wait3A_245 = arith.constant 0 : i32
          %dma_wait3A_246 = tpu.memref_slice %arg19[%dma_wait3A_244, %dma_wait3A_245] : memref<50176x16xf32, #tpu.memory_space<vmem_shared>> -> memref<50176x16xf32, #tpu.memory_space<vmem_shared>>
          tpu.wait_indirect_dma semaphore(%run_scoped3A_228 : memref<!tpu.dma_semaphore, #tpu.memory_space<semaphore_mem>>) src(%dma_wait3A_240 : memref<128x16xf32, #tpu.memory_space<vmem>>) dst(%dma_wait3A_246 : memref<50176x16xf32, #tpu.memory_space<vmem_shared>>)
          tpu.yield
        }) : () -> ()
        %run_scoped3A_226 = arith.constant 2 : i32
        "tpu.region"() ({
          %run_scoped3A_228 = tpu.sem_alloc : memref<!tpu.dma_semaphore, #tpu.memory_space<semaphore_mem>>
          %dma_start3A_229 = arith.constant 256 : i32
          %dma_start3A_230 = arith.constant 0 : i32
          %dma_start3A_231 = tpu.memref_slice %arg15[%dma_start3A_229, %dma_start3A_230] : memref<512x16xf32, #tpu.memory_space<vmem>> -> memref<128x16xf32, #tpu.memory_space<vmem>>
          %dma_start3A_232 = arith.constant 0 : i32
          %dma_start3A_233 = tpu.memref_slice %arg9[%run_scoped3A_226, %dma_start3A_232] : memref<4x128xi32, #tpu.memory_space<vmem>> -> memref<1x128xi32, #tpu.memory_space<vmem>>
          %dma_start3A_234 = tpu.memref_squeeze %dma_start3A_233 : memref<1x128xi32, #tpu.memory_space<vmem>> -> memref<128xi32, #tpu.memory_space<vmem>>
          %dma_start3A_235 = arith.constant 0 : i32
          %dma_start3A_236 = arith.constant 0 : i32
          %dma_start3A_237 = tpu.memref_slice %arg19[%dma_start3A_235, %dma_start3A_236] : memref<50176x16xf32, #tpu.memory_space<vmem_shared>> -> memref<50176x16xf32, #tpu.memory_space<vmem_shared>>
          tpu.enqueue_indirect_dma source(%dma_start3A_231 : memref<128x16xf32, #tpu.memory_space<vmem>>) target(%dma_start3A_237 : memref<50176x16xf32, #tpu.memory_space<vmem_shared>>) offsets(%dma_start3A_234 : memref<128xi32, #tpu.memory_space<vmem>>) semaphore(%run_scoped3A_228 : memref<!tpu.dma_semaphore, #tpu.memory_space<semaphore_mem>>) {add = true}
          %dma_wait3A_238 = arith.constant 256 : i32
          %dma_wait3A_239 = arith.constant 0 : i32
          %dma_wait3A_240 = tpu.memref_slice %arg15[%dma_wait3A_238, %dma_wait3A_239] : memref<512x16xf32, #tpu.memory_space<vmem>> -> memref<128x16xf32, #tpu.memory_space<vmem>>
          %dma_wait3A_241 = arith.constant 0 : i32
          %dma_wait3A_242 = tpu.memref_slice %arg9[%run_scoped3A_226, %dma_wait3A_241] : memref<4x128xi32, #tpu.memory_space<vmem>> -> memref<1x128xi32, #tpu.memory_space<vmem>>
          %dma_wait3A_243 = tpu.memref_squeeze %dma_wait3A_242 : memref<1x128xi32, #tpu.memory_space<vmem>> -> memref<128xi32, #tpu.memory_space<vmem>>
          %dma_wait3A_244 = arith.constant 0 : i32
          %dma_wait3A_245 = arith.constant 0 : i32
          %dma_wait3A_246 = tpu.memref_slice %arg19[%dma_wait3A_244, %dma_wait3A_245] : memref<50176x16xf32, #tpu.memory_space<vmem_shared>> -> memref<50176x16xf32, #tpu.memory_space<vmem_shared>>
          tpu.wait_indirect_dma semaphore(%run_scoped3A_228 : memref<!tpu.dma_semaphore, #tpu.memory_space<semaphore_mem>>) src(%dma_wait3A_240 : memref<128x16xf32, #tpu.memory_space<vmem>>) dst(%dma_wait3A_246 : memref<50176x16xf32, #tpu.memory_space<vmem_shared>>)
          tpu.yield
        }) : () -> ()
        %run_scoped3A_227 = arith.constant 3 : i32
        "tpu.region"() ({
          %run_scoped3A_228 = tpu.sem_alloc : memref<!tpu.dma_semaphore, #tpu.memory_space<semaphore_mem>>
          %dma_start3A_229 = arith.constant 384 : i32
          %dma_start3A_230 = arith.constant 0 : i32
          %dma_start3A_231 = tpu.memref_slice %arg15[%dma_start3A_229, %dma_start3A_230] : memref<512x16xf32, #tpu.memory_space<vmem>> -> memref<128x16xf32, #tpu.memory_space<vmem>>
          %dma_start3A_232 = arith.constant 0 : i32
          %dma_start3A_233 = tpu.memref_slice %arg9[%run_scoped3A_227, %dma_start3A_232] : memref<4x128xi32, #tpu.memory_space<vmem>> -> memref<1x128xi32, #tpu.memory_space<vmem>>
          %dma_start3A_234 = tpu.memref_squeeze %dma_start3A_233 : memref<1x128xi32, #tpu.memory_space<vmem>> -> memref<128xi32, #tpu.memory_space<vmem>>
          %dma_start3A_235 = arith.constant 0 : i32
          %dma_start3A_236 = arith.constant 0 : i32
          %dma_start3A_237 = tpu.memref_slice %arg19[%dma_start3A_235, %dma_start3A_236] : memref<50176x16xf32, #tpu.memory_space<vmem_shared>> -> memref<50176x16xf32, #tpu.memory_space<vmem_shared>>
          tpu.enqueue_indirect_dma source(%dma_start3A_231 : memref<128x16xf32, #tpu.memory_space<vmem>>) target(%dma_start3A_237 : memref<50176x16xf32, #tpu.memory_space<vmem_shared>>) offsets(%dma_start3A_234 : memref<128xi32, #tpu.memory_space<vmem>>) semaphore(%run_scoped3A_228 : memref<!tpu.dma_semaphore, #tpu.memory_space<semaphore_mem>>) {add = true}
          %dma_wait3A_238 = arith.constant 384 : i32
          %dma_wait3A_239 = arith.constant 0 : i32
          %dma_wait3A_240 = tpu.memref_slice %arg15[%dma_wait3A_238, %dma_wait3A_239] : memref<512x16xf32, #tpu.memory_space<vmem>> -> memref<128x16xf32, #tpu.memory_space<vmem>>
          %dma_wait3A_241 = arith.constant 0 : i32
          %dma_wait3A_242 = tpu.memref_slice %arg9[%run_scoped3A_227, %dma_wait3A_241] : memref<4x128xi32, #tpu.memory_space<vmem>> -> memref<1x128xi32, #tpu.memory_space<vmem>>
          %dma_wait3A_243 = tpu.memref_squeeze %dma_wait3A_242 : memref<1x128xi32, #tpu.memory_space<vmem>> -> memref<128xi32, #tpu.memory_space<vmem>>
          %dma_wait3A_244 = arith.constant 0 : i32
          %dma_wait3A_245 = arith.constant 0 : i32
          %dma_wait3A_246 = tpu.memref_slice %arg19[%dma_wait3A_244, %dma_wait3A_245] : memref<50176x16xf32, #tpu.memory_space<vmem_shared>> -> memref<50176x16xf32, #tpu.memory_space<vmem_shared>>
          tpu.wait_indirect_dma semaphore(%run_scoped3A_228 : memref<!tpu.dma_semaphore, #tpu.memory_space<semaphore_mem>>) src(%dma_wait3A_240 : memref<128x16xf32, #tpu.memory_space<vmem>>) dst(%dma_wait3A_246 : memref<50176x16xf32, #tpu.memory_space<vmem_shared>>)
          tpu.yield
        }) : () -> ()
      } else {
      }
      %jit3A_129 = arith.constant 2 : i32
      %eq3A_130 = arith.constant 0 : i32
      %eq3A_131 = arith.cmpi eq, %jit3A_129, %eq3A_130 : i32
      %jit3A_132 = arith.constant 1 : i32
      %select_n3A_133 = arith.select %eq3A_131, %jit3A_132, %jit3A_129 : i32
      %rem3A_134 = arith.remsi %add3A_116, %select_n3A_133 : i32
      %ne3A_135 = arith.constant 0 : i32
      %ne3A_136 = arith.cmpi ne, %rem3A_134, %ne3A_135 : i32
      %lt3A_137 = arith.constant 0 : i32
      %lt3A_138 = arith.cmpi slt, %rem3A_134, %lt3A_137 : i32
      %lt3A_139 = arith.constant 0 : i32
      %lt3A_140 = arith.cmpi slt, %select_n3A_133, %lt3A_139 : i32
      %ne3A_141 = arith.xori %lt3A_138, %lt3A_140 : i1
      %and3A_142 = arith.andi %ne3A_141, %ne3A_136 : i1
      %add3A_143 = arith.addi %rem3A_134, %select_n3A_133 : i32
      %select_n3A_144 = arith.select %and3A_142, %add3A_143, %rem3A_134 : i32
      %eq3A_145 = arith.constant 1 : i32
      %eq3A_146 = arith.cmpi eq, %select_n3A_144, %eq3A_145 : i32
      %convert_element_type3A_147 = arith.extui %eq3A_146 : i1 to i32
      %cond3A_148 = arith.constant 0 : i32
      %cond3A_149 = arith.cmpi ne, %convert_element_type3A_147, %cond3A_148 : i32
      scf.if %cond3A_149 {
        %add3A_150 = arith.constant 1 : i32
        %add3A_151 = arith.addi %add3A_116, %add3A_150 : i32
        %lt3A_152 = arith.constant 100 : i32
        %lt3A_153 = arith.cmpi slt, %add3A_151, %lt3A_152 : i32
        %convert_element_type3A_154 = arith.extui %lt3A_153 : i1 to i32
        %cond3A_155 = arith.constant 0 : i32
        %cond3A_156 = arith.cmpi ne, %convert_element_type3A_154, %cond3A_155 : i32
        scf.if %cond3A_156 {
          %add3A_228 = arith.constant 1 : i32
          %add3A_229 = arith.addi %add3A_116, %add3A_228 : i32
          %mul3A_230 = arith.constant 400 : i32
          %mul3A_231 = arith.muli %arg1, %mul3A_230 : i32
          %mul3A_232 = arith.constant 4 : i32
          %mul3A_233 = arith.muli %add3A_229, %mul3A_232 : i32
          %add3A_234 = arith.addi %mul3A_231, %mul3A_233 : i32
          %mul3A_235 = arith.constant 100 : i32
          %mul3A_236 = arith.muli %arg1, %mul3A_235 : i32
          %add3A_237 = arith.addi %mul3A_236, %add3A_229 : i32
          %mul3A_238 = arith.constant 512 : i32
          %mul3A_239 = arith.muli %add3A_237, %mul3A_238 : i32
          %dma_start3A_240 = arith.constant 0 : i32
          %dma_start3A_241 = tpu.memref_slice %arg2[%add3A_234, %dma_start3A_240] : memref<6400x128xi32, #tpu.memory_space<hbm>> -> memref<4x128xi32, #tpu.memory_space<hbm>>
          %dma_start3A_242 = arith.constant 0 : i32
          %dma_start3A_243 = tpu.memref_slice %arg2[%add3A_234, %dma_start3A_242] : memref<6400x128xi32, #tpu.memory_space<hbm>> -> memref<4x128xi32, #tpu.memory_space<hbm>>
          tpu.enqueue_dma source(%dma_start3A_243 : memref<4x128xi32, #tpu.memory_space<hbm>>) target(%arg7 : memref<4x128xi32, #tpu.memory_space<vmem>>) target_semaphore(%arg20 : memref<!tpu.dma_semaphore, #tpu.memory_space<semaphore_mem>>)
          %dma_start3A_244 = arith.constant 0 : i32
          %dma_start3A_245 = tpu.memref_slice %arg3[%add3A_234, %dma_start3A_244] : memref<6400x128xi32, #tpu.memory_space<hbm>> -> memref<4x128xi32, #tpu.memory_space<hbm>>
          %dma_start3A_246 = arith.constant 0 : i32
          %dma_start3A_247 = tpu.memref_slice %arg3[%add3A_234, %dma_start3A_246] : memref<6400x128xi32, #tpu.memory_space<hbm>> -> memref<4x128xi32, #tpu.memory_space<hbm>>
          tpu.enqueue_dma source(%dma_start3A_247 : memref<4x128xi32, #tpu.memory_space<hbm>>) target(%arg9 : memref<4x128xi32, #tpu.memory_space<vmem>>) target_semaphore(%arg20 : memref<!tpu.dma_semaphore, #tpu.memory_space<semaphore_mem>>)
          %dma_start3A_248 = arith.constant 0 : i32
          %dma_start3A_249 = tpu.memref_slice %arg4[%mul3A_239, %dma_start3A_248] : memref<819200x16xf32, #tpu.memory_space<hbm>> -> memref<512x16xf32, #tpu.memory_space<hbm>>
          %dma_start3A_250 = arith.constant 0 : i32
          %dma_start3A_251 = tpu.memref_slice %arg4[%mul3A_239, %dma_start3A_250] : memref<819200x16xf32, #tpu.memory_space<hbm>> -> memref<512x16xf32, #tpu.memory_space<hbm>>
          tpu.enqueue_dma source(%dma_start3A_251 : memref<512x16xf32, #tpu.memory_space<hbm>>) target(%arg11 : memref<512x16xf32, #tpu.memory_space<vmem>>) target_semaphore(%arg20 : memref<!tpu.dma_semaphore, #tpu.memory_space<semaphore_mem>>)
        } else {
        }
        %dma_wait3A_157 = arith.constant 0 : i32
        %dma_wait3A_158 = arith.constant 0 : i32
        %dma_wait3A_159 = arith.constant 0 : i32
        %dma_wait3A_160 = tpu.memref_slice %arg14[%dma_wait3A_158, %dma_wait3A_159] : memref<512x16xf32, #tpu.memory_space<vmem>> -> memref<128x16xf32, #tpu.memory_space<vmem>>
        %dma_wait3A_161 = arith.constant 0 : i32
        %dma_wait3A_162 = tpu.memref_slice %arg8[%dma_wait3A_157, %dma_wait3A_161] : memref<4x128xi32, #tpu.memory_space<vmem>> -> memref<1x128xi32, #tpu.memory_space<vmem>>
        %dma_wait3A_163 = tpu.memref_squeeze %dma_wait3A_162 : memref<1x128xi32, #tpu.memory_space<vmem>> -> memref<128xi32, #tpu.memory_space<vmem>>
        %dma_wait3A_164 = arith.constant 0 : i32
        %dma_wait3A_165 = arith.constant 0 : i32
        %dma_wait3A_166 = tpu.memref_slice %arg5[%arg0, %dma_wait3A_164, %dma_wait3A_165] : memref<2x50000x16xf32, #tpu.memory_space<hbm>> -> memref<1x50000x16xf32, #tpu.memory_space<hbm>>
        %dma_wait3A_167 = tpu.memref_squeeze %dma_wait3A_166 : memref<1x50000x16xf32, #tpu.memory_space<hbm>> -> memref<50000x16xf32, #tpu.memory_space<hbm>>
        %dma_wait3A_168 = arith.constant 0 : i32
        %dma_wait3A_169 = arith.constant 0 : i32
        %dma_wait3A_170 = tpu.memref_slice %dma_wait3A_167[%dma_wait3A_168, %dma_wait3A_169] : memref<50000x16xf32, #tpu.memory_space<hbm>> -> memref<50000x16xf32, #tpu.memory_space<hbm>>
        tpu.wait_indirect_dma semaphore(%arg23 : memref<!tpu.dma_semaphore, #tpu.memory_space<semaphore_mem>>) src(%dma_wait3A_170 : memref<50000x16xf32, #tpu.memory_space<hbm>>) dst(%dma_wait3A_160 : memref<128x16xf32, #tpu.memory_space<vmem>>)
        %dma_wait3A_171 = arith.constant 1 : i32
        %dma_wait3A_172 = arith.constant 128 : i32
        %dma_wait3A_173 = arith.constant 0 : i32
        %dma_wait3A_174 = tpu.memref_slice %arg14[%dma_wait3A_172, %dma_wait3A_173] : memref<512x16xf32, #tpu.memory_space<vmem>> -> memref<128x16xf32, #tpu.memory_space<vmem>>
        %dma_wait3A_175 = arith.constant 0 : i32
        %dma_wait3A_176 = tpu.memref_slice %arg8[%dma_wait3A_171, %dma_wait3A_175] : memref<4x128xi32, #tpu.memory_space<vmem>> -> memref<1x128xi32, #tpu.memory_space<vmem>>
        %dma_wait3A_177 = tpu.memref_squeeze %dma_wait3A_176 : memref<1x128xi32, #tpu.memory_space<vmem>> -> memref<128xi32, #tpu.memory_space<vmem>>
        %dma_wait3A_178 = arith.constant 0 : i32
        %dma_wait3A_179 = arith.constant 0 : i32
        %dma_wait3A_180 = tpu.memref_slice %arg5[%arg0, %dma_wait3A_178, %dma_wait3A_179] : memref<2x50000x16xf32, #tpu.memory_space<hbm>> -> memref<1x50000x16xf32, #tpu.memory_space<hbm>>
        %dma_wait3A_181 = tpu.memref_squeeze %dma_wait3A_180 : memref<1x50000x16xf32, #tpu.memory_space<hbm>> -> memref<50000x16xf32, #tpu.memory_space<hbm>>
        %dma_wait3A_182 = arith.constant 0 : i32
        %dma_wait3A_183 = arith.constant 0 : i32
        %dma_wait3A_184 = tpu.memref_slice %dma_wait3A_181[%dma_wait3A_182, %dma_wait3A_183] : memref<50000x16xf32, #tpu.memory_space<hbm>> -> memref<50000x16xf32, #tpu.memory_space<hbm>>
        tpu.wait_indirect_dma semaphore(%arg23 : memref<!tpu.dma_semaphore, #tpu.memory_space<semaphore_mem>>) src(%dma_wait3A_184 : memref<50000x16xf32, #tpu.memory_space<hbm>>) dst(%dma_wait3A_174 : memref<128x16xf32, #tpu.memory_space<vmem>>)
        %dma_wait3A_185 = arith.constant 2 : i32
        %dma_wait3A_186 = arith.constant 256 : i32
        %dma_wait3A_187 = arith.constant 0 : i32
        %dma_wait3A_188 = tpu.memref_slice %arg14[%dma_wait3A_186, %dma_wait3A_187] : memref<512x16xf32, #tpu.memory_space<vmem>> -> memref<128x16xf32, #tpu.memory_space<vmem>>
        %dma_wait3A_189 = arith.constant 0 : i32
        %dma_wait3A_190 = tpu.memref_slice %arg8[%dma_wait3A_185, %dma_wait3A_189] : memref<4x128xi32, #tpu.memory_space<vmem>> -> memref<1x128xi32, #tpu.memory_space<vmem>>
        %dma_wait3A_191 = tpu.memref_squeeze %dma_wait3A_190 : memref<1x128xi32, #tpu.memory_space<vmem>> -> memref<128xi32, #tpu.memory_space<vmem>>
        %dma_wait3A_192 = arith.constant 0 : i32
        %dma_wait3A_193 = arith.constant 0 : i32
        %dma_wait3A_194 = tpu.memref_slice %arg5[%arg0, %dma_wait3A_192, %dma_wait3A_193] : memref<2x50000x16xf32, #tpu.memory_space<hbm>> -> memref<1x50000x16xf32, #tpu.memory_space<hbm>>
        %dma_wait3A_195 = tpu.memref_squeeze %dma_wait3A_194 : memref<1x50000x16xf32, #tpu.memory_space<hbm>> -> memref<50000x16xf32, #tpu.memory_space<hbm>>
        %dma_wait3A_196 = arith.constant 0 : i32
        %dma_wait3A_197 = arith.constant 0 : i32
        %dma_wait3A_198 = tpu.memref_slice %dma_wait3A_195[%dma_wait3A_196, %dma_wait3A_197] : memref<50000x16xf32, #tpu.memory_space<hbm>> -> memref<50000x16xf32, #tpu.memory_space<hbm>>
        tpu.wait_indirect_dma semaphore(%arg23 : memref<!tpu.dma_semaphore, #tpu.memory_space<semaphore_mem>>) src(%dma_wait3A_198 : memref<50000x16xf32, #tpu.memory_space<hbm>>) dst(%dma_wait3A_188 : memref<128x16xf32, #tpu.memory_space<vmem>>)
        %dma_wait3A_199 = arith.constant 3 : i32
        %dma_wait3A_200 = arith.constant 384 : i32
        %dma_wait3A_201 = arith.constant 0 : i32
        %dma_wait3A_202 = tpu.memref_slice %arg14[%dma_wait3A_200, %dma_wait3A_201] : memref<512x16xf32, #tpu.memory_space<vmem>> -> memref<128x16xf32, #tpu.memory_space<vmem>>
        %dma_wait3A_203 = arith.constant 0 : i32
        %dma_wait3A_204 = tpu.memref_slice %arg8[%dma_wait3A_199, %dma_wait3A_203] : memref<4x128xi32, #tpu.memory_space<vmem>> -> memref<1x128xi32, #tpu.memory_space<vmem>>
        %dma_wait3A_205 = tpu.memref_squeeze %dma_wait3A_204 : memref<1x128xi32, #tpu.memory_space<vmem>> -> memref<128xi32, #tpu.memory_space<vmem>>
        %dma_wait3A_206 = arith.constant 0 : i32
        %dma_wait3A_207 = arith.constant 0 : i32
        %dma_wait3A_208 = tpu.memref_slice %arg5[%arg0, %dma_wait3A_206, %dma_wait3A_207] : memref<2x50000x16xf32, #tpu.memory_space<hbm>> -> memref<1x50000x16xf32, #tpu.memory_space<hbm>>
        %dma_wait3A_209 = tpu.memref_squeeze %dma_wait3A_208 : memref<1x50000x16xf32, #tpu.memory_space<hbm>> -> memref<50000x16xf32, #tpu.memory_space<hbm>>
        %dma_wait3A_210 = arith.constant 0 : i32
        %dma_wait3A_211 = arith.constant 0 : i32
        %dma_wait3A_212 = tpu.memref_slice %dma_wait3A_209[%dma_wait3A_210, %dma_wait3A_211] : memref<50000x16xf32, #tpu.memory_space<hbm>> -> memref<50000x16xf32, #tpu.memory_space<hbm>>
        tpu.wait_indirect_dma semaphore(%arg23 : memref<!tpu.dma_semaphore, #tpu.memory_space<semaphore_mem>>) src(%dma_wait3A_212 : memref<50000x16xf32, #tpu.memory_space<hbm>>) dst(%dma_wait3A_202 : memref<128x16xf32, #tpu.memory_space<vmem>>)
        %add3A_213 = arith.constant 1 : i32
        %add3A_214 = arith.addi %add3A_116, %add3A_213 : i32
        %lt3A_215 = arith.constant 100 : i32
        %lt3A_216 = arith.cmpi slt, %add3A_214, %lt3A_215 : i32
        %convert_element_type3A_217 = arith.extui %lt3A_216 : i1 to i32
        %cond3A_218 = arith.constant 0 : i32
        %cond3A_219 = arith.cmpi ne, %convert_element_type3A_217, %cond3A_218 : i32
        scf.if %cond3A_219 {
          %dma_wait3A_228 = arith.constant 0 : i32
          %dma_wait3A_229 = arith.constant 0 : i32
          %dma_wait3A_230 = tpu.memref_slice %arg2[%dma_wait3A_228, %dma_wait3A_229] : memref<6400x128xi32, #tpu.memory_space<hbm>> -> memref<4x128xi32, #tpu.memory_space<hbm>>
          %dma_wait3A_231 = arith.constant 0 : i32
          %dma_wait3A_232 = arith.constant 0 : i32
          %dma_wait3A_233 = tpu.memref_slice %arg2[%dma_wait3A_231, %dma_wait3A_232] : memref<6400x128xi32, #tpu.memory_space<hbm>> -> memref<4x128xi32, #tpu.memory_space<hbm>>
          tpu.wait_dma2 semaphore(%arg20 : memref<!tpu.dma_semaphore, #tpu.memory_space<semaphore_mem>>) src(%dma_wait3A_233 : memref<4x128xi32, #tpu.memory_space<hbm>>) dst(%arg7 : memref<4x128xi32, #tpu.memory_space<vmem>>)
          %dma_wait3A_234 = arith.constant 0 : i32
          %dma_wait3A_235 = arith.constant 0 : i32
          %dma_wait3A_236 = tpu.memref_slice %arg3[%dma_wait3A_234, %dma_wait3A_235] : memref<6400x128xi32, #tpu.memory_space<hbm>> -> memref<4x128xi32, #tpu.memory_space<hbm>>
          %dma_wait3A_237 = arith.constant 0 : i32
          %dma_wait3A_238 = arith.constant 0 : i32
          %dma_wait3A_239 = tpu.memref_slice %arg3[%dma_wait3A_237, %dma_wait3A_238] : memref<6400x128xi32, #tpu.memory_space<hbm>> -> memref<4x128xi32, #tpu.memory_space<hbm>>
          tpu.wait_dma2 semaphore(%arg20 : memref<!tpu.dma_semaphore, #tpu.memory_space<semaphore_mem>>) src(%dma_wait3A_239 : memref<4x128xi32, #tpu.memory_space<hbm>>) dst(%arg9 : memref<4x128xi32, #tpu.memory_space<vmem>>)
          %dma_wait3A_240 = arith.constant 0 : i32
          %dma_wait3A_241 = arith.constant 0 : i32
          %dma_wait3A_242 = tpu.memref_slice %arg4[%dma_wait3A_240, %dma_wait3A_241] : memref<819200x16xf32, #tpu.memory_space<hbm>> -> memref<512x16xf32, #tpu.memory_space<hbm>>
          %dma_wait3A_243 = arith.constant 0 : i32
          %dma_wait3A_244 = arith.constant 0 : i32
          %dma_wait3A_245 = tpu.memref_slice %arg4[%dma_wait3A_243, %dma_wait3A_244] : memref<819200x16xf32, #tpu.memory_space<hbm>> -> memref<512x16xf32, #tpu.memory_space<hbm>>
          tpu.wait_dma2 semaphore(%arg20 : memref<!tpu.dma_semaphore, #tpu.memory_space<semaphore_mem>>) src(%dma_wait3A_245 : memref<512x16xf32, #tpu.memory_space<hbm>>) dst(%arg11 : memref<512x16xf32, #tpu.memory_space<vmem>>)
          %dma_start3A_246 = arith.constant 0 : i32
          %dma_start3A_247 = arith.constant 0 : i32
          %dma_start3A_248 = arith.constant 0 : i32
          %dma_start3A_249 = tpu.memref_slice %arg13[%dma_start3A_247, %dma_start3A_248] : memref<512x16xf32, #tpu.memory_space<vmem>> -> memref<128x16xf32, #tpu.memory_space<vmem>>
          %dma_start3A_250 = arith.constant 0 : i32
          %dma_start3A_251 = tpu.memref_slice %arg7[%dma_start3A_246, %dma_start3A_250] : memref<4x128xi32, #tpu.memory_space<vmem>> -> memref<1x128xi32, #tpu.memory_space<vmem>>
          %dma_start3A_252 = tpu.memref_squeeze %dma_start3A_251 : memref<1x128xi32, #tpu.memory_space<vmem>> -> memref<128xi32, #tpu.memory_space<vmem>>
          %dma_start3A_253 = arith.constant 0 : i32
          %dma_start3A_254 = arith.constant 0 : i32
          %dma_start3A_255 = tpu.memref_slice %arg5[%arg0, %dma_start3A_253, %dma_start3A_254] : memref<2x50000x16xf32, #tpu.memory_space<hbm>> -> memref<1x50000x16xf32, #tpu.memory_space<hbm>>
          %dma_start3A_256 = tpu.memref_squeeze %dma_start3A_255 : memref<1x50000x16xf32, #tpu.memory_space<hbm>> -> memref<50000x16xf32, #tpu.memory_space<hbm>>
          %dma_start3A_257 = arith.constant 0 : i32
          %dma_start3A_258 = arith.constant 0 : i32
          %dma_start3A_259 = tpu.memref_slice %dma_start3A_256[%dma_start3A_257, %dma_start3A_258] : memref<50000x16xf32, #tpu.memory_space<hbm>> -> memref<50000x16xf32, #tpu.memory_space<hbm>>
          tpu.enqueue_indirect_dma source(%dma_start3A_259 : memref<50000x16xf32, #tpu.memory_space<hbm>>) target(%dma_start3A_249 : memref<128x16xf32, #tpu.memory_space<vmem>>) offsets(%dma_start3A_252 : memref<128xi32, #tpu.memory_space<vmem>>) semaphore(%arg22 : memref<!tpu.dma_semaphore, #tpu.memory_space<semaphore_mem>>)
          %dma_start3A_260 = arith.constant 1 : i32
          %dma_start3A_261 = arith.constant 128 : i32
          %dma_start3A_262 = arith.constant 0 : i32
          %dma_start3A_263 = tpu.memref_slice %arg13[%dma_start3A_261, %dma_start3A_262] : memref<512x16xf32, #tpu.memory_space<vmem>> -> memref<128x16xf32, #tpu.memory_space<vmem>>
          %dma_start3A_264 = arith.constant 0 : i32
          %dma_start3A_265 = tpu.memref_slice %arg7[%dma_start3A_260, %dma_start3A_264] : memref<4x128xi32, #tpu.memory_space<vmem>> -> memref<1x128xi32, #tpu.memory_space<vmem>>
          %dma_start3A_266 = tpu.memref_squeeze %dma_start3A_265 : memref<1x128xi32, #tpu.memory_space<vmem>> -> memref<128xi32, #tpu.memory_space<vmem>>
          %dma_start3A_267 = arith.constant 0 : i32
          %dma_start3A_268 = arith.constant 0 : i32
          %dma_start3A_269 = tpu.memref_slice %arg5[%arg0, %dma_start3A_267, %dma_start3A_268] : memref<2x50000x16xf32, #tpu.memory_space<hbm>> -> memref<1x50000x16xf32, #tpu.memory_space<hbm>>
          %dma_start3A_270 = tpu.memref_squeeze %dma_start3A_269 : memref<1x50000x16xf32, #tpu.memory_space<hbm>> -> memref<50000x16xf32, #tpu.memory_space<hbm>>
          %dma_start3A_271 = arith.constant 0 : i32
          %dma_start3A_272 = arith.constant 0 : i32
          %dma_start3A_273 = tpu.memref_slice %dma_start3A_270[%dma_start3A_271, %dma_start3A_272] : memref<50000x16xf32, #tpu.memory_space<hbm>> -> memref<50000x16xf32, #tpu.memory_space<hbm>>
          tpu.enqueue_indirect_dma source(%dma_start3A_273 : memref<50000x16xf32, #tpu.memory_space<hbm>>) target(%dma_start3A_263 : memref<128x16xf32, #tpu.memory_space<vmem>>) offsets(%dma_start3A_266 : memref<128xi32, #tpu.memory_space<vmem>>) semaphore(%arg22 : memref<!tpu.dma_semaphore, #tpu.memory_space<semaphore_mem>>)
          %dma_start3A_274 = arith.constant 2 : i32
          %dma_start3A_275 = arith.constant 256 : i32
          %dma_start3A_276 = arith.constant 0 : i32
          %dma_start3A_277 = tpu.memref_slice %arg13[%dma_start3A_275, %dma_start3A_276] : memref<512x16xf32, #tpu.memory_space<vmem>> -> memref<128x16xf32, #tpu.memory_space<vmem>>
          %dma_start3A_278 = arith.constant 0 : i32
          %dma_start3A_279 = tpu.memref_slice %arg7[%dma_start3A_274, %dma_start3A_278] : memref<4x128xi32, #tpu.memory_space<vmem>> -> memref<1x128xi32, #tpu.memory_space<vmem>>
          %dma_start3A_280 = tpu.memref_squeeze %dma_start3A_279 : memref<1x128xi32, #tpu.memory_space<vmem>> -> memref<128xi32, #tpu.memory_space<vmem>>
          %dma_start3A_281 = arith.constant 0 : i32
          %dma_start3A_282 = arith.constant 0 : i32
          %dma_start3A_283 = tpu.memref_slice %arg5[%arg0, %dma_start3A_281, %dma_start3A_282] : memref<2x50000x16xf32, #tpu.memory_space<hbm>> -> memref<1x50000x16xf32, #tpu.memory_space<hbm>>
          %dma_start3A_284 = tpu.memref_squeeze %dma_start3A_283 : memref<1x50000x16xf32, #tpu.memory_space<hbm>> -> memref<50000x16xf32, #tpu.memory_space<hbm>>
          %dma_start3A_285 = arith.constant 0 : i32
          %dma_start3A_286 = arith.constant 0 : i32
          %dma_start3A_287 = tpu.memref_slice %dma_start3A_284[%dma_start3A_285, %dma_start3A_286] : memref<50000x16xf32, #tpu.memory_space<hbm>> -> memref<50000x16xf32, #tpu.memory_space<hbm>>
          tpu.enqueue_indirect_dma source(%dma_start3A_287 : memref<50000x16xf32, #tpu.memory_space<hbm>>) target(%dma_start3A_277 : memref<128x16xf32, #tpu.memory_space<vmem>>) offsets(%dma_start3A_280 : memref<128xi32, #tpu.memory_space<vmem>>) semaphore(%arg22 : memref<!tpu.dma_semaphore, #tpu.memory_space<semaphore_mem>>)
          %dma_start3A_288 = arith.constant 3 : i32
          %dma_start3A_289 = arith.constant 384 : i32
          %dma_start3A_290 = arith.constant 0 : i32
          %dma_start3A_291 = tpu.memref_slice %arg13[%dma_start3A_289, %dma_start3A_290] : memref<512x16xf32, #tpu.memory_space<vmem>> -> memref<128x16xf32, #tpu.memory_space<vmem>>
          %dma_start3A_292 = arith.constant 0 : i32
          %dma_start3A_293 = tpu.memref_slice %arg7[%dma_start3A_288, %dma_start3A_292] : memref<4x128xi32, #tpu.memory_space<vmem>> -> memref<1x128xi32, #tpu.memory_space<vmem>>
          %dma_start3A_294 = tpu.memref_squeeze %dma_start3A_293 : memref<1x128xi32, #tpu.memory_space<vmem>> -> memref<128xi32, #tpu.memory_space<vmem>>
          %dma_start3A_295 = arith.constant 0 : i32
          %dma_start3A_296 = arith.constant 0 : i32
          %dma_start3A_297 = tpu.memref_slice %arg5[%arg0, %dma_start3A_295, %dma_start3A_296] : memref<2x50000x16xf32, #tpu.memory_space<hbm>> -> memref<1x50000x16xf32, #tpu.memory_space<hbm>>
          %dma_start3A_298 = tpu.memref_squeeze %dma_start3A_297 : memref<1x50000x16xf32, #tpu.memory_space<hbm>> -> memref<50000x16xf32, #tpu.memory_space<hbm>>
          %dma_start3A_299 = arith.constant 0 : i32
          %dma_start3A_300 = arith.constant 0 : i32
          %dma_start3A_301 = tpu.memref_slice %dma_start3A_298[%dma_start3A_299, %dma_start3A_300] : memref<50000x16xf32, #tpu.memory_space<hbm>> -> memref<50000x16xf32, #tpu.memory_space<hbm>>
          tpu.enqueue_indirect_dma source(%dma_start3A_301 : memref<50000x16xf32, #tpu.memory_space<hbm>>) target(%dma_start3A_291 : memref<128x16xf32, #tpu.memory_space<vmem>>) offsets(%dma_start3A_294 : memref<128xi32, #tpu.memory_space<vmem>>) semaphore(%arg22 : memref<!tpu.dma_semaphore, #tpu.memory_space<semaphore_mem>>)
        } else {
        }
        %scan3A_220 = arith.constant 0 : i32
        %scan3A_221 = arith.constant 128 : i32
        %scan3A_222 = arith.addi %scan3A_220, %scan3A_221 : i32
        %scan3A_223 = arith.constant 1 : i32
        scf.for %scan3A_228 = %scan3A_220 to %scan3A_222 step %scan3A_223  : i32 {
          %mul3A_229 = arith.constant 4 : i32
          %mul3A_230 = arith.muli %scan3A_228, %mul3A_229 : i32
          %add3A_231 = arith.constant 0 : i32
          %add3A_232 = arith.addi %add3A_231, %mul3A_230 : i32
          %add3A_233 = arith.constant 0 : i32
          %add3A_234 = arith.addi %add3A_232, %add3A_233 : i32
          %get3A = arith.index_cast %add3A_234 : i32 to index
          %get3A_235 = arith.constant 0 : index
          %get3A_236 = tpu.vector_load %arg12[%get3A, %get3A_235] {strides = array<i32>} : memref<512x16xf32, #tpu.memory_space<vmem>>, vector<1x16xf32>,
          %get3A_237 = vector.shape_cast %get3A_236 : vector<1x16xf32> to vector<1x16xf32>
          %eq3A_238 = arith.constant 0 : i32
          %eq3A_239 = arith.cmpi eq, %arg0, %eq3A_238 : i32
          %slice3A = vector.extract_strided_slice %get3A_237 {offsets = [0, 0], sizes = [1, 1], strides = [1, 1]} : vector<1x16xf32> to vector<1x1xf32>
          %squeeze3A = vector.extract %slice3A[0, 0] : f32 from vector<1x1xf32>
          %slice3A_240 = vector.extract_strided_slice %get3A_237 {offsets = [0, 1], sizes = [1, 1], strides = [1, 1]} : vector<1x16xf32> to vector<1x1xf32>
          %squeeze3A_241 = vector.extract %slice3A_240[0, 0] : f32 from vector<1x1xf32>
          %select_n3A_242 = arith.select %eq3A_239, %squeeze3A, %squeeze3A_241 : f32
          %get3A_243 = arith.index_cast %add3A_234 : i32 to index
          %get3A_244 = arith.constant 0 : index
          %get3A_245 = tpu.vector_load %arg14[%get3A_243, %get3A_244] {strides = array<i32>} : memref<512x16xf32, #tpu.memory_space<vmem>>, vector<1x16xf32>,
          %get3A_246 = vector.shape_cast %get3A_245 : vector<1x16xf32> to vector<1x16xf32>
          %mul3A_247 = vector.broadcast %select_n3A_242 : f32 to vector<1x16xf32>
          %mul3A_248 = arith.mulf %get3A_246, %mul3A_247 : vector<1x16xf32>
          %swap3A = arith.index_cast %add3A_234 : i32 to index
          %swap3A_249 = arith.constant 0 : index
          %swap3A_250 = tpu.vector_load %arg16[%swap3A, %swap3A_249] {strides = array<i32>} : memref<512x16xf32, #tpu.memory_space<vmem>>, vector<1x16xf32>,
          %swap3A_251 = vector.shape_cast %swap3A_250 : vector<1x16xf32> to vector<1x16xf32>
          %swap3A_252 = vector.shape_cast %mul3A_248 : vector<1x16xf32> to vector<1x16xf32>
          tpu.vector_store %arg16[%swap3A, %swap3A_249], %swap3A_252 {strides = array<i32>} : memref<512x16xf32, #tpu.memory_space<vmem>>, vector<1x16xf32>,
          %add3A_253 = arith.constant 1 : i32
          %add3A_254 = arith.addi %add3A_232, %add3A_253 : i32
          %get3A_255 = arith.index_cast %add3A_254 : i32 to index
          %get3A_256 = arith.constant 0 : index
          %get3A_257 = tpu.vector_load %arg12[%get3A_255, %get3A_256] {strides = array<i32>} : memref<512x16xf32, #tpu.memory_space<vmem>>, vector<1x16xf32>,
          %get3A_258 = vector.shape_cast %get3A_257 : vector<1x16xf32> to vector<1x16xf32>
          %eq3A_259 = arith.constant 0 : i32
          %eq3A_260 = arith.cmpi eq, %arg0, %eq3A_259 : i32
          %slice3A_261 = vector.extract_strided_slice %get3A_258 {offsets = [0, 0], sizes = [1, 1], strides = [1, 1]} : vector<1x16xf32> to vector<1x1xf32>
          %squeeze3A_262 = vector.extract %slice3A_261[0, 0] : f32 from vector<1x1xf32>
          %slice3A_263 = vector.extract_strided_slice %get3A_258 {offsets = [0, 1], sizes = [1, 1], strides = [1, 1]} : vector<1x16xf32> to vector<1x1xf32>
          %squeeze3A_264 = vector.extract %slice3A_263[0, 0] : f32 from vector<1x1xf32>
          %select_n3A_265 = arith.select %eq3A_260, %squeeze3A_262, %squeeze3A_264 : f32
          %get3A_266 = arith.index_cast %add3A_254 : i32 to index
          %get3A_267 = arith.constant 0 : index
          %get3A_268 = tpu.vector_load %arg14[%get3A_266, %get3A_267] {strides = array<i32>} : memref<512x16xf32, #tpu.memory_space<vmem>>, vector<1x16xf32>,
          %get3A_269 = vector.shape_cast %get3A_268 : vector<1x16xf32> to vector<1x16xf32>
          %mul3A_270 = vector.broadcast %select_n3A_265 : f32 to vector<1x16xf32>
          %mul3A_271 = arith.mulf %get3A_269, %mul3A_270 : vector<1x16xf32>
          %swap3A_272 = arith.index_cast %add3A_254 : i32 to index
          %swap3A_273 = arith.constant 0 : index
          %swap3A_274 = tpu.vector_load %arg16[%swap3A_272, %swap3A_273] {strides = array<i32>} : memref<512x16xf32, #tpu.memory_space<vmem>>, vector<1x16xf32>,
          %swap3A_275 = vector.shape_cast %swap3A_274 : vector<1x16xf32> to vector<1x16xf32>
          %swap3A_276 = vector.shape_cast %mul3A_271 : vector<1x16xf32> to vector<1x16xf32>
          tpu.vector_store %arg16[%swap3A_272, %swap3A_273], %swap3A_276 {strides = array<i32>} : memref<512x16xf32, #tpu.memory_space<vmem>>, vector<1x16xf32>,
          %add3A_277 = arith.constant 2 : i32
          %add3A_278 = arith.addi %add3A_232, %add3A_277 : i32
          %get3A_279 = arith.index_cast %add3A_278 : i32 to index
          %get3A_280 = arith.constant 0 : index
          %get3A_281 = tpu.vector_load %arg12[%get3A_279, %get3A_280] {strides = array<i32>} : memref<512x16xf32, #tpu.memory_space<vmem>>, vector<1x16xf32>,
          %get3A_282 = vector.shape_cast %get3A_281 : vector<1x16xf32> to vector<1x16xf32>
          %eq3A_283 = arith.constant 0 : i32
          %eq3A_284 = arith.cmpi eq, %arg0, %eq3A_283 : i32
          %slice3A_285 = vector.extract_strided_slice %get3A_282 {offsets = [0, 0], sizes = [1, 1], strides = [1, 1]} : vector<1x16xf32> to vector<1x1xf32>
          %squeeze3A_286 = vector.extract %slice3A_285[0, 0] : f32 from vector<1x1xf32>
          %slice3A_287 = vector.extract_strided_slice %get3A_282 {offsets = [0, 1], sizes = [1, 1], strides = [1, 1]} : vector<1x16xf32> to vector<1x1xf32>
          %squeeze3A_288 = vector.extract %slice3A_287[0, 0] : f32 from vector<1x1xf32>
          %select_n3A_289 = arith.select %eq3A_284, %squeeze3A_286, %squeeze3A_288 : f32
          %get3A_290 = arith.index_cast %add3A_278 : i32 to index
          %get3A_291 = arith.constant 0 : index
          %get3A_292 = tpu.vector_load %arg14[%get3A_290, %get3A_291] {strides = array<i32>} : memref<512x16xf32, #tpu.memory_space<vmem>>, vector<1x16xf32>,
          %get3A_293 = vector.shape_cast %get3A_292 : vector<1x16xf32> to vector<1x16xf32>
          %mul3A_294 = vector.broadcast %select_n3A_289 : f32 to vector<1x16xf32>
          %mul3A_295 = arith.mulf %get3A_293, %mul3A_294 : vector<1x16xf32>
          %swap3A_296 = arith.index_cast %add3A_278 : i32 to index
          %swap3A_297 = arith.constant 0 : index
          %swap3A_298 = tpu.vector_load %arg16[%swap3A_296, %swap3A_297] {strides = array<i32>} : memref<512x16xf32, #tpu.memory_space<vmem>>, vector<1x16xf32>,
          %swap3A_299 = vector.shape_cast %swap3A_298 : vector<1x16xf32> to vector<1x16xf32>
          %swap3A_300 = vector.shape_cast %mul3A_295 : vector<1x16xf32> to vector<1x16xf32>
          tpu.vector_store %arg16[%swap3A_296, %swap3A_297], %swap3A_300 {strides = array<i32>} : memref<512x16xf32, #tpu.memory_space<vmem>>, vector<1x16xf32>,
          %add3A_301 = arith.constant 3 : i32
          %add3A_302 = arith.addi %add3A_232, %add3A_301 : i32
          %get3A_303 = arith.index_cast %add3A_302 : i32 to index
          %get3A_304 = arith.constant 0 : index
          %get3A_305 = tpu.vector_load %arg12[%get3A_303, %get3A_304] {strides = array<i32>} : memref<512x16xf32, #tpu.memory_space<vmem>>, vector<1x16xf32>,
          %get3A_306 = vector.shape_cast %get3A_305 : vector<1x16xf32> to vector<1x16xf32>
          %eq3A_307 = arith.constant 0 : i32
          %eq3A_308 = arith.cmpi eq, %arg0, %eq3A_307 : i32
          %slice3A_309 = vector.extract_strided_slice %get3A_306 {offsets = [0, 0], sizes = [1, 1], strides = [1, 1]} : vector<1x16xf32> to vector<1x1xf32>
          %squeeze3A_310 = vector.extract %slice3A_309[0, 0] : f32 from vector<1x1xf32>
          %slice3A_311 = vector.extract_strided_slice %get3A_306 {offsets = [0, 1], sizes = [1, 1], strides = [1, 1]} : vector<1x16xf32> to vector<1x1xf32>
          %squeeze3A_312 = vector.extract %slice3A_311[0, 0] : f32 from vector<1x1xf32>
          %select_n3A_313 = arith.select %eq3A_308, %squeeze3A_310, %squeeze3A_312 : f32
          %get3A_314 = arith.index_cast %add3A_302 : i32 to index
          %get3A_315 = arith.constant 0 : index
          %get3A_316 = tpu.vector_load %arg14[%get3A_314, %get3A_315] {strides = array<i32>} : memref<512x16xf32, #tpu.memory_space<vmem>>, vector<1x16xf32>,
          %get3A_317 = vector.shape_cast %get3A_316 : vector<1x16xf32> to vector<1x16xf32>
          %mul3A_318 = vector.broadcast %select_n3A_313 : f32 to vector<1x16xf32>
          %mul3A_319 = arith.mulf %get3A_317, %mul3A_318 : vector<1x16xf32>
          %swap3A_320 = arith.index_cast %add3A_302 : i32 to index
          %swap3A_321 = arith.constant 0 : index
          %swap3A_322 = tpu.vector_load %arg16[%swap3A_320, %swap3A_321] {strides = array<i32>} : memref<512x16xf32, #tpu.memory_space<vmem>>, vector<1x16xf32>,
          %swap3A_323 = vector.shape_cast %swap3A_322 : vector<1x16xf32> to vector<1x16xf32>
          %swap3A_324 = vector.shape_cast %mul3A_319 : vector<1x16xf32> to vector<1x16xf32>
          tpu.vector_store %arg16[%swap3A_320, %swap3A_321], %swap3A_324 {strides = array<i32>} : memref<512x16xf32, #tpu.memory_space<vmem>>, vector<1x16xf32>,
        }
        %scan3A_224 = arith.constant 128 : i32
        %run_scoped3A = arith.constant 0 : i32
        "tpu.region"() ({
          %run_scoped3A_228 = tpu.sem_alloc : memref<!tpu.dma_semaphore, #tpu.memory_space<semaphore_mem>>
          %dma_start3A_229 = arith.constant 0 : i32
          %dma_start3A_230 = arith.constant 0 : i32
          %dma_start3A_231 = tpu.memref_slice %arg16[%dma_start3A_229, %dma_start3A_230] : memref<512x16xf32, #tpu.memory_space<vmem>> -> memref<128x16xf32, #tpu.memory_space<vmem>>
          %dma_start3A_232 = arith.constant 0 : i32
          %dma_start3A_233 = tpu.memref_slice %arg10[%run_scoped3A, %dma_start3A_232] : memref<4x128xi32, #tpu.memory_space<vmem>> -> memref<1x128xi32, #tpu.memory_space<vmem>>
          %dma_start3A_234 = tpu.memref_squeeze %dma_start3A_233 : memref<1x128xi32, #tpu.memory_space<vmem>> -> memref<128xi32, #tpu.memory_space<vmem>>
          %dma_start3A_235 = arith.constant 0 : i32
          %dma_start3A_236 = arith.constant 0 : i32
          %dma_start3A_237 = tpu.memref_slice %arg19[%dma_start3A_235, %dma_start3A_236] : memref<50176x16xf32, #tpu.memory_space<vmem_shared>> -> memref<50176x16xf32, #tpu.memory_space<vmem_shared>>
          tpu.enqueue_indirect_dma source(%dma_start3A_231 : memref<128x16xf32, #tpu.memory_space<vmem>>) target(%dma_start3A_237 : memref<50176x16xf32, #tpu.memory_space<vmem_shared>>) offsets(%dma_start3A_234 : memref<128xi32, #tpu.memory_space<vmem>>) semaphore(%run_scoped3A_228 : memref<!tpu.dma_semaphore, #tpu.memory_space<semaphore_mem>>) {add = true}
          %dma_wait3A_238 = arith.constant 0 : i32
          %dma_wait3A_239 = arith.constant 0 : i32
          %dma_wait3A_240 = tpu.memref_slice %arg16[%dma_wait3A_238, %dma_wait3A_239] : memref<512x16xf32, #tpu.memory_space<vmem>> -> memref<128x16xf32, #tpu.memory_space<vmem>>
          %dma_wait3A_241 = arith.constant 0 : i32
          %dma_wait3A_242 = tpu.memref_slice %arg10[%run_scoped3A, %dma_wait3A_241] : memref<4x128xi32, #tpu.memory_space<vmem>> -> memref<1x128xi32, #tpu.memory_space<vmem>>
          %dma_wait3A_243 = tpu.memref_squeeze %dma_wait3A_242 : memref<1x128xi32, #tpu.memory_space<vmem>> -> memref<128xi32, #tpu.memory_space<vmem>>
          %dma_wait3A_244 = arith.constant 0 : i32
          %dma_wait3A_245 = arith.constant 0 : i32
          %dma_wait3A_246 = tpu.memref_slice %arg19[%dma_wait3A_244, %dma_wait3A_245] : memref<50176x16xf32, #tpu.memory_space<vmem_shared>> -> memref<50176x16xf32, #tpu.memory_space<vmem_shared>>
          tpu.wait_indirect_dma semaphore(%run_scoped3A_228 : memref<!tpu.dma_semaphore, #tpu.memory_space<semaphore_mem>>) src(%dma_wait3A_240 : memref<128x16xf32, #tpu.memory_space<vmem>>) dst(%dma_wait3A_246 : memref<50176x16xf32, #tpu.memory_space<vmem_shared>>)
          tpu.yield
        }) : () -> ()
        %run_scoped3A_225 = arith.constant 1 : i32
        "tpu.region"() ({
          %run_scoped3A_228 = tpu.sem_alloc : memref<!tpu.dma_semaphore, #tpu.memory_space<semaphore_mem>>
          %dma_start3A_229 = arith.constant 128 : i32
          %dma_start3A_230 = arith.constant 0 : i32
          %dma_start3A_231 = tpu.memref_slice %arg16[%dma_start3A_229, %dma_start3A_230] : memref<512x16xf32, #tpu.memory_space<vmem>> -> memref<128x16xf32, #tpu.memory_space<vmem>>
          %dma_start3A_232 = arith.constant 0 : i32
          %dma_start3A_233 = tpu.memref_slice %arg10[%run_scoped3A_225, %dma_start3A_232] : memref<4x128xi32, #tpu.memory_space<vmem>> -> memref<1x128xi32, #tpu.memory_space<vmem>>
          %dma_start3A_234 = tpu.memref_squeeze %dma_start3A_233 : memref<1x128xi32, #tpu.memory_space<vmem>> -> memref<128xi32, #tpu.memory_space<vmem>>
          %dma_start3A_235 = arith.constant 0 : i32
          %dma_start3A_236 = arith.constant 0 : i32
          %dma_start3A_237 = tpu.memref_slice %arg19[%dma_start3A_235, %dma_start3A_236] : memref<50176x16xf32, #tpu.memory_space<vmem_shared>> -> memref<50176x16xf32, #tpu.memory_space<vmem_shared>>
          tpu.enqueue_indirect_dma source(%dma_start3A_231 : memref<128x16xf32, #tpu.memory_space<vmem>>) target(%dma_start3A_237 : memref<50176x16xf32, #tpu.memory_space<vmem_shared>>) offsets(%dma_start3A_234 : memref<128xi32, #tpu.memory_space<vmem>>) semaphore(%run_scoped3A_228 : memref<!tpu.dma_semaphore, #tpu.memory_space<semaphore_mem>>) {add = true}
          %dma_wait3A_238 = arith.constant 128 : i32
          %dma_wait3A_239 = arith.constant 0 : i32
          %dma_wait3A_240 = tpu.memref_slice %arg16[%dma_wait3A_238, %dma_wait3A_239] : memref<512x16xf32, #tpu.memory_space<vmem>> -> memref<128x16xf32, #tpu.memory_space<vmem>>
          %dma_wait3A_241 = arith.constant 0 : i32
          %dma_wait3A_242 = tpu.memref_slice %arg10[%run_scoped3A_225, %dma_wait3A_241] : memref<4x128xi32, #tpu.memory_space<vmem>> -> memref<1x128xi32, #tpu.memory_space<vmem>>
          %dma_wait3A_243 = tpu.memref_squeeze %dma_wait3A_242 : memref<1x128xi32, #tpu.memory_space<vmem>> -> memref<128xi32, #tpu.memory_space<vmem>>
          %dma_wait3A_244 = arith.constant 0 : i32
          %dma_wait3A_245 = arith.constant 0 : i32
          %dma_wait3A_246 = tpu.memref_slice %arg19[%dma_wait3A_244, %dma_wait3A_245] : memref<50176x16xf32, #tpu.memory_space<vmem_shared>> -> memref<50176x16xf32, #tpu.memory_space<vmem_shared>>
          tpu.wait_indirect_dma semaphore(%run_scoped3A_228 : memref<!tpu.dma_semaphore, #tpu.memory_space<semaphore_mem>>) src(%dma_wait3A_240 : memref<128x16xf32, #tpu.memory_space<vmem>>) dst(%dma_wait3A_246 : memref<50176x16xf32, #tpu.memory_space<vmem_shared>>)
          tpu.yield
        }) : () -> ()
        %run_scoped3A_226 = arith.constant 2 : i32
        "tpu.region"() ({
          %run_scoped3A_228 = tpu.sem_alloc : memref<!tpu.dma_semaphore, #tpu.memory_space<semaphore_mem>>
          %dma_start3A_229 = arith.constant 256 : i32
          %dma_start3A_230 = arith.constant 0 : i32
          %dma_start3A_231 = tpu.memref_slice %arg16[%dma_start3A_229, %dma_start3A_230] : memref<512x16xf32, #tpu.memory_space<vmem>> -> memref<128x16xf32, #tpu.memory_space<vmem>>
          %dma_start3A_232 = arith.constant 0 : i32
          %dma_start3A_233 = tpu.memref_slice %arg10[%run_scoped3A_226, %dma_start3A_232] : memref<4x128xi32, #tpu.memory_space<vmem>> -> memref<1x128xi32, #tpu.memory_space<vmem>>
          %dma_start3A_234 = tpu.memref_squeeze %dma_start3A_233 : memref<1x128xi32, #tpu.memory_space<vmem>> -> memref<128xi32, #tpu.memory_space<vmem>>
          %dma_start3A_235 = arith.constant 0 : i32
          %dma_start3A_236 = arith.constant 0 : i32
          %dma_start3A_237 = tpu.memref_slice %arg19[%dma_start3A_235, %dma_start3A_236] : memref<50176x16xf32, #tpu.memory_space<vmem_shared>> -> memref<50176x16xf32, #tpu.memory_space<vmem_shared>>
          tpu.enqueue_indirect_dma source(%dma_start3A_231 : memref<128x16xf32, #tpu.memory_space<vmem>>) target(%dma_start3A_237 : memref<50176x16xf32, #tpu.memory_space<vmem_shared>>) offsets(%dma_start3A_234 : memref<128xi32, #tpu.memory_space<vmem>>) semaphore(%run_scoped3A_228 : memref<!tpu.dma_semaphore, #tpu.memory_space<semaphore_mem>>) {add = true}
          %dma_wait3A_238 = arith.constant 256 : i32
          %dma_wait3A_239 = arith.constant 0 : i32
          %dma_wait3A_240 = tpu.memref_slice %arg16[%dma_wait3A_238, %dma_wait3A_239] : memref<512x16xf32, #tpu.memory_space<vmem>> -> memref<128x16xf32, #tpu.memory_space<vmem>>
          %dma_wait3A_241 = arith.constant 0 : i32
          %dma_wait3A_242 = tpu.memref_slice %arg10[%run_scoped3A_226, %dma_wait3A_241] : memref<4x128xi32, #tpu.memory_space<vmem>> -> memref<1x128xi32, #tpu.memory_space<vmem>>
          %dma_wait3A_243 = tpu.memref_squeeze %dma_wait3A_242 : memref<1x128xi32, #tpu.memory_space<vmem>> -> memref<128xi32, #tpu.memory_space<vmem>>
          %dma_wait3A_244 = arith.constant 0 : i32
          %dma_wait3A_245 = arith.constant 0 : i32
          %dma_wait3A_246 = tpu.memref_slice %arg19[%dma_wait3A_244, %dma_wait3A_245] : memref<50176x16xf32, #tpu.memory_space<vmem_shared>> -> memref<50176x16xf32, #tpu.memory_space<vmem_shared>>
          tpu.wait_indirect_dma semaphore(%run_scoped3A_228 : memref<!tpu.dma_semaphore, #tpu.memory_space<semaphore_mem>>) src(%dma_wait3A_240 : memref<128x16xf32, #tpu.memory_space<vmem>>) dst(%dma_wait3A_246 : memref<50176x16xf32, #tpu.memory_space<vmem_shared>>)
          tpu.yield
        }) : () -> ()
        %run_scoped3A_227 = arith.constant 3 : i32
        "tpu.region"() ({
          %run_scoped3A_228 = tpu.sem_alloc : memref<!tpu.dma_semaphore, #tpu.memory_space<semaphore_mem>>
          %dma_start3A_229 = arith.constant 384 : i32
          %dma_start3A_230 = arith.constant 0 : i32
          %dma_start3A_231 = tpu.memref_slice %arg16[%dma_start3A_229, %dma_start3A_230] : memref<512x16xf32, #tpu.memory_space<vmem>> -> memref<128x16xf32, #tpu.memory_space<vmem>>
          %dma_start3A_232 = arith.constant 0 : i32
          %dma_start3A_233 = tpu.memref_slice %arg10[%run_scoped3A_227, %dma_start3A_232] : memref<4x128xi32, #tpu.memory_space<vmem>> -> memref<1x128xi32, #tpu.memory_space<vmem>>
          %dma_start3A_234 = tpu.memref_squeeze %dma_start3A_233 : memref<1x128xi32, #tpu.memory_space<vmem>> -> memref<128xi32, #tpu.memory_space<vmem>>
          %dma_start3A_235 = arith.constant 0 : i32
          %dma_start3A_236 = arith.constant 0 : i32
          %dma_start3A_237 = tpu.memref_slice %arg19[%dma_start3A_235, %dma_start3A_236] : memref<50176x16xf32, #tpu.memory_space<vmem_shared>> -> memref<50176x16xf32, #tpu.memory_space<vmem_shared>>
          tpu.enqueue_indirect_dma source(%dma_start3A_231 : memref<128x16xf32, #tpu.memory_space<vmem>>) target(%dma_start3A_237 : memref<50176x16xf32, #tpu.memory_space<vmem_shared>>) offsets(%dma_start3A_234 : memref<128xi32, #tpu.memory_space<vmem>>) semaphore(%run_scoped3A_228 : memref<!tpu.dma_semaphore, #tpu.memory_space<semaphore_mem>>) {add = true}
          %dma_wait3A_238 = arith.constant 384 : i32
          %dma_wait3A_239 = arith.constant 0 : i32
          %dma_wait3A_240 = tpu.memref_slice %arg16[%dma_wait3A_238, %dma_wait3A_239] : memref<512x16xf32, #tpu.memory_space<vmem>> -> memref<128x16xf32, #tpu.memory_space<vmem>>
          %dma_wait3A_241 = arith.constant 0 : i32
          %dma_wait3A_242 = tpu.memref_slice %arg10[%run_scoped3A_227, %dma_wait3A_241] : memref<4x128xi32, #tpu.memory_space<vmem>> -> memref<1x128xi32, #tpu.memory_space<vmem>>
          %dma_wait3A_243 = tpu.memref_squeeze %dma_wait3A_242 : memref<1x128xi32, #tpu.memory_space<vmem>> -> memref<128xi32, #tpu.memory_space<vmem>>
          %dma_wait3A_244 = arith.constant 0 : i32
          %dma_wait3A_245 = arith.constant 0 : i32
          %dma_wait3A_246 = tpu.memref_slice %arg19[%dma_wait3A_244, %dma_wait3A_245] : memref<50176x16xf32, #tpu.memory_space<vmem_shared>> -> memref<50176x16xf32, #tpu.memory_space<vmem_shared>>
          tpu.wait_indirect_dma semaphore(%run_scoped3A_228 : memref<!tpu.dma_semaphore, #tpu.memory_space<semaphore_mem>>) src(%dma_wait3A_240 : memref<128x16xf32, #tpu.memory_space<vmem>>) dst(%dma_wait3A_246 : memref<50176x16xf32, #tpu.memory_space<vmem_shared>>)
          tpu.yield
        }) : () -> ()
      } else {
      }
    }
    %scan3A_105 = arith.constant 100 : i32
    %barrier3A_106 = arith.constant 0 : index
    tpu.barrier barrier_id(%barrier3A_106)
    %scan3A_107 = arith.constant 0 : i32
    %scan3A_108 = arith.constant 7 : i32
    %scan3A_109 = arith.addi %scan3A_107, %scan3A_108 : i32
    %scan3A_110 = arith.constant 1 : i32
    scf.for %scan3A_112 = %scan3A_107 to %scan3A_109 step %scan3A_110  : i32 {
      %mul3A_113 = arith.constant 1 : i32
      %mul3A_114 = arith.muli %scan3A_112, %mul3A_113 : i32
      %add3A_115 = arith.constant 0 : i32
      %add3A_116 = arith.addi %add3A_115, %mul3A_114 : i32
      %mul3A_117 = arith.constant 16 : i32
      %mul3A_118 = arith.muli %add3A_116, %mul3A_117 : i32
      %add3A_119 = arith.addi %arg1, %mul3A_118 : i32
      %lt3A = arith.constant 98 : i32
      %lt3A_120 = arith.cmpi slt, %add3A_119, %lt3A : i32
      %convert_element_type3A = arith.extui %lt3A_120 : i1 to i32
      %cond3A = arith.constant 0 : i32
      %cond3A_121 = arith.cmpi ne, %convert_element_type3A, %cond3A : i32
      scf.if %cond3A_121 {
        %mul3A_122 = arith.constant 512 : i32
        %mul3A_123 = arith.muli %add3A_119, %mul3A_122 : i32
        %mul3A_124 = arith.constant 512 : i32
        %mul3A_125 = arith.muli %add3A_119, %mul3A_124 : i32
        "tpu.region"() ({
          %run_scoped3A = tpu.sem_alloc : memref<!tpu.dma_semaphore, #tpu.memory_space<semaphore_mem>>
          %dma_start3A_126 = arith.constant 0 : i32
          %dma_start3A_127 = tpu.memref_slice %arg6[%arg0, %mul3A_125, %dma_start3A_126] : memref<2x50176x16xf32, #tpu.memory_space<hbm>> -> memref<1x512x16xf32, #tpu.memory_space<hbm>>
          %dma_start3A_128 = tpu.memref_squeeze %dma_start3A_127 : memref<1x512x16xf32, #tpu.memory_space<hbm>> -> memref<512x16xf32, #tpu.memory_space<hbm>>
          %dma_start3A_129 = arith.constant 0 : i32
          %dma_start3A_130 = tpu.memref_slice %arg19[%mul3A_123, %dma_start3A_129] : memref<50176x16xf32, #tpu.memory_space<vmem_shared>> -> memref<512x16xf32, #tpu.memory_space<vmem_shared>>
          tpu.enqueue_dma source(%dma_start3A_130 : memref<512x16xf32, #tpu.memory_space<vmem_shared>>) target(%dma_start3A_128 : memref<512x16xf32, #tpu.memory_space<hbm>>) target_semaphore(%run_scoped3A : memref<!tpu.dma_semaphore, #tpu.memory_space<semaphore_mem>>)
          %dma_wait3A_131 = arith.constant 0 : i32
          %dma_wait3A_132 = tpu.memref_slice %arg6[%arg0, %mul3A_125, %dma_wait3A_131] : memref<2x50176x16xf32, #tpu.memory_space<hbm>> -> memref<1x512x16xf32, #tpu.memory_space<hbm>>
          %dma_wait3A_133 = tpu.memref_squeeze %dma_wait3A_132 : memref<1x512x16xf32, #tpu.memory_space<hbm>> -> memref<512x16xf32, #tpu.memory_space<hbm>>
          %dma_wait3A_134 = arith.constant 0 : i32
          %dma_wait3A_135 = tpu.memref_slice %arg19[%mul3A_123, %dma_wait3A_134] : memref<50176x16xf32, #tpu.memory_space<vmem_shared>> -> memref<512x16xf32, #tpu.memory_space<vmem_shared>>
          tpu.wait_dma2 semaphore(%run_scoped3A : memref<!tpu.dma_semaphore, #tpu.memory_space<semaphore_mem>>) src(%dma_wait3A_135 : memref<512x16xf32, #tpu.memory_space<vmem_shared>>) dst(%dma_wait3A_133 : memref<512x16xf32, #tpu.memory_space<hbm>>)
          tpu.yield
        }) : () -> ()
      } else {
      }
    }
    %scan3A_111 = arith.constant 7 : i32
    return
  }
}

#map = affine_map<(d0, d1) -> (0, 0)>
#map1 = affine_map<(d0, d1) -> (0, 0, 0)>
module attributes {stable_mosaic.version = 14 : i64} {
  func.func @_pass1_body(%arg0: i32, %arg1: i32, %arg2: memref<6400x128xi32, #tpu.memory_space<hbm>>, %arg3: memref<6400x128xi32, #tpu.memory_space<hbm>>, %arg4: memref<50000x16xf32, #tpu.memory_space<hbm>>, %arg5: memref<50176x16xf32, #tpu.memory_space<hbm>>, %arg6: memref<1x16xf32, #tpu.memory_space<hbm>>, %arg7: memref<819200x16xf32, #tpu.memory_space<hbm>>, %arg8: memref<2x50176x16xf32, #tpu.memory_space<hbm>>, %arg9: memref<4x128xi32, #tpu.memory_space<vmem>>, %arg10: memref<4x128xi32, #tpu.memory_space<vmem>>, %arg11: memref<4x128xi32, #tpu.memory_space<vmem>>, %arg12: memref<4x128xi32, #tpu.memory_space<vmem>>, %arg13: memref<512x16xf32, #tpu.memory_space<vmem>>, %arg14: memref<512x16xf32, #tpu.memory_space<vmem>>, %arg15: memref<512x16xf32, #tpu.memory_space<vmem>>, %arg16: memref<512x16xf32, #tpu.memory_space<vmem>>, %arg17: memref<512x16xf32, #tpu.memory_space<vmem>>, %arg18: memref<512x16xf32, #tpu.memory_space<vmem>>, %arg19: memref<4x128xi32, #tpu.memory_space<vmem>>, %arg20: memref<4x128xi32, #tpu.memory_space<vmem>>, %arg21: memref<1x16xf32, #tpu.memory_space<vmem>>, %arg22: memref<50176x16xf32, #tpu.memory_space<vmem_shared>>, %arg23: memref<!tpu.dma_semaphore, #tpu.memory_space<semaphore_mem>>, %arg24: memref<!tpu.dma_semaphore, #tpu.memory_space<semaphore_mem>>, %arg25: memref<!tpu.dma_semaphore, #tpu.memory_space<semaphore_mem>>, %arg26: memref<!tpu.dma_semaphore, #tpu.memory_space<semaphore_mem>>, %arg27: memref<!tpu.dma_semaphore, #tpu.memory_space<semaphore_mem>>, %arg28: memref<!tpu.dma_semaphore, #tpu.memory_space<semaphore_mem>>) attributes {dimension_semantics = [#tpu.dimension_semantics<core_parallel>, #tpu.dimension_semantics<subcore_parallel>], iteration_bounds = array<i64: 2, 16>, scalar_prefetch = 0 : i64, scratch_operands = 20 : i64, tpu.core_type = #tpu.core_type<sc_vector_subcore>, window_params = [{transform_indices = #map}, {transform_indices = #map}, {transform_indices = #map}, {transform_indices = #map}, {transform_indices = #map}, {transform_indices = #map}, {transform_indices = #map1}]} {
    %mul3A = arith.constant 16 : i32
    %mul3A_0 = arith.muli %arg0, %mul3A : i32
    %add3A = arith.addi %mul3A_0, %arg1 : i32
    "tpu.region"() ({
      %run_scoped3A = tpu.sem_alloc : memref<!tpu.dma_semaphore, #tpu.memory_space<semaphore_mem>>
      tpu.enqueue_dma source(%arg6 : memref<1x16xf32, #tpu.memory_space<hbm>>) target(%arg21 : memref<1x16xf32, #tpu.memory_space<vmem>>) target_semaphore(%run_scoped3A : memref<!tpu.dma_semaphore, #tpu.memory_space<semaphore_mem>>)
      tpu.wait_dma2 semaphore(%run_scoped3A : memref<!tpu.dma_semaphore, #tpu.memory_space<semaphore_mem>>) src(%arg6 : memref<1x16xf32, #tpu.memory_space<hbm>>) dst(%arg21 : memref<1x16xf32, #tpu.memory_space<vmem>>)
      tpu.yield
    }) : () -> ()
    %scan3A = arith.constant 0 : i32
    %scan3A_1 = arith.constant 512 : i32
    %scan3A_2 = arith.addi %scan3A, %scan3A_1 : i32
    %scan3A_3 = arith.constant 1 : i32
    scf.for %scan3A_123 = %scan3A to %scan3A_2 step %scan3A_3  : i32 {
      %mul3A_124 = arith.constant 1 : i32
      %mul3A_125 = arith.muli %scan3A_123, %mul3A_124 : i32
      %add3A_126 = arith.constant 0 : i32
      %add3A_127 = arith.addi %add3A_126, %mul3A_125 : i32
      %broadcast_in_dim3A = arith.constant 0.000000e+00 : f32
      %broadcast_in_dim3A_128 = vector.broadcast %broadcast_in_dim3A : f32 to vector<1x16xf32>
      %swap3A = arith.index_cast %add3A_127 : i32 to index
      %swap3A_129 = arith.constant 0 : index
      %swap3A_130 = tpu.vector_load %arg17[%swap3A, %swap3A_129] {strides = array<i32>} : memref<512x16xf32, #tpu.memory_space<vmem>>, vector<1x16xf32>,
      %swap3A_131 = vector.shape_cast %swap3A_130 : vector<1x16xf32> to vector<1x16xf32>
      %swap3A_132 = vector.shape_cast %broadcast_in_dim3A_128 : vector<1x16xf32> to vector<1x16xf32>
      tpu.vector_store %arg17[%swap3A, %swap3A_129], %swap3A_132 {strides = array<i32>} : memref<512x16xf32, #tpu.memory_space<vmem>>, vector<1x16xf32>,
    }
    %scan3A_4 = arith.constant 512 : i32
    %scan3A_5 = arith.constant 0 : i32
    %scan3A_6 = arith.constant 7 : i32
    %scan3A_7 = arith.addi %scan3A_5, %scan3A_6 : i32
    %scan3A_8 = arith.constant 1 : i32
    scf.for %scan3A_123 = %scan3A_5 to %scan3A_7 step %scan3A_8  : i32 {
      %mul3A_124 = arith.constant 1 : i32
      %mul3A_125 = arith.muli %scan3A_123, %mul3A_124 : i32
      %add3A_126 = arith.constant 0 : i32
      %add3A_127 = arith.addi %add3A_126, %mul3A_125 : i32
      %mul3A_128 = arith.constant 16 : i32
      %mul3A_129 = arith.muli %add3A_127, %mul3A_128 : i32
      %add3A_130 = arith.addi %arg1, %mul3A_129 : i32
      %lt3A = arith.constant 98 : i32
      %lt3A_131 = arith.cmpi slt, %add3A_130, %lt3A : i32
      %convert_element_type3A = arith.extui %lt3A_131 : i1 to i32
      %cond3A = arith.constant 0 : i32
      %cond3A_132 = arith.cmpi ne, %convert_element_type3A, %cond3A : i32
      scf.if %cond3A_132 {
        %mul3A_133 = arith.constant 512 : i32
        %mul3A_134 = arith.muli %add3A_130, %mul3A_133 : i32
        "tpu.region"() ({
          %run_scoped3A = tpu.sem_alloc : memref<!tpu.dma_semaphore, #tpu.memory_space<semaphore_mem>>
          %dma_start3A_135 = arith.constant 0 : i32
          %dma_start3A_136 = tpu.memref_slice %arg22[%mul3A_134, %dma_start3A_135] : memref<50176x16xf32, #tpu.memory_space<vmem_shared>> -> memref<512x16xf32, #tpu.memory_space<vmem_shared>>
          %dma_start3A_137 = arith.constant 0 : i32
          %dma_start3A_138 = tpu.memref_slice %arg22[%mul3A_134, %dma_start3A_137] : memref<50176x16xf32, #tpu.memory_space<vmem_shared>> -> memref<512x16xf32, #tpu.memory_space<vmem_shared>>
          tpu.enqueue_dma source(%arg17 : memref<512x16xf32, #tpu.memory_space<vmem>>) target(%dma_start3A_138 : memref<512x16xf32, #tpu.memory_space<vmem_shared>>) target_semaphore(%run_scoped3A : memref<!tpu.dma_semaphore, #tpu.memory_space<semaphore_mem>>)
          %dma_wait3A_139 = arith.constant 0 : i32
          %dma_wait3A_140 = tpu.memref_slice %arg22[%mul3A_134, %dma_wait3A_139] : memref<50176x16xf32, #tpu.memory_space<vmem_shared>> -> memref<512x16xf32, #tpu.memory_space<vmem_shared>>
          %dma_wait3A_141 = arith.constant 0 : i32
          %dma_wait3A_142 = tpu.memref_slice %arg22[%mul3A_134, %dma_wait3A_141] : memref<50176x16xf32, #tpu.memory_space<vmem_shared>> -> memref<512x16xf32, #tpu.memory_space<vmem_shared>>
          tpu.wait_dma2 semaphore(%run_scoped3A : memref<!tpu.dma_semaphore, #tpu.memory_space<semaphore_mem>>) src(%arg17 : memref<512x16xf32, #tpu.memory_space<vmem>>) dst(%dma_wait3A_142 : memref<512x16xf32, #tpu.memory_space<vmem_shared>>)
          tpu.yield
        }) : () -> ()
      } else {
      }
    }
    %scan3A_9 = arith.constant 7 : i32
    %barrier3A = arith.constant 0 : index
    tpu.barrier barrier_id(%barrier3A)
    %mul3A_10 = arith.constant 200 : i32
    %mul3A_11 = arith.muli %add3A, %mul3A_10 : i32
    %add3A_12 = arith.constant 0 : i32
    %add3A_13 = arith.addi %mul3A_11, %add3A_12 : i32
    %dma_start3A = arith.constant 0 : i32
    %dma_start3A_14 = tpu.memref_slice %arg2[%add3A_13, %dma_start3A] : memref<6400x128xi32, #tpu.memory_space<hbm>> -> memref<4x128xi32, #tpu.memory_space<hbm>>
    %dma_start3A_15 = arith.constant 0 : i32
    %dma_start3A_16 = tpu.memref_slice %arg2[%add3A_13, %dma_start3A_15] : memref<6400x128xi32, #tpu.memory_space<hbm>> -> memref<4x128xi32, #tpu.memory_space<hbm>>
    tpu.enqueue_dma source(%dma_start3A_16 : memref<4x128xi32, #tpu.memory_space<hbm>>) target(%arg9 : memref<4x128xi32, #tpu.memory_space<vmem>>) target_semaphore(%arg23 : memref<!tpu.dma_semaphore, #tpu.memory_space<semaphore_mem>>)
    %dma_start3A_17 = arith.constant 0 : i32
    %dma_start3A_18 = tpu.memref_slice %arg3[%add3A_13, %dma_start3A_17] : memref<6400x128xi32, #tpu.memory_space<hbm>> -> memref<4x128xi32, #tpu.memory_space<hbm>>
    %dma_start3A_19 = arith.constant 0 : i32
    %dma_start3A_20 = tpu.memref_slice %arg3[%add3A_13, %dma_start3A_19] : memref<6400x128xi32, #tpu.memory_space<hbm>> -> memref<4x128xi32, #tpu.memory_space<hbm>>
    tpu.enqueue_dma source(%dma_start3A_20 : memref<4x128xi32, #tpu.memory_space<hbm>>) target(%arg11 : memref<4x128xi32, #tpu.memory_space<vmem>>) target_semaphore(%arg23 : memref<!tpu.dma_semaphore, #tpu.memory_space<semaphore_mem>>)
    %dma_wait3A = arith.constant 0 : i32
    %dma_wait3A_21 = arith.constant 0 : i32
    %dma_wait3A_22 = tpu.memref_slice %arg2[%dma_wait3A, %dma_wait3A_21] : memref<6400x128xi32, #tpu.memory_space<hbm>> -> memref<4x128xi32, #tpu.memory_space<hbm>>
    %dma_wait3A_23 = arith.constant 0 : i32
    %dma_wait3A_24 = arith.constant 0 : i32
    %dma_wait3A_25 = tpu.memref_slice %arg2[%dma_wait3A_23, %dma_wait3A_24] : memref<6400x128xi32, #tpu.memory_space<hbm>> -> memref<4x128xi32, #tpu.memory_space<hbm>>
    tpu.wait_dma2 semaphore(%arg23 : memref<!tpu.dma_semaphore, #tpu.memory_space<semaphore_mem>>) src(%dma_wait3A_25 : memref<4x128xi32, #tpu.memory_space<hbm>>) dst(%arg9 : memref<4x128xi32, #tpu.memory_space<vmem>>)
    %dma_wait3A_26 = arith.constant 0 : i32
    %dma_wait3A_27 = arith.constant 0 : i32
    %dma_wait3A_28 = tpu.memref_slice %arg3[%dma_wait3A_26, %dma_wait3A_27] : memref<6400x128xi32, #tpu.memory_space<hbm>> -> memref<4x128xi32, #tpu.memory_space<hbm>>
    %dma_wait3A_29 = arith.constant 0 : i32
    %dma_wait3A_30 = arith.constant 0 : i32
    %dma_wait3A_31 = tpu.memref_slice %arg3[%dma_wait3A_29, %dma_wait3A_30] : memref<6400x128xi32, #tpu.memory_space<hbm>> -> memref<4x128xi32, #tpu.memory_space<hbm>>
    tpu.wait_dma2 semaphore(%arg23 : memref<!tpu.dma_semaphore, #tpu.memory_space<semaphore_mem>>) src(%dma_wait3A_31 : memref<4x128xi32, #tpu.memory_space<hbm>>) dst(%arg11 : memref<4x128xi32, #tpu.memory_space<vmem>>)
    %dma_start3A_32 = arith.constant 0 : i32
    %dma_start3A_33 = arith.constant 0 : i32
    %dma_start3A_34 = arith.constant 0 : i32
    %dma_start3A_35 = tpu.memref_slice %arg13[%dma_start3A_33, %dma_start3A_34] : memref<512x16xf32, #tpu.memory_space<vmem>> -> memref<128x16xf32, #tpu.memory_space<vmem>>
    %dma_start3A_36 = arith.constant 0 : i32
    %dma_start3A_37 = tpu.memref_slice %arg9[%dma_start3A_32, %dma_start3A_36] : memref<4x128xi32, #tpu.memory_space<vmem>> -> memref<1x128xi32, #tpu.memory_space<vmem>>
    %dma_start3A_38 = tpu.memref_squeeze %dma_start3A_37 : memref<1x128xi32, #tpu.memory_space<vmem>> -> memref<128xi32, #tpu.memory_space<vmem>>
    %dma_start3A_39 = arith.constant 0 : i32
    %dma_start3A_40 = arith.constant 0 : i32
    %dma_start3A_41 = tpu.memref_slice %arg4[%dma_start3A_39, %dma_start3A_40] : memref<50000x16xf32, #tpu.memory_space<hbm>> -> memref<50000x16xf32, #tpu.memory_space<hbm>>
    tpu.enqueue_indirect_dma source(%dma_start3A_41 : memref<50000x16xf32, #tpu.memory_space<hbm>>) target(%dma_start3A_35 : memref<128x16xf32, #tpu.memory_space<vmem>>) offsets(%dma_start3A_38 : memref<128xi32, #tpu.memory_space<vmem>>) semaphore(%arg25 : memref<!tpu.dma_semaphore, #tpu.memory_space<semaphore_mem>>)
    %dma_start3A_42 = arith.constant 0 : i32
    %dma_start3A_43 = arith.constant 0 : i32
    %dma_start3A_44 = arith.constant 0 : i32
    %dma_start3A_45 = tpu.memref_slice %arg15[%dma_start3A_43, %dma_start3A_44] : memref<512x16xf32, #tpu.memory_space<vmem>> -> memref<128x16xf32, #tpu.memory_space<vmem>>
    %dma_start3A_46 = arith.constant 0 : i32
    %dma_start3A_47 = tpu.memref_slice %arg11[%dma_start3A_42, %dma_start3A_46] : memref<4x128xi32, #tpu.memory_space<vmem>> -> memref<1x128xi32, #tpu.memory_space<vmem>>
    %dma_start3A_48 = tpu.memref_squeeze %dma_start3A_47 : memref<1x128xi32, #tpu.memory_space<vmem>> -> memref<128xi32, #tpu.memory_space<vmem>>
    %dma_start3A_49 = arith.constant 0 : i32
    %dma_start3A_50 = arith.constant 0 : i32
    %dma_start3A_51 = tpu.memref_slice %arg5[%dma_start3A_49, %dma_start3A_50] : memref<50176x16xf32, #tpu.memory_space<hbm>> -> memref<50176x16xf32, #tpu.memory_space<hbm>>
    tpu.enqueue_indirect_dma source(%dma_start3A_51 : memref<50176x16xf32, #tpu.memory_space<hbm>>) target(%dma_start3A_45 : memref<128x16xf32, #tpu.memory_space<vmem>>) offsets(%dma_start3A_48 : memref<128xi32, #tpu.memory_space<vmem>>) semaphore(%arg25 : memref<!tpu.dma_semaphore, #tpu.memory_space<semaphore_mem>>)
    %dma_start3A_52 = arith.constant 1 : i32
    %dma_start3A_53 = arith.constant 128 : i32
    %dma_start3A_54 = arith.constant 0 : i32
    %dma_start3A_55 = tpu.memref_slice %arg13[%dma_start3A_53, %dma_start3A_54] : memref<512x16xf32, #tpu.memory_space<vmem>> -> memref<128x16xf32, #tpu.memory_space<vmem>>
    %dma_start3A_56 = arith.constant 0 : i32
    %dma_start3A_57 = tpu.memref_slice %arg9[%dma_start3A_52, %dma_start3A_56] : memref<4x128xi32, #tpu.memory_space<vmem>> -> memref<1x128xi32, #tpu.memory_space<vmem>>
    %dma_start3A_58 = tpu.memref_squeeze %dma_start3A_57 : memref<1x128xi32, #tpu.memory_space<vmem>> -> memref<128xi32, #tpu.memory_space<vmem>>
    %dma_start3A_59 = arith.constant 0 : i32
    %dma_start3A_60 = arith.constant 0 : i32
    %dma_start3A_61 = tpu.memref_slice %arg4[%dma_start3A_59, %dma_start3A_60] : memref<50000x16xf32, #tpu.memory_space<hbm>> -> memref<50000x16xf32, #tpu.memory_space<hbm>>
    tpu.enqueue_indirect_dma source(%dma_start3A_61 : memref<50000x16xf32, #tpu.memory_space<hbm>>) target(%dma_start3A_55 : memref<128x16xf32, #tpu.memory_space<vmem>>) offsets(%dma_start3A_58 : memref<128xi32, #tpu.memory_space<vmem>>) semaphore(%arg25 : memref<!tpu.dma_semaphore, #tpu.memory_space<semaphore_mem>>)
    %dma_start3A_62 = arith.constant 1 : i32
    %dma_start3A_63 = arith.constant 128 : i32
    %dma_start3A_64 = arith.constant 0 : i32
    %dma_start3A_65 = tpu.memref_slice %arg15[%dma_start3A_63, %dma_start3A_64] : memref<512x16xf32, #tpu.memory_space<vmem>> -> memref<128x16xf32, #tpu.memory_space<vmem>>
    %dma_start3A_66 = arith.constant 0 : i32
    %dma_start3A_67 = tpu.memref_slice %arg11[%dma_start3A_62, %dma_start3A_66] : memref<4x128xi32, #tpu.memory_space<vmem>> -> memref<1x128xi32, #tpu.memory_space<vmem>>
    %dma_start3A_68 = tpu.memref_squeeze %dma_start3A_67 : memref<1x128xi32, #tpu.memory_space<vmem>> -> memref<128xi32, #tpu.memory_space<vmem>>
    %dma_start3A_69 = arith.constant 0 : i32
    %dma_start3A_70 = arith.constant 0 : i32
    %dma_start3A_71 = tpu.memref_slice %arg5[%dma_start3A_69, %dma_start3A_70] : memref<50176x16xf32, #tpu.memory_space<hbm>> -> memref<50176x16xf32, #tpu.memory_space<hbm>>
    tpu.enqueue_indirect_dma source(%dma_start3A_71 : memref<50176x16xf32, #tpu.memory_space<hbm>>) target(%dma_start3A_65 : memref<128x16xf32, #tpu.memory_space<vmem>>) offsets(%dma_start3A_68 : memref<128xi32, #tpu.memory_space<vmem>>) semaphore(%arg25 : memref<!tpu.dma_semaphore, #tpu.memory_space<semaphore_mem>>)
    %dma_start3A_72 = arith.constant 2 : i32
    %dma_start3A_73 = arith.constant 256 : i32
    %dma_start3A_74 = arith.constant 0 : i32
    %dma_start3A_75 = tpu.memref_slice %arg13[%dma_start3A_73, %dma_start3A_74] : memref<512x16xf32, #tpu.memory_space<vmem>> -> memref<128x16xf32, #tpu.memory_space<vmem>>
    %dma_start3A_76 = arith.constant 0 : i32
    %dma_start3A_77 = tpu.memref_slice %arg9[%dma_start3A_72, %dma_start3A_76] : memref<4x128xi32, #tpu.memory_space<vmem>> -> memref<1x128xi32, #tpu.memory_space<vmem>>
    %dma_start3A_78 = tpu.memref_squeeze %dma_start3A_77 : memref<1x128xi32, #tpu.memory_space<vmem>> -> memref<128xi32, #tpu.memory_space<vmem>>
    %dma_start3A_79 = arith.constant 0 : i32
    %dma_start3A_80 = arith.constant 0 : i32
    %dma_start3A_81 = tpu.memref_slice %arg4[%dma_start3A_79, %dma_start3A_80] : memref<50000x16xf32, #tpu.memory_space<hbm>> -> memref<50000x16xf32, #tpu.memory_space<hbm>>
    tpu.enqueue_indirect_dma source(%dma_start3A_81 : memref<50000x16xf32, #tpu.memory_space<hbm>>) target(%dma_start3A_75 : memref<128x16xf32, #tpu.memory_space<vmem>>) offsets(%dma_start3A_78 : memref<128xi32, #tpu.memory_space<vmem>>) semaphore(%arg25 : memref<!tpu.dma_semaphore, #tpu.memory_space<semaphore_mem>>)
    %dma_start3A_82 = arith.constant 2 : i32
    %dma_start3A_83 = arith.constant 256 : i32
    %dma_start3A_84 = arith.constant 0 : i32
    %dma_start3A_85 = tpu.memref_slice %arg15[%dma_start3A_83, %dma_start3A_84] : memref<512x16xf32, #tpu.memory_space<vmem>> -> memref<128x16xf32, #tpu.memory_space<vmem>>
    %dma_start3A_86 = arith.constant 0 : i32
    %dma_start3A_87 = tpu.memref_slice %arg11[%dma_start3A_82, %dma_start3A_86] : memref<4x128xi32, #tpu.memory_space<vmem>> -> memref<1x128xi32, #tpu.memory_space<vmem>>
    %dma_start3A_88 = tpu.memref_squeeze %dma_start3A_87 : memref<1x128xi32, #tpu.memory_space<vmem>> -> memref<128xi32, #tpu.memory_space<vmem>>
    %dma_start3A_89 = arith.constant 0 : i32
    %dma_start3A_90 = arith.constant 0 : i32
    %dma_start3A_91 = tpu.memref_slice %arg5[%dma_start3A_89, %dma_start3A_90] : memref<50176x16xf32, #tpu.memory_space<hbm>> -> memref<50176x16xf32, #tpu.memory_space<hbm>>
    tpu.enqueue_indirect_dma source(%dma_start3A_91 : memref<50176x16xf32, #tpu.memory_space<hbm>>) target(%dma_start3A_85 : memref<128x16xf32, #tpu.memory_space<vmem>>) offsets(%dma_start3A_88 : memref<128xi32, #tpu.memory_space<vmem>>) semaphore(%arg25 : memref<!tpu.dma_semaphore, #tpu.memory_space<semaphore_mem>>)
    %dma_start3A_92 = arith.constant 3 : i32
    %dma_start3A_93 = arith.constant 384 : i32
    %dma_start3A_94 = arith.constant 0 : i32
    %dma_start3A_95 = tpu.memref_slice %arg13[%dma_start3A_93, %dma_start3A_94] : memref<512x16xf32, #tpu.memory_space<vmem>> -> memref<128x16xf32, #tpu.memory_space<vmem>>
    %dma_start3A_96 = arith.constant 0 : i32
    %dma_start3A_97 = tpu.memref_slice %arg9[%dma_start3A_92, %dma_start3A_96] : memref<4x128xi32, #tpu.memory_space<vmem>> -> memref<1x128xi32, #tpu.memory_space<vmem>>
    %dma_start3A_98 = tpu.memref_squeeze %dma_start3A_97 : memref<1x128xi32, #tpu.memory_space<vmem>> -> memref<128xi32, #tpu.memory_space<vmem>>
    %dma_start3A_99 = arith.constant 0 : i32
    %dma_start3A_100 = arith.constant 0 : i32
    %dma_start3A_101 = tpu.memref_slice %arg4[%dma_start3A_99, %dma_start3A_100] : memref<50000x16xf32, #tpu.memory_space<hbm>> -> memref<50000x16xf32, #tpu.memory_space<hbm>>
    tpu.enqueue_indirect_dma source(%dma_start3A_101 : memref<50000x16xf32, #tpu.memory_space<hbm>>) target(%dma_start3A_95 : memref<128x16xf32, #tpu.memory_space<vmem>>) offsets(%dma_start3A_98 : memref<128xi32, #tpu.memory_space<vmem>>) semaphore(%arg25 : memref<!tpu.dma_semaphore, #tpu.memory_space<semaphore_mem>>)
    %dma_start3A_102 = arith.constant 3 : i32
    %dma_start3A_103 = arith.constant 384 : i32
    %dma_start3A_104 = arith.constant 0 : i32
    %dma_start3A_105 = tpu.memref_slice %arg15[%dma_start3A_103, %dma_start3A_104] : memref<512x16xf32, #tpu.memory_space<vmem>> -> memref<128x16xf32, #tpu.memory_space<vmem>>
    %dma_start3A_106 = arith.constant 0 : i32
    %dma_start3A_107 = tpu.memref_slice %arg11[%dma_start3A_102, %dma_start3A_106] : memref<4x128xi32, #tpu.memory_space<vmem>> -> memref<1x128xi32, #tpu.memory_space<vmem>>
    %dma_start3A_108 = tpu.memref_squeeze %dma_start3A_107 : memref<1x128xi32, #tpu.memory_space<vmem>> -> memref<128xi32, #tpu.memory_space<vmem>>
    %dma_start3A_109 = arith.constant 0 : i32
    %dma_start3A_110 = arith.constant 0 : i32
    %dma_start3A_111 = tpu.memref_slice %arg5[%dma_start3A_109, %dma_start3A_110] : memref<50176x16xf32, #tpu.memory_space<hbm>> -> memref<50176x16xf32, #tpu.memory_space<hbm>>
    tpu.enqueue_indirect_dma source(%dma_start3A_111 : memref<50176x16xf32, #tpu.memory_space<hbm>>) target(%dma_start3A_105 : memref<128x16xf32, #tpu.memory_space<vmem>>) offsets(%dma_start3A_108 : memref<128xi32, #tpu.memory_space<vmem>>) semaphore(%arg25 : memref<!tpu.dma_semaphore, #tpu.memory_space<semaphore_mem>>)
    %scan3A_112 = arith.constant 0 : i32
    %scan3A_113 = arith.constant 50 : i32
    %scan3A_114 = arith.addi %scan3A_112, %scan3A_113 : i32
    %scan3A_115 = arith.constant 1 : i32
    scf.for %scan3A_123 = %scan3A_112 to %scan3A_114 step %scan3A_115  : i32 {
      %mul3A_124 = arith.constant 1 : i32
      %mul3A_125 = arith.muli %scan3A_123, %mul3A_124 : i32
      %add3A_126 = arith.constant 0 : i32
      %add3A_127 = arith.addi %add3A_126, %mul3A_125 : i32
      %jit3A = arith.constant 2 : i32
      %eq3A = arith.constant 0 : i32
      %eq3A_128 = arith.cmpi eq, %jit3A, %eq3A : i32
      %jit3A_129 = arith.constant 1 : i32
      %select_n3A = arith.select %eq3A_128, %jit3A_129, %jit3A : i32
      %rem3A = arith.remsi %add3A_127, %select_n3A : i32
      %ne3A = arith.constant 0 : i32
      %ne3A_130 = arith.cmpi ne, %rem3A, %ne3A : i32
      %lt3A = arith.constant 0 : i32
      %lt3A_131 = arith.cmpi slt, %rem3A, %lt3A : i32
      %lt3A_132 = arith.constant 0 : i32
      %lt3A_133 = arith.cmpi slt, %select_n3A, %lt3A_132 : i32
      %ne3A_134 = arith.xori %lt3A_131, %lt3A_133 : i1
      %and3A = arith.andi %ne3A_134, %ne3A_130 : i1
      %add3A_135 = arith.addi %rem3A, %select_n3A : i32
      %select_n3A_136 = arith.select %and3A, %add3A_135, %rem3A : i32
      %eq3A_137 = arith.constant 0 : i32
      %eq3A_138 = arith.cmpi eq, %select_n3A_136, %eq3A_137 : i32
      %convert_element_type3A = arith.extui %eq3A_138 : i1 to i32
      %cond3A = arith.constant 0 : i32
      %cond3A_139 = arith.cmpi ne, %convert_element_type3A, %cond3A : i32
      scf.if %cond3A_139 {
        %add3A_161 = arith.constant 1 : i32
        %add3A_162 = arith.addi %add3A_127, %add3A_161 : i32
        %lt3A_163 = arith.constant 50 : i32
        %lt3A_164 = arith.cmpi slt, %add3A_162, %lt3A_163 : i32
        %convert_element_type3A_165 = arith.extui %lt3A_164 : i1 to i32
        %cond3A_166 = arith.constant 0 : i32
        %cond3A_167 = arith.cmpi ne, %convert_element_type3A_165, %cond3A_166 : i32
        scf.if %cond3A_167 {
          %add3A_281 = arith.constant 1 : i32
          %add3A_282 = arith.addi %add3A_127, %add3A_281 : i32
          %mul3A_283 = arith.constant 200 : i32
          %mul3A_284 = arith.muli %add3A, %mul3A_283 : i32
          %mul3A_285 = arith.constant 4 : i32
          %mul3A_286 = arith.muli %add3A_282, %mul3A_285 : i32
          %add3A_287 = arith.addi %mul3A_284, %mul3A_286 : i32
          %dma_start3A_288 = arith.constant 0 : i32
          %dma_start3A_289 = tpu.memref_slice %arg2[%add3A_287, %dma_start3A_288] : memref<6400x128xi32, #tpu.memory_space<hbm>> -> memref<4x128xi32, #tpu.memory_space<hbm>>
          %dma_start3A_290 = arith.constant 0 : i32
          %dma_start3A_291 = tpu.memref_slice %arg2[%add3A_287, %dma_start3A_290] : memref<6400x128xi32, #tpu.memory_space<hbm>> -> memref<4x128xi32, #tpu.memory_space<hbm>>
          tpu.enqueue_dma source(%dma_start3A_291 : memref<4x128xi32, #tpu.memory_space<hbm>>) target(%arg10 : memref<4x128xi32, #tpu.memory_space<vmem>>) target_semaphore(%arg24 : memref<!tpu.dma_semaphore, #tpu.memory_space<semaphore_mem>>)
          %dma_start3A_292 = arith.constant 0 : i32
          %dma_start3A_293 = tpu.memref_slice %arg3[%add3A_287, %dma_start3A_292] : memref<6400x128xi32, #tpu.memory_space<hbm>> -> memref<4x128xi32, #tpu.memory_space<hbm>>
          %dma_start3A_294 = arith.constant 0 : i32
          %dma_start3A_295 = tpu.memref_slice %arg3[%add3A_287, %dma_start3A_294] : memref<6400x128xi32, #tpu.memory_space<hbm>> -> memref<4x128xi32, #tpu.memory_space<hbm>>
          tpu.enqueue_dma source(%dma_start3A_295 : memref<4x128xi32, #tpu.memory_space<hbm>>) target(%arg12 : memref<4x128xi32, #tpu.memory_space<vmem>>) target_semaphore(%arg24 : memref<!tpu.dma_semaphore, #tpu.memory_space<semaphore_mem>>)
        } else {
        }
        %dma_wait3A_168 = arith.constant 0 : i32
        %dma_wait3A_169 = arith.constant 0 : i32
        %dma_wait3A_170 = arith.constant 0 : i32
        %dma_wait3A_171 = tpu.memref_slice %arg13[%dma_wait3A_169, %dma_wait3A_170] : memref<512x16xf32, #tpu.memory_space<vmem>> -> memref<128x16xf32, #tpu.memory_space<vmem>>
        %dma_wait3A_172 = arith.constant 0 : i32
        %dma_wait3A_173 = tpu.memref_slice %arg9[%dma_wait3A_168, %dma_wait3A_172] : memref<4x128xi32, #tpu.memory_space<vmem>> -> memref<1x128xi32, #tpu.memory_space<vmem>>
        %dma_wait3A_174 = tpu.memref_squeeze %dma_wait3A_173 : memref<1x128xi32, #tpu.memory_space<vmem>> -> memref<128xi32, #tpu.memory_space<vmem>>
        %dma_wait3A_175 = arith.constant 0 : i32
        %dma_wait3A_176 = arith.constant 0 : i32
        %dma_wait3A_177 = tpu.memref_slice %arg4[%dma_wait3A_175, %dma_wait3A_176] : memref<50000x16xf32, #tpu.memory_space<hbm>> -> memref<50000x16xf32, #tpu.memory_space<hbm>>
        tpu.wait_indirect_dma semaphore(%arg25 : memref<!tpu.dma_semaphore, #tpu.memory_space<semaphore_mem>>) src(%dma_wait3A_177 : memref<50000x16xf32, #tpu.memory_space<hbm>>) dst(%dma_wait3A_171 : memref<128x16xf32, #tpu.memory_space<vmem>>)
        %dma_wait3A_178 = arith.constant 0 : i32
        %dma_wait3A_179 = arith.constant 0 : i32
        %dma_wait3A_180 = arith.constant 0 : i32
        %dma_wait3A_181 = tpu.memref_slice %arg15[%dma_wait3A_179, %dma_wait3A_180] : memref<512x16xf32, #tpu.memory_space<vmem>> -> memref<128x16xf32, #tpu.memory_space<vmem>>
        %dma_wait3A_182 = arith.constant 0 : i32
        %dma_wait3A_183 = tpu.memref_slice %arg11[%dma_wait3A_178, %dma_wait3A_182] : memref<4x128xi32, #tpu.memory_space<vmem>> -> memref<1x128xi32, #tpu.memory_space<vmem>>
        %dma_wait3A_184 = tpu.memref_squeeze %dma_wait3A_183 : memref<1x128xi32, #tpu.memory_space<vmem>> -> memref<128xi32, #tpu.memory_space<vmem>>
        %dma_wait3A_185 = arith.constant 0 : i32
        %dma_wait3A_186 = arith.constant 0 : i32
        %dma_wait3A_187 = tpu.memref_slice %arg5[%dma_wait3A_185, %dma_wait3A_186] : memref<50176x16xf32, #tpu.memory_space<hbm>> -> memref<50176x16xf32, #tpu.memory_space<hbm>>
        tpu.wait_indirect_dma semaphore(%arg25 : memref<!tpu.dma_semaphore, #tpu.memory_space<semaphore_mem>>) src(%dma_wait3A_187 : memref<50176x16xf32, #tpu.memory_space<hbm>>) dst(%dma_wait3A_181 : memref<128x16xf32, #tpu.memory_space<vmem>>)
        %dma_wait3A_188 = arith.constant 1 : i32
        %dma_wait3A_189 = arith.constant 128 : i32
        %dma_wait3A_190 = arith.constant 0 : i32
        %dma_wait3A_191 = tpu.memref_slice %arg13[%dma_wait3A_189, %dma_wait3A_190] : memref<512x16xf32, #tpu.memory_space<vmem>> -> memref<128x16xf32, #tpu.memory_space<vmem>>
        %dma_wait3A_192 = arith.constant 0 : i32
        %dma_wait3A_193 = tpu.memref_slice %arg9[%dma_wait3A_188, %dma_wait3A_192] : memref<4x128xi32, #tpu.memory_space<vmem>> -> memref<1x128xi32, #tpu.memory_space<vmem>>
        %dma_wait3A_194 = tpu.memref_squeeze %dma_wait3A_193 : memref<1x128xi32, #tpu.memory_space<vmem>> -> memref<128xi32, #tpu.memory_space<vmem>>
        %dma_wait3A_195 = arith.constant 0 : i32
        %dma_wait3A_196 = arith.constant 0 : i32
        %dma_wait3A_197 = tpu.memref_slice %arg4[%dma_wait3A_195, %dma_wait3A_196] : memref<50000x16xf32, #tpu.memory_space<hbm>> -> memref<50000x16xf32, #tpu.memory_space<hbm>>
        tpu.wait_indirect_dma semaphore(%arg25 : memref<!tpu.dma_semaphore, #tpu.memory_space<semaphore_mem>>) src(%dma_wait3A_197 : memref<50000x16xf32, #tpu.memory_space<hbm>>) dst(%dma_wait3A_191 : memref<128x16xf32, #tpu.memory_space<vmem>>)
        %dma_wait3A_198 = arith.constant 1 : i32
        %dma_wait3A_199 = arith.constant 128 : i32
        %dma_wait3A_200 = arith.constant 0 : i32
        %dma_wait3A_201 = tpu.memref_slice %arg15[%dma_wait3A_199, %dma_wait3A_200] : memref<512x16xf32, #tpu.memory_space<vmem>> -> memref<128x16xf32, #tpu.memory_space<vmem>>
        %dma_wait3A_202 = arith.constant 0 : i32
        %dma_wait3A_203 = tpu.memref_slice %arg11[%dma_wait3A_198, %dma_wait3A_202] : memref<4x128xi32, #tpu.memory_space<vmem>> -> memref<1x128xi32, #tpu.memory_space<vmem>>
        %dma_wait3A_204 = tpu.memref_squeeze %dma_wait3A_203 : memref<1x128xi32, #tpu.memory_space<vmem>> -> memref<128xi32, #tpu.memory_space<vmem>>
        %dma_wait3A_205 = arith.constant 0 : i32
        %dma_wait3A_206 = arith.constant 0 : i32
        %dma_wait3A_207 = tpu.memref_slice %arg5[%dma_wait3A_205, %dma_wait3A_206] : memref<50176x16xf32, #tpu.memory_space<hbm>> -> memref<50176x16xf32, #tpu.memory_space<hbm>>
        tpu.wait_indirect_dma semaphore(%arg25 : memref<!tpu.dma_semaphore, #tpu.memory_space<semaphore_mem>>) src(%dma_wait3A_207 : memref<50176x16xf32, #tpu.memory_space<hbm>>) dst(%dma_wait3A_201 : memref<128x16xf32, #tpu.memory_space<vmem>>)
        %dma_wait3A_208 = arith.constant 2 : i32
        %dma_wait3A_209 = arith.constant 256 : i32
        %dma_wait3A_210 = arith.constant 0 : i32
        %dma_wait3A_211 = tpu.memref_slice %arg13[%dma_wait3A_209, %dma_wait3A_210] : memref<512x16xf32, #tpu.memory_space<vmem>> -> memref<128x16xf32, #tpu.memory_space<vmem>>
        %dma_wait3A_212 = arith.constant 0 : i32
        %dma_wait3A_213 = tpu.memref_slice %arg9[%dma_wait3A_208, %dma_wait3A_212] : memref<4x128xi32, #tpu.memory_space<vmem>> -> memref<1x128xi32, #tpu.memory_space<vmem>>
        %dma_wait3A_214 = tpu.memref_squeeze %dma_wait3A_213 : memref<1x128xi32, #tpu.memory_space<vmem>> -> memref<128xi32, #tpu.memory_space<vmem>>
        %dma_wait3A_215 = arith.constant 0 : i32
        %dma_wait3A_216 = arith.constant 0 : i32
        %dma_wait3A_217 = tpu.memref_slice %arg4[%dma_wait3A_215, %dma_wait3A_216] : memref<50000x16xf32, #tpu.memory_space<hbm>> -> memref<50000x16xf32, #tpu.memory_space<hbm>>
        tpu.wait_indirect_dma semaphore(%arg25 : memref<!tpu.dma_semaphore, #tpu.memory_space<semaphore_mem>>) src(%dma_wait3A_217 : memref<50000x16xf32, #tpu.memory_space<hbm>>) dst(%dma_wait3A_211 : memref<128x16xf32, #tpu.memory_space<vmem>>)
        %dma_wait3A_218 = arith.constant 2 : i32
        %dma_wait3A_219 = arith.constant 256 : i32
        %dma_wait3A_220 = arith.constant 0 : i32
        %dma_wait3A_221 = tpu.memref_slice %arg15[%dma_wait3A_219, %dma_wait3A_220] : memref<512x16xf32, #tpu.memory_space<vmem>> -> memref<128x16xf32, #tpu.memory_space<vmem>>
        %dma_wait3A_222 = arith.constant 0 : i32
        %dma_wait3A_223 = tpu.memref_slice %arg11[%dma_wait3A_218, %dma_wait3A_222] : memref<4x128xi32, #tpu.memory_space<vmem>> -> memref<1x128xi32, #tpu.memory_space<vmem>>
        %dma_wait3A_224 = tpu.memref_squeeze %dma_wait3A_223 : memref<1x128xi32, #tpu.memory_space<vmem>> -> memref<128xi32, #tpu.memory_space<vmem>>
        %dma_wait3A_225 = arith.constant 0 : i32
        %dma_wait3A_226 = arith.constant 0 : i32
        %dma_wait3A_227 = tpu.memref_slice %arg5[%dma_wait3A_225, %dma_wait3A_226] : memref<50176x16xf32, #tpu.memory_space<hbm>> -> memref<50176x16xf32, #tpu.memory_space<hbm>>
        tpu.wait_indirect_dma semaphore(%arg25 : memref<!tpu.dma_semaphore, #tpu.memory_space<semaphore_mem>>) src(%dma_wait3A_227 : memref<50176x16xf32, #tpu.memory_space<hbm>>) dst(%dma_wait3A_221 : memref<128x16xf32, #tpu.memory_space<vmem>>)
        %dma_wait3A_228 = arith.constant 3 : i32
        %dma_wait3A_229 = arith.constant 384 : i32
        %dma_wait3A_230 = arith.constant 0 : i32
        %dma_wait3A_231 = tpu.memref_slice %arg13[%dma_wait3A_229, %dma_wait3A_230] : memref<512x16xf32, #tpu.memory_space<vmem>> -> memref<128x16xf32, #tpu.memory_space<vmem>>
        %dma_wait3A_232 = arith.constant 0 : i32
        %dma_wait3A_233 = tpu.memref_slice %arg9[%dma_wait3A_228, %dma_wait3A_232] : memref<4x128xi32, #tpu.memory_space<vmem>> -> memref<1x128xi32, #tpu.memory_space<vmem>>
        %dma_wait3A_234 = tpu.memref_squeeze %dma_wait3A_233 : memref<1x128xi32, #tpu.memory_space<vmem>> -> memref<128xi32, #tpu.memory_space<vmem>>
        %dma_wait3A_235 = arith.constant 0 : i32
        %dma_wait3A_236 = arith.constant 0 : i32
        %dma_wait3A_237 = tpu.memref_slice %arg4[%dma_wait3A_235, %dma_wait3A_236] : memref<50000x16xf32, #tpu.memory_space<hbm>> -> memref<50000x16xf32, #tpu.memory_space<hbm>>
        tpu.wait_indirect_dma semaphore(%arg25 : memref<!tpu.dma_semaphore, #tpu.memory_space<semaphore_mem>>) src(%dma_wait3A_237 : memref<50000x16xf32, #tpu.memory_space<hbm>>) dst(%dma_wait3A_231 : memref<128x16xf32, #tpu.memory_space<vmem>>)
        %dma_wait3A_238 = arith.constant 3 : i32
        %dma_wait3A_239 = arith.constant 384 : i32
        %dma_wait3A_240 = arith.constant 0 : i32
        %dma_wait3A_241 = tpu.memref_slice %arg15[%dma_wait3A_239, %dma_wait3A_240] : memref<512x16xf32, #tpu.memory_space<vmem>> -> memref<128x16xf32, #tpu.memory_space<vmem>>
        %dma_wait3A_242 = arith.constant 0 : i32
        %dma_wait3A_243 = tpu.memref_slice %arg11[%dma_wait3A_238, %dma_wait3A_242] : memref<4x128xi32, #tpu.memory_space<vmem>> -> memref<1x128xi32, #tpu.memory_space<vmem>>
        %dma_wait3A_244 = tpu.memref_squeeze %dma_wait3A_243 : memref<1x128xi32, #tpu.memory_space<vmem>> -> memref<128xi32, #tpu.memory_space<vmem>>
        %dma_wait3A_245 = arith.constant 0 : i32
        %dma_wait3A_246 = arith.constant 0 : i32
        %dma_wait3A_247 = tpu.memref_slice %arg5[%dma_wait3A_245, %dma_wait3A_246] : memref<50176x16xf32, #tpu.memory_space<hbm>> -> memref<50176x16xf32, #tpu.memory_space<hbm>>
        tpu.wait_indirect_dma semaphore(%arg25 : memref<!tpu.dma_semaphore, #tpu.memory_space<semaphore_mem>>) src(%dma_wait3A_247 : memref<50176x16xf32, #tpu.memory_space<hbm>>) dst(%dma_wait3A_241 : memref<128x16xf32, #tpu.memory_space<vmem>>)
        %add3A_248 = arith.constant 1 : i32
        %add3A_249 = arith.addi %add3A_127, %add3A_248 : i32
        %lt3A_250 = arith.constant 50 : i32
        %lt3A_251 = arith.cmpi slt, %add3A_249, %lt3A_250 : i32
        %convert_element_type3A_252 = arith.extui %lt3A_251 : i1 to i32
        %cond3A_253 = arith.constant 0 : i32
        %cond3A_254 = arith.cmpi ne, %convert_element_type3A_252, %cond3A_253 : i32
        scf.if %cond3A_254 {
          %dma_wait3A_281 = arith.constant 0 : i32
          %dma_wait3A_282 = arith.constant 0 : i32
          %dma_wait3A_283 = tpu.memref_slice %arg2[%dma_wait3A_281, %dma_wait3A_282] : memref<6400x128xi32, #tpu.memory_space<hbm>> -> memref<4x128xi32, #tpu.memory_space<hbm>>
          %dma_wait3A_284 = arith.constant 0 : i32
          %dma_wait3A_285 = arith.constant 0 : i32
          %dma_wait3A_286 = tpu.memref_slice %arg2[%dma_wait3A_284, %dma_wait3A_285] : memref<6400x128xi32, #tpu.memory_space<hbm>> -> memref<4x128xi32, #tpu.memory_space<hbm>>
          tpu.wait_dma2 semaphore(%arg24 : memref<!tpu.dma_semaphore, #tpu.memory_space<semaphore_mem>>) src(%dma_wait3A_286 : memref<4x128xi32, #tpu.memory_space<hbm>>) dst(%arg10 : memref<4x128xi32, #tpu.memory_space<vmem>>)
          %dma_wait3A_287 = arith.constant 0 : i32
          %dma_wait3A_288 = arith.constant 0 : i32
          %dma_wait3A_289 = tpu.memref_slice %arg3[%dma_wait3A_287, %dma_wait3A_288] : memref<6400x128xi32, #tpu.memory_space<hbm>> -> memref<4x128xi32, #tpu.memory_space<hbm>>
          %dma_wait3A_290 = arith.constant 0 : i32
          %dma_wait3A_291 = arith.constant 0 : i32
          %dma_wait3A_292 = tpu.memref_slice %arg3[%dma_wait3A_290, %dma_wait3A_291] : memref<6400x128xi32, #tpu.memory_space<hbm>> -> memref<4x128xi32, #tpu.memory_space<hbm>>
          tpu.wait_dma2 semaphore(%arg24 : memref<!tpu.dma_semaphore, #tpu.memory_space<semaphore_mem>>) src(%dma_wait3A_292 : memref<4x128xi32, #tpu.memory_space<hbm>>) dst(%arg12 : memref<4x128xi32, #tpu.memory_space<vmem>>)
          %dma_start3A_293 = arith.constant 0 : i32
          %dma_start3A_294 = arith.constant 0 : i32
          %dma_start3A_295 = arith.constant 0 : i32
          %dma_start3A_296 = tpu.memref_slice %arg14[%dma_start3A_294, %dma_start3A_295] : memref<512x16xf32, #tpu.memory_space<vmem>> -> memref<128x16xf32, #tpu.memory_space<vmem>>
          %dma_start3A_297 = arith.constant 0 : i32
          %dma_start3A_298 = tpu.memref_slice %arg10[%dma_start3A_293, %dma_start3A_297] : memref<4x128xi32, #tpu.memory_space<vmem>> -> memref<1x128xi32, #tpu.memory_space<vmem>>
          %dma_start3A_299 = tpu.memref_squeeze %dma_start3A_298 : memref<1x128xi32, #tpu.memory_space<vmem>> -> memref<128xi32, #tpu.memory_space<vmem>>
          %dma_start3A_300 = arith.constant 0 : i32
          %dma_start3A_301 = arith.constant 0 : i32
          %dma_start3A_302 = tpu.memref_slice %arg4[%dma_start3A_300, %dma_start3A_301] : memref<50000x16xf32, #tpu.memory_space<hbm>> -> memref<50000x16xf32, #tpu.memory_space<hbm>>
          tpu.enqueue_indirect_dma source(%dma_start3A_302 : memref<50000x16xf32, #tpu.memory_space<hbm>>) target(%dma_start3A_296 : memref<128x16xf32, #tpu.memory_space<vmem>>) offsets(%dma_start3A_299 : memref<128xi32, #tpu.memory_space<vmem>>) semaphore(%arg26 : memref<!tpu.dma_semaphore, #tpu.memory_space<semaphore_mem>>)
          %dma_start3A_303 = arith.constant 0 : i32
          %dma_start3A_304 = arith.constant 0 : i32
          %dma_start3A_305 = arith.constant 0 : i32
          %dma_start3A_306 = tpu.memref_slice %arg16[%dma_start3A_304, %dma_start3A_305] : memref<512x16xf32, #tpu.memory_space<vmem>> -> memref<128x16xf32, #tpu.memory_space<vmem>>
          %dma_start3A_307 = arith.constant 0 : i32
          %dma_start3A_308 = tpu.memref_slice %arg12[%dma_start3A_303, %dma_start3A_307] : memref<4x128xi32, #tpu.memory_space<vmem>> -> memref<1x128xi32, #tpu.memory_space<vmem>>
          %dma_start3A_309 = tpu.memref_squeeze %dma_start3A_308 : memref<1x128xi32, #tpu.memory_space<vmem>> -> memref<128xi32, #tpu.memory_space<vmem>>
          %dma_start3A_310 = arith.constant 0 : i32
          %dma_start3A_311 = arith.constant 0 : i32
          %dma_start3A_312 = tpu.memref_slice %arg5[%dma_start3A_310, %dma_start3A_311] : memref<50176x16xf32, #tpu.memory_space<hbm>> -> memref<50176x16xf32, #tpu.memory_space<hbm>>
          tpu.enqueue_indirect_dma source(%dma_start3A_312 : memref<50176x16xf32, #tpu.memory_space<hbm>>) target(%dma_start3A_306 : memref<128x16xf32, #tpu.memory_space<vmem>>) offsets(%dma_start3A_309 : memref<128xi32, #tpu.memory_space<vmem>>) semaphore(%arg26 : memref<!tpu.dma_semaphore, #tpu.memory_space<semaphore_mem>>)
          %dma_start3A_313 = arith.constant 1 : i32
          %dma_start3A_314 = arith.constant 128 : i32
          %dma_start3A_315 = arith.constant 0 : i32
          %dma_start3A_316 = tpu.memref_slice %arg14[%dma_start3A_314, %dma_start3A_315] : memref<512x16xf32, #tpu.memory_space<vmem>> -> memref<128x16xf32, #tpu.memory_space<vmem>>
          %dma_start3A_317 = arith.constant 0 : i32
          %dma_start3A_318 = tpu.memref_slice %arg10[%dma_start3A_313, %dma_start3A_317] : memref<4x128xi32, #tpu.memory_space<vmem>> -> memref<1x128xi32, #tpu.memory_space<vmem>>
          %dma_start3A_319 = tpu.memref_squeeze %dma_start3A_318 : memref<1x128xi32, #tpu.memory_space<vmem>> -> memref<128xi32, #tpu.memory_space<vmem>>
          %dma_start3A_320 = arith.constant 0 : i32
          %dma_start3A_321 = arith.constant 0 : i32
          %dma_start3A_322 = tpu.memref_slice %arg4[%dma_start3A_320, %dma_start3A_321] : memref<50000x16xf32, #tpu.memory_space<hbm>> -> memref<50000x16xf32, #tpu.memory_space<hbm>>
          tpu.enqueue_indirect_dma source(%dma_start3A_322 : memref<50000x16xf32, #tpu.memory_space<hbm>>) target(%dma_start3A_316 : memref<128x16xf32, #tpu.memory_space<vmem>>) offsets(%dma_start3A_319 : memref<128xi32, #tpu.memory_space<vmem>>) semaphore(%arg26 : memref<!tpu.dma_semaphore, #tpu.memory_space<semaphore_mem>>)
          %dma_start3A_323 = arith.constant 1 : i32
          %dma_start3A_324 = arith.constant 128 : i32
          %dma_start3A_325 = arith.constant 0 : i32
          %dma_start3A_326 = tpu.memref_slice %arg16[%dma_start3A_324, %dma_start3A_325] : memref<512x16xf32, #tpu.memory_space<vmem>> -> memref<128x16xf32, #tpu.memory_space<vmem>>
          %dma_start3A_327 = arith.constant 0 : i32
          %dma_start3A_328 = tpu.memref_slice %arg12[%dma_start3A_323, %dma_start3A_327] : memref<4x128xi32, #tpu.memory_space<vmem>> -> memref<1x128xi32, #tpu.memory_space<vmem>>
          %dma_start3A_329 = tpu.memref_squeeze %dma_start3A_328 : memref<1x128xi32, #tpu.memory_space<vmem>> -> memref<128xi32, #tpu.memory_space<vmem>>
          %dma_start3A_330 = arith.constant 0 : i32
          %dma_start3A_331 = arith.constant 0 : i32
          %dma_start3A_332 = tpu.memref_slice %arg5[%dma_start3A_330, %dma_start3A_331] : memref<50176x16xf32, #tpu.memory_space<hbm>> -> memref<50176x16xf32, #tpu.memory_space<hbm>>
          tpu.enqueue_indirect_dma source(%dma_start3A_332 : memref<50176x16xf32, #tpu.memory_space<hbm>>) target(%dma_start3A_326 : memref<128x16xf32, #tpu.memory_space<vmem>>) offsets(%dma_start3A_329 : memref<128xi32, #tpu.memory_space<vmem>>) semaphore(%arg26 : memref<!tpu.dma_semaphore, #tpu.memory_space<semaphore_mem>>)
          %dma_start3A_333 = arith.constant 2 : i32
          %dma_start3A_334 = arith.constant 256 : i32
          %dma_start3A_335 = arith.constant 0 : i32
          %dma_start3A_336 = tpu.memref_slice %arg14[%dma_start3A_334, %dma_start3A_335] : memref<512x16xf32, #tpu.memory_space<vmem>> -> memref<128x16xf32, #tpu.memory_space<vmem>>
          %dma_start3A_337 = arith.constant 0 : i32
          %dma_start3A_338 = tpu.memref_slice %arg10[%dma_start3A_333, %dma_start3A_337] : memref<4x128xi32, #tpu.memory_space<vmem>> -> memref<1x128xi32, #tpu.memory_space<vmem>>
          %dma_start3A_339 = tpu.memref_squeeze %dma_start3A_338 : memref<1x128xi32, #tpu.memory_space<vmem>> -> memref<128xi32, #tpu.memory_space<vmem>>
          %dma_start3A_340 = arith.constant 0 : i32
          %dma_start3A_341 = arith.constant 0 : i32
          %dma_start3A_342 = tpu.memref_slice %arg4[%dma_start3A_340, %dma_start3A_341] : memref<50000x16xf32, #tpu.memory_space<hbm>> -> memref<50000x16xf32, #tpu.memory_space<hbm>>
          tpu.enqueue_indirect_dma source(%dma_start3A_342 : memref<50000x16xf32, #tpu.memory_space<hbm>>) target(%dma_start3A_336 : memref<128x16xf32, #tpu.memory_space<vmem>>) offsets(%dma_start3A_339 : memref<128xi32, #tpu.memory_space<vmem>>) semaphore(%arg26 : memref<!tpu.dma_semaphore, #tpu.memory_space<semaphore_mem>>)
          %dma_start3A_343 = arith.constant 2 : i32
          %dma_start3A_344 = arith.constant 256 : i32
          %dma_start3A_345 = arith.constant 0 : i32
          %dma_start3A_346 = tpu.memref_slice %arg16[%dma_start3A_344, %dma_start3A_345] : memref<512x16xf32, #tpu.memory_space<vmem>> -> memref<128x16xf32, #tpu.memory_space<vmem>>
          %dma_start3A_347 = arith.constant 0 : i32
          %dma_start3A_348 = tpu.memref_slice %arg12[%dma_start3A_343, %dma_start3A_347] : memref<4x128xi32, #tpu.memory_space<vmem>> -> memref<1x128xi32, #tpu.memory_space<vmem>>
          %dma_start3A_349 = tpu.memref_squeeze %dma_start3A_348 : memref<1x128xi32, #tpu.memory_space<vmem>> -> memref<128xi32, #tpu.memory_space<vmem>>
          %dma_start3A_350 = arith.constant 0 : i32
          %dma_start3A_351 = arith.constant 0 : i32
          %dma_start3A_352 = tpu.memref_slice %arg5[%dma_start3A_350, %dma_start3A_351] : memref<50176x16xf32, #tpu.memory_space<hbm>> -> memref<50176x16xf32, #tpu.memory_space<hbm>>
          tpu.enqueue_indirect_dma source(%dma_start3A_352 : memref<50176x16xf32, #tpu.memory_space<hbm>>) target(%dma_start3A_346 : memref<128x16xf32, #tpu.memory_space<vmem>>) offsets(%dma_start3A_349 : memref<128xi32, #tpu.memory_space<vmem>>) semaphore(%arg26 : memref<!tpu.dma_semaphore, #tpu.memory_space<semaphore_mem>>)
          %dma_start3A_353 = arith.constant 3 : i32
          %dma_start3A_354 = arith.constant 384 : i32
          %dma_start3A_355 = arith.constant 0 : i32
          %dma_start3A_356 = tpu.memref_slice %arg14[%dma_start3A_354, %dma_start3A_355] : memref<512x16xf32, #tpu.memory_space<vmem>> -> memref<128x16xf32, #tpu.memory_space<vmem>>
          %dma_start3A_357 = arith.constant 0 : i32
          %dma_start3A_358 = tpu.memref_slice %arg10[%dma_start3A_353, %dma_start3A_357] : memref<4x128xi32, #tpu.memory_space<vmem>> -> memref<1x128xi32, #tpu.memory_space<vmem>>
          %dma_start3A_359 = tpu.memref_squeeze %dma_start3A_358 : memref<1x128xi32, #tpu.memory_space<vmem>> -> memref<128xi32, #tpu.memory_space<vmem>>
          %dma_start3A_360 = arith.constant 0 : i32
          %dma_start3A_361 = arith.constant 0 : i32
          %dma_start3A_362 = tpu.memref_slice %arg4[%dma_start3A_360, %dma_start3A_361] : memref<50000x16xf32, #tpu.memory_space<hbm>> -> memref<50000x16xf32, #tpu.memory_space<hbm>>
          tpu.enqueue_indirect_dma source(%dma_start3A_362 : memref<50000x16xf32, #tpu.memory_space<hbm>>) target(%dma_start3A_356 : memref<128x16xf32, #tpu.memory_space<vmem>>) offsets(%dma_start3A_359 : memref<128xi32, #tpu.memory_space<vmem>>) semaphore(%arg26 : memref<!tpu.dma_semaphore, #tpu.memory_space<semaphore_mem>>)
          %dma_start3A_363 = arith.constant 3 : i32
          %dma_start3A_364 = arith.constant 384 : i32
          %dma_start3A_365 = arith.constant 0 : i32
          %dma_start3A_366 = tpu.memref_slice %arg16[%dma_start3A_364, %dma_start3A_365] : memref<512x16xf32, #tpu.memory_space<vmem>> -> memref<128x16xf32, #tpu.memory_space<vmem>>
          %dma_start3A_367 = arith.constant 0 : i32
          %dma_start3A_368 = tpu.memref_slice %arg12[%dma_start3A_363, %dma_start3A_367] : memref<4x128xi32, #tpu.memory_space<vmem>> -> memref<1x128xi32, #tpu.memory_space<vmem>>
          %dma_start3A_369 = tpu.memref_squeeze %dma_start3A_368 : memref<1x128xi32, #tpu.memory_space<vmem>> -> memref<128xi32, #tpu.memory_space<vmem>>
          %dma_start3A_370 = arith.constant 0 : i32
          %dma_start3A_371 = arith.constant 0 : i32
          %dma_start3A_372 = tpu.memref_slice %arg5[%dma_start3A_370, %dma_start3A_371] : memref<50176x16xf32, #tpu.memory_space<hbm>> -> memref<50176x16xf32, #tpu.memory_space<hbm>>
          tpu.enqueue_indirect_dma source(%dma_start3A_372 : memref<50176x16xf32, #tpu.memory_space<hbm>>) target(%dma_start3A_366 : memref<128x16xf32, #tpu.memory_space<vmem>>) offsets(%dma_start3A_369 : memref<128xi32, #tpu.memory_space<vmem>>) semaphore(%arg26 : memref<!tpu.dma_semaphore, #tpu.memory_space<semaphore_mem>>)
        } else {
        }
        %get3A = arith.constant 0 : index
        %get3A_255 = arith.constant 0 : index
        %get3A_256 = tpu.vector_load %arg21[%get3A, %get3A_255] {strides = array<i32>} : memref<1x16xf32, #tpu.memory_space<vmem>>, vector<1x16xf32>,
        %get3A_257 = vector.shape_cast %get3A_256 : vector<1x16xf32> to vector<1x16xf32>
        %scan3A_258 = arith.constant 0 : i32
        %scan3A_259 = arith.constant 128 : i32
        %scan3A_260 = arith.addi %scan3A_258, %scan3A_259 : i32
        %scan3A_261 = arith.constant 1 : i32
        scf.for %scan3A_281 = %scan3A_258 to %scan3A_260 step %scan3A_261  : i32 {
          %mul3A_282 = arith.constant 4 : i32
          %mul3A_283 = arith.muli %scan3A_281, %mul3A_282 : i32
          %add3A_284 = arith.constant 0 : i32
          %add3A_285 = arith.addi %add3A_284, %mul3A_283 : i32
          %add3A_286 = arith.constant 0 : i32
          %add3A_287 = arith.addi %add3A_285, %add3A_286 : i32
          %get3A_288 = arith.index_cast %add3A_287 : i32 to index
          %get3A_289 = arith.constant 0 : index
          %get3A_290 = tpu.vector_load %arg13[%get3A_288, %get3A_289] {strides = array<i32>} : memref<512x16xf32, #tpu.memory_space<vmem>>, vector<1x16xf32>,
          %get3A_291 = vector.shape_cast %get3A_290 : vector<1x16xf32> to vector<1x16xf32>
          %get3A_292 = arith.index_cast %add3A_287 : i32 to index
          %get3A_293 = arith.constant 0 : index
          %get3A_294 = tpu.vector_load %arg15[%get3A_292, %get3A_293] {strides = array<i32>} : memref<512x16xf32, #tpu.memory_space<vmem>>, vector<1x16xf32>,
          %get3A_295 = vector.shape_cast %get3A_294 : vector<1x16xf32> to vector<1x16xf32>
          %add3A_296 = arith.addf %get3A_291, %get3A_295 : vector<1x16xf32>
          %mul3A_297 = arith.constant 2.000000e-01 : f32
          %mul3A_298 = vector.broadcast %mul3A_297 : f32 to vector<1x16xf32>
          %mul3A_299 = arith.mulf %mul3A_298, %add3A_296 : vector<1x16xf32>
          %max3A = arith.maximumf %add3A_296, %mul3A_299 : vector<1x16xf32>
          %sub3A = arith.subf %max3A, %get3A_257 : vector<1x16xf32>
          %exp3A = math.exp %sub3A : vector<1x16xf32>
          %swap3A = arith.index_cast %add3A_287 : i32 to index
          %swap3A_300 = arith.constant 0 : index
          %swap3A_301 = tpu.vector_load %arg17[%swap3A, %swap3A_300] {strides = array<i32>} : memref<512x16xf32, #tpu.memory_space<vmem>>, vector<1x16xf32>,
          %swap3A_302 = vector.shape_cast %swap3A_301 : vector<1x16xf32> to vector<1x16xf32>
          %swap3A_303 = vector.shape_cast %exp3A : vector<1x16xf32> to vector<1x16xf32>
          tpu.vector_store %arg17[%swap3A, %swap3A_300], %swap3A_303 {strides = array<i32>} : memref<512x16xf32, #tpu.memory_space<vmem>>, vector<1x16xf32>,
          %add3A_304 = arith.constant 1 : i32
          %add3A_305 = arith.addi %add3A_285, %add3A_304 : i32
          %get3A_306 = arith.index_cast %add3A_305 : i32 to index
          %get3A_307 = arith.constant 0 : index
          %get3A_308 = tpu.vector_load %arg13[%get3A_306, %get3A_307] {strides = array<i32>} : memref<512x16xf32, #tpu.memory_space<vmem>>, vector<1x16xf32>,
          %get3A_309 = vector.shape_cast %get3A_308 : vector<1x16xf32> to vector<1x16xf32>
          %get3A_310 = arith.index_cast %add3A_305 : i32 to index
          %get3A_311 = arith.constant 0 : index
          %get3A_312 = tpu.vector_load %arg15[%get3A_310, %get3A_311] {strides = array<i32>} : memref<512x16xf32, #tpu.memory_space<vmem>>, vector<1x16xf32>,
          %get3A_313 = vector.shape_cast %get3A_312 : vector<1x16xf32> to vector<1x16xf32>
          %add3A_314 = arith.addf %get3A_309, %get3A_313 : vector<1x16xf32>
          %mul3A_315 = arith.constant 2.000000e-01 : f32
          %mul3A_316 = vector.broadcast %mul3A_315 : f32 to vector<1x16xf32>
          %mul3A_317 = arith.mulf %mul3A_316, %add3A_314 : vector<1x16xf32>
          %max3A_318 = arith.maximumf %add3A_314, %mul3A_317 : vector<1x16xf32>
          %sub3A_319 = arith.subf %max3A_318, %get3A_257 : vector<1x16xf32>
          %exp3A_320 = math.exp %sub3A_319 : vector<1x16xf32>
          %swap3A_321 = arith.index_cast %add3A_305 : i32 to index
          %swap3A_322 = arith.constant 0 : index
          %swap3A_323 = tpu.vector_load %arg17[%swap3A_321, %swap3A_322] {strides = array<i32>} : memref<512x16xf32, #tpu.memory_space<vmem>>, vector<1x16xf32>,
          %swap3A_324 = vector.shape_cast %swap3A_323 : vector<1x16xf32> to vector<1x16xf32>
          %swap3A_325 = vector.shape_cast %exp3A_320 : vector<1x16xf32> to vector<1x16xf32>
          tpu.vector_store %arg17[%swap3A_321, %swap3A_322], %swap3A_325 {strides = array<i32>} : memref<512x16xf32, #tpu.memory_space<vmem>>, vector<1x16xf32>,
          %add3A_326 = arith.constant 2 : i32
          %add3A_327 = arith.addi %add3A_285, %add3A_326 : i32
          %get3A_328 = arith.index_cast %add3A_327 : i32 to index
          %get3A_329 = arith.constant 0 : index
          %get3A_330 = tpu.vector_load %arg13[%get3A_328, %get3A_329] {strides = array<i32>} : memref<512x16xf32, #tpu.memory_space<vmem>>, vector<1x16xf32>,
          %get3A_331 = vector.shape_cast %get3A_330 : vector<1x16xf32> to vector<1x16xf32>
          %get3A_332 = arith.index_cast %add3A_327 : i32 to index
          %get3A_333 = arith.constant 0 : index
          %get3A_334 = tpu.vector_load %arg15[%get3A_332, %get3A_333] {strides = array<i32>} : memref<512x16xf32, #tpu.memory_space<vmem>>, vector<1x16xf32>,
          %get3A_335 = vector.shape_cast %get3A_334 : vector<1x16xf32> to vector<1x16xf32>
          %add3A_336 = arith.addf %get3A_331, %get3A_335 : vector<1x16xf32>
          %mul3A_337 = arith.constant 2.000000e-01 : f32
          %mul3A_338 = vector.broadcast %mul3A_337 : f32 to vector<1x16xf32>
          %mul3A_339 = arith.mulf %mul3A_338, %add3A_336 : vector<1x16xf32>
          %max3A_340 = arith.maximumf %add3A_336, %mul3A_339 : vector<1x16xf32>
          %sub3A_341 = arith.subf %max3A_340, %get3A_257 : vector<1x16xf32>
          %exp3A_342 = math.exp %sub3A_341 : vector<1x16xf32>
          %swap3A_343 = arith.index_cast %add3A_327 : i32 to index
          %swap3A_344 = arith.constant 0 : index
          %swap3A_345 = tpu.vector_load %arg17[%swap3A_343, %swap3A_344] {strides = array<i32>} : memref<512x16xf32, #tpu.memory_space<vmem>>, vector<1x16xf32>,
          %swap3A_346 = vector.shape_cast %swap3A_345 : vector<1x16xf32> to vector<1x16xf32>
          %swap3A_347 = vector.shape_cast %exp3A_342 : vector<1x16xf32> to vector<1x16xf32>
          tpu.vector_store %arg17[%swap3A_343, %swap3A_344], %swap3A_347 {strides = array<i32>} : memref<512x16xf32, #tpu.memory_space<vmem>>, vector<1x16xf32>,
          %add3A_348 = arith.constant 3 : i32
          %add3A_349 = arith.addi %add3A_285, %add3A_348 : i32
          %get3A_350 = arith.index_cast %add3A_349 : i32 to index
          %get3A_351 = arith.constant 0 : index
          %get3A_352 = tpu.vector_load %arg13[%get3A_350, %get3A_351] {strides = array<i32>} : memref<512x16xf32, #tpu.memory_space<vmem>>, vector<1x16xf32>,
          %get3A_353 = vector.shape_cast %get3A_352 : vector<1x16xf32> to vector<1x16xf32>
          %get3A_354 = arith.index_cast %add3A_349 : i32 to index
          %get3A_355 = arith.constant 0 : index
          %get3A_356 = tpu.vector_load %arg15[%get3A_354, %get3A_355] {strides = array<i32>} : memref<512x16xf32, #tpu.memory_space<vmem>>, vector<1x16xf32>,
          %get3A_357 = vector.shape_cast %get3A_356 : vector<1x16xf32> to vector<1x16xf32>
          %add3A_358 = arith.addf %get3A_353, %get3A_357 : vector<1x16xf32>
          %mul3A_359 = arith.constant 2.000000e-01 : f32
          %mul3A_360 = vector.broadcast %mul3A_359 : f32 to vector<1x16xf32>
          %mul3A_361 = arith.mulf %mul3A_360, %add3A_358 : vector<1x16xf32>
          %max3A_362 = arith.maximumf %add3A_358, %mul3A_361 : vector<1x16xf32>
          %sub3A_363 = arith.subf %max3A_362, %get3A_257 : vector<1x16xf32>
          %exp3A_364 = math.exp %sub3A_363 : vector<1x16xf32>
          %swap3A_365 = arith.index_cast %add3A_349 : i32 to index
          %swap3A_366 = arith.constant 0 : index
          %swap3A_367 = tpu.vector_load %arg17[%swap3A_365, %swap3A_366] {strides = array<i32>} : memref<512x16xf32, #tpu.memory_space<vmem>>, vector<1x16xf32>,
          %swap3A_368 = vector.shape_cast %swap3A_367 : vector<1x16xf32> to vector<1x16xf32>
          %swap3A_369 = vector.shape_cast %exp3A_364 : vector<1x16xf32> to vector<1x16xf32>
          tpu.vector_store %arg17[%swap3A_365, %swap3A_366], %swap3A_369 {strides = array<i32>} : memref<512x16xf32, #tpu.memory_space<vmem>>, vector<1x16xf32>,
        }
        %scan3A_262 = arith.constant 128 : i32
        %mul3A_263 = arith.constant 50 : i32
        %mul3A_264 = arith.muli %add3A, %mul3A_263 : i32
        %add3A_265 = arith.addi %mul3A_264, %add3A_127 : i32
        %mul3A_266 = arith.constant 512 : i32
        %mul3A_267 = arith.muli %add3A_265, %mul3A_266 : i32
        %dma_start3A_268 = arith.constant 0 : i32
        %dma_start3A_269 = tpu.memref_slice %arg7[%mul3A_267, %dma_start3A_268] : memref<819200x16xf32, #tpu.memory_space<hbm>> -> memref<512x16xf32, #tpu.memory_space<hbm>>
        %dma_start3A_270 = arith.constant 0 : i32
        %dma_start3A_271 = tpu.memref_slice %arg7[%mul3A_267, %dma_start3A_270] : memref<819200x16xf32, #tpu.memory_space<hbm>> -> memref<512x16xf32, #tpu.memory_space<hbm>>
        tpu.enqueue_dma source(%arg17 : memref<512x16xf32, #tpu.memory_space<vmem>>) target(%dma_start3A_271 : memref<512x16xf32, #tpu.memory_space<hbm>>) target_semaphore(%arg27 : memref<!tpu.dma_semaphore, #tpu.memory_space<semaphore_mem>>)
        %run_scoped3A = arith.constant 0 : i32
        "tpu.region"() ({
          %run_scoped3A_281 = tpu.sem_alloc : memref<!tpu.dma_semaphore, #tpu.memory_space<semaphore_mem>>
          %dma_start3A_282 = arith.constant 0 : i32
          %dma_start3A_283 = arith.constant 0 : i32
          %dma_start3A_284 = tpu.memref_slice %arg17[%dma_start3A_282, %dma_start3A_283] : memref<512x16xf32, #tpu.memory_space<vmem>> -> memref<128x16xf32, #tpu.memory_space<vmem>>
          %dma_start3A_285 = arith.constant 0 : i32
          %dma_start3A_286 = tpu.memref_slice %arg11[%run_scoped3A, %dma_start3A_285] : memref<4x128xi32, #tpu.memory_space<vmem>> -> memref<1x128xi32, #tpu.memory_space<vmem>>
          %dma_start3A_287 = tpu.memref_squeeze %dma_start3A_286 : memref<1x128xi32, #tpu.memory_space<vmem>> -> memref<128xi32, #tpu.memory_space<vmem>>
          %dma_start3A_288 = arith.constant 0 : i32
          %dma_start3A_289 = arith.constant 0 : i32
          %dma_start3A_290 = tpu.memref_slice %arg22[%dma_start3A_288, %dma_start3A_289] : memref<50176x16xf32, #tpu.memory_space<vmem_shared>> -> memref<50176x16xf32, #tpu.memory_space<vmem_shared>>
          tpu.enqueue_indirect_dma source(%dma_start3A_284 : memref<128x16xf32, #tpu.memory_space<vmem>>) target(%dma_start3A_290 : memref<50176x16xf32, #tpu.memory_space<vmem_shared>>) offsets(%dma_start3A_287 : memref<128xi32, #tpu.memory_space<vmem>>) semaphore(%run_scoped3A_281 : memref<!tpu.dma_semaphore, #tpu.memory_space<semaphore_mem>>) {add = true}
          %dma_wait3A_291 = arith.constant 0 : i32
          %dma_wait3A_292 = arith.constant 0 : i32
          %dma_wait3A_293 = tpu.memref_slice %arg17[%dma_wait3A_291, %dma_wait3A_292] : memref<512x16xf32, #tpu.memory_space<vmem>> -> memref<128x16xf32, #tpu.memory_space<vmem>>
          %dma_wait3A_294 = arith.constant 0 : i32
          %dma_wait3A_295 = tpu.memref_slice %arg11[%run_scoped3A, %dma_wait3A_294] : memref<4x128xi32, #tpu.memory_space<vmem>> -> memref<1x128xi32, #tpu.memory_space<vmem>>
          %dma_wait3A_296 = tpu.memref_squeeze %dma_wait3A_295 : memref<1x128xi32, #tpu.memory_space<vmem>> -> memref<128xi32, #tpu.memory_space<vmem>>
          %dma_wait3A_297 = arith.constant 0 : i32
          %dma_wait3A_298 = arith.constant 0 : i32
          %dma_wait3A_299 = tpu.memref_slice %arg22[%dma_wait3A_297, %dma_wait3A_298] : memref<50176x16xf32, #tpu.memory_space<vmem_shared>> -> memref<50176x16xf32, #tpu.memory_space<vmem_shared>>
          tpu.wait_indirect_dma semaphore(%run_scoped3A_281 : memref<!tpu.dma_semaphore, #tpu.memory_space<semaphore_mem>>) src(%dma_wait3A_293 : memref<128x16xf32, #tpu.memory_space<vmem>>) dst(%dma_wait3A_299 : memref<50176x16xf32, #tpu.memory_space<vmem_shared>>)
          tpu.yield
        }) : () -> ()
        %run_scoped3A_272 = arith.constant 1 : i32
        "tpu.region"() ({
          %run_scoped3A_281 = tpu.sem_alloc : memref<!tpu.dma_semaphore, #tpu.memory_space<semaphore_mem>>
          %dma_start3A_282 = arith.constant 128 : i32
          %dma_start3A_283 = arith.constant 0 : i32
          %dma_start3A_284 = tpu.memref_slice %arg17[%dma_start3A_282, %dma_start3A_283] : memref<512x16xf32, #tpu.memory_space<vmem>> -> memref<128x16xf32, #tpu.memory_space<vmem>>
          %dma_start3A_285 = arith.constant 0 : i32
          %dma_start3A_286 = tpu.memref_slice %arg11[%run_scoped3A_272, %dma_start3A_285] : memref<4x128xi32, #tpu.memory_space<vmem>> -> memref<1x128xi32, #tpu.memory_space<vmem>>
          %dma_start3A_287 = tpu.memref_squeeze %dma_start3A_286 : memref<1x128xi32, #tpu.memory_space<vmem>> -> memref<128xi32, #tpu.memory_space<vmem>>
          %dma_start3A_288 = arith.constant 0 : i32
          %dma_start3A_289 = arith.constant 0 : i32
          %dma_start3A_290 = tpu.memref_slice %arg22[%dma_start3A_288, %dma_start3A_289] : memref<50176x16xf32, #tpu.memory_space<vmem_shared>> -> memref<50176x16xf32, #tpu.memory_space<vmem_shared>>
          tpu.enqueue_indirect_dma source(%dma_start3A_284 : memref<128x16xf32, #tpu.memory_space<vmem>>) target(%dma_start3A_290 : memref<50176x16xf32, #tpu.memory_space<vmem_shared>>) offsets(%dma_start3A_287 : memref<128xi32, #tpu.memory_space<vmem>>) semaphore(%run_scoped3A_281 : memref<!tpu.dma_semaphore, #tpu.memory_space<semaphore_mem>>) {add = true}
          %dma_wait3A_291 = arith.constant 128 : i32
          %dma_wait3A_292 = arith.constant 0 : i32
          %dma_wait3A_293 = tpu.memref_slice %arg17[%dma_wait3A_291, %dma_wait3A_292] : memref<512x16xf32, #tpu.memory_space<vmem>> -> memref<128x16xf32, #tpu.memory_space<vmem>>
          %dma_wait3A_294 = arith.constant 0 : i32
          %dma_wait3A_295 = tpu.memref_slice %arg11[%run_scoped3A_272, %dma_wait3A_294] : memref<4x128xi32, #tpu.memory_space<vmem>> -> memref<1x128xi32, #tpu.memory_space<vmem>>
          %dma_wait3A_296 = tpu.memref_squeeze %dma_wait3A_295 : memref<1x128xi32, #tpu.memory_space<vmem>> -> memref<128xi32, #tpu.memory_space<vmem>>
          %dma_wait3A_297 = arith.constant 0 : i32
          %dma_wait3A_298 = arith.constant 0 : i32
          %dma_wait3A_299 = tpu.memref_slice %arg22[%dma_wait3A_297, %dma_wait3A_298] : memref<50176x16xf32, #tpu.memory_space<vmem_shared>> -> memref<50176x16xf32, #tpu.memory_space<vmem_shared>>
          tpu.wait_indirect_dma semaphore(%run_scoped3A_281 : memref<!tpu.dma_semaphore, #tpu.memory_space<semaphore_mem>>) src(%dma_wait3A_293 : memref<128x16xf32, #tpu.memory_space<vmem>>) dst(%dma_wait3A_299 : memref<50176x16xf32, #tpu.memory_space<vmem_shared>>)
          tpu.yield
        }) : () -> ()
        %run_scoped3A_273 = arith.constant 2 : i32
        "tpu.region"() ({
          %run_scoped3A_281 = tpu.sem_alloc : memref<!tpu.dma_semaphore, #tpu.memory_space<semaphore_mem>>
          %dma_start3A_282 = arith.constant 256 : i32
          %dma_start3A_283 = arith.constant 0 : i32
          %dma_start3A_284 = tpu.memref_slice %arg17[%dma_start3A_282, %dma_start3A_283] : memref<512x16xf32, #tpu.memory_space<vmem>> -> memref<128x16xf32, #tpu.memory_space<vmem>>
          %dma_start3A_285 = arith.constant 0 : i32
          %dma_start3A_286 = tpu.memref_slice %arg11[%run_scoped3A_273, %dma_start3A_285] : memref<4x128xi32, #tpu.memory_space<vmem>> -> memref<1x128xi32, #tpu.memory_space<vmem>>
          %dma_start3A_287 = tpu.memref_squeeze %dma_start3A_286 : memref<1x128xi32, #tpu.memory_space<vmem>> -> memref<128xi32, #tpu.memory_space<vmem>>
          %dma_start3A_288 = arith.constant 0 : i32
          %dma_start3A_289 = arith.constant 0 : i32
          %dma_start3A_290 = tpu.memref_slice %arg22[%dma_start3A_288, %dma_start3A_289] : memref<50176x16xf32, #tpu.memory_space<vmem_shared>> -> memref<50176x16xf32, #tpu.memory_space<vmem_shared>>
          tpu.enqueue_indirect_dma source(%dma_start3A_284 : memref<128x16xf32, #tpu.memory_space<vmem>>) target(%dma_start3A_290 : memref<50176x16xf32, #tpu.memory_space<vmem_shared>>) offsets(%dma_start3A_287 : memref<128xi32, #tpu.memory_space<vmem>>) semaphore(%run_scoped3A_281 : memref<!tpu.dma_semaphore, #tpu.memory_space<semaphore_mem>>) {add = true}
          %dma_wait3A_291 = arith.constant 256 : i32
          %dma_wait3A_292 = arith.constant 0 : i32
          %dma_wait3A_293 = tpu.memref_slice %arg17[%dma_wait3A_291, %dma_wait3A_292] : memref<512x16xf32, #tpu.memory_space<vmem>> -> memref<128x16xf32, #tpu.memory_space<vmem>>
          %dma_wait3A_294 = arith.constant 0 : i32
          %dma_wait3A_295 = tpu.memref_slice %arg11[%run_scoped3A_273, %dma_wait3A_294] : memref<4x128xi32, #tpu.memory_space<vmem>> -> memref<1x128xi32, #tpu.memory_space<vmem>>
          %dma_wait3A_296 = tpu.memref_squeeze %dma_wait3A_295 : memref<1x128xi32, #tpu.memory_space<vmem>> -> memref<128xi32, #tpu.memory_space<vmem>>
          %dma_wait3A_297 = arith.constant 0 : i32
          %dma_wait3A_298 = arith.constant 0 : i32
          %dma_wait3A_299 = tpu.memref_slice %arg22[%dma_wait3A_297, %dma_wait3A_298] : memref<50176x16xf32, #tpu.memory_space<vmem_shared>> -> memref<50176x16xf32, #tpu.memory_space<vmem_shared>>
          tpu.wait_indirect_dma semaphore(%run_scoped3A_281 : memref<!tpu.dma_semaphore, #tpu.memory_space<semaphore_mem>>) src(%dma_wait3A_293 : memref<128x16xf32, #tpu.memory_space<vmem>>) dst(%dma_wait3A_299 : memref<50176x16xf32, #tpu.memory_space<vmem_shared>>)
          tpu.yield
        }) : () -> ()
        %run_scoped3A_274 = arith.constant 3 : i32
        "tpu.region"() ({
          %run_scoped3A_281 = tpu.sem_alloc : memref<!tpu.dma_semaphore, #tpu.memory_space<semaphore_mem>>
          %dma_start3A_282 = arith.constant 384 : i32
          %dma_start3A_283 = arith.constant 0 : i32
          %dma_start3A_284 = tpu.memref_slice %arg17[%dma_start3A_282, %dma_start3A_283] : memref<512x16xf32, #tpu.memory_space<vmem>> -> memref<128x16xf32, #tpu.memory_space<vmem>>
          %dma_start3A_285 = arith.constant 0 : i32
          %dma_start3A_286 = tpu.memref_slice %arg11[%run_scoped3A_274, %dma_start3A_285] : memref<4x128xi32, #tpu.memory_space<vmem>> -> memref<1x128xi32, #tpu.memory_space<vmem>>
          %dma_start3A_287 = tpu.memref_squeeze %dma_start3A_286 : memref<1x128xi32, #tpu.memory_space<vmem>> -> memref<128xi32, #tpu.memory_space<vmem>>
          %dma_start3A_288 = arith.constant 0 : i32
          %dma_start3A_289 = arith.constant 0 : i32
          %dma_start3A_290 = tpu.memref_slice %arg22[%dma_start3A_288, %dma_start3A_289] : memref<50176x16xf32, #tpu.memory_space<vmem_shared>> -> memref<50176x16xf32, #tpu.memory_space<vmem_shared>>
          tpu.enqueue_indirect_dma source(%dma_start3A_284 : memref<128x16xf32, #tpu.memory_space<vmem>>) target(%dma_start3A_290 : memref<50176x16xf32, #tpu.memory_space<vmem_shared>>) offsets(%dma_start3A_287 : memref<128xi32, #tpu.memory_space<vmem>>) semaphore(%run_scoped3A_281 : memref<!tpu.dma_semaphore, #tpu.memory_space<semaphore_mem>>) {add = true}
          %dma_wait3A_291 = arith.constant 384 : i32
          %dma_wait3A_292 = arith.constant 0 : i32
          %dma_wait3A_293 = tpu.memref_slice %arg17[%dma_wait3A_291, %dma_wait3A_292] : memref<512x16xf32, #tpu.memory_space<vmem>> -> memref<128x16xf32, #tpu.memory_space<vmem>>
          %dma_wait3A_294 = arith.constant 0 : i32
          %dma_wait3A_295 = tpu.memref_slice %arg11[%run_scoped3A_274, %dma_wait3A_294] : memref<4x128xi32, #tpu.memory_space<vmem>> -> memref<1x128xi32, #tpu.memory_space<vmem>>
          %dma_wait3A_296 = tpu.memref_squeeze %dma_wait3A_295 : memref<1x128xi32, #tpu.memory_space<vmem>> -> memref<128xi32, #tpu.memory_space<vmem>>
          %dma_wait3A_297 = arith.constant 0 : i32
          %dma_wait3A_298 = arith.constant 0 : i32
          %dma_wait3A_299 = tpu.memref_slice %arg22[%dma_wait3A_297, %dma_wait3A_298] : memref<50176x16xf32, #tpu.memory_space<vmem_shared>> -> memref<50176x16xf32, #tpu.memory_space<vmem_shared>>
          tpu.wait_indirect_dma semaphore(%run_scoped3A_281 : memref<!tpu.dma_semaphore, #tpu.memory_space<semaphore_mem>>) src(%dma_wait3A_293 : memref<128x16xf32, #tpu.memory_space<vmem>>) dst(%dma_wait3A_299 : memref<50176x16xf32, #tpu.memory_space<vmem_shared>>)
          tpu.yield
        }) : () -> ()
        %dma_wait3A_275 = arith.constant 0 : i32
        %dma_wait3A_276 = arith.constant 0 : i32
        %dma_wait3A_277 = tpu.memref_slice %arg7[%dma_wait3A_275, %dma_wait3A_276] : memref<819200x16xf32, #tpu.memory_space<hbm>> -> memref<512x16xf32, #tpu.memory_space<hbm>>
        %dma_wait3A_278 = arith.constant 0 : i32
        %dma_wait3A_279 = arith.constant 0 : i32
        %dma_wait3A_280 = tpu.memref_slice %arg7[%dma_wait3A_278, %dma_wait3A_279] : memref<819200x16xf32, #tpu.memory_space<hbm>> -> memref<512x16xf32, #tpu.memory_space<hbm>>
        tpu.wait_dma2 semaphore(%arg27 : memref<!tpu.dma_semaphore, #tpu.memory_space<semaphore_mem>>) src(%arg17 : memref<512x16xf32, #tpu.memory_space<vmem>>) dst(%dma_wait3A_280 : memref<512x16xf32, #tpu.memory_space<hbm>>)
      } else {
      }
      %jit3A_140 = arith.constant 2 : i32
      %eq3A_141 = arith.constant 0 : i32
      %eq3A_142 = arith.cmpi eq, %jit3A_140, %eq3A_141 : i32
      %jit3A_143 = arith.constant 1 : i32
      %select_n3A_144 = arith.select %eq3A_142, %jit3A_143, %jit3A_140 : i32
      %rem3A_145 = arith.remsi %add3A_127, %select_n3A_144 : i32
      %ne3A_146 = arith.constant 0 : i32
      %ne3A_147 = arith.cmpi ne, %rem3A_145, %ne3A_146 : i32
      %lt3A_148 = arith.constant 0 : i32
      %lt3A_149 = arith.cmpi slt, %rem3A_145, %lt3A_148 : i32
      %lt3A_150 = arith.constant 0 : i32
      %lt3A_151 = arith.cmpi slt, %select_n3A_144, %lt3A_150 : i32
      %ne3A_152 = arith.xori %lt3A_149, %lt3A_151 : i1
      %and3A_153 = arith.andi %ne3A_152, %ne3A_147 : i1
      %add3A_154 = arith.addi %rem3A_145, %select_n3A_144 : i32
      %select_n3A_155 = arith.select %and3A_153, %add3A_154, %rem3A_145 : i32
      %eq3A_156 = arith.constant 1 : i32
      %eq3A_157 = arith.cmpi eq, %select_n3A_155, %eq3A_156 : i32
      %convert_element_type3A_158 = arith.extui %eq3A_157 : i1 to i32
      %cond3A_159 = arith.constant 0 : i32
      %cond3A_160 = arith.cmpi ne, %convert_element_type3A_158, %cond3A_159 : i32
      scf.if %cond3A_160 {
        %add3A_161 = arith.constant 1 : i32
        %add3A_162 = arith.addi %add3A_127, %add3A_161 : i32
        %lt3A_163 = arith.constant 50 : i32
        %lt3A_164 = arith.cmpi slt, %add3A_162, %lt3A_163 : i32
        %convert_element_type3A_165 = arith.extui %lt3A_164 : i1 to i32
        %cond3A_166 = arith.constant 0 : i32
        %cond3A_167 = arith.cmpi ne, %convert_element_type3A_165, %cond3A_166 : i32
        scf.if %cond3A_167 {
          %add3A_281 = arith.constant 1 : i32
          %add3A_282 = arith.addi %add3A_127, %add3A_281 : i32
          %mul3A_283 = arith.constant 200 : i32
          %mul3A_284 = arith.muli %add3A, %mul3A_283 : i32
          %mul3A_285 = arith.constant 4 : i32
          %mul3A_286 = arith.muli %add3A_282, %mul3A_285 : i32
          %add3A_287 = arith.addi %mul3A_284, %mul3A_286 : i32
          %dma_start3A_288 = arith.constant 0 : i32
          %dma_start3A_289 = tpu.memref_slice %arg2[%add3A_287, %dma_start3A_288] : memref<6400x128xi32, #tpu.memory_space<hbm>> -> memref<4x128xi32, #tpu.memory_space<hbm>>
          %dma_start3A_290 = arith.constant 0 : i32
          %dma_start3A_291 = tpu.memref_slice %arg2[%add3A_287, %dma_start3A_290] : memref<6400x128xi32, #tpu.memory_space<hbm>> -> memref<4x128xi32, #tpu.memory_space<hbm>>
          tpu.enqueue_dma source(%dma_start3A_291 : memref<4x128xi32, #tpu.memory_space<hbm>>) target(%arg9 : memref<4x128xi32, #tpu.memory_space<vmem>>) target_semaphore(%arg23 : memref<!tpu.dma_semaphore, #tpu.memory_space<semaphore_mem>>)
          %dma_start3A_292 = arith.constant 0 : i32
          %dma_start3A_293 = tpu.memref_slice %arg3[%add3A_287, %dma_start3A_292] : memref<6400x128xi32, #tpu.memory_space<hbm>> -> memref<4x128xi32, #tpu.memory_space<hbm>>
          %dma_start3A_294 = arith.constant 0 : i32
          %dma_start3A_295 = tpu.memref_slice %arg3[%add3A_287, %dma_start3A_294] : memref<6400x128xi32, #tpu.memory_space<hbm>> -> memref<4x128xi32, #tpu.memory_space<hbm>>
          tpu.enqueue_dma source(%dma_start3A_295 : memref<4x128xi32, #tpu.memory_space<hbm>>) target(%arg11 : memref<4x128xi32, #tpu.memory_space<vmem>>) target_semaphore(%arg23 : memref<!tpu.dma_semaphore, #tpu.memory_space<semaphore_mem>>)
        } else {
        }
        %dma_wait3A_168 = arith.constant 0 : i32
        %dma_wait3A_169 = arith.constant 0 : i32
        %dma_wait3A_170 = arith.constant 0 : i32
        %dma_wait3A_171 = tpu.memref_slice %arg14[%dma_wait3A_169, %dma_wait3A_170] : memref<512x16xf32, #tpu.memory_space<vmem>> -> memref<128x16xf32, #tpu.memory_space<vmem>>
        %dma_wait3A_172 = arith.constant 0 : i32
        %dma_wait3A_173 = tpu.memref_slice %arg10[%dma_wait3A_168, %dma_wait3A_172] : memref<4x128xi32, #tpu.memory_space<vmem>> -> memref<1x128xi32, #tpu.memory_space<vmem>>
        %dma_wait3A_174 = tpu.memref_squeeze %dma_wait3A_173 : memref<1x128xi32, #tpu.memory_space<vmem>> -> memref<128xi32, #tpu.memory_space<vmem>>
        %dma_wait3A_175 = arith.constant 0 : i32
        %dma_wait3A_176 = arith.constant 0 : i32
        %dma_wait3A_177 = tpu.memref_slice %arg4[%dma_wait3A_175, %dma_wait3A_176] : memref<50000x16xf32, #tpu.memory_space<hbm>> -> memref<50000x16xf32, #tpu.memory_space<hbm>>
        tpu.wait_indirect_dma semaphore(%arg26 : memref<!tpu.dma_semaphore, #tpu.memory_space<semaphore_mem>>) src(%dma_wait3A_177 : memref<50000x16xf32, #tpu.memory_space<hbm>>) dst(%dma_wait3A_171 : memref<128x16xf32, #tpu.memory_space<vmem>>)
        %dma_wait3A_178 = arith.constant 0 : i32
        %dma_wait3A_179 = arith.constant 0 : i32
        %dma_wait3A_180 = arith.constant 0 : i32
        %dma_wait3A_181 = tpu.memref_slice %arg16[%dma_wait3A_179, %dma_wait3A_180] : memref<512x16xf32, #tpu.memory_space<vmem>> -> memref<128x16xf32, #tpu.memory_space<vmem>>
        %dma_wait3A_182 = arith.constant 0 : i32
        %dma_wait3A_183 = tpu.memref_slice %arg12[%dma_wait3A_178, %dma_wait3A_182] : memref<4x128xi32, #tpu.memory_space<vmem>> -> memref<1x128xi32, #tpu.memory_space<vmem>>
        %dma_wait3A_184 = tpu.memref_squeeze %dma_wait3A_183 : memref<1x128xi32, #tpu.memory_space<vmem>> -> memref<128xi32, #tpu.memory_space<vmem>>
        %dma_wait3A_185 = arith.constant 0 : i32
        %dma_wait3A_186 = arith.constant 0 : i32
        %dma_wait3A_187 = tpu.memref_slice %arg5[%dma_wait3A_185, %dma_wait3A_186] : memref<50176x16xf32, #tpu.memory_space<hbm>> -> memref<50176x16xf32, #tpu.memory_space<hbm>>
        tpu.wait_indirect_dma semaphore(%arg26 : memref<!tpu.dma_semaphore, #tpu.memory_space<semaphore_mem>>) src(%dma_wait3A_187 : memref<50176x16xf32, #tpu.memory_space<hbm>>) dst(%dma_wait3A_181 : memref<128x16xf32, #tpu.memory_space<vmem>>)
        %dma_wait3A_188 = arith.constant 1 : i32
        %dma_wait3A_189 = arith.constant 128 : i32
        %dma_wait3A_190 = arith.constant 0 : i32
        %dma_wait3A_191 = tpu.memref_slice %arg14[%dma_wait3A_189, %dma_wait3A_190] : memref<512x16xf32, #tpu.memory_space<vmem>> -> memref<128x16xf32, #tpu.memory_space<vmem>>
        %dma_wait3A_192 = arith.constant 0 : i32
        %dma_wait3A_193 = tpu.memref_slice %arg10[%dma_wait3A_188, %dma_wait3A_192] : memref<4x128xi32, #tpu.memory_space<vmem>> -> memref<1x128xi32, #tpu.memory_space<vmem>>
        %dma_wait3A_194 = tpu.memref_squeeze %dma_wait3A_193 : memref<1x128xi32, #tpu.memory_space<vmem>> -> memref<128xi32, #tpu.memory_space<vmem>>
        %dma_wait3A_195 = arith.constant 0 : i32
        %dma_wait3A_196 = arith.constant 0 : i32
        %dma_wait3A_197 = tpu.memref_slice %arg4[%dma_wait3A_195, %dma_wait3A_196] : memref<50000x16xf32, #tpu.memory_space<hbm>> -> memref<50000x16xf32, #tpu.memory_space<hbm>>
        tpu.wait_indirect_dma semaphore(%arg26 : memref<!tpu.dma_semaphore, #tpu.memory_space<semaphore_mem>>) src(%dma_wait3A_197 : memref<50000x16xf32, #tpu.memory_space<hbm>>) dst(%dma_wait3A_191 : memref<128x16xf32, #tpu.memory_space<vmem>>)
        %dma_wait3A_198 = arith.constant 1 : i32
        %dma_wait3A_199 = arith.constant 128 : i32
        %dma_wait3A_200 = arith.constant 0 : i32
        %dma_wait3A_201 = tpu.memref_slice %arg16[%dma_wait3A_199, %dma_wait3A_200] : memref<512x16xf32, #tpu.memory_space<vmem>> -> memref<128x16xf32, #tpu.memory_space<vmem>>
        %dma_wait3A_202 = arith.constant 0 : i32
        %dma_wait3A_203 = tpu.memref_slice %arg12[%dma_wait3A_198, %dma_wait3A_202] : memref<4x128xi32, #tpu.memory_space<vmem>> -> memref<1x128xi32, #tpu.memory_space<vmem>>
        %dma_wait3A_204 = tpu.memref_squeeze %dma_wait3A_203 : memref<1x128xi32, #tpu.memory_space<vmem>> -> memref<128xi32, #tpu.memory_space<vmem>>
        %dma_wait3A_205 = arith.constant 0 : i32
        %dma_wait3A_206 = arith.constant 0 : i32
        %dma_wait3A_207 = tpu.memref_slice %arg5[%dma_wait3A_205, %dma_wait3A_206] : memref<50176x16xf32, #tpu.memory_space<hbm>> -> memref<50176x16xf32, #tpu.memory_space<hbm>>
        tpu.wait_indirect_dma semaphore(%arg26 : memref<!tpu.dma_semaphore, #tpu.memory_space<semaphore_mem>>) src(%dma_wait3A_207 : memref<50176x16xf32, #tpu.memory_space<hbm>>) dst(%dma_wait3A_201 : memref<128x16xf32, #tpu.memory_space<vmem>>)
        %dma_wait3A_208 = arith.constant 2 : i32
        %dma_wait3A_209 = arith.constant 256 : i32
        %dma_wait3A_210 = arith.constant 0 : i32
        %dma_wait3A_211 = tpu.memref_slice %arg14[%dma_wait3A_209, %dma_wait3A_210] : memref<512x16xf32, #tpu.memory_space<vmem>> -> memref<128x16xf32, #tpu.memory_space<vmem>>
        %dma_wait3A_212 = arith.constant 0 : i32
        %dma_wait3A_213 = tpu.memref_slice %arg10[%dma_wait3A_208, %dma_wait3A_212] : memref<4x128xi32, #tpu.memory_space<vmem>> -> memref<1x128xi32, #tpu.memory_space<vmem>>
        %dma_wait3A_214 = tpu.memref_squeeze %dma_wait3A_213 : memref<1x128xi32, #tpu.memory_space<vmem>> -> memref<128xi32, #tpu.memory_space<vmem>>
        %dma_wait3A_215 = arith.constant 0 : i32
        %dma_wait3A_216 = arith.constant 0 : i32
        %dma_wait3A_217 = tpu.memref_slice %arg4[%dma_wait3A_215, %dma_wait3A_216] : memref<50000x16xf32, #tpu.memory_space<hbm>> -> memref<50000x16xf32, #tpu.memory_space<hbm>>
        tpu.wait_indirect_dma semaphore(%arg26 : memref<!tpu.dma_semaphore, #tpu.memory_space<semaphore_mem>>) src(%dma_wait3A_217 : memref<50000x16xf32, #tpu.memory_space<hbm>>) dst(%dma_wait3A_211 : memref<128x16xf32, #tpu.memory_space<vmem>>)
        %dma_wait3A_218 = arith.constant 2 : i32
        %dma_wait3A_219 = arith.constant 256 : i32
        %dma_wait3A_220 = arith.constant 0 : i32
        %dma_wait3A_221 = tpu.memref_slice %arg16[%dma_wait3A_219, %dma_wait3A_220] : memref<512x16xf32, #tpu.memory_space<vmem>> -> memref<128x16xf32, #tpu.memory_space<vmem>>
        %dma_wait3A_222 = arith.constant 0 : i32
        %dma_wait3A_223 = tpu.memref_slice %arg12[%dma_wait3A_218, %dma_wait3A_222] : memref<4x128xi32, #tpu.memory_space<vmem>> -> memref<1x128xi32, #tpu.memory_space<vmem>>
        %dma_wait3A_224 = tpu.memref_squeeze %dma_wait3A_223 : memref<1x128xi32, #tpu.memory_space<vmem>> -> memref<128xi32, #tpu.memory_space<vmem>>
        %dma_wait3A_225 = arith.constant 0 : i32
        %dma_wait3A_226 = arith.constant 0 : i32
        %dma_wait3A_227 = tpu.memref_slice %arg5[%dma_wait3A_225, %dma_wait3A_226] : memref<50176x16xf32, #tpu.memory_space<hbm>> -> memref<50176x16xf32, #tpu.memory_space<hbm>>
        tpu.wait_indirect_dma semaphore(%arg26 : memref<!tpu.dma_semaphore, #tpu.memory_space<semaphore_mem>>) src(%dma_wait3A_227 : memref<50176x16xf32, #tpu.memory_space<hbm>>) dst(%dma_wait3A_221 : memref<128x16xf32, #tpu.memory_space<vmem>>)
        %dma_wait3A_228 = arith.constant 3 : i32
        %dma_wait3A_229 = arith.constant 384 : i32
        %dma_wait3A_230 = arith.constant 0 : i32
        %dma_wait3A_231 = tpu.memref_slice %arg14[%dma_wait3A_229, %dma_wait3A_230] : memref<512x16xf32, #tpu.memory_space<vmem>> -> memref<128x16xf32, #tpu.memory_space<vmem>>
        %dma_wait3A_232 = arith.constant 0 : i32
        %dma_wait3A_233 = tpu.memref_slice %arg10[%dma_wait3A_228, %dma_wait3A_232] : memref<4x128xi32, #tpu.memory_space<vmem>> -> memref<1x128xi32, #tpu.memory_space<vmem>>
        %dma_wait3A_234 = tpu.memref_squeeze %dma_wait3A_233 : memref<1x128xi32, #tpu.memory_space<vmem>> -> memref<128xi32, #tpu.memory_space<vmem>>
        %dma_wait3A_235 = arith.constant 0 : i32
        %dma_wait3A_236 = arith.constant 0 : i32
        %dma_wait3A_237 = tpu.memref_slice %arg4[%dma_wait3A_235, %dma_wait3A_236] : memref<50000x16xf32, #tpu.memory_space<hbm>> -> memref<50000x16xf32, #tpu.memory_space<hbm>>
        tpu.wait_indirect_dma semaphore(%arg26 : memref<!tpu.dma_semaphore, #tpu.memory_space<semaphore_mem>>) src(%dma_wait3A_237 : memref<50000x16xf32, #tpu.memory_space<hbm>>) dst(%dma_wait3A_231 : memref<128x16xf32, #tpu.memory_space<vmem>>)
        %dma_wait3A_238 = arith.constant 3 : i32
        %dma_wait3A_239 = arith.constant 384 : i32
        %dma_wait3A_240 = arith.constant 0 : i32
        %dma_wait3A_241 = tpu.memref_slice %arg16[%dma_wait3A_239, %dma_wait3A_240] : memref<512x16xf32, #tpu.memory_space<vmem>> -> memref<128x16xf32, #tpu.memory_space<vmem>>
        %dma_wait3A_242 = arith.constant 0 : i32
        %dma_wait3A_243 = tpu.memref_slice %arg12[%dma_wait3A_238, %dma_wait3A_242] : memref<4x128xi32, #tpu.memory_space<vmem>> -> memref<1x128xi32, #tpu.memory_space<vmem>>
        %dma_wait3A_244 = tpu.memref_squeeze %dma_wait3A_243 : memref<1x128xi32, #tpu.memory_space<vmem>> -> memref<128xi32, #tpu.memory_space<vmem>>
        %dma_wait3A_245 = arith.constant 0 : i32
        %dma_wait3A_246 = arith.constant 0 : i32
        %dma_wait3A_247 = tpu.memref_slice %arg5[%dma_wait3A_245, %dma_wait3A_246] : memref<50176x16xf32, #tpu.memory_space<hbm>> -> memref<50176x16xf32, #tpu.memory_space<hbm>>
        tpu.wait_indirect_dma semaphore(%arg26 : memref<!tpu.dma_semaphore, #tpu.memory_space<semaphore_mem>>) src(%dma_wait3A_247 : memref<50176x16xf32, #tpu.memory_space<hbm>>) dst(%dma_wait3A_241 : memref<128x16xf32, #tpu.memory_space<vmem>>)
        %add3A_248 = arith.constant 1 : i32
        %add3A_249 = arith.addi %add3A_127, %add3A_248 : i32
        %lt3A_250 = arith.constant 50 : i32
        %lt3A_251 = arith.cmpi slt, %add3A_249, %lt3A_250 : i32
        %convert_element_type3A_252 = arith.extui %lt3A_251 : i1 to i32
        %cond3A_253 = arith.constant 0 : i32
        %cond3A_254 = arith.cmpi ne, %convert_element_type3A_252, %cond3A_253 : i32
        scf.if %cond3A_254 {
          %dma_wait3A_281 = arith.constant 0 : i32
          %dma_wait3A_282 = arith.constant 0 : i32
          %dma_wait3A_283 = tpu.memref_slice %arg2[%dma_wait3A_281, %dma_wait3A_282] : memref<6400x128xi32, #tpu.memory_space<hbm>> -> memref<4x128xi32, #tpu.memory_space<hbm>>
          %dma_wait3A_284 = arith.constant 0 : i32
          %dma_wait3A_285 = arith.constant 0 : i32
          %dma_wait3A_286 = tpu.memref_slice %arg2[%dma_wait3A_284, %dma_wait3A_285] : memref<6400x128xi32, #tpu.memory_space<hbm>> -> memref<4x128xi32, #tpu.memory_space<hbm>>
          tpu.wait_dma2 semaphore(%arg23 : memref<!tpu.dma_semaphore, #tpu.memory_space<semaphore_mem>>) src(%dma_wait3A_286 : memref<4x128xi32, #tpu.memory_space<hbm>>) dst(%arg9 : memref<4x128xi32, #tpu.memory_space<vmem>>)
          %dma_wait3A_287 = arith.constant 0 : i32
          %dma_wait3A_288 = arith.constant 0 : i32
          %dma_wait3A_289 = tpu.memref_slice %arg3[%dma_wait3A_287, %dma_wait3A_288] : memref<6400x128xi32, #tpu.memory_space<hbm>> -> memref<4x128xi32, #tpu.memory_space<hbm>>
          %dma_wait3A_290 = arith.constant 0 : i32
          %dma_wait3A_291 = arith.constant 0 : i32
          %dma_wait3A_292 = tpu.memref_slice %arg3[%dma_wait3A_290, %dma_wait3A_291] : memref<6400x128xi32, #tpu.memory_space<hbm>> -> memref<4x128xi32, #tpu.memory_space<hbm>>
          tpu.wait_dma2 semaphore(%arg23 : memref<!tpu.dma_semaphore, #tpu.memory_space<semaphore_mem>>) src(%dma_wait3A_292 : memref<4x128xi32, #tpu.memory_space<hbm>>) dst(%arg11 : memref<4x128xi32, #tpu.memory_space<vmem>>)
          %dma_start3A_293 = arith.constant 0 : i32
          %dma_start3A_294 = arith.constant 0 : i32
          %dma_start3A_295 = arith.constant 0 : i32
          %dma_start3A_296 = tpu.memref_slice %arg13[%dma_start3A_294, %dma_start3A_295] : memref<512x16xf32, #tpu.memory_space<vmem>> -> memref<128x16xf32, #tpu.memory_space<vmem>>
          %dma_start3A_297 = arith.constant 0 : i32
          %dma_start3A_298 = tpu.memref_slice %arg9[%dma_start3A_293, %dma_start3A_297] : memref<4x128xi32, #tpu.memory_space<vmem>> -> memref<1x128xi32, #tpu.memory_space<vmem>>
          %dma_start3A_299 = tpu.memref_squeeze %dma_start3A_298 : memref<1x128xi32, #tpu.memory_space<vmem>> -> memref<128xi32, #tpu.memory_space<vmem>>
          %dma_start3A_300 = arith.constant 0 : i32
          %dma_start3A_301 = arith.constant 0 : i32
          %dma_start3A_302 = tpu.memref_slice %arg4[%dma_start3A_300, %dma_start3A_301] : memref<50000x16xf32, #tpu.memory_space<hbm>> -> memref<50000x16xf32, #tpu.memory_space<hbm>>
          tpu.enqueue_indirect_dma source(%dma_start3A_302 : memref<50000x16xf32, #tpu.memory_space<hbm>>) target(%dma_start3A_296 : memref<128x16xf32, #tpu.memory_space<vmem>>) offsets(%dma_start3A_299 : memref<128xi32, #tpu.memory_space<vmem>>) semaphore(%arg25 : memref<!tpu.dma_semaphore, #tpu.memory_space<semaphore_mem>>)
          %dma_start3A_303 = arith.constant 0 : i32
          %dma_start3A_304 = arith.constant 0 : i32
          %dma_start3A_305 = arith.constant 0 : i32
          %dma_start3A_306 = tpu.memref_slice %arg15[%dma_start3A_304, %dma_start3A_305] : memref<512x16xf32, #tpu.memory_space<vmem>> -> memref<128x16xf32, #tpu.memory_space<vmem>>
          %dma_start3A_307 = arith.constant 0 : i32
          %dma_start3A_308 = tpu.memref_slice %arg11[%dma_start3A_303, %dma_start3A_307] : memref<4x128xi32, #tpu.memory_space<vmem>> -> memref<1x128xi32, #tpu.memory_space<vmem>>
          %dma_start3A_309 = tpu.memref_squeeze %dma_start3A_308 : memref<1x128xi32, #tpu.memory_space<vmem>> -> memref<128xi32, #tpu.memory_space<vmem>>
          %dma_start3A_310 = arith.constant 0 : i32
          %dma_start3A_311 = arith.constant 0 : i32
          %dma_start3A_312 = tpu.memref_slice %arg5[%dma_start3A_310, %dma_start3A_311] : memref<50176x16xf32, #tpu.memory_space<hbm>> -> memref<50176x16xf32, #tpu.memory_space<hbm>>
          tpu.enqueue_indirect_dma source(%dma_start3A_312 : memref<50176x16xf32, #tpu.memory_space<hbm>>) target(%dma_start3A_306 : memref<128x16xf32, #tpu.memory_space<vmem>>) offsets(%dma_start3A_309 : memref<128xi32, #tpu.memory_space<vmem>>) semaphore(%arg25 : memref<!tpu.dma_semaphore, #tpu.memory_space<semaphore_mem>>)
          %dma_start3A_313 = arith.constant 1 : i32
          %dma_start3A_314 = arith.constant 128 : i32
          %dma_start3A_315 = arith.constant 0 : i32
          %dma_start3A_316 = tpu.memref_slice %arg13[%dma_start3A_314, %dma_start3A_315] : memref<512x16xf32, #tpu.memory_space<vmem>> -> memref<128x16xf32, #tpu.memory_space<vmem>>
          %dma_start3A_317 = arith.constant 0 : i32
          %dma_start3A_318 = tpu.memref_slice %arg9[%dma_start3A_313, %dma_start3A_317] : memref<4x128xi32, #tpu.memory_space<vmem>> -> memref<1x128xi32, #tpu.memory_space<vmem>>
          %dma_start3A_319 = tpu.memref_squeeze %dma_start3A_318 : memref<1x128xi32, #tpu.memory_space<vmem>> -> memref<128xi32, #tpu.memory_space<vmem>>
          %dma_start3A_320 = arith.constant 0 : i32
          %dma_start3A_321 = arith.constant 0 : i32
          %dma_start3A_322 = tpu.memref_slice %arg4[%dma_start3A_320, %dma_start3A_321] : memref<50000x16xf32, #tpu.memory_space<hbm>> -> memref<50000x16xf32, #tpu.memory_space<hbm>>
          tpu.enqueue_indirect_dma source(%dma_start3A_322 : memref<50000x16xf32, #tpu.memory_space<hbm>>) target(%dma_start3A_316 : memref<128x16xf32, #tpu.memory_space<vmem>>) offsets(%dma_start3A_319 : memref<128xi32, #tpu.memory_space<vmem>>) semaphore(%arg25 : memref<!tpu.dma_semaphore, #tpu.memory_space<semaphore_mem>>)
          %dma_start3A_323 = arith.constant 1 : i32
          %dma_start3A_324 = arith.constant 128 : i32
          %dma_start3A_325 = arith.constant 0 : i32
          %dma_start3A_326 = tpu.memref_slice %arg15[%dma_start3A_324, %dma_start3A_325] : memref<512x16xf32, #tpu.memory_space<vmem>> -> memref<128x16xf32, #tpu.memory_space<vmem>>
          %dma_start3A_327 = arith.constant 0 : i32
          %dma_start3A_328 = tpu.memref_slice %arg11[%dma_start3A_323, %dma_start3A_327] : memref<4x128xi32, #tpu.memory_space<vmem>> -> memref<1x128xi32, #tpu.memory_space<vmem>>
          %dma_start3A_329 = tpu.memref_squeeze %dma_start3A_328 : memref<1x128xi32, #tpu.memory_space<vmem>> -> memref<128xi32, #tpu.memory_space<vmem>>
          %dma_start3A_330 = arith.constant 0 : i32
          %dma_start3A_331 = arith.constant 0 : i32
          %dma_start3A_332 = tpu.memref_slice %arg5[%dma_start3A_330, %dma_start3A_331] : memref<50176x16xf32, #tpu.memory_space<hbm>> -> memref<50176x16xf32, #tpu.memory_space<hbm>>
          tpu.enqueue_indirect_dma source(%dma_start3A_332 : memref<50176x16xf32, #tpu.memory_space<hbm>>) target(%dma_start3A_326 : memref<128x16xf32, #tpu.memory_space<vmem>>) offsets(%dma_start3A_329 : memref<128xi32, #tpu.memory_space<vmem>>) semaphore(%arg25 : memref<!tpu.dma_semaphore, #tpu.memory_space<semaphore_mem>>)
          %dma_start3A_333 = arith.constant 2 : i32
          %dma_start3A_334 = arith.constant 256 : i32
          %dma_start3A_335 = arith.constant 0 : i32
          %dma_start3A_336 = tpu.memref_slice %arg13[%dma_start3A_334, %dma_start3A_335] : memref<512x16xf32, #tpu.memory_space<vmem>> -> memref<128x16xf32, #tpu.memory_space<vmem>>
          %dma_start3A_337 = arith.constant 0 : i32
          %dma_start3A_338 = tpu.memref_slice %arg9[%dma_start3A_333, %dma_start3A_337] : memref<4x128xi32, #tpu.memory_space<vmem>> -> memref<1x128xi32, #tpu.memory_space<vmem>>
          %dma_start3A_339 = tpu.memref_squeeze %dma_start3A_338 : memref<1x128xi32, #tpu.memory_space<vmem>> -> memref<128xi32, #tpu.memory_space<vmem>>
          %dma_start3A_340 = arith.constant 0 : i32
          %dma_start3A_341 = arith.constant 0 : i32
          %dma_start3A_342 = tpu.memref_slice %arg4[%dma_start3A_340, %dma_start3A_341] : memref<50000x16xf32, #tpu.memory_space<hbm>> -> memref<50000x16xf32, #tpu.memory_space<hbm>>
          tpu.enqueue_indirect_dma source(%dma_start3A_342 : memref<50000x16xf32, #tpu.memory_space<hbm>>) target(%dma_start3A_336 : memref<128x16xf32, #tpu.memory_space<vmem>>) offsets(%dma_start3A_339 : memref<128xi32, #tpu.memory_space<vmem>>) semaphore(%arg25 : memref<!tpu.dma_semaphore, #tpu.memory_space<semaphore_mem>>)
          %dma_start3A_343 = arith.constant 2 : i32
          %dma_start3A_344 = arith.constant 256 : i32
          %dma_start3A_345 = arith.constant 0 : i32
          %dma_start3A_346 = tpu.memref_slice %arg15[%dma_start3A_344, %dma_start3A_345] : memref<512x16xf32, #tpu.memory_space<vmem>> -> memref<128x16xf32, #tpu.memory_space<vmem>>
          %dma_start3A_347 = arith.constant 0 : i32
          %dma_start3A_348 = tpu.memref_slice %arg11[%dma_start3A_343, %dma_start3A_347] : memref<4x128xi32, #tpu.memory_space<vmem>> -> memref<1x128xi32, #tpu.memory_space<vmem>>
          %dma_start3A_349 = tpu.memref_squeeze %dma_start3A_348 : memref<1x128xi32, #tpu.memory_space<vmem>> -> memref<128xi32, #tpu.memory_space<vmem>>
          %dma_start3A_350 = arith.constant 0 : i32
          %dma_start3A_351 = arith.constant 0 : i32
          %dma_start3A_352 = tpu.memref_slice %arg5[%dma_start3A_350, %dma_start3A_351] : memref<50176x16xf32, #tpu.memory_space<hbm>> -> memref<50176x16xf32, #tpu.memory_space<hbm>>
          tpu.enqueue_indirect_dma source(%dma_start3A_352 : memref<50176x16xf32, #tpu.memory_space<hbm>>) target(%dma_start3A_346 : memref<128x16xf32, #tpu.memory_space<vmem>>) offsets(%dma_start3A_349 : memref<128xi32, #tpu.memory_space<vmem>>) semaphore(%arg25 : memref<!tpu.dma_semaphore, #tpu.memory_space<semaphore_mem>>)
          %dma_start3A_353 = arith.constant 3 : i32
          %dma_start3A_354 = arith.constant 384 : i32
          %dma_start3A_355 = arith.constant 0 : i32
          %dma_start3A_356 = tpu.memref_slice %arg13[%dma_start3A_354, %dma_start3A_355] : memref<512x16xf32, #tpu.memory_space<vmem>> -> memref<128x16xf32, #tpu.memory_space<vmem>>
          %dma_start3A_357 = arith.constant 0 : i32
          %dma_start3A_358 = tpu.memref_slice %arg9[%dma_start3A_353, %dma_start3A_357] : memref<4x128xi32, #tpu.memory_space<vmem>> -> memref<1x128xi32, #tpu.memory_space<vmem>>
          %dma_start3A_359 = tpu.memref_squeeze %dma_start3A_358 : memref<1x128xi32, #tpu.memory_space<vmem>> -> memref<128xi32, #tpu.memory_space<vmem>>
          %dma_start3A_360 = arith.constant 0 : i32
          %dma_start3A_361 = arith.constant 0 : i32
          %dma_start3A_362 = tpu.memref_slice %arg4[%dma_start3A_360, %dma_start3A_361] : memref<50000x16xf32, #tpu.memory_space<hbm>> -> memref<50000x16xf32, #tpu.memory_space<hbm>>
          tpu.enqueue_indirect_dma source(%dma_start3A_362 : memref<50000x16xf32, #tpu.memory_space<hbm>>) target(%dma_start3A_356 : memref<128x16xf32, #tpu.memory_space<vmem>>) offsets(%dma_start3A_359 : memref<128xi32, #tpu.memory_space<vmem>>) semaphore(%arg25 : memref<!tpu.dma_semaphore, #tpu.memory_space<semaphore_mem>>)
          %dma_start3A_363 = arith.constant 3 : i32
          %dma_start3A_364 = arith.constant 384 : i32
          %dma_start3A_365 = arith.constant 0 : i32
          %dma_start3A_366 = tpu.memref_slice %arg15[%dma_start3A_364, %dma_start3A_365] : memref<512x16xf32, #tpu.memory_space<vmem>> -> memref<128x16xf32, #tpu.memory_space<vmem>>
          %dma_start3A_367 = arith.constant 0 : i32
          %dma_start3A_368 = tpu.memref_slice %arg11[%dma_start3A_363, %dma_start3A_367] : memref<4x128xi32, #tpu.memory_space<vmem>> -> memref<1x128xi32, #tpu.memory_space<vmem>>
          %dma_start3A_369 = tpu.memref_squeeze %dma_start3A_368 : memref<1x128xi32, #tpu.memory_space<vmem>> -> memref<128xi32, #tpu.memory_space<vmem>>
          %dma_start3A_370 = arith.constant 0 : i32
          %dma_start3A_371 = arith.constant 0 : i32
          %dma_start3A_372 = tpu.memref_slice %arg5[%dma_start3A_370, %dma_start3A_371] : memref<50176x16xf32, #tpu.memory_space<hbm>> -> memref<50176x16xf32, #tpu.memory_space<hbm>>
          tpu.enqueue_indirect_dma source(%dma_start3A_372 : memref<50176x16xf32, #tpu.memory_space<hbm>>) target(%dma_start3A_366 : memref<128x16xf32, #tpu.memory_space<vmem>>) offsets(%dma_start3A_369 : memref<128xi32, #tpu.memory_space<vmem>>) semaphore(%arg25 : memref<!tpu.dma_semaphore, #tpu.memory_space<semaphore_mem>>)
        } else {
        }
        %get3A = arith.constant 0 : index
        %get3A_255 = arith.constant 0 : index
        %get3A_256 = tpu.vector_load %arg21[%get3A, %get3A_255] {strides = array<i32>} : memref<1x16xf32, #tpu.memory_space<vmem>>, vector<1x16xf32>,
        %get3A_257 = vector.shape_cast %get3A_256 : vector<1x16xf32> to vector<1x16xf32>
        %scan3A_258 = arith.constant 0 : i32
        %scan3A_259 = arith.constant 128 : i32
        %scan3A_260 = arith.addi %scan3A_258, %scan3A_259 : i32
        %scan3A_261 = arith.constant 1 : i32
        scf.for %scan3A_281 = %scan3A_258 to %scan3A_260 step %scan3A_261  : i32 {
          %mul3A_282 = arith.constant 4 : i32
          %mul3A_283 = arith.muli %scan3A_281, %mul3A_282 : i32
          %add3A_284 = arith.constant 0 : i32
          %add3A_285 = arith.addi %add3A_284, %mul3A_283 : i32
          %add3A_286 = arith.constant 0 : i32
          %add3A_287 = arith.addi %add3A_285, %add3A_286 : i32
          %get3A_288 = arith.index_cast %add3A_287 : i32 to index
          %get3A_289 = arith.constant 0 : index
          %get3A_290 = tpu.vector_load %arg14[%get3A_288, %get3A_289] {strides = array<i32>} : memref<512x16xf32, #tpu.memory_space<vmem>>, vector<1x16xf32>,
          %get3A_291 = vector.shape_cast %get3A_290 : vector<1x16xf32> to vector<1x16xf32>
          %get3A_292 = arith.index_cast %add3A_287 : i32 to index
          %get3A_293 = arith.constant 0 : index
          %get3A_294 = tpu.vector_load %arg16[%get3A_292, %get3A_293] {strides = array<i32>} : memref<512x16xf32, #tpu.memory_space<vmem>>, vector<1x16xf32>,
          %get3A_295 = vector.shape_cast %get3A_294 : vector<1x16xf32> to vector<1x16xf32>
          %add3A_296 = arith.addf %get3A_291, %get3A_295 : vector<1x16xf32>
          %mul3A_297 = arith.constant 2.000000e-01 : f32
          %mul3A_298 = vector.broadcast %mul3A_297 : f32 to vector<1x16xf32>
          %mul3A_299 = arith.mulf %mul3A_298, %add3A_296 : vector<1x16xf32>
          %max3A = arith.maximumf %add3A_296, %mul3A_299 : vector<1x16xf32>
          %sub3A = arith.subf %max3A, %get3A_257 : vector<1x16xf32>
          %exp3A = math.exp %sub3A : vector<1x16xf32>
          %swap3A = arith.index_cast %add3A_287 : i32 to index
          %swap3A_300 = arith.constant 0 : index
          %swap3A_301 = tpu.vector_load %arg18[%swap3A, %swap3A_300] {strides = array<i32>} : memref<512x16xf32, #tpu.memory_space<vmem>>, vector<1x16xf32>,
          %swap3A_302 = vector.shape_cast %swap3A_301 : vector<1x16xf32> to vector<1x16xf32>
          %swap3A_303 = vector.shape_cast %exp3A : vector<1x16xf32> to vector<1x16xf32>
          tpu.vector_store %arg18[%swap3A, %swap3A_300], %swap3A_303 {strides = array<i32>} : memref<512x16xf32, #tpu.memory_space<vmem>>, vector<1x16xf32>,
          %add3A_304 = arith.constant 1 : i32
          %add3A_305 = arith.addi %add3A_285, %add3A_304 : i32
          %get3A_306 = arith.index_cast %add3A_305 : i32 to index
          %get3A_307 = arith.constant 0 : index
          %get3A_308 = tpu.vector_load %arg14[%get3A_306, %get3A_307] {strides = array<i32>} : memref<512x16xf32, #tpu.memory_space<vmem>>, vector<1x16xf32>,
          %get3A_309 = vector.shape_cast %get3A_308 : vector<1x16xf32> to vector<1x16xf32>
          %get3A_310 = arith.index_cast %add3A_305 : i32 to index
          %get3A_311 = arith.constant 0 : index
          %get3A_312 = tpu.vector_load %arg16[%get3A_310, %get3A_311] {strides = array<i32>} : memref<512x16xf32, #tpu.memory_space<vmem>>, vector<1x16xf32>,
          %get3A_313 = vector.shape_cast %get3A_312 : vector<1x16xf32> to vector<1x16xf32>
          %add3A_314 = arith.addf %get3A_309, %get3A_313 : vector<1x16xf32>
          %mul3A_315 = arith.constant 2.000000e-01 : f32
          %mul3A_316 = vector.broadcast %mul3A_315 : f32 to vector<1x16xf32>
          %mul3A_317 = arith.mulf %mul3A_316, %add3A_314 : vector<1x16xf32>
          %max3A_318 = arith.maximumf %add3A_314, %mul3A_317 : vector<1x16xf32>
          %sub3A_319 = arith.subf %max3A_318, %get3A_257 : vector<1x16xf32>
          %exp3A_320 = math.exp %sub3A_319 : vector<1x16xf32>
          %swap3A_321 = arith.index_cast %add3A_305 : i32 to index
          %swap3A_322 = arith.constant 0 : index
          %swap3A_323 = tpu.vector_load %arg18[%swap3A_321, %swap3A_322] {strides = array<i32>} : memref<512x16xf32, #tpu.memory_space<vmem>>, vector<1x16xf32>,
          %swap3A_324 = vector.shape_cast %swap3A_323 : vector<1x16xf32> to vector<1x16xf32>
          %swap3A_325 = vector.shape_cast %exp3A_320 : vector<1x16xf32> to vector<1x16xf32>
          tpu.vector_store %arg18[%swap3A_321, %swap3A_322], %swap3A_325 {strides = array<i32>} : memref<512x16xf32, #tpu.memory_space<vmem>>, vector<1x16xf32>,
          %add3A_326 = arith.constant 2 : i32
          %add3A_327 = arith.addi %add3A_285, %add3A_326 : i32
          %get3A_328 = arith.index_cast %add3A_327 : i32 to index
          %get3A_329 = arith.constant 0 : index
          %get3A_330 = tpu.vector_load %arg14[%get3A_328, %get3A_329] {strides = array<i32>} : memref<512x16xf32, #tpu.memory_space<vmem>>, vector<1x16xf32>,
          %get3A_331 = vector.shape_cast %get3A_330 : vector<1x16xf32> to vector<1x16xf32>
          %get3A_332 = arith.index_cast %add3A_327 : i32 to index
          %get3A_333 = arith.constant 0 : index
          %get3A_334 = tpu.vector_load %arg16[%get3A_332, %get3A_333] {strides = array<i32>} : memref<512x16xf32, #tpu.memory_space<vmem>>, vector<1x16xf32>,
          %get3A_335 = vector.shape_cast %get3A_334 : vector<1x16xf32> to vector<1x16xf32>
          %add3A_336 = arith.addf %get3A_331, %get3A_335 : vector<1x16xf32>
          %mul3A_337 = arith.constant 2.000000e-01 : f32
          %mul3A_338 = vector.broadcast %mul3A_337 : f32 to vector<1x16xf32>
          %mul3A_339 = arith.mulf %mul3A_338, %add3A_336 : vector<1x16xf32>
          %max3A_340 = arith.maximumf %add3A_336, %mul3A_339 : vector<1x16xf32>
          %sub3A_341 = arith.subf %max3A_340, %get3A_257 : vector<1x16xf32>
          %exp3A_342 = math.exp %sub3A_341 : vector<1x16xf32>
          %swap3A_343 = arith.index_cast %add3A_327 : i32 to index
          %swap3A_344 = arith.constant 0 : index
          %swap3A_345 = tpu.vector_load %arg18[%swap3A_343, %swap3A_344] {strides = array<i32>} : memref<512x16xf32, #tpu.memory_space<vmem>>, vector<1x16xf32>,
          %swap3A_346 = vector.shape_cast %swap3A_345 : vector<1x16xf32> to vector<1x16xf32>
          %swap3A_347 = vector.shape_cast %exp3A_342 : vector<1x16xf32> to vector<1x16xf32>
          tpu.vector_store %arg18[%swap3A_343, %swap3A_344], %swap3A_347 {strides = array<i32>} : memref<512x16xf32, #tpu.memory_space<vmem>>, vector<1x16xf32>,
          %add3A_348 = arith.constant 3 : i32
          %add3A_349 = arith.addi %add3A_285, %add3A_348 : i32
          %get3A_350 = arith.index_cast %add3A_349 : i32 to index
          %get3A_351 = arith.constant 0 : index
          %get3A_352 = tpu.vector_load %arg14[%get3A_350, %get3A_351] {strides = array<i32>} : memref<512x16xf32, #tpu.memory_space<vmem>>, vector<1x16xf32>,
          %get3A_353 = vector.shape_cast %get3A_352 : vector<1x16xf32> to vector<1x16xf32>
          %get3A_354 = arith.index_cast %add3A_349 : i32 to index
          %get3A_355 = arith.constant 0 : index
          %get3A_356 = tpu.vector_load %arg16[%get3A_354, %get3A_355] {strides = array<i32>} : memref<512x16xf32, #tpu.memory_space<vmem>>, vector<1x16xf32>,
          %get3A_357 = vector.shape_cast %get3A_356 : vector<1x16xf32> to vector<1x16xf32>
          %add3A_358 = arith.addf %get3A_353, %get3A_357 : vector<1x16xf32>
          %mul3A_359 = arith.constant 2.000000e-01 : f32
          %mul3A_360 = vector.broadcast %mul3A_359 : f32 to vector<1x16xf32>
          %mul3A_361 = arith.mulf %mul3A_360, %add3A_358 : vector<1x16xf32>
          %max3A_362 = arith.maximumf %add3A_358, %mul3A_361 : vector<1x16xf32>
          %sub3A_363 = arith.subf %max3A_362, %get3A_257 : vector<1x16xf32>
          %exp3A_364 = math.exp %sub3A_363 : vector<1x16xf32>
          %swap3A_365 = arith.index_cast %add3A_349 : i32 to index
          %swap3A_366 = arith.constant 0 : index
          %swap3A_367 = tpu.vector_load %arg18[%swap3A_365, %swap3A_366] {strides = array<i32>} : memref<512x16xf32, #tpu.memory_space<vmem>>, vector<1x16xf32>,
          %swap3A_368 = vector.shape_cast %swap3A_367 : vector<1x16xf32> to vector<1x16xf32>
          %swap3A_369 = vector.shape_cast %exp3A_364 : vector<1x16xf32> to vector<1x16xf32>
          tpu.vector_store %arg18[%swap3A_365, %swap3A_366], %swap3A_369 {strides = array<i32>} : memref<512x16xf32, #tpu.memory_space<vmem>>, vector<1x16xf32>,
        }
        %scan3A_262 = arith.constant 128 : i32
        %mul3A_263 = arith.constant 50 : i32
        %mul3A_264 = arith.muli %add3A, %mul3A_263 : i32
        %add3A_265 = arith.addi %mul3A_264, %add3A_127 : i32
        %mul3A_266 = arith.constant 512 : i32
        %mul3A_267 = arith.muli %add3A_265, %mul3A_266 : i32
        %dma_start3A_268 = arith.constant 0 : i32
        %dma_start3A_269 = tpu.memref_slice %arg7[%mul3A_267, %dma_start3A_268] : memref<819200x16xf32, #tpu.memory_space<hbm>> -> memref<512x16xf32, #tpu.memory_space<hbm>>
        %dma_start3A_270 = arith.constant 0 : i32
        %dma_start3A_271 = tpu.memref_slice %arg7[%mul3A_267, %dma_start3A_270] : memref<819200x16xf32, #tpu.memory_space<hbm>> -> memref<512x16xf32, #tpu.memory_space<hbm>>
        tpu.enqueue_dma source(%arg18 : memref<512x16xf32, #tpu.memory_space<vmem>>) target(%dma_start3A_271 : memref<512x16xf32, #tpu.memory_space<hbm>>) target_semaphore(%arg28 : memref<!tpu.dma_semaphore, #tpu.memory_space<semaphore_mem>>)
        %run_scoped3A = arith.constant 0 : i32
        "tpu.region"() ({
          %run_scoped3A_281 = tpu.sem_alloc : memref<!tpu.dma_semaphore, #tpu.memory_space<semaphore_mem>>
          %dma_start3A_282 = arith.constant 0 : i32
          %dma_start3A_283 = arith.constant 0 : i32
          %dma_start3A_284 = tpu.memref_slice %arg18[%dma_start3A_282, %dma_start3A_283] : memref<512x16xf32, #tpu.memory_space<vmem>> -> memref<128x16xf32, #tpu.memory_space<vmem>>
          %dma_start3A_285 = arith.constant 0 : i32
          %dma_start3A_286 = tpu.memref_slice %arg12[%run_scoped3A, %dma_start3A_285] : memref<4x128xi32, #tpu.memory_space<vmem>> -> memref<1x128xi32, #tpu.memory_space<vmem>>
          %dma_start3A_287 = tpu.memref_squeeze %dma_start3A_286 : memref<1x128xi32, #tpu.memory_space<vmem>> -> memref<128xi32, #tpu.memory_space<vmem>>
          %dma_start3A_288 = arith.constant 0 : i32
          %dma_start3A_289 = arith.constant 0 : i32
          %dma_start3A_290 = tpu.memref_slice %arg22[%dma_start3A_288, %dma_start3A_289] : memref<50176x16xf32, #tpu.memory_space<vmem_shared>> -> memref<50176x16xf32, #tpu.memory_space<vmem_shared>>
          tpu.enqueue_indirect_dma source(%dma_start3A_284 : memref<128x16xf32, #tpu.memory_space<vmem>>) target(%dma_start3A_290 : memref<50176x16xf32, #tpu.memory_space<vmem_shared>>) offsets(%dma_start3A_287 : memref<128xi32, #tpu.memory_space<vmem>>) semaphore(%run_scoped3A_281 : memref<!tpu.dma_semaphore, #tpu.memory_space<semaphore_mem>>) {add = true}
          %dma_wait3A_291 = arith.constant 0 : i32
          %dma_wait3A_292 = arith.constant 0 : i32
          %dma_wait3A_293 = tpu.memref_slice %arg18[%dma_wait3A_291, %dma_wait3A_292] : memref<512x16xf32, #tpu.memory_space<vmem>> -> memref<128x16xf32, #tpu.memory_space<vmem>>
          %dma_wait3A_294 = arith.constant 0 : i32
          %dma_wait3A_295 = tpu.memref_slice %arg12[%run_scoped3A, %dma_wait3A_294] : memref<4x128xi32, #tpu.memory_space<vmem>> -> memref<1x128xi32, #tpu.memory_space<vmem>>
          %dma_wait3A_296 = tpu.memref_squeeze %dma_wait3A_295 : memref<1x128xi32, #tpu.memory_space<vmem>> -> memref<128xi32, #tpu.memory_space<vmem>>
          %dma_wait3A_297 = arith.constant 0 : i32
          %dma_wait3A_298 = arith.constant 0 : i32
          %dma_wait3A_299 = tpu.memref_slice %arg22[%dma_wait3A_297, %dma_wait3A_298] : memref<50176x16xf32, #tpu.memory_space<vmem_shared>> -> memref<50176x16xf32, #tpu.memory_space<vmem_shared>>
          tpu.wait_indirect_dma semaphore(%run_scoped3A_281 : memref<!tpu.dma_semaphore, #tpu.memory_space<semaphore_mem>>) src(%dma_wait3A_293 : memref<128x16xf32, #tpu.memory_space<vmem>>) dst(%dma_wait3A_299 : memref<50176x16xf32, #tpu.memory_space<vmem_shared>>)
          tpu.yield
        }) : () -> ()
        %run_scoped3A_272 = arith.constant 1 : i32
        "tpu.region"() ({
          %run_scoped3A_281 = tpu.sem_alloc : memref<!tpu.dma_semaphore, #tpu.memory_space<semaphore_mem>>
          %dma_start3A_282 = arith.constant 128 : i32
          %dma_start3A_283 = arith.constant 0 : i32
          %dma_start3A_284 = tpu.memref_slice %arg18[%dma_start3A_282, %dma_start3A_283] : memref<512x16xf32, #tpu.memory_space<vmem>> -> memref<128x16xf32, #tpu.memory_space<vmem>>
          %dma_start3A_285 = arith.constant 0 : i32
          %dma_start3A_286 = tpu.memref_slice %arg12[%run_scoped3A_272, %dma_start3A_285] : memref<4x128xi32, #tpu.memory_space<vmem>> -> memref<1x128xi32, #tpu.memory_space<vmem>>
          %dma_start3A_287 = tpu.memref_squeeze %dma_start3A_286 : memref<1x128xi32, #tpu.memory_space<vmem>> -> memref<128xi32, #tpu.memory_space<vmem>>
          %dma_start3A_288 = arith.constant 0 : i32
          %dma_start3A_289 = arith.constant 0 : i32
          %dma_start3A_290 = tpu.memref_slice %arg22[%dma_start3A_288, %dma_start3A_289] : memref<50176x16xf32, #tpu.memory_space<vmem_shared>> -> memref<50176x16xf32, #tpu.memory_space<vmem_shared>>
          tpu.enqueue_indirect_dma source(%dma_start3A_284 : memref<128x16xf32, #tpu.memory_space<vmem>>) target(%dma_start3A_290 : memref<50176x16xf32, #tpu.memory_space<vmem_shared>>) offsets(%dma_start3A_287 : memref<128xi32, #tpu.memory_space<vmem>>) semaphore(%run_scoped3A_281 : memref<!tpu.dma_semaphore, #tpu.memory_space<semaphore_mem>>) {add = true}
          %dma_wait3A_291 = arith.constant 128 : i32
          %dma_wait3A_292 = arith.constant 0 : i32
          %dma_wait3A_293 = tpu.memref_slice %arg18[%dma_wait3A_291, %dma_wait3A_292] : memref<512x16xf32, #tpu.memory_space<vmem>> -> memref<128x16xf32, #tpu.memory_space<vmem>>
          %dma_wait3A_294 = arith.constant 0 : i32
          %dma_wait3A_295 = tpu.memref_slice %arg12[%run_scoped3A_272, %dma_wait3A_294] : memref<4x128xi32, #tpu.memory_space<vmem>> -> memref<1x128xi32, #tpu.memory_space<vmem>>
          %dma_wait3A_296 = tpu.memref_squeeze %dma_wait3A_295 : memref<1x128xi32, #tpu.memory_space<vmem>> -> memref<128xi32, #tpu.memory_space<vmem>>
          %dma_wait3A_297 = arith.constant 0 : i32
          %dma_wait3A_298 = arith.constant 0 : i32
          %dma_wait3A_299 = tpu.memref_slice %arg22[%dma_wait3A_297, %dma_wait3A_298] : memref<50176x16xf32, #tpu.memory_space<vmem_shared>> -> memref<50176x16xf32, #tpu.memory_space<vmem_shared>>
          tpu.wait_indirect_dma semaphore(%run_scoped3A_281 : memref<!tpu.dma_semaphore, #tpu.memory_space<semaphore_mem>>) src(%dma_wait3A_293 : memref<128x16xf32, #tpu.memory_space<vmem>>) dst(%dma_wait3A_299 : memref<50176x16xf32, #tpu.memory_space<vmem_shared>>)
          tpu.yield
        }) : () -> ()
        %run_scoped3A_273 = arith.constant 2 : i32
        "tpu.region"() ({
          %run_scoped3A_281 = tpu.sem_alloc : memref<!tpu.dma_semaphore, #tpu.memory_space<semaphore_mem>>
          %dma_start3A_282 = arith.constant 256 : i32
          %dma_start3A_283 = arith.constant 0 : i32
          %dma_start3A_284 = tpu.memref_slice %arg18[%dma_start3A_282, %dma_start3A_283] : memref<512x16xf32, #tpu.memory_space<vmem>> -> memref<128x16xf32, #tpu.memory_space<vmem>>
          %dma_start3A_285 = arith.constant 0 : i32
          %dma_start3A_286 = tpu.memref_slice %arg12[%run_scoped3A_273, %dma_start3A_285] : memref<4x128xi32, #tpu.memory_space<vmem>> -> memref<1x128xi32, #tpu.memory_space<vmem>>
          %dma_start3A_287 = tpu.memref_squeeze %dma_start3A_286 : memref<1x128xi32, #tpu.memory_space<vmem>> -> memref<128xi32, #tpu.memory_space<vmem>>
          %dma_start3A_288 = arith.constant 0 : i32
          %dma_start3A_289 = arith.constant 0 : i32
          %dma_start3A_290 = tpu.memref_slice %arg22[%dma_start3A_288, %dma_start3A_289] : memref<50176x16xf32, #tpu.memory_space<vmem_shared>> -> memref<50176x16xf32, #tpu.memory_space<vmem_shared>>
          tpu.enqueue_indirect_dma source(%dma_start3A_284 : memref<128x16xf32, #tpu.memory_space<vmem>>) target(%dma_start3A_290 : memref<50176x16xf32, #tpu.memory_space<vmem_shared>>) offsets(%dma_start3A_287 : memref<128xi32, #tpu.memory_space<vmem>>) semaphore(%run_scoped3A_281 : memref<!tpu.dma_semaphore, #tpu.memory_space<semaphore_mem>>) {add = true}
          %dma_wait3A_291 = arith.constant 256 : i32
          %dma_wait3A_292 = arith.constant 0 : i32
          %dma_wait3A_293 = tpu.memref_slice %arg18[%dma_wait3A_291, %dma_wait3A_292] : memref<512x16xf32, #tpu.memory_space<vmem>> -> memref<128x16xf32, #tpu.memory_space<vmem>>
          %dma_wait3A_294 = arith.constant 0 : i32
          %dma_wait3A_295 = tpu.memref_slice %arg12[%run_scoped3A_273, %dma_wait3A_294] : memref<4x128xi32, #tpu.memory_space<vmem>> -> memref<1x128xi32, #tpu.memory_space<vmem>>
          %dma_wait3A_296 = tpu.memref_squeeze %dma_wait3A_295 : memref<1x128xi32, #tpu.memory_space<vmem>> -> memref<128xi32, #tpu.memory_space<vmem>>
          %dma_wait3A_297 = arith.constant 0 : i32
          %dma_wait3A_298 = arith.constant 0 : i32
          %dma_wait3A_299 = tpu.memref_slice %arg22[%dma_wait3A_297, %dma_wait3A_298] : memref<50176x16xf32, #tpu.memory_space<vmem_shared>> -> memref<50176x16xf32, #tpu.memory_space<vmem_shared>>
          tpu.wait_indirect_dma semaphore(%run_scoped3A_281 : memref<!tpu.dma_semaphore, #tpu.memory_space<semaphore_mem>>) src(%dma_wait3A_293 : memref<128x16xf32, #tpu.memory_space<vmem>>) dst(%dma_wait3A_299 : memref<50176x16xf32, #tpu.memory_space<vmem_shared>>)
          tpu.yield
        }) : () -> ()
        %run_scoped3A_274 = arith.constant 3 : i32
        "tpu.region"() ({
          %run_scoped3A_281 = tpu.sem_alloc : memref<!tpu.dma_semaphore, #tpu.memory_space<semaphore_mem>>
          %dma_start3A_282 = arith.constant 384 : i32
          %dma_start3A_283 = arith.constant 0 : i32
          %dma_start3A_284 = tpu.memref_slice %arg18[%dma_start3A_282, %dma_start3A_283] : memref<512x16xf32, #tpu.memory_space<vmem>> -> memref<128x16xf32, #tpu.memory_space<vmem>>
          %dma_start3A_285 = arith.constant 0 : i32
          %dma_start3A_286 = tpu.memref_slice %arg12[%run_scoped3A_274, %dma_start3A_285] : memref<4x128xi32, #tpu.memory_space<vmem>> -> memref<1x128xi32, #tpu.memory_space<vmem>>
          %dma_start3A_287 = tpu.memref_squeeze %dma_start3A_286 : memref<1x128xi32, #tpu.memory_space<vmem>> -> memref<128xi32, #tpu.memory_space<vmem>>
          %dma_start3A_288 = arith.constant 0 : i32
          %dma_start3A_289 = arith.constant 0 : i32
          %dma_start3A_290 = tpu.memref_slice %arg22[%dma_start3A_288, %dma_start3A_289] : memref<50176x16xf32, #tpu.memory_space<vmem_shared>> -> memref<50176x16xf32, #tpu.memory_space<vmem_shared>>
          tpu.enqueue_indirect_dma source(%dma_start3A_284 : memref<128x16xf32, #tpu.memory_space<vmem>>) target(%dma_start3A_290 : memref<50176x16xf32, #tpu.memory_space<vmem_shared>>) offsets(%dma_start3A_287 : memref<128xi32, #tpu.memory_space<vmem>>) semaphore(%run_scoped3A_281 : memref<!tpu.dma_semaphore, #tpu.memory_space<semaphore_mem>>) {add = true}
          %dma_wait3A_291 = arith.constant 384 : i32
          %dma_wait3A_292 = arith.constant 0 : i32
          %dma_wait3A_293 = tpu.memref_slice %arg18[%dma_wait3A_291, %dma_wait3A_292] : memref<512x16xf32, #tpu.memory_space<vmem>> -> memref<128x16xf32, #tpu.memory_space<vmem>>
          %dma_wait3A_294 = arith.constant 0 : i32
          %dma_wait3A_295 = tpu.memref_slice %arg12[%run_scoped3A_274, %dma_wait3A_294] : memref<4x128xi32, #tpu.memory_space<vmem>> -> memref<1x128xi32, #tpu.memory_space<vmem>>
          %dma_wait3A_296 = tpu.memref_squeeze %dma_wait3A_295 : memref<1x128xi32, #tpu.memory_space<vmem>> -> memref<128xi32, #tpu.memory_space<vmem>>
          %dma_wait3A_297 = arith.constant 0 : i32
          %dma_wait3A_298 = arith.constant 0 : i32
          %dma_wait3A_299 = tpu.memref_slice %arg22[%dma_wait3A_297, %dma_wait3A_298] : memref<50176x16xf32, #tpu.memory_space<vmem_shared>> -> memref<50176x16xf32, #tpu.memory_space<vmem_shared>>
          tpu.wait_indirect_dma semaphore(%run_scoped3A_281 : memref<!tpu.dma_semaphore, #tpu.memory_space<semaphore_mem>>) src(%dma_wait3A_293 : memref<128x16xf32, #tpu.memory_space<vmem>>) dst(%dma_wait3A_299 : memref<50176x16xf32, #tpu.memory_space<vmem_shared>>)
          tpu.yield
        }) : () -> ()
        %dma_wait3A_275 = arith.constant 0 : i32
        %dma_wait3A_276 = arith.constant 0 : i32
        %dma_wait3A_277 = tpu.memref_slice %arg7[%dma_wait3A_275, %dma_wait3A_276] : memref<819200x16xf32, #tpu.memory_space<hbm>> -> memref<512x16xf32, #tpu.memory_space<hbm>>
        %dma_wait3A_278 = arith.constant 0 : i32
        %dma_wait3A_279 = arith.constant 0 : i32
        %dma_wait3A_280 = tpu.memref_slice %arg7[%dma_wait3A_278, %dma_wait3A_279] : memref<819200x16xf32, #tpu.memory_space<hbm>> -> memref<512x16xf32, #tpu.memory_space<hbm>>
        tpu.wait_dma2 semaphore(%arg28 : memref<!tpu.dma_semaphore, #tpu.memory_space<semaphore_mem>>) src(%arg18 : memref<512x16xf32, #tpu.memory_space<vmem>>) dst(%dma_wait3A_280 : memref<512x16xf32, #tpu.memory_space<hbm>>)
      } else {
      }
    }
    %scan3A_116 = arith.constant 50 : i32
    %barrier3A_117 = arith.constant 0 : index
    tpu.barrier barrier_id(%barrier3A_117)
    %scan3A_118 = arith.constant 0 : i32
    %scan3A_119 = arith.constant 7 : i32
    %scan3A_120 = arith.addi %scan3A_118, %scan3A_119 : i32
    %scan3A_121 = arith.constant 1 : i32
    scf.for %scan3A_123 = %scan3A_118 to %scan3A_120 step %scan3A_121  : i32 {
      %mul3A_124 = arith.constant 1 : i32
      %mul3A_125 = arith.muli %scan3A_123, %mul3A_124 : i32
      %add3A_126 = arith.constant 0 : i32
      %add3A_127 = arith.addi %add3A_126, %mul3A_125 : i32
      %mul3A_128 = arith.constant 16 : i32
      %mul3A_129 = arith.muli %add3A_127, %mul3A_128 : i32
      %add3A_130 = arith.addi %arg1, %mul3A_129 : i32
      %lt3A = arith.constant 98 : i32
      %lt3A_131 = arith.cmpi slt, %add3A_130, %lt3A : i32
      %convert_element_type3A = arith.extui %lt3A_131 : i1 to i32
      %cond3A = arith.constant 0 : i32
      %cond3A_132 = arith.cmpi ne, %convert_element_type3A, %cond3A : i32
      scf.if %cond3A_132 {
        %mul3A_133 = arith.constant 512 : i32
        %mul3A_134 = arith.muli %add3A_130, %mul3A_133 : i32
        %mul3A_135 = arith.constant 512 : i32
        %mul3A_136 = arith.muli %add3A_130, %mul3A_135 : i32
        "tpu.region"() ({
          %run_scoped3A = tpu.sem_alloc : memref<!tpu.dma_semaphore, #tpu.memory_space<semaphore_mem>>
          %dma_start3A_137 = arith.constant 0 : i32
          %dma_start3A_138 = tpu.memref_slice %arg8[%arg0, %mul3A_136, %dma_start3A_137] : memref<2x50176x16xf32, #tpu.memory_space<hbm>> -> memref<1x512x16xf32, #tpu.memory_space<hbm>>
          %dma_start3A_139 = tpu.memref_squeeze %dma_start3A_138 : memref<1x512x16xf32, #tpu.memory_space<hbm>> -> memref<512x16xf32, #tpu.memory_space<hbm>>
          %dma_start3A_140 = arith.constant 0 : i32
          %dma_start3A_141 = tpu.memref_slice %arg22[%mul3A_134, %dma_start3A_140] : memref<50176x16xf32, #tpu.memory_space<vmem_shared>> -> memref<512x16xf32, #tpu.memory_space<vmem_shared>>
          tpu.enqueue_dma source(%dma_start3A_141 : memref<512x16xf32, #tpu.memory_space<vmem_shared>>) target(%dma_start3A_139 : memref<512x16xf32, #tpu.memory_space<hbm>>) target_semaphore(%run_scoped3A : memref<!tpu.dma_semaphore, #tpu.memory_space<semaphore_mem>>)
          %dma_wait3A_142 = arith.constant 0 : i32
          %dma_wait3A_143 = tpu.memref_slice %arg8[%arg0, %mul3A_136, %dma_wait3A_142] : memref<2x50176x16xf32, #tpu.memory_space<hbm>> -> memref<1x512x16xf32, #tpu.memory_space<hbm>>
          %dma_wait3A_144 = tpu.memref_squeeze %dma_wait3A_143 : memref<1x512x16xf32, #tpu.memory_space<hbm>> -> memref<512x16xf32, #tpu.memory_space<hbm>>
          %dma_wait3A_145 = arith.constant 0 : i32
          %dma_wait3A_146 = tpu.memref_slice %arg22[%mul3A_134, %dma_wait3A_145] : memref<50176x16xf32, #tpu.memory_space<vmem_shared>> -> memref<512x16xf32, #tpu.memory_space<vmem_shared>>
          tpu.wait_dma2 semaphore(%run_scoped3A : memref<!tpu.dma_semaphore, #tpu.memory_space<semaphore_mem>>) src(%dma_wait3A_146 : memref<512x16xf32, #tpu.memory_space<vmem_shared>>) dst(%dma_wait3A_144 : memref<512x16xf32, #tpu.memory_space<hbm>>)
          tpu.yield
        }) : () -> ()
      } else {
      }
    }
    %scan3A_122 = arith.constant 7 : i32
    return
  }
}

#map = affine_map<(d0, d1) -> (0, 0)>
#map1 = affine_map<(d0, d1) -> (0, 0, 0)>
module attributes {stable_mosaic.version = 14 : i64} {
  func.func @_pass2_body(%arg0: i32, %arg1: i32, %arg2: memref<6400x128xi32, #tpu.memory_space<hbm>>, %arg3: memref<6400x128xi32, #tpu.memory_space<hbm>>, %arg4: memref<819200x16xf32, #tpu.memory_space<hbm>>, %arg5: memref<2x50000x16xf32, #tpu.memory_space<hbm>>, %arg6: memref<2x50176x16xf32, #tpu.memory_space<hbm>>, %arg7: memref<4x128xi32, #tpu.memory_space<vmem>>, %arg8: memref<4x128xi32, #tpu.memory_space<vmem>>, %arg9: memref<4x128xi32, #tpu.memory_space<vmem>>, %arg10: memref<4x128xi32, #tpu.memory_space<vmem>>, %arg11: memref<512x16xf32, #tpu.memory_space<vmem>>, %arg12: memref<512x16xf32, #tpu.memory_space<vmem>>, %arg13: memref<512x16xf32, #tpu.memory_space<vmem>>, %arg14: memref<512x16xf32, #tpu.memory_space<vmem>>, %arg15: memref<512x16xf32, #tpu.memory_space<vmem>>, %arg16: memref<512x16xf32, #tpu.memory_space<vmem>>, %arg17: memref<4x128xi32, #tpu.memory_space<vmem>>, %arg18: memref<4x128xi32, #tpu.memory_space<vmem>>, %arg19: memref<50176x16xf32, #tpu.memory_space<vmem_shared>>, %arg20: memref<!tpu.dma_semaphore, #tpu.memory_space<semaphore_mem>>, %arg21: memref<!tpu.dma_semaphore, #tpu.memory_space<semaphore_mem>>, %arg22: memref<!tpu.dma_semaphore, #tpu.memory_space<semaphore_mem>>, %arg23: memref<!tpu.dma_semaphore, #tpu.memory_space<semaphore_mem>>, %arg24: memref<!tpu.dma_semaphore, #tpu.memory_space<semaphore_mem>>, %arg25: memref<!tpu.dma_semaphore, #tpu.memory_space<semaphore_mem>>) attributes {dimension_semantics = [#tpu.dimension_semantics<core_parallel>, #tpu.dimension_semantics<subcore_parallel>], iteration_bounds = array<i64: 2, 16>, scalar_prefetch = 0 : i64, scratch_operands = 19 : i64, tpu.core_type = #tpu.core_type<sc_vector_subcore>, window_params = [{transform_indices = #map}, {transform_indices = #map}, {transform_indices = #map}, {transform_indices = #map1}, {transform_indices = #map1}]} {
    %scan3A = arith.constant 0 : i32
    %scan3A_0 = arith.constant 512 : i32
    %scan3A_1 = arith.addi %scan3A, %scan3A_0 : i32
    %scan3A_2 = arith.constant 1 : i32
    scf.for %scan3A_112 = %scan3A to %scan3A_1 step %scan3A_2  : i32 {
      %mul3A_113 = arith.constant 1 : i32
      %mul3A_114 = arith.muli %scan3A_112, %mul3A_113 : i32
      %add3A_115 = arith.constant 0 : i32
      %add3A_116 = arith.addi %add3A_115, %mul3A_114 : i32
      %broadcast_in_dim3A = arith.constant 0.000000e+00 : f32
      %broadcast_in_dim3A_117 = vector.broadcast %broadcast_in_dim3A : f32 to vector<1x16xf32>
      %swap3A = arith.index_cast %add3A_116 : i32 to index
      %swap3A_118 = arith.constant 0 : index
      %swap3A_119 = tpu.vector_load %arg15[%swap3A, %swap3A_118] {strides = array<i32>} : memref<512x16xf32, #tpu.memory_space<vmem>>, vector<1x16xf32>,
      %swap3A_120 = vector.shape_cast %swap3A_119 : vector<1x16xf32> to vector<1x16xf32>
      %swap3A_121 = vector.shape_cast %broadcast_in_dim3A_117 : vector<1x16xf32> to vector<1x16xf32>
      tpu.vector_store %arg15[%swap3A, %swap3A_118], %swap3A_121 {strides = array<i32>} : memref<512x16xf32, #tpu.memory_space<vmem>>, vector<1x16xf32>,
    }
    %scan3A_3 = arith.constant 512 : i32
    %scan3A_4 = arith.constant 0 : i32
    %scan3A_5 = arith.constant 7 : i32
    %scan3A_6 = arith.addi %scan3A_4, %scan3A_5 : i32
    %scan3A_7 = arith.constant 1 : i32
    scf.for %scan3A_112 = %scan3A_4 to %scan3A_6 step %scan3A_7  : i32 {
      %mul3A_113 = arith.constant 1 : i32
      %mul3A_114 = arith.muli %scan3A_112, %mul3A_113 : i32
      %add3A_115 = arith.constant 0 : i32
      %add3A_116 = arith.addi %add3A_115, %mul3A_114 : i32
      %mul3A_117 = arith.constant 16 : i32
      %mul3A_118 = arith.muli %add3A_116, %mul3A_117 : i32
      %add3A_119 = arith.addi %arg1, %mul3A_118 : i32
      %lt3A = arith.constant 98 : i32
      %lt3A_120 = arith.cmpi slt, %add3A_119, %lt3A : i32
      %convert_element_type3A = arith.extui %lt3A_120 : i1 to i32
      %cond3A = arith.constant 0 : i32
      %cond3A_121 = arith.cmpi ne, %convert_element_type3A, %cond3A : i32
      scf.if %cond3A_121 {
        %mul3A_122 = arith.constant 512 : i32
        %mul3A_123 = arith.muli %add3A_119, %mul3A_122 : i32
        "tpu.region"() ({
          %run_scoped3A = tpu.sem_alloc : memref<!tpu.dma_semaphore, #tpu.memory_space<semaphore_mem>>
          %dma_start3A_124 = arith.constant 0 : i32
          %dma_start3A_125 = tpu.memref_slice %arg19[%mul3A_123, %dma_start3A_124] : memref<50176x16xf32, #tpu.memory_space<vmem_shared>> -> memref<512x16xf32, #tpu.memory_space<vmem_shared>>
          %dma_start3A_126 = arith.constant 0 : i32
          %dma_start3A_127 = tpu.memref_slice %arg19[%mul3A_123, %dma_start3A_126] : memref<50176x16xf32, #tpu.memory_space<vmem_shared>> -> memref<512x16xf32, #tpu.memory_space<vmem_shared>>
          tpu.enqueue_dma source(%arg15 : memref<512x16xf32, #tpu.memory_space<vmem>>) target(%dma_start3A_127 : memref<512x16xf32, #tpu.memory_space<vmem_shared>>) target_semaphore(%run_scoped3A : memref<!tpu.dma_semaphore, #tpu.memory_space<semaphore_mem>>)
          %dma_wait3A_128 = arith.constant 0 : i32
          %dma_wait3A_129 = tpu.memref_slice %arg19[%mul3A_123, %dma_wait3A_128] : memref<50176x16xf32, #tpu.memory_space<vmem_shared>> -> memref<512x16xf32, #tpu.memory_space<vmem_shared>>
          %dma_wait3A_130 = arith.constant 0 : i32
          %dma_wait3A_131 = tpu.memref_slice %arg19[%mul3A_123, %dma_wait3A_130] : memref<50176x16xf32, #tpu.memory_space<vmem_shared>> -> memref<512x16xf32, #tpu.memory_space<vmem_shared>>
          tpu.wait_dma2 semaphore(%run_scoped3A : memref<!tpu.dma_semaphore, #tpu.memory_space<semaphore_mem>>) src(%arg15 : memref<512x16xf32, #tpu.memory_space<vmem>>) dst(%dma_wait3A_131 : memref<512x16xf32, #tpu.memory_space<vmem_shared>>)
          tpu.yield
        }) : () -> ()
      } else {
      }
    }
    %scan3A_8 = arith.constant 7 : i32
    %barrier3A = arith.constant 0 : index
    tpu.barrier barrier_id(%barrier3A)
    %mul3A = arith.constant 400 : i32
    %mul3A_9 = arith.muli %arg1, %mul3A : i32
    %add3A = arith.constant 0 : i32
    %add3A_10 = arith.addi %mul3A_9, %add3A : i32
    %mul3A_11 = arith.constant 100 : i32
    %mul3A_12 = arith.muli %arg1, %mul3A_11 : i32
    %add3A_13 = arith.constant 0 : i32
    %add3A_14 = arith.addi %mul3A_12, %add3A_13 : i32
    %mul3A_15 = arith.constant 512 : i32
    %mul3A_16 = arith.muli %add3A_14, %mul3A_15 : i32
    %dma_start3A = arith.constant 0 : i32
    %dma_start3A_17 = tpu.memref_slice %arg2[%add3A_10, %dma_start3A] : memref<6400x128xi32, #tpu.memory_space<hbm>> -> memref<4x128xi32, #tpu.memory_space<hbm>>
    %dma_start3A_18 = arith.constant 0 : i32
    %dma_start3A_19 = tpu.memref_slice %arg2[%add3A_10, %dma_start3A_18] : memref<6400x128xi32, #tpu.memory_space<hbm>> -> memref<4x128xi32, #tpu.memory_space<hbm>>
    tpu.enqueue_dma source(%dma_start3A_19 : memref<4x128xi32, #tpu.memory_space<hbm>>) target(%arg7 : memref<4x128xi32, #tpu.memory_space<vmem>>) target_semaphore(%arg20 : memref<!tpu.dma_semaphore, #tpu.memory_space<semaphore_mem>>)
    %dma_start3A_20 = arith.constant 0 : i32
    %dma_start3A_21 = tpu.memref_slice %arg3[%add3A_10, %dma_start3A_20] : memref<6400x128xi32, #tpu.memory_space<hbm>> -> memref<4x128xi32, #tpu.memory_space<hbm>>
    %dma_start3A_22 = arith.constant 0 : i32
    %dma_start3A_23 = tpu.memref_slice %arg3[%add3A_10, %dma_start3A_22] : memref<6400x128xi32, #tpu.memory_space<hbm>> -> memref<4x128xi32, #tpu.memory_space<hbm>>
    tpu.enqueue_dma source(%dma_start3A_23 : memref<4x128xi32, #tpu.memory_space<hbm>>) target(%arg9 : memref<4x128xi32, #tpu.memory_space<vmem>>) target_semaphore(%arg20 : memref<!tpu.dma_semaphore, #tpu.memory_space<semaphore_mem>>)
    %dma_start3A_24 = arith.constant 0 : i32
    %dma_start3A_25 = tpu.memref_slice %arg4[%mul3A_16, %dma_start3A_24] : memref<819200x16xf32, #tpu.memory_space<hbm>> -> memref<512x16xf32, #tpu.memory_space<hbm>>
    %dma_start3A_26 = arith.constant 0 : i32
    %dma_start3A_27 = tpu.memref_slice %arg4[%mul3A_16, %dma_start3A_26] : memref<819200x16xf32, #tpu.memory_space<hbm>> -> memref<512x16xf32, #tpu.memory_space<hbm>>
    tpu.enqueue_dma source(%dma_start3A_27 : memref<512x16xf32, #tpu.memory_space<hbm>>) target(%arg11 : memref<512x16xf32, #tpu.memory_space<vmem>>) target_semaphore(%arg20 : memref<!tpu.dma_semaphore, #tpu.memory_space<semaphore_mem>>)
    %dma_wait3A = arith.constant 0 : i32
    %dma_wait3A_28 = arith.constant 0 : i32
    %dma_wait3A_29 = tpu.memref_slice %arg2[%dma_wait3A, %dma_wait3A_28] : memref<6400x128xi32, #tpu.memory_space<hbm>> -> memref<4x128xi32, #tpu.memory_space<hbm>>
    %dma_wait3A_30 = arith.constant 0 : i32
    %dma_wait3A_31 = arith.constant 0 : i32
    %dma_wait3A_32 = tpu.memref_slice %arg2[%dma_wait3A_30, %dma_wait3A_31] : memref<6400x128xi32, #tpu.memory_space<hbm>> -> memref<4x128xi32, #tpu.memory_space<hbm>>
    tpu.wait_dma2 semaphore(%arg20 : memref<!tpu.dma_semaphore, #tpu.memory_space<semaphore_mem>>) src(%dma_wait3A_32 : memref<4x128xi32, #tpu.memory_space<hbm>>) dst(%arg7 : memref<4x128xi32, #tpu.memory_space<vmem>>)
    %dma_wait3A_33 = arith.constant 0 : i32
    %dma_wait3A_34 = arith.constant 0 : i32
    %dma_wait3A_35 = tpu.memref_slice %arg3[%dma_wait3A_33, %dma_wait3A_34] : memref<6400x128xi32, #tpu.memory_space<hbm>> -> memref<4x128xi32, #tpu.memory_space<hbm>>
    %dma_wait3A_36 = arith.constant 0 : i32
    %dma_wait3A_37 = arith.constant 0 : i32
    %dma_wait3A_38 = tpu.memref_slice %arg3[%dma_wait3A_36, %dma_wait3A_37] : memref<6400x128xi32, #tpu.memory_space<hbm>> -> memref<4x128xi32, #tpu.memory_space<hbm>>
    tpu.wait_dma2 semaphore(%arg20 : memref<!tpu.dma_semaphore, #tpu.memory_space<semaphore_mem>>) src(%dma_wait3A_38 : memref<4x128xi32, #tpu.memory_space<hbm>>) dst(%arg9 : memref<4x128xi32, #tpu.memory_space<vmem>>)
    %dma_wait3A_39 = arith.constant 0 : i32
    %dma_wait3A_40 = arith.constant 0 : i32
    %dma_wait3A_41 = tpu.memref_slice %arg4[%dma_wait3A_39, %dma_wait3A_40] : memref<819200x16xf32, #tpu.memory_space<hbm>> -> memref<512x16xf32, #tpu.memory_space<hbm>>
    %dma_wait3A_42 = arith.constant 0 : i32
    %dma_wait3A_43 = arith.constant 0 : i32
    %dma_wait3A_44 = tpu.memref_slice %arg4[%dma_wait3A_42, %dma_wait3A_43] : memref<819200x16xf32, #tpu.memory_space<hbm>> -> memref<512x16xf32, #tpu.memory_space<hbm>>
    tpu.wait_dma2 semaphore(%arg20 : memref<!tpu.dma_semaphore, #tpu.memory_space<semaphore_mem>>) src(%dma_wait3A_44 : memref<512x16xf32, #tpu.memory_space<hbm>>) dst(%arg11 : memref<512x16xf32, #tpu.memory_space<vmem>>)
    %dma_start3A_45 = arith.constant 0 : i32
    %dma_start3A_46 = arith.constant 0 : i32
    %dma_start3A_47 = arith.constant 0 : i32
    %dma_start3A_48 = tpu.memref_slice %arg13[%dma_start3A_46, %dma_start3A_47] : memref<512x16xf32, #tpu.memory_space<vmem>> -> memref<128x16xf32, #tpu.memory_space<vmem>>
    %dma_start3A_49 = arith.constant 0 : i32
    %dma_start3A_50 = tpu.memref_slice %arg7[%dma_start3A_45, %dma_start3A_49] : memref<4x128xi32, #tpu.memory_space<vmem>> -> memref<1x128xi32, #tpu.memory_space<vmem>>
    %dma_start3A_51 = tpu.memref_squeeze %dma_start3A_50 : memref<1x128xi32, #tpu.memory_space<vmem>> -> memref<128xi32, #tpu.memory_space<vmem>>
    %dma_start3A_52 = arith.constant 0 : i32
    %dma_start3A_53 = arith.constant 0 : i32
    %dma_start3A_54 = tpu.memref_slice %arg5[%arg0, %dma_start3A_52, %dma_start3A_53] : memref<2x50000x16xf32, #tpu.memory_space<hbm>> -> memref<1x50000x16xf32, #tpu.memory_space<hbm>>
    %dma_start3A_55 = tpu.memref_squeeze %dma_start3A_54 : memref<1x50000x16xf32, #tpu.memory_space<hbm>> -> memref<50000x16xf32, #tpu.memory_space<hbm>>
    %dma_start3A_56 = arith.constant 0 : i32
    %dma_start3A_57 = arith.constant 0 : i32
    %dma_start3A_58 = tpu.memref_slice %dma_start3A_55[%dma_start3A_56, %dma_start3A_57] : memref<50000x16xf32, #tpu.memory_space<hbm>> -> memref<50000x16xf32, #tpu.memory_space<hbm>>
    tpu.enqueue_indirect_dma source(%dma_start3A_58 : memref<50000x16xf32, #tpu.memory_space<hbm>>) target(%dma_start3A_48 : memref<128x16xf32, #tpu.memory_space<vmem>>) offsets(%dma_start3A_51 : memref<128xi32, #tpu.memory_space<vmem>>) semaphore(%arg22 : memref<!tpu.dma_semaphore, #tpu.memory_space<semaphore_mem>>)
    %dma_start3A_59 = arith.constant 1 : i32
    %dma_start3A_60 = arith.constant 128 : i32
    %dma_start3A_61 = arith.constant 0 : i32
    %dma_start3A_62 = tpu.memref_slice %arg13[%dma_start3A_60, %dma_start3A_61] : memref<512x16xf32, #tpu.memory_space<vmem>> -> memref<128x16xf32, #tpu.memory_space<vmem>>
    %dma_start3A_63 = arith.constant 0 : i32
    %dma_start3A_64 = tpu.memref_slice %arg7[%dma_start3A_59, %dma_start3A_63] : memref<4x128xi32, #tpu.memory_space<vmem>> -> memref<1x128xi32, #tpu.memory_space<vmem>>
    %dma_start3A_65 = tpu.memref_squeeze %dma_start3A_64 : memref<1x128xi32, #tpu.memory_space<vmem>> -> memref<128xi32, #tpu.memory_space<vmem>>
    %dma_start3A_66 = arith.constant 0 : i32
    %dma_start3A_67 = arith.constant 0 : i32
    %dma_start3A_68 = tpu.memref_slice %arg5[%arg0, %dma_start3A_66, %dma_start3A_67] : memref<2x50000x16xf32, #tpu.memory_space<hbm>> -> memref<1x50000x16xf32, #tpu.memory_space<hbm>>
    %dma_start3A_69 = tpu.memref_squeeze %dma_start3A_68 : memref<1x50000x16xf32, #tpu.memory_space<hbm>> -> memref<50000x16xf32, #tpu.memory_space<hbm>>
    %dma_start3A_70 = arith.constant 0 : i32
    %dma_start3A_71 = arith.constant 0 : i32
    %dma_start3A_72 = tpu.memref_slice %dma_start3A_69[%dma_start3A_70, %dma_start3A_71] : memref<50000x16xf32, #tpu.memory_space<hbm>> -> memref<50000x16xf32, #tpu.memory_space<hbm>>
    tpu.enqueue_indirect_dma source(%dma_start3A_72 : memref<50000x16xf32, #tpu.memory_space<hbm>>) target(%dma_start3A_62 : memref<128x16xf32, #tpu.memory_space<vmem>>) offsets(%dma_start3A_65 : memref<128xi32, #tpu.memory_space<vmem>>) semaphore(%arg22 : memref<!tpu.dma_semaphore, #tpu.memory_space<semaphore_mem>>)
    %dma_start3A_73 = arith.constant 2 : i32
    %dma_start3A_74 = arith.constant 256 : i32
    %dma_start3A_75 = arith.constant 0 : i32
    %dma_start3A_76 = tpu.memref_slice %arg13[%dma_start3A_74, %dma_start3A_75] : memref<512x16xf32, #tpu.memory_space<vmem>> -> memref<128x16xf32, #tpu.memory_space<vmem>>
    %dma_start3A_77 = arith.constant 0 : i32
    %dma_start3A_78 = tpu.memref_slice %arg7[%dma_start3A_73, %dma_start3A_77] : memref<4x128xi32, #tpu.memory_space<vmem>> -> memref<1x128xi32, #tpu.memory_space<vmem>>
    %dma_start3A_79 = tpu.memref_squeeze %dma_start3A_78 : memref<1x128xi32, #tpu.memory_space<vmem>> -> memref<128xi32, #tpu.memory_space<vmem>>
    %dma_start3A_80 = arith.constant 0 : i32
    %dma_start3A_81 = arith.constant 0 : i32
    %dma_start3A_82 = tpu.memref_slice %arg5[%arg0, %dma_start3A_80, %dma_start3A_81] : memref<2x50000x16xf32, #tpu.memory_space<hbm>> -> memref<1x50000x16xf32, #tpu.memory_space<hbm>>
    %dma_start3A_83 = tpu.memref_squeeze %dma_start3A_82 : memref<1x50000x16xf32, #tpu.memory_space<hbm>> -> memref<50000x16xf32, #tpu.memory_space<hbm>>
    %dma_start3A_84 = arith.constant 0 : i32
    %dma_start3A_85 = arith.constant 0 : i32
    %dma_start3A_86 = tpu.memref_slice %dma_start3A_83[%dma_start3A_84, %dma_start3A_85] : memref<50000x16xf32, #tpu.memory_space<hbm>> -> memref<50000x16xf32, #tpu.memory_space<hbm>>
    tpu.enqueue_indirect_dma source(%dma_start3A_86 : memref<50000x16xf32, #tpu.memory_space<hbm>>) target(%dma_start3A_76 : memref<128x16xf32, #tpu.memory_space<vmem>>) offsets(%dma_start3A_79 : memref<128xi32, #tpu.memory_space<vmem>>) semaphore(%arg22 : memref<!tpu.dma_semaphore, #tpu.memory_space<semaphore_mem>>)
    %dma_start3A_87 = arith.constant 3 : i32
    %dma_start3A_88 = arith.constant 384 : i32
    %dma_start3A_89 = arith.constant 0 : i32
    %dma_start3A_90 = tpu.memref_slice %arg13[%dma_start3A_88, %dma_start3A_89] : memref<512x16xf32, #tpu.memory_space<vmem>> -> memref<128x16xf32, #tpu.memory_space<vmem>>
    %dma_start3A_91 = arith.constant 0 : i32
    %dma_start3A_92 = tpu.memref_slice %arg7[%dma_start3A_87, %dma_start3A_91] : memref<4x128xi32, #tpu.memory_space<vmem>> -> memref<1x128xi32, #tpu.memory_space<vmem>>
    %dma_start3A_93 = tpu.memref_squeeze %dma_start3A_92 : memref<1x128xi32, #tpu.memory_space<vmem>> -> memref<128xi32, #tpu.memory_space<vmem>>
    %dma_start3A_94 = arith.constant 0 : i32
    %dma_start3A_95 = arith.constant 0 : i32
    %dma_start3A_96 = tpu.memref_slice %arg5[%arg0, %dma_start3A_94, %dma_start3A_95] : memref<2x50000x16xf32, #tpu.memory_space<hbm>> -> memref<1x50000x16xf32, #tpu.memory_space<hbm>>
    %dma_start3A_97 = tpu.memref_squeeze %dma_start3A_96 : memref<1x50000x16xf32, #tpu.memory_space<hbm>> -> memref<50000x16xf32, #tpu.memory_space<hbm>>
    %dma_start3A_98 = arith.constant 0 : i32
    %dma_start3A_99 = arith.constant 0 : i32
    %dma_start3A_100 = tpu.memref_slice %dma_start3A_97[%dma_start3A_98, %dma_start3A_99] : memref<50000x16xf32, #tpu.memory_space<hbm>> -> memref<50000x16xf32, #tpu.memory_space<hbm>>
    tpu.enqueue_indirect_dma source(%dma_start3A_100 : memref<50000x16xf32, #tpu.memory_space<hbm>>) target(%dma_start3A_90 : memref<128x16xf32, #tpu.memory_space<vmem>>) offsets(%dma_start3A_93 : memref<128xi32, #tpu.memory_space<vmem>>) semaphore(%arg22 : memref<!tpu.dma_semaphore, #tpu.memory_space<semaphore_mem>>)
    %scan3A_101 = arith.constant 0 : i32
    %scan3A_102 = arith.constant 100 : i32
    %scan3A_103 = arith.addi %scan3A_101, %scan3A_102 : i32
    %scan3A_104 = arith.constant 1 : i32
    scf.for %scan3A_112 = %scan3A_101 to %scan3A_103 step %scan3A_104  : i32 {
      %mul3A_113 = arith.constant 1 : i32
      %mul3A_114 = arith.muli %scan3A_112, %mul3A_113 : i32
      %add3A_115 = arith.constant 0 : i32
      %add3A_116 = arith.addi %add3A_115, %mul3A_114 : i32
      %jit3A = arith.constant 2 : i32
      %eq3A = arith.constant 0 : i32
      %eq3A_117 = arith.cmpi eq, %jit3A, %eq3A : i32
      %jit3A_118 = arith.constant 1 : i32
      %select_n3A = arith.select %eq3A_117, %jit3A_118, %jit3A : i32
      %rem3A = arith.remsi %add3A_116, %select_n3A : i32
      %ne3A = arith.constant 0 : i32
      %ne3A_119 = arith.cmpi ne, %rem3A, %ne3A : i32
      %lt3A = arith.constant 0 : i32
      %lt3A_120 = arith.cmpi slt, %rem3A, %lt3A : i32
      %lt3A_121 = arith.constant 0 : i32
      %lt3A_122 = arith.cmpi slt, %select_n3A, %lt3A_121 : i32
      %ne3A_123 = arith.xori %lt3A_120, %lt3A_122 : i1
      %and3A = arith.andi %ne3A_123, %ne3A_119 : i1
      %add3A_124 = arith.addi %rem3A, %select_n3A : i32
      %select_n3A_125 = arith.select %and3A, %add3A_124, %rem3A : i32
      %eq3A_126 = arith.constant 0 : i32
      %eq3A_127 = arith.cmpi eq, %select_n3A_125, %eq3A_126 : i32
      %convert_element_type3A = arith.extui %eq3A_127 : i1 to i32
      %cond3A = arith.constant 0 : i32
      %cond3A_128 = arith.cmpi ne, %convert_element_type3A, %cond3A : i32
      scf.if %cond3A_128 {
        %add3A_150 = arith.constant 1 : i32
        %add3A_151 = arith.addi %add3A_116, %add3A_150 : i32
        %lt3A_152 = arith.constant 100 : i32
        %lt3A_153 = arith.cmpi slt, %add3A_151, %lt3A_152 : i32
        %convert_element_type3A_154 = arith.extui %lt3A_153 : i1 to i32
        %cond3A_155 = arith.constant 0 : i32
        %cond3A_156 = arith.cmpi ne, %convert_element_type3A_154, %cond3A_155 : i32
        scf.if %cond3A_156 {
          %add3A_228 = arith.constant 1 : i32
          %add3A_229 = arith.addi %add3A_116, %add3A_228 : i32
          %mul3A_230 = arith.constant 400 : i32
          %mul3A_231 = arith.muli %arg1, %mul3A_230 : i32
          %mul3A_232 = arith.constant 4 : i32
          %mul3A_233 = arith.muli %add3A_229, %mul3A_232 : i32
          %add3A_234 = arith.addi %mul3A_231, %mul3A_233 : i32
          %mul3A_235 = arith.constant 100 : i32
          %mul3A_236 = arith.muli %arg1, %mul3A_235 : i32
          %add3A_237 = arith.addi %mul3A_236, %add3A_229 : i32
          %mul3A_238 = arith.constant 512 : i32
          %mul3A_239 = arith.muli %add3A_237, %mul3A_238 : i32
          %dma_start3A_240 = arith.constant 0 : i32
          %dma_start3A_241 = tpu.memref_slice %arg2[%add3A_234, %dma_start3A_240] : memref<6400x128xi32, #tpu.memory_space<hbm>> -> memref<4x128xi32, #tpu.memory_space<hbm>>
          %dma_start3A_242 = arith.constant 0 : i32
          %dma_start3A_243 = tpu.memref_slice %arg2[%add3A_234, %dma_start3A_242] : memref<6400x128xi32, #tpu.memory_space<hbm>> -> memref<4x128xi32, #tpu.memory_space<hbm>>
          tpu.enqueue_dma source(%dma_start3A_243 : memref<4x128xi32, #tpu.memory_space<hbm>>) target(%arg8 : memref<4x128xi32, #tpu.memory_space<vmem>>) target_semaphore(%arg21 : memref<!tpu.dma_semaphore, #tpu.memory_space<semaphore_mem>>)
          %dma_start3A_244 = arith.constant 0 : i32
          %dma_start3A_245 = tpu.memref_slice %arg3[%add3A_234, %dma_start3A_244] : memref<6400x128xi32, #tpu.memory_space<hbm>> -> memref<4x128xi32, #tpu.memory_space<hbm>>
          %dma_start3A_246 = arith.constant 0 : i32
          %dma_start3A_247 = tpu.memref_slice %arg3[%add3A_234, %dma_start3A_246] : memref<6400x128xi32, #tpu.memory_space<hbm>> -> memref<4x128xi32, #tpu.memory_space<hbm>>
          tpu.enqueue_dma source(%dma_start3A_247 : memref<4x128xi32, #tpu.memory_space<hbm>>) target(%arg10 : memref<4x128xi32, #tpu.memory_space<vmem>>) target_semaphore(%arg21 : memref<!tpu.dma_semaphore, #tpu.memory_space<semaphore_mem>>)
          %dma_start3A_248 = arith.constant 0 : i32
          %dma_start3A_249 = tpu.memref_slice %arg4[%mul3A_239, %dma_start3A_248] : memref<819200x16xf32, #tpu.memory_space<hbm>> -> memref<512x16xf32, #tpu.memory_space<hbm>>
          %dma_start3A_250 = arith.constant 0 : i32
          %dma_start3A_251 = tpu.memref_slice %arg4[%mul3A_239, %dma_start3A_250] : memref<819200x16xf32, #tpu.memory_space<hbm>> -> memref<512x16xf32, #tpu.memory_space<hbm>>
          tpu.enqueue_dma source(%dma_start3A_251 : memref<512x16xf32, #tpu.memory_space<hbm>>) target(%arg12 : memref<512x16xf32, #tpu.memory_space<vmem>>) target_semaphore(%arg21 : memref<!tpu.dma_semaphore, #tpu.memory_space<semaphore_mem>>)
        } else {
        }
        %dma_wait3A_157 = arith.constant 0 : i32
        %dma_wait3A_158 = arith.constant 0 : i32
        %dma_wait3A_159 = arith.constant 0 : i32
        %dma_wait3A_160 = tpu.memref_slice %arg13[%dma_wait3A_158, %dma_wait3A_159] : memref<512x16xf32, #tpu.memory_space<vmem>> -> memref<128x16xf32, #tpu.memory_space<vmem>>
        %dma_wait3A_161 = arith.constant 0 : i32
        %dma_wait3A_162 = tpu.memref_slice %arg7[%dma_wait3A_157, %dma_wait3A_161] : memref<4x128xi32, #tpu.memory_space<vmem>> -> memref<1x128xi32, #tpu.memory_space<vmem>>
        %dma_wait3A_163 = tpu.memref_squeeze %dma_wait3A_162 : memref<1x128xi32, #tpu.memory_space<vmem>> -> memref<128xi32, #tpu.memory_space<vmem>>
        %dma_wait3A_164 = arith.constant 0 : i32
        %dma_wait3A_165 = arith.constant 0 : i32
        %dma_wait3A_166 = tpu.memref_slice %arg5[%arg0, %dma_wait3A_164, %dma_wait3A_165] : memref<2x50000x16xf32, #tpu.memory_space<hbm>> -> memref<1x50000x16xf32, #tpu.memory_space<hbm>>
        %dma_wait3A_167 = tpu.memref_squeeze %dma_wait3A_166 : memref<1x50000x16xf32, #tpu.memory_space<hbm>> -> memref<50000x16xf32, #tpu.memory_space<hbm>>
        %dma_wait3A_168 = arith.constant 0 : i32
        %dma_wait3A_169 = arith.constant 0 : i32
        %dma_wait3A_170 = tpu.memref_slice %dma_wait3A_167[%dma_wait3A_168, %dma_wait3A_169] : memref<50000x16xf32, #tpu.memory_space<hbm>> -> memref<50000x16xf32, #tpu.memory_space<hbm>>
        tpu.wait_indirect_dma semaphore(%arg22 : memref<!tpu.dma_semaphore, #tpu.memory_space<semaphore_mem>>) src(%dma_wait3A_170 : memref<50000x16xf32, #tpu.memory_space<hbm>>) dst(%dma_wait3A_160 : memref<128x16xf32, #tpu.memory_space<vmem>>)
        %dma_wait3A_171 = arith.constant 1 : i32
        %dma_wait3A_172 = arith.constant 128 : i32
        %dma_wait3A_173 = arith.constant 0 : i32
        %dma_wait3A_174 = tpu.memref_slice %arg13[%dma_wait3A_172, %dma_wait3A_173] : memref<512x16xf32, #tpu.memory_space<vmem>> -> memref<128x16xf32, #tpu.memory_space<vmem>>
        %dma_wait3A_175 = arith.constant 0 : i32
        %dma_wait3A_176 = tpu.memref_slice %arg7[%dma_wait3A_171, %dma_wait3A_175] : memref<4x128xi32, #tpu.memory_space<vmem>> -> memref<1x128xi32, #tpu.memory_space<vmem>>
        %dma_wait3A_177 = tpu.memref_squeeze %dma_wait3A_176 : memref<1x128xi32, #tpu.memory_space<vmem>> -> memref<128xi32, #tpu.memory_space<vmem>>
        %dma_wait3A_178 = arith.constant 0 : i32
        %dma_wait3A_179 = arith.constant 0 : i32
        %dma_wait3A_180 = tpu.memref_slice %arg5[%arg0, %dma_wait3A_178, %dma_wait3A_179] : memref<2x50000x16xf32, #tpu.memory_space<hbm>> -> memref<1x50000x16xf32, #tpu.memory_space<hbm>>
        %dma_wait3A_181 = tpu.memref_squeeze %dma_wait3A_180 : memref<1x50000x16xf32, #tpu.memory_space<hbm>> -> memref<50000x16xf32, #tpu.memory_space<hbm>>
        %dma_wait3A_182 = arith.constant 0 : i32
        %dma_wait3A_183 = arith.constant 0 : i32
        %dma_wait3A_184 = tpu.memref_slice %dma_wait3A_181[%dma_wait3A_182, %dma_wait3A_183] : memref<50000x16xf32, #tpu.memory_space<hbm>> -> memref<50000x16xf32, #tpu.memory_space<hbm>>
        tpu.wait_indirect_dma semaphore(%arg22 : memref<!tpu.dma_semaphore, #tpu.memory_space<semaphore_mem>>) src(%dma_wait3A_184 : memref<50000x16xf32, #tpu.memory_space<hbm>>) dst(%dma_wait3A_174 : memref<128x16xf32, #tpu.memory_space<vmem>>)
        %dma_wait3A_185 = arith.constant 2 : i32
        %dma_wait3A_186 = arith.constant 256 : i32
        %dma_wait3A_187 = arith.constant 0 : i32
        %dma_wait3A_188 = tpu.memref_slice %arg13[%dma_wait3A_186, %dma_wait3A_187] : memref<512x16xf32, #tpu.memory_space<vmem>> -> memref<128x16xf32, #tpu.memory_space<vmem>>
        %dma_wait3A_189 = arith.constant 0 : i32
        %dma_wait3A_190 = tpu.memref_slice %arg7[%dma_wait3A_185, %dma_wait3A_189] : memref<4x128xi32, #tpu.memory_space<vmem>> -> memref<1x128xi32, #tpu.memory_space<vmem>>
        %dma_wait3A_191 = tpu.memref_squeeze %dma_wait3A_190 : memref<1x128xi32, #tpu.memory_space<vmem>> -> memref<128xi32, #tpu.memory_space<vmem>>
        %dma_wait3A_192 = arith.constant 0 : i32
        %dma_wait3A_193 = arith.constant 0 : i32
        %dma_wait3A_194 = tpu.memref_slice %arg5[%arg0, %dma_wait3A_192, %dma_wait3A_193] : memref<2x50000x16xf32, #tpu.memory_space<hbm>> -> memref<1x50000x16xf32, #tpu.memory_space<hbm>>
        %dma_wait3A_195 = tpu.memref_squeeze %dma_wait3A_194 : memref<1x50000x16xf32, #tpu.memory_space<hbm>> -> memref<50000x16xf32, #tpu.memory_space<hbm>>
        %dma_wait3A_196 = arith.constant 0 : i32
        %dma_wait3A_197 = arith.constant 0 : i32
        %dma_wait3A_198 = tpu.memref_slice %dma_wait3A_195[%dma_wait3A_196, %dma_wait3A_197] : memref<50000x16xf32, #tpu.memory_space<hbm>> -> memref<50000x16xf32, #tpu.memory_space<hbm>>
        tpu.wait_indirect_dma semaphore(%arg22 : memref<!tpu.dma_semaphore, #tpu.memory_space<semaphore_mem>>) src(%dma_wait3A_198 : memref<50000x16xf32, #tpu.memory_space<hbm>>) dst(%dma_wait3A_188 : memref<128x16xf32, #tpu.memory_space<vmem>>)
        %dma_wait3A_199 = arith.constant 3 : i32
        %dma_wait3A_200 = arith.constant 384 : i32
        %dma_wait3A_201 = arith.constant 0 : i32
        %dma_wait3A_202 = tpu.memref_slice %arg13[%dma_wait3A_200, %dma_wait3A_201] : memref<512x16xf32, #tpu.memory_space<vmem>> -> memref<128x16xf32, #tpu.memory_space<vmem>>
        %dma_wait3A_203 = arith.constant 0 : i32
        %dma_wait3A_204 = tpu.memref_slice %arg7[%dma_wait3A_199, %dma_wait3A_203] : memref<4x128xi32, #tpu.memory_space<vmem>> -> memref<1x128xi32, #tpu.memory_space<vmem>>
        %dma_wait3A_205 = tpu.memref_squeeze %dma_wait3A_204 : memref<1x128xi32, #tpu.memory_space<vmem>> -> memref<128xi32, #tpu.memory_space<vmem>>
        %dma_wait3A_206 = arith.constant 0 : i32
        %dma_wait3A_207 = arith.constant 0 : i32
        %dma_wait3A_208 = tpu.memref_slice %arg5[%arg0, %dma_wait3A_206, %dma_wait3A_207] : memref<2x50000x16xf32, #tpu.memory_space<hbm>> -> memref<1x50000x16xf32, #tpu.memory_space<hbm>>
        %dma_wait3A_209 = tpu.memref_squeeze %dma_wait3A_208 : memref<1x50000x16xf32, #tpu.memory_space<hbm>> -> memref<50000x16xf32, #tpu.memory_space<hbm>>
        %dma_wait3A_210 = arith.constant 0 : i32
        %dma_wait3A_211 = arith.constant 0 : i32
        %dma_wait3A_212 = tpu.memref_slice %dma_wait3A_209[%dma_wait3A_210, %dma_wait3A_211] : memref<50000x16xf32, #tpu.memory_space<hbm>> -> memref<50000x16xf32, #tpu.memory_space<hbm>>
        tpu.wait_indirect_dma semaphore(%arg22 : memref<!tpu.dma_semaphore, #tpu.memory_space<semaphore_mem>>) src(%dma_wait3A_212 : memref<50000x16xf32, #tpu.memory_space<hbm>>) dst(%dma_wait3A_202 : memref<128x16xf32, #tpu.memory_space<vmem>>)
        %add3A_213 = arith.constant 1 : i32
        %add3A_214 = arith.addi %add3A_116, %add3A_213 : i32
        %lt3A_215 = arith.constant 100 : i32
        %lt3A_216 = arith.cmpi slt, %add3A_214, %lt3A_215 : i32
        %convert_element_type3A_217 = arith.extui %lt3A_216 : i1 to i32
        %cond3A_218 = arith.constant 0 : i32
        %cond3A_219 = arith.cmpi ne, %convert_element_type3A_217, %cond3A_218 : i32
        scf.if %cond3A_219 {
          %dma_wait3A_228 = arith.constant 0 : i32
          %dma_wait3A_229 = arith.constant 0 : i32
          %dma_wait3A_230 = tpu.memref_slice %arg2[%dma_wait3A_228, %dma_wait3A_229] : memref<6400x128xi32, #tpu.memory_space<hbm>> -> memref<4x128xi32, #tpu.memory_space<hbm>>
          %dma_wait3A_231 = arith.constant 0 : i32
          %dma_wait3A_232 = arith.constant 0 : i32
          %dma_wait3A_233 = tpu.memref_slice %arg2[%dma_wait3A_231, %dma_wait3A_232] : memref<6400x128xi32, #tpu.memory_space<hbm>> -> memref<4x128xi32, #tpu.memory_space<hbm>>
          tpu.wait_dma2 semaphore(%arg21 : memref<!tpu.dma_semaphore, #tpu.memory_space<semaphore_mem>>) src(%dma_wait3A_233 : memref<4x128xi32, #tpu.memory_space<hbm>>) dst(%arg8 : memref<4x128xi32, #tpu.memory_space<vmem>>)
          %dma_wait3A_234 = arith.constant 0 : i32
          %dma_wait3A_235 = arith.constant 0 : i32
          %dma_wait3A_236 = tpu.memref_slice %arg3[%dma_wait3A_234, %dma_wait3A_235] : memref<6400x128xi32, #tpu.memory_space<hbm>> -> memref<4x128xi32, #tpu.memory_space<hbm>>
          %dma_wait3A_237 = arith.constant 0 : i32
          %dma_wait3A_238 = arith.constant 0 : i32
          %dma_wait3A_239 = tpu.memref_slice %arg3[%dma_wait3A_237, %dma_wait3A_238] : memref<6400x128xi32, #tpu.memory_space<hbm>> -> memref<4x128xi32, #tpu.memory_space<hbm>>
          tpu.wait_dma2 semaphore(%arg21 : memref<!tpu.dma_semaphore, #tpu.memory_space<semaphore_mem>>) src(%dma_wait3A_239 : memref<4x128xi32, #tpu.memory_space<hbm>>) dst(%arg10 : memref<4x128xi32, #tpu.memory_space<vmem>>)
          %dma_wait3A_240 = arith.constant 0 : i32
          %dma_wait3A_241 = arith.constant 0 : i32
          %dma_wait3A_242 = tpu.memref_slice %arg4[%dma_wait3A_240, %dma_wait3A_241] : memref<819200x16xf32, #tpu.memory_space<hbm>> -> memref<512x16xf32, #tpu.memory_space<hbm>>
          %dma_wait3A_243 = arith.constant 0 : i32
          %dma_wait3A_244 = arith.constant 0 : i32
          %dma_wait3A_245 = tpu.memref_slice %arg4[%dma_wait3A_243, %dma_wait3A_244] : memref<819200x16xf32, #tpu.memory_space<hbm>> -> memref<512x16xf32, #tpu.memory_space<hbm>>
          tpu.wait_dma2 semaphore(%arg21 : memref<!tpu.dma_semaphore, #tpu.memory_space<semaphore_mem>>) src(%dma_wait3A_245 : memref<512x16xf32, #tpu.memory_space<hbm>>) dst(%arg12 : memref<512x16xf32, #tpu.memory_space<vmem>>)
          %dma_start3A_246 = arith.constant 0 : i32
          %dma_start3A_247 = arith.constant 0 : i32
          %dma_start3A_248 = arith.constant 0 : i32
          %dma_start3A_249 = tpu.memref_slice %arg14[%dma_start3A_247, %dma_start3A_248] : memref<512x16xf32, #tpu.memory_space<vmem>> -> memref<128x16xf32, #tpu.memory_space<vmem>>
          %dma_start3A_250 = arith.constant 0 : i32
          %dma_start3A_251 = tpu.memref_slice %arg8[%dma_start3A_246, %dma_start3A_250] : memref<4x128xi32, #tpu.memory_space<vmem>> -> memref<1x128xi32, #tpu.memory_space<vmem>>
          %dma_start3A_252 = tpu.memref_squeeze %dma_start3A_251 : memref<1x128xi32, #tpu.memory_space<vmem>> -> memref<128xi32, #tpu.memory_space<vmem>>
          %dma_start3A_253 = arith.constant 0 : i32
          %dma_start3A_254 = arith.constant 0 : i32
          %dma_start3A_255 = tpu.memref_slice %arg5[%arg0, %dma_start3A_253, %dma_start3A_254] : memref<2x50000x16xf32, #tpu.memory_space<hbm>> -> memref<1x50000x16xf32, #tpu.memory_space<hbm>>
          %dma_start3A_256 = tpu.memref_squeeze %dma_start3A_255 : memref<1x50000x16xf32, #tpu.memory_space<hbm>> -> memref<50000x16xf32, #tpu.memory_space<hbm>>
          %dma_start3A_257 = arith.constant 0 : i32
          %dma_start3A_258 = arith.constant 0 : i32
          %dma_start3A_259 = tpu.memref_slice %dma_start3A_256[%dma_start3A_257, %dma_start3A_258] : memref<50000x16xf32, #tpu.memory_space<hbm>> -> memref<50000x16xf32, #tpu.memory_space<hbm>>
          tpu.enqueue_indirect_dma source(%dma_start3A_259 : memref<50000x16xf32, #tpu.memory_space<hbm>>) target(%dma_start3A_249 : memref<128x16xf32, #tpu.memory_space<vmem>>) offsets(%dma_start3A_252 : memref<128xi32, #tpu.memory_space<vmem>>) semaphore(%arg23 : memref<!tpu.dma_semaphore, #tpu.memory_space<semaphore_mem>>)
          %dma_start3A_260 = arith.constant 1 : i32
          %dma_start3A_261 = arith.constant 128 : i32
          %dma_start3A_262 = arith.constant 0 : i32
          %dma_start3A_263 = tpu.memref_slice %arg14[%dma_start3A_261, %dma_start3A_262] : memref<512x16xf32, #tpu.memory_space<vmem>> -> memref<128x16xf32, #tpu.memory_space<vmem>>
          %dma_start3A_264 = arith.constant 0 : i32
          %dma_start3A_265 = tpu.memref_slice %arg8[%dma_start3A_260, %dma_start3A_264] : memref<4x128xi32, #tpu.memory_space<vmem>> -> memref<1x128xi32, #tpu.memory_space<vmem>>
          %dma_start3A_266 = tpu.memref_squeeze %dma_start3A_265 : memref<1x128xi32, #tpu.memory_space<vmem>> -> memref<128xi32, #tpu.memory_space<vmem>>
          %dma_start3A_267 = arith.constant 0 : i32
          %dma_start3A_268 = arith.constant 0 : i32
          %dma_start3A_269 = tpu.memref_slice %arg5[%arg0, %dma_start3A_267, %dma_start3A_268] : memref<2x50000x16xf32, #tpu.memory_space<hbm>> -> memref<1x50000x16xf32, #tpu.memory_space<hbm>>
          %dma_start3A_270 = tpu.memref_squeeze %dma_start3A_269 : memref<1x50000x16xf32, #tpu.memory_space<hbm>> -> memref<50000x16xf32, #tpu.memory_space<hbm>>
          %dma_start3A_271 = arith.constant 0 : i32
          %dma_start3A_272 = arith.constant 0 : i32
          %dma_start3A_273 = tpu.memref_slice %dma_start3A_270[%dma_start3A_271, %dma_start3A_272] : memref<50000x16xf32, #tpu.memory_space<hbm>> -> memref<50000x16xf32, #tpu.memory_space<hbm>>
          tpu.enqueue_indirect_dma source(%dma_start3A_273 : memref<50000x16xf32, #tpu.memory_space<hbm>>) target(%dma_start3A_263 : memref<128x16xf32, #tpu.memory_space<vmem>>) offsets(%dma_start3A_266 : memref<128xi32, #tpu.memory_space<vmem>>) semaphore(%arg23 : memref<!tpu.dma_semaphore, #tpu.memory_space<semaphore_mem>>)
          %dma_start3A_274 = arith.constant 2 : i32
          %dma_start3A_275 = arith.constant 256 : i32
          %dma_start3A_276 = arith.constant 0 : i32
          %dma_start3A_277 = tpu.memref_slice %arg14[%dma_start3A_275, %dma_start3A_276] : memref<512x16xf32, #tpu.memory_space<vmem>> -> memref<128x16xf32, #tpu.memory_space<vmem>>
          %dma_start3A_278 = arith.constant 0 : i32
          %dma_start3A_279 = tpu.memref_slice %arg8[%dma_start3A_274, %dma_start3A_278] : memref<4x128xi32, #tpu.memory_space<vmem>> -> memref<1x128xi32, #tpu.memory_space<vmem>>
          %dma_start3A_280 = tpu.memref_squeeze %dma_start3A_279 : memref<1x128xi32, #tpu.memory_space<vmem>> -> memref<128xi32, #tpu.memory_space<vmem>>
          %dma_start3A_281 = arith.constant 0 : i32
          %dma_start3A_282 = arith.constant 0 : i32
          %dma_start3A_283 = tpu.memref_slice %arg5[%arg0, %dma_start3A_281, %dma_start3A_282] : memref<2x50000x16xf32, #tpu.memory_space<hbm>> -> memref<1x50000x16xf32, #tpu.memory_space<hbm>>
          %dma_start3A_284 = tpu.memref_squeeze %dma_start3A_283 : memref<1x50000x16xf32, #tpu.memory_space<hbm>> -> memref<50000x16xf32, #tpu.memory_space<hbm>>
          %dma_start3A_285 = arith.constant 0 : i32
          %dma_start3A_286 = arith.constant 0 : i32
          %dma_start3A_287 = tpu.memref_slice %dma_start3A_284[%dma_start3A_285, %dma_start3A_286] : memref<50000x16xf32, #tpu.memory_space<hbm>> -> memref<50000x16xf32, #tpu.memory_space<hbm>>
          tpu.enqueue_indirect_dma source(%dma_start3A_287 : memref<50000x16xf32, #tpu.memory_space<hbm>>) target(%dma_start3A_277 : memref<128x16xf32, #tpu.memory_space<vmem>>) offsets(%dma_start3A_280 : memref<128xi32, #tpu.memory_space<vmem>>) semaphore(%arg23 : memref<!tpu.dma_semaphore, #tpu.memory_space<semaphore_mem>>)
          %dma_start3A_288 = arith.constant 3 : i32
          %dma_start3A_289 = arith.constant 384 : i32
          %dma_start3A_290 = arith.constant 0 : i32
          %dma_start3A_291 = tpu.memref_slice %arg14[%dma_start3A_289, %dma_start3A_290] : memref<512x16xf32, #tpu.memory_space<vmem>> -> memref<128x16xf32, #tpu.memory_space<vmem>>
          %dma_start3A_292 = arith.constant 0 : i32
          %dma_start3A_293 = tpu.memref_slice %arg8[%dma_start3A_288, %dma_start3A_292] : memref<4x128xi32, #tpu.memory_space<vmem>> -> memref<1x128xi32, #tpu.memory_space<vmem>>
          %dma_start3A_294 = tpu.memref_squeeze %dma_start3A_293 : memref<1x128xi32, #tpu.memory_space<vmem>> -> memref<128xi32, #tpu.memory_space<vmem>>
          %dma_start3A_295 = arith.constant 0 : i32
          %dma_start3A_296 = arith.constant 0 : i32
          %dma_start3A_297 = tpu.memref_slice %arg5[%arg0, %dma_start3A_295, %dma_start3A_296] : memref<2x50000x16xf32, #tpu.memory_space<hbm>> -> memref<1x50000x16xf32, #tpu.memory_space<hbm>>
          %dma_start3A_298 = tpu.memref_squeeze %dma_start3A_297 : memref<1x50000x16xf32, #tpu.memory_space<hbm>> -> memref<50000x16xf32, #tpu.memory_space<hbm>>
          %dma_start3A_299 = arith.constant 0 : i32
          %dma_start3A_300 = arith.constant 0 : i32
          %dma_start3A_301 = tpu.memref_slice %dma_start3A_298[%dma_start3A_299, %dma_start3A_300] : memref<50000x16xf32, #tpu.memory_space<hbm>> -> memref<50000x16xf32, #tpu.memory_space<hbm>>
          tpu.enqueue_indirect_dma source(%dma_start3A_301 : memref<50000x16xf32, #tpu.memory_space<hbm>>) target(%dma_start3A_291 : memref<128x16xf32, #tpu.memory_space<vmem>>) offsets(%dma_start3A_294 : memref<128xi32, #tpu.memory_space<vmem>>) semaphore(%arg23 : memref<!tpu.dma_semaphore, #tpu.memory_space<semaphore_mem>>)
        } else {
        }
        %scan3A_220 = arith.constant 0 : i32
        %scan3A_221 = arith.constant 128 : i32
        %scan3A_222 = arith.addi %scan3A_220, %scan3A_221 : i32
        %scan3A_223 = arith.constant 1 : i32
        scf.for %scan3A_228 = %scan3A_220 to %scan3A_222 step %scan3A_223  : i32 {
          %mul3A_229 = arith.constant 4 : i32
          %mul3A_230 = arith.muli %scan3A_228, %mul3A_229 : i32
          %add3A_231 = arith.constant 0 : i32
          %add3A_232 = arith.addi %add3A_231, %mul3A_230 : i32
          %add3A_233 = arith.constant 0 : i32
          %add3A_234 = arith.addi %add3A_232, %add3A_233 : i32
          %get3A = arith.index_cast %add3A_234 : i32 to index
          %get3A_235 = arith.constant 0 : index
          %get3A_236 = tpu.vector_load %arg11[%get3A, %get3A_235] {strides = array<i32>} : memref<512x16xf32, #tpu.memory_space<vmem>>, vector<1x16xf32>,
          %get3A_237 = vector.shape_cast %get3A_236 : vector<1x16xf32> to vector<1x16xf32>
          %eq3A_238 = arith.constant 0 : i32
          %eq3A_239 = arith.cmpi eq, %arg0, %eq3A_238 : i32
          %slice3A = vector.extract_strided_slice %get3A_237 {offsets = [0, 2], sizes = [1, 1], strides = [1, 1]} : vector<1x16xf32> to vector<1x1xf32>
          %squeeze3A = vector.extract %slice3A[0, 0] : f32 from vector<1x1xf32>
          %slice3A_240 = vector.extract_strided_slice %get3A_237 {offsets = [0, 3], sizes = [1, 1], strides = [1, 1]} : vector<1x16xf32> to vector<1x1xf32>
          %squeeze3A_241 = vector.extract %slice3A_240[0, 0] : f32 from vector<1x1xf32>
          %select_n3A_242 = arith.select %eq3A_239, %squeeze3A, %squeeze3A_241 : f32
          %get3A_243 = arith.index_cast %add3A_234 : i32 to index
          %get3A_244 = arith.constant 0 : index
          %get3A_245 = tpu.vector_load %arg13[%get3A_243, %get3A_244] {strides = array<i32>} : memref<512x16xf32, #tpu.memory_space<vmem>>, vector<1x16xf32>,
          %get3A_246 = vector.shape_cast %get3A_245 : vector<1x16xf32> to vector<1x16xf32>
          %mul3A_247 = vector.broadcast %select_n3A_242 : f32 to vector<1x16xf32>
          %mul3A_248 = arith.mulf %get3A_246, %mul3A_247 : vector<1x16xf32>
          %swap3A = arith.index_cast %add3A_234 : i32 to index
          %swap3A_249 = arith.constant 0 : index
          %swap3A_250 = tpu.vector_load %arg15[%swap3A, %swap3A_249] {strides = array<i32>} : memref<512x16xf32, #tpu.memory_space<vmem>>, vector<1x16xf32>,
          %swap3A_251 = vector.shape_cast %swap3A_250 : vector<1x16xf32> to vector<1x16xf32>
          %swap3A_252 = vector.shape_cast %mul3A_248 : vector<1x16xf32> to vector<1x16xf32>
          tpu.vector_store %arg15[%swap3A, %swap3A_249], %swap3A_252 {strides = array<i32>} : memref<512x16xf32, #tpu.memory_space<vmem>>, vector<1x16xf32>,
          %add3A_253 = arith.constant 1 : i32
          %add3A_254 = arith.addi %add3A_232, %add3A_253 : i32
          %get3A_255 = arith.index_cast %add3A_254 : i32 to index
          %get3A_256 = arith.constant 0 : index
          %get3A_257 = tpu.vector_load %arg11[%get3A_255, %get3A_256] {strides = array<i32>} : memref<512x16xf32, #tpu.memory_space<vmem>>, vector<1x16xf32>,
          %get3A_258 = vector.shape_cast %get3A_257 : vector<1x16xf32> to vector<1x16xf32>
          %eq3A_259 = arith.constant 0 : i32
          %eq3A_260 = arith.cmpi eq, %arg0, %eq3A_259 : i32
          %slice3A_261 = vector.extract_strided_slice %get3A_258 {offsets = [0, 2], sizes = [1, 1], strides = [1, 1]} : vector<1x16xf32> to vector<1x1xf32>
          %squeeze3A_262 = vector.extract %slice3A_261[0, 0] : f32 from vector<1x1xf32>
          %slice3A_263 = vector.extract_strided_slice %get3A_258 {offsets = [0, 3], sizes = [1, 1], strides = [1, 1]} : vector<1x16xf32> to vector<1x1xf32>
          %squeeze3A_264 = vector.extract %slice3A_263[0, 0] : f32 from vector<1x1xf32>
          %select_n3A_265 = arith.select %eq3A_260, %squeeze3A_262, %squeeze3A_264 : f32
          %get3A_266 = arith.index_cast %add3A_254 : i32 to index
          %get3A_267 = arith.constant 0 : index
          %get3A_268 = tpu.vector_load %arg13[%get3A_266, %get3A_267] {strides = array<i32>} : memref<512x16xf32, #tpu.memory_space<vmem>>, vector<1x16xf32>,
          %get3A_269 = vector.shape_cast %get3A_268 : vector<1x16xf32> to vector<1x16xf32>
          %mul3A_270 = vector.broadcast %select_n3A_265 : f32 to vector<1x16xf32>
          %mul3A_271 = arith.mulf %get3A_269, %mul3A_270 : vector<1x16xf32>
          %swap3A_272 = arith.index_cast %add3A_254 : i32 to index
          %swap3A_273 = arith.constant 0 : index
          %swap3A_274 = tpu.vector_load %arg15[%swap3A_272, %swap3A_273] {strides = array<i32>} : memref<512x16xf32, #tpu.memory_space<vmem>>, vector<1x16xf32>,
          %swap3A_275 = vector.shape_cast %swap3A_274 : vector<1x16xf32> to vector<1x16xf32>
          %swap3A_276 = vector.shape_cast %mul3A_271 : vector<1x16xf32> to vector<1x16xf32>
          tpu.vector_store %arg15[%swap3A_272, %swap3A_273], %swap3A_276 {strides = array<i32>} : memref<512x16xf32, #tpu.memory_space<vmem>>, vector<1x16xf32>,
          %add3A_277 = arith.constant 2 : i32
          %add3A_278 = arith.addi %add3A_232, %add3A_277 : i32
          %get3A_279 = arith.index_cast %add3A_278 : i32 to index
          %get3A_280 = arith.constant 0 : index
          %get3A_281 = tpu.vector_load %arg11[%get3A_279, %get3A_280] {strides = array<i32>} : memref<512x16xf32, #tpu.memory_space<vmem>>, vector<1x16xf32>,
          %get3A_282 = vector.shape_cast %get3A_281 : vector<1x16xf32> to vector<1x16xf32>
          %eq3A_283 = arith.constant 0 : i32
          %eq3A_284 = arith.cmpi eq, %arg0, %eq3A_283 : i32
          %slice3A_285 = vector.extract_strided_slice %get3A_282 {offsets = [0, 2], sizes = [1, 1], strides = [1, 1]} : vector<1x16xf32> to vector<1x1xf32>
          %squeeze3A_286 = vector.extract %slice3A_285[0, 0] : f32 from vector<1x1xf32>
          %slice3A_287 = vector.extract_strided_slice %get3A_282 {offsets = [0, 3], sizes = [1, 1], strides = [1, 1]} : vector<1x16xf32> to vector<1x1xf32>
          %squeeze3A_288 = vector.extract %slice3A_287[0, 0] : f32 from vector<1x1xf32>
          %select_n3A_289 = arith.select %eq3A_284, %squeeze3A_286, %squeeze3A_288 : f32
          %get3A_290 = arith.index_cast %add3A_278 : i32 to index
          %get3A_291 = arith.constant 0 : index
          %get3A_292 = tpu.vector_load %arg13[%get3A_290, %get3A_291] {strides = array<i32>} : memref<512x16xf32, #tpu.memory_space<vmem>>, vector<1x16xf32>,
          %get3A_293 = vector.shape_cast %get3A_292 : vector<1x16xf32> to vector<1x16xf32>
          %mul3A_294 = vector.broadcast %select_n3A_289 : f32 to vector<1x16xf32>
          %mul3A_295 = arith.mulf %get3A_293, %mul3A_294 : vector<1x16xf32>
          %swap3A_296 = arith.index_cast %add3A_278 : i32 to index
          %swap3A_297 = arith.constant 0 : index
          %swap3A_298 = tpu.vector_load %arg15[%swap3A_296, %swap3A_297] {strides = array<i32>} : memref<512x16xf32, #tpu.memory_space<vmem>>, vector<1x16xf32>,
          %swap3A_299 = vector.shape_cast %swap3A_298 : vector<1x16xf32> to vector<1x16xf32>
          %swap3A_300 = vector.shape_cast %mul3A_295 : vector<1x16xf32> to vector<1x16xf32>
          tpu.vector_store %arg15[%swap3A_296, %swap3A_297], %swap3A_300 {strides = array<i32>} : memref<512x16xf32, #tpu.memory_space<vmem>>, vector<1x16xf32>,
          %add3A_301 = arith.constant 3 : i32
          %add3A_302 = arith.addi %add3A_232, %add3A_301 : i32
          %get3A_303 = arith.index_cast %add3A_302 : i32 to index
          %get3A_304 = arith.constant 0 : index
          %get3A_305 = tpu.vector_load %arg11[%get3A_303, %get3A_304] {strides = array<i32>} : memref<512x16xf32, #tpu.memory_space<vmem>>, vector<1x16xf32>,
          %get3A_306 = vector.shape_cast %get3A_305 : vector<1x16xf32> to vector<1x16xf32>
          %eq3A_307 = arith.constant 0 : i32
          %eq3A_308 = arith.cmpi eq, %arg0, %eq3A_307 : i32
          %slice3A_309 = vector.extract_strided_slice %get3A_306 {offsets = [0, 2], sizes = [1, 1], strides = [1, 1]} : vector<1x16xf32> to vector<1x1xf32>
          %squeeze3A_310 = vector.extract %slice3A_309[0, 0] : f32 from vector<1x1xf32>
          %slice3A_311 = vector.extract_strided_slice %get3A_306 {offsets = [0, 3], sizes = [1, 1], strides = [1, 1]} : vector<1x16xf32> to vector<1x1xf32>
          %squeeze3A_312 = vector.extract %slice3A_311[0, 0] : f32 from vector<1x1xf32>
          %select_n3A_313 = arith.select %eq3A_308, %squeeze3A_310, %squeeze3A_312 : f32
          %get3A_314 = arith.index_cast %add3A_302 : i32 to index
          %get3A_315 = arith.constant 0 : index
          %get3A_316 = tpu.vector_load %arg13[%get3A_314, %get3A_315] {strides = array<i32>} : memref<512x16xf32, #tpu.memory_space<vmem>>, vector<1x16xf32>,
          %get3A_317 = vector.shape_cast %get3A_316 : vector<1x16xf32> to vector<1x16xf32>
          %mul3A_318 = vector.broadcast %select_n3A_313 : f32 to vector<1x16xf32>
          %mul3A_319 = arith.mulf %get3A_317, %mul3A_318 : vector<1x16xf32>
          %swap3A_320 = arith.index_cast %add3A_302 : i32 to index
          %swap3A_321 = arith.constant 0 : index
          %swap3A_322 = tpu.vector_load %arg15[%swap3A_320, %swap3A_321] {strides = array<i32>} : memref<512x16xf32, #tpu.memory_space<vmem>>, vector<1x16xf32>,
          %swap3A_323 = vector.shape_cast %swap3A_322 : vector<1x16xf32> to vector<1x16xf32>
          %swap3A_324 = vector.shape_cast %mul3A_319 : vector<1x16xf32> to vector<1x16xf32>
          tpu.vector_store %arg15[%swap3A_320, %swap3A_321], %swap3A_324 {strides = array<i32>} : memref<512x16xf32, #tpu.memory_space<vmem>>, vector<1x16xf32>,
        }
        %scan3A_224 = arith.constant 128 : i32
        %run_scoped3A = arith.constant 0 : i32
        "tpu.region"() ({
          %run_scoped3A_228 = tpu.sem_alloc : memref<!tpu.dma_semaphore, #tpu.memory_space<semaphore_mem>>
          %dma_start3A_229 = arith.constant 0 : i32
          %dma_start3A_230 = arith.constant 0 : i32
          %dma_start3A_231 = tpu.memref_slice %arg15[%dma_start3A_229, %dma_start3A_230] : memref<512x16xf32, #tpu.memory_space<vmem>> -> memref<128x16xf32, #tpu.memory_space<vmem>>
          %dma_start3A_232 = arith.constant 0 : i32
          %dma_start3A_233 = tpu.memref_slice %arg9[%run_scoped3A, %dma_start3A_232] : memref<4x128xi32, #tpu.memory_space<vmem>> -> memref<1x128xi32, #tpu.memory_space<vmem>>
          %dma_start3A_234 = tpu.memref_squeeze %dma_start3A_233 : memref<1x128xi32, #tpu.memory_space<vmem>> -> memref<128xi32, #tpu.memory_space<vmem>>
          %dma_start3A_235 = arith.constant 0 : i32
          %dma_start3A_236 = arith.constant 0 : i32
          %dma_start3A_237 = tpu.memref_slice %arg19[%dma_start3A_235, %dma_start3A_236] : memref<50176x16xf32, #tpu.memory_space<vmem_shared>> -> memref<50176x16xf32, #tpu.memory_space<vmem_shared>>
          tpu.enqueue_indirect_dma source(%dma_start3A_231 : memref<128x16xf32, #tpu.memory_space<vmem>>) target(%dma_start3A_237 : memref<50176x16xf32, #tpu.memory_space<vmem_shared>>) offsets(%dma_start3A_234 : memref<128xi32, #tpu.memory_space<vmem>>) semaphore(%run_scoped3A_228 : memref<!tpu.dma_semaphore, #tpu.memory_space<semaphore_mem>>) {add = true}
          %dma_wait3A_238 = arith.constant 0 : i32
          %dma_wait3A_239 = arith.constant 0 : i32
          %dma_wait3A_240 = tpu.memref_slice %arg15[%dma_wait3A_238, %dma_wait3A_239] : memref<512x16xf32, #tpu.memory_space<vmem>> -> memref<128x16xf32, #tpu.memory_space<vmem>>
          %dma_wait3A_241 = arith.constant 0 : i32
          %dma_wait3A_242 = tpu.memref_slice %arg9[%run_scoped3A, %dma_wait3A_241] : memref<4x128xi32, #tpu.memory_space<vmem>> -> memref<1x128xi32, #tpu.memory_space<vmem>>
          %dma_wait3A_243 = tpu.memref_squeeze %dma_wait3A_242 : memref<1x128xi32, #tpu.memory_space<vmem>> -> memref<128xi32, #tpu.memory_space<vmem>>
          %dma_wait3A_244 = arith.constant 0 : i32
          %dma_wait3A_245 = arith.constant 0 : i32
          %dma_wait3A_246 = tpu.memref_slice %arg19[%dma_wait3A_244, %dma_wait3A_245] : memref<50176x16xf32, #tpu.memory_space<vmem_shared>> -> memref<50176x16xf32, #tpu.memory_space<vmem_shared>>
          tpu.wait_indirect_dma semaphore(%run_scoped3A_228 : memref<!tpu.dma_semaphore, #tpu.memory_space<semaphore_mem>>) src(%dma_wait3A_240 : memref<128x16xf32, #tpu.memory_space<vmem>>) dst(%dma_wait3A_246 : memref<50176x16xf32, #tpu.memory_space<vmem_shared>>)
          tpu.yield
        }) : () -> ()
        %run_scoped3A_225 = arith.constant 1 : i32
        "tpu.region"() ({
          %run_scoped3A_228 = tpu.sem_alloc : memref<!tpu.dma_semaphore, #tpu.memory_space<semaphore_mem>>
          %dma_start3A_229 = arith.constant 128 : i32
          %dma_start3A_230 = arith.constant 0 : i32
          %dma_start3A_231 = tpu.memref_slice %arg15[%dma_start3A_229, %dma_start3A_230] : memref<512x16xf32, #tpu.memory_space<vmem>> -> memref<128x16xf32, #tpu.memory_space<vmem>>
          %dma_start3A_232 = arith.constant 0 : i32
          %dma_start3A_233 = tpu.memref_slice %arg9[%run_scoped3A_225, %dma_start3A_232] : memref<4x128xi32, #tpu.memory_space<vmem>> -> memref<1x128xi32, #tpu.memory_space<vmem>>
          %dma_start3A_234 = tpu.memref_squeeze %dma_start3A_233 : memref<1x128xi32, #tpu.memory_space<vmem>> -> memref<128xi32, #tpu.memory_space<vmem>>
          %dma_start3A_235 = arith.constant 0 : i32
          %dma_start3A_236 = arith.constant 0 : i32
          %dma_start3A_237 = tpu.memref_slice %arg19[%dma_start3A_235, %dma_start3A_236] : memref<50176x16xf32, #tpu.memory_space<vmem_shared>> -> memref<50176x16xf32, #tpu.memory_space<vmem_shared>>
          tpu.enqueue_indirect_dma source(%dma_start3A_231 : memref<128x16xf32, #tpu.memory_space<vmem>>) target(%dma_start3A_237 : memref<50176x16xf32, #tpu.memory_space<vmem_shared>>) offsets(%dma_start3A_234 : memref<128xi32, #tpu.memory_space<vmem>>) semaphore(%run_scoped3A_228 : memref<!tpu.dma_semaphore, #tpu.memory_space<semaphore_mem>>) {add = true}
          %dma_wait3A_238 = arith.constant 128 : i32
          %dma_wait3A_239 = arith.constant 0 : i32
          %dma_wait3A_240 = tpu.memref_slice %arg15[%dma_wait3A_238, %dma_wait3A_239] : memref<512x16xf32, #tpu.memory_space<vmem>> -> memref<128x16xf32, #tpu.memory_space<vmem>>
          %dma_wait3A_241 = arith.constant 0 : i32
          %dma_wait3A_242 = tpu.memref_slice %arg9[%run_scoped3A_225, %dma_wait3A_241] : memref<4x128xi32, #tpu.memory_space<vmem>> -> memref<1x128xi32, #tpu.memory_space<vmem>>
          %dma_wait3A_243 = tpu.memref_squeeze %dma_wait3A_242 : memref<1x128xi32, #tpu.memory_space<vmem>> -> memref<128xi32, #tpu.memory_space<vmem>>
          %dma_wait3A_244 = arith.constant 0 : i32
          %dma_wait3A_245 = arith.constant 0 : i32
          %dma_wait3A_246 = tpu.memref_slice %arg19[%dma_wait3A_244, %dma_wait3A_245] : memref<50176x16xf32, #tpu.memory_space<vmem_shared>> -> memref<50176x16xf32, #tpu.memory_space<vmem_shared>>
          tpu.wait_indirect_dma semaphore(%run_scoped3A_228 : memref<!tpu.dma_semaphore, #tpu.memory_space<semaphore_mem>>) src(%dma_wait3A_240 : memref<128x16xf32, #tpu.memory_space<vmem>>) dst(%dma_wait3A_246 : memref<50176x16xf32, #tpu.memory_space<vmem_shared>>)
          tpu.yield
        }) : () -> ()
        %run_scoped3A_226 = arith.constant 2 : i32
        "tpu.region"() ({
          %run_scoped3A_228 = tpu.sem_alloc : memref<!tpu.dma_semaphore, #tpu.memory_space<semaphore_mem>>
          %dma_start3A_229 = arith.constant 256 : i32
          %dma_start3A_230 = arith.constant 0 : i32
          %dma_start3A_231 = tpu.memref_slice %arg15[%dma_start3A_229, %dma_start3A_230] : memref<512x16xf32, #tpu.memory_space<vmem>> -> memref<128x16xf32, #tpu.memory_space<vmem>>
          %dma_start3A_232 = arith.constant 0 : i32
          %dma_start3A_233 = tpu.memref_slice %arg9[%run_scoped3A_226, %dma_start3A_232] : memref<4x128xi32, #tpu.memory_space<vmem>> -> memref<1x128xi32, #tpu.memory_space<vmem>>
          %dma_start3A_234 = tpu.memref_squeeze %dma_start3A_233 : memref<1x128xi32, #tpu.memory_space<vmem>> -> memref<128xi32, #tpu.memory_space<vmem>>
          %dma_start3A_235 = arith.constant 0 : i32
          %dma_start3A_236 = arith.constant 0 : i32
          %dma_start3A_237 = tpu.memref_slice %arg19[%dma_start3A_235, %dma_start3A_236] : memref<50176x16xf32, #tpu.memory_space<vmem_shared>> -> memref<50176x16xf32, #tpu.memory_space<vmem_shared>>
          tpu.enqueue_indirect_dma source(%dma_start3A_231 : memref<128x16xf32, #tpu.memory_space<vmem>>) target(%dma_start3A_237 : memref<50176x16xf32, #tpu.memory_space<vmem_shared>>) offsets(%dma_start3A_234 : memref<128xi32, #tpu.memory_space<vmem>>) semaphore(%run_scoped3A_228 : memref<!tpu.dma_semaphore, #tpu.memory_space<semaphore_mem>>) {add = true}
          %dma_wait3A_238 = arith.constant 256 : i32
          %dma_wait3A_239 = arith.constant 0 : i32
          %dma_wait3A_240 = tpu.memref_slice %arg15[%dma_wait3A_238, %dma_wait3A_239] : memref<512x16xf32, #tpu.memory_space<vmem>> -> memref<128x16xf32, #tpu.memory_space<vmem>>
          %dma_wait3A_241 = arith.constant 0 : i32
          %dma_wait3A_242 = tpu.memref_slice %arg9[%run_scoped3A_226, %dma_wait3A_241] : memref<4x128xi32, #tpu.memory_space<vmem>> -> memref<1x128xi32, #tpu.memory_space<vmem>>
          %dma_wait3A_243 = tpu.memref_squeeze %dma_wait3A_242 : memref<1x128xi32, #tpu.memory_space<vmem>> -> memref<128xi32, #tpu.memory_space<vmem>>
          %dma_wait3A_244 = arith.constant 0 : i32
          %dma_wait3A_245 = arith.constant 0 : i32
          %dma_wait3A_246 = tpu.memref_slice %arg19[%dma_wait3A_244, %dma_wait3A_245] : memref<50176x16xf32, #tpu.memory_space<vmem_shared>> -> memref<50176x16xf32, #tpu.memory_space<vmem_shared>>
          tpu.wait_indirect_dma semaphore(%run_scoped3A_228 : memref<!tpu.dma_semaphore, #tpu.memory_space<semaphore_mem>>) src(%dma_wait3A_240 : memref<128x16xf32, #tpu.memory_space<vmem>>) dst(%dma_wait3A_246 : memref<50176x16xf32, #tpu.memory_space<vmem_shared>>)
          tpu.yield
        }) : () -> ()
        %run_scoped3A_227 = arith.constant 3 : i32
        "tpu.region"() ({
          %run_scoped3A_228 = tpu.sem_alloc : memref<!tpu.dma_semaphore, #tpu.memory_space<semaphore_mem>>
          %dma_start3A_229 = arith.constant 384 : i32
          %dma_start3A_230 = arith.constant 0 : i32
          %dma_start3A_231 = tpu.memref_slice %arg15[%dma_start3A_229, %dma_start3A_230] : memref<512x16xf32, #tpu.memory_space<vmem>> -> memref<128x16xf32, #tpu.memory_space<vmem>>
          %dma_start3A_232 = arith.constant 0 : i32
          %dma_start3A_233 = tpu.memref_slice %arg9[%run_scoped3A_227, %dma_start3A_232] : memref<4x128xi32, #tpu.memory_space<vmem>> -> memref<1x128xi32, #tpu.memory_space<vmem>>
          %dma_start3A_234 = tpu.memref_squeeze %dma_start3A_233 : memref<1x128xi32, #tpu.memory_space<vmem>> -> memref<128xi32, #tpu.memory_space<vmem>>
          %dma_start3A_235 = arith.constant 0 : i32
          %dma_start3A_236 = arith.constant 0 : i32
          %dma_start3A_237 = tpu.memref_slice %arg19[%dma_start3A_235, %dma_start3A_236] : memref<50176x16xf32, #tpu.memory_space<vmem_shared>> -> memref<50176x16xf32, #tpu.memory_space<vmem_shared>>
          tpu.enqueue_indirect_dma source(%dma_start3A_231 : memref<128x16xf32, #tpu.memory_space<vmem>>) target(%dma_start3A_237 : memref<50176x16xf32, #tpu.memory_space<vmem_shared>>) offsets(%dma_start3A_234 : memref<128xi32, #tpu.memory_space<vmem>>) semaphore(%run_scoped3A_228 : memref<!tpu.dma_semaphore, #tpu.memory_space<semaphore_mem>>) {add = true}
          %dma_wait3A_238 = arith.constant 384 : i32
          %dma_wait3A_239 = arith.constant 0 : i32
          %dma_wait3A_240 = tpu.memref_slice %arg15[%dma_wait3A_238, %dma_wait3A_239] : memref<512x16xf32, #tpu.memory_space<vmem>> -> memref<128x16xf32, #tpu.memory_space<vmem>>
          %dma_wait3A_241 = arith.constant 0 : i32
          %dma_wait3A_242 = tpu.memref_slice %arg9[%run_scoped3A_227, %dma_wait3A_241] : memref<4x128xi32, #tpu.memory_space<vmem>> -> memref<1x128xi32, #tpu.memory_space<vmem>>
          %dma_wait3A_243 = tpu.memref_squeeze %dma_wait3A_242 : memref<1x128xi32, #tpu.memory_space<vmem>> -> memref<128xi32, #tpu.memory_space<vmem>>
          %dma_wait3A_244 = arith.constant 0 : i32
          %dma_wait3A_245 = arith.constant 0 : i32
          %dma_wait3A_246 = tpu.memref_slice %arg19[%dma_wait3A_244, %dma_wait3A_245] : memref<50176x16xf32, #tpu.memory_space<vmem_shared>> -> memref<50176x16xf32, #tpu.memory_space<vmem_shared>>
          tpu.wait_indirect_dma semaphore(%run_scoped3A_228 : memref<!tpu.dma_semaphore, #tpu.memory_space<semaphore_mem>>) src(%dma_wait3A_240 : memref<128x16xf32, #tpu.memory_space<vmem>>) dst(%dma_wait3A_246 : memref<50176x16xf32, #tpu.memory_space<vmem_shared>>)
          tpu.yield
        }) : () -> ()
      } else {
      }
      %jit3A_129 = arith.constant 2 : i32
      %eq3A_130 = arith.constant 0 : i32
      %eq3A_131 = arith.cmpi eq, %jit3A_129, %eq3A_130 : i32
      %jit3A_132 = arith.constant 1 : i32
      %select_n3A_133 = arith.select %eq3A_131, %jit3A_132, %jit3A_129 : i32
      %rem3A_134 = arith.remsi %add3A_116, %select_n3A_133 : i32
      %ne3A_135 = arith.constant 0 : i32
      %ne3A_136 = arith.cmpi ne, %rem3A_134, %ne3A_135 : i32
      %lt3A_137 = arith.constant 0 : i32
      %lt3A_138 = arith.cmpi slt, %rem3A_134, %lt3A_137 : i32
      %lt3A_139 = arith.constant 0 : i32
      %lt3A_140 = arith.cmpi slt, %select_n3A_133, %lt3A_139 : i32
      %ne3A_141 = arith.xori %lt3A_138, %lt3A_140 : i1
      %and3A_142 = arith.andi %ne3A_141, %ne3A_136 : i1
      %add3A_143 = arith.addi %rem3A_134, %select_n3A_133 : i32
      %select_n3A_144 = arith.select %and3A_142, %add3A_143, %rem3A_134 : i32
      %eq3A_145 = arith.constant 1 : i32
      %eq3A_146 = arith.cmpi eq, %select_n3A_144, %eq3A_145 : i32
      %convert_element_type3A_147 = arith.extui %eq3A_146 : i1 to i32
      %cond3A_148 = arith.constant 0 : i32
      %cond3A_149 = arith.cmpi ne, %convert_element_type3A_147, %cond3A_148 : i32
      scf.if %cond3A_149 {
        %add3A_150 = arith.constant 1 : i32
        %add3A_151 = arith.addi %add3A_116, %add3A_150 : i32
        %lt3A_152 = arith.constant 100 : i32
        %lt3A_153 = arith.cmpi slt, %add3A_151, %lt3A_152 : i32
        %convert_element_type3A_154 = arith.extui %lt3A_153 : i1 to i32
        %cond3A_155 = arith.constant 0 : i32
        %cond3A_156 = arith.cmpi ne, %convert_element_type3A_154, %cond3A_155 : i32
        scf.if %cond3A_156 {
          %add3A_228 = arith.constant 1 : i32
          %add3A_229 = arith.addi %add3A_116, %add3A_228 : i32
          %mul3A_230 = arith.constant 400 : i32
          %mul3A_231 = arith.muli %arg1, %mul3A_230 : i32
          %mul3A_232 = arith.constant 4 : i32
          %mul3A_233 = arith.muli %add3A_229, %mul3A_232 : i32
          %add3A_234 = arith.addi %mul3A_231, %mul3A_233 : i32
          %mul3A_235 = arith.constant 100 : i32
          %mul3A_236 = arith.muli %arg1, %mul3A_235 : i32
          %add3A_237 = arith.addi %mul3A_236, %add3A_229 : i32
          %mul3A_238 = arith.constant 512 : i32
          %mul3A_239 = arith.muli %add3A_237, %mul3A_238 : i32
          %dma_start3A_240 = arith.constant 0 : i32
          %dma_start3A_241 = tpu.memref_slice %arg2[%add3A_234, %dma_start3A_240] : memref<6400x128xi32, #tpu.memory_space<hbm>> -> memref<4x128xi32, #tpu.memory_space<hbm>>
          %dma_start3A_242 = arith.constant 0 : i32
          %dma_start3A_243 = tpu.memref_slice %arg2[%add3A_234, %dma_start3A_242] : memref<6400x128xi32, #tpu.memory_space<hbm>> -> memref<4x128xi32, #tpu.memory_space<hbm>>
          tpu.enqueue_dma source(%dma_start3A_243 : memref<4x128xi32, #tpu.memory_space<hbm>>) target(%arg7 : memref<4x128xi32, #tpu.memory_space<vmem>>) target_semaphore(%arg20 : memref<!tpu.dma_semaphore, #tpu.memory_space<semaphore_mem>>)
          %dma_start3A_244 = arith.constant 0 : i32
          %dma_start3A_245 = tpu.memref_slice %arg3[%add3A_234, %dma_start3A_244] : memref<6400x128xi32, #tpu.memory_space<hbm>> -> memref<4x128xi32, #tpu.memory_space<hbm>>
          %dma_start3A_246 = arith.constant 0 : i32
          %dma_start3A_247 = tpu.memref_slice %arg3[%add3A_234, %dma_start3A_246] : memref<6400x128xi32, #tpu.memory_space<hbm>> -> memref<4x128xi32, #tpu.memory_space<hbm>>
          tpu.enqueue_dma source(%dma_start3A_247 : memref<4x128xi32, #tpu.memory_space<hbm>>) target(%arg9 : memref<4x128xi32, #tpu.memory_space<vmem>>) target_semaphore(%arg20 : memref<!tpu.dma_semaphore, #tpu.memory_space<semaphore_mem>>)
          %dma_start3A_248 = arith.constant 0 : i32
          %dma_start3A_249 = tpu.memref_slice %arg4[%mul3A_239, %dma_start3A_248] : memref<819200x16xf32, #tpu.memory_space<hbm>> -> memref<512x16xf32, #tpu.memory_space<hbm>>
          %dma_start3A_250 = arith.constant 0 : i32
          %dma_start3A_251 = tpu.memref_slice %arg4[%mul3A_239, %dma_start3A_250] : memref<819200x16xf32, #tpu.memory_space<hbm>> -> memref<512x16xf32, #tpu.memory_space<hbm>>
          tpu.enqueue_dma source(%dma_start3A_251 : memref<512x16xf32, #tpu.memory_space<hbm>>) target(%arg11 : memref<512x16xf32, #tpu.memory_space<vmem>>) target_semaphore(%arg20 : memref<!tpu.dma_semaphore, #tpu.memory_space<semaphore_mem>>)
        } else {
        }
        %dma_wait3A_157 = arith.constant 0 : i32
        %dma_wait3A_158 = arith.constant 0 : i32
        %dma_wait3A_159 = arith.constant 0 : i32
        %dma_wait3A_160 = tpu.memref_slice %arg14[%dma_wait3A_158, %dma_wait3A_159] : memref<512x16xf32, #tpu.memory_space<vmem>> -> memref<128x16xf32, #tpu.memory_space<vmem>>
        %dma_wait3A_161 = arith.constant 0 : i32
        %dma_wait3A_162 = tpu.memref_slice %arg8[%dma_wait3A_157, %dma_wait3A_161] : memref<4x128xi32, #tpu.memory_space<vmem>> -> memref<1x128xi32, #tpu.memory_space<vmem>>
        %dma_wait3A_163 = tpu.memref_squeeze %dma_wait3A_162 : memref<1x128xi32, #tpu.memory_space<vmem>> -> memref<128xi32, #tpu.memory_space<vmem>>
        %dma_wait3A_164 = arith.constant 0 : i32
        %dma_wait3A_165 = arith.constant 0 : i32
        %dma_wait3A_166 = tpu.memref_slice %arg5[%arg0, %dma_wait3A_164, %dma_wait3A_165] : memref<2x50000x16xf32, #tpu.memory_space<hbm>> -> memref<1x50000x16xf32, #tpu.memory_space<hbm>>
        %dma_wait3A_167 = tpu.memref_squeeze %dma_wait3A_166 : memref<1x50000x16xf32, #tpu.memory_space<hbm>> -> memref<50000x16xf32, #tpu.memory_space<hbm>>
        %dma_wait3A_168 = arith.constant 0 : i32
        %dma_wait3A_169 = arith.constant 0 : i32
        %dma_wait3A_170 = tpu.memref_slice %dma_wait3A_167[%dma_wait3A_168, %dma_wait3A_169] : memref<50000x16xf32, #tpu.memory_space<hbm>> -> memref<50000x16xf32, #tpu.memory_space<hbm>>
        tpu.wait_indirect_dma semaphore(%arg23 : memref<!tpu.dma_semaphore, #tpu.memory_space<semaphore_mem>>) src(%dma_wait3A_170 : memref<50000x16xf32, #tpu.memory_space<hbm>>) dst(%dma_wait3A_160 : memref<128x16xf32, #tpu.memory_space<vmem>>)
        %dma_wait3A_171 = arith.constant 1 : i32
        %dma_wait3A_172 = arith.constant 128 : i32
        %dma_wait3A_173 = arith.constant 0 : i32
        %dma_wait3A_174 = tpu.memref_slice %arg14[%dma_wait3A_172, %dma_wait3A_173] : memref<512x16xf32, #tpu.memory_space<vmem>> -> memref<128x16xf32, #tpu.memory_space<vmem>>
        %dma_wait3A_175 = arith.constant 0 : i32
        %dma_wait3A_176 = tpu.memref_slice %arg8[%dma_wait3A_171, %dma_wait3A_175] : memref<4x128xi32, #tpu.memory_space<vmem>> -> memref<1x128xi32, #tpu.memory_space<vmem>>
        %dma_wait3A_177 = tpu.memref_squeeze %dma_wait3A_176 : memref<1x128xi32, #tpu.memory_space<vmem>> -> memref<128xi32, #tpu.memory_space<vmem>>
        %dma_wait3A_178 = arith.constant 0 : i32
        %dma_wait3A_179 = arith.constant 0 : i32
        %dma_wait3A_180 = tpu.memref_slice %arg5[%arg0, %dma_wait3A_178, %dma_wait3A_179] : memref<2x50000x16xf32, #tpu.memory_space<hbm>> -> memref<1x50000x16xf32, #tpu.memory_space<hbm>>
        %dma_wait3A_181 = tpu.memref_squeeze %dma_wait3A_180 : memref<1x50000x16xf32, #tpu.memory_space<hbm>> -> memref<50000x16xf32, #tpu.memory_space<hbm>>
        %dma_wait3A_182 = arith.constant 0 : i32
        %dma_wait3A_183 = arith.constant 0 : i32
        %dma_wait3A_184 = tpu.memref_slice %dma_wait3A_181[%dma_wait3A_182, %dma_wait3A_183] : memref<50000x16xf32, #tpu.memory_space<hbm>> -> memref<50000x16xf32, #tpu.memory_space<hbm>>
        tpu.wait_indirect_dma semaphore(%arg23 : memref<!tpu.dma_semaphore, #tpu.memory_space<semaphore_mem>>) src(%dma_wait3A_184 : memref<50000x16xf32, #tpu.memory_space<hbm>>) dst(%dma_wait3A_174 : memref<128x16xf32, #tpu.memory_space<vmem>>)
        %dma_wait3A_185 = arith.constant 2 : i32
        %dma_wait3A_186 = arith.constant 256 : i32
        %dma_wait3A_187 = arith.constant 0 : i32
        %dma_wait3A_188 = tpu.memref_slice %arg14[%dma_wait3A_186, %dma_wait3A_187] : memref<512x16xf32, #tpu.memory_space<vmem>> -> memref<128x16xf32, #tpu.memory_space<vmem>>
        %dma_wait3A_189 = arith.constant 0 : i32
        %dma_wait3A_190 = tpu.memref_slice %arg8[%dma_wait3A_185, %dma_wait3A_189] : memref<4x128xi32, #tpu.memory_space<vmem>> -> memref<1x128xi32, #tpu.memory_space<vmem>>
        %dma_wait3A_191 = tpu.memref_squeeze %dma_wait3A_190 : memref<1x128xi32, #tpu.memory_space<vmem>> -> memref<128xi32, #tpu.memory_space<vmem>>
        %dma_wait3A_192 = arith.constant 0 : i32
        %dma_wait3A_193 = arith.constant 0 : i32
        %dma_wait3A_194 = tpu.memref_slice %arg5[%arg0, %dma_wait3A_192, %dma_wait3A_193] : memref<2x50000x16xf32, #tpu.memory_space<hbm>> -> memref<1x50000x16xf32, #tpu.memory_space<hbm>>
        %dma_wait3A_195 = tpu.memref_squeeze %dma_wait3A_194 : memref<1x50000x16xf32, #tpu.memory_space<hbm>> -> memref<50000x16xf32, #tpu.memory_space<hbm>>
        %dma_wait3A_196 = arith.constant 0 : i32
        %dma_wait3A_197 = arith.constant 0 : i32
        %dma_wait3A_198 = tpu.memref_slice %dma_wait3A_195[%dma_wait3A_196, %dma_wait3A_197] : memref<50000x16xf32, #tpu.memory_space<hbm>> -> memref<50000x16xf32, #tpu.memory_space<hbm>>
        tpu.wait_indirect_dma semaphore(%arg23 : memref<!tpu.dma_semaphore, #tpu.memory_space<semaphore_mem>>) src(%dma_wait3A_198 : memref<50000x16xf32, #tpu.memory_space<hbm>>) dst(%dma_wait3A_188 : memref<128x16xf32, #tpu.memory_space<vmem>>)
        %dma_wait3A_199 = arith.constant 3 : i32
        %dma_wait3A_200 = arith.constant 384 : i32
        %dma_wait3A_201 = arith.constant 0 : i32
        %dma_wait3A_202 = tpu.memref_slice %arg14[%dma_wait3A_200, %dma_wait3A_201] : memref<512x16xf32, #tpu.memory_space<vmem>> -> memref<128x16xf32, #tpu.memory_space<vmem>>
        %dma_wait3A_203 = arith.constant 0 : i32
        %dma_wait3A_204 = tpu.memref_slice %arg8[%dma_wait3A_199, %dma_wait3A_203] : memref<4x128xi32, #tpu.memory_space<vmem>> -> memref<1x128xi32, #tpu.memory_space<vmem>>
        %dma_wait3A_205 = tpu.memref_squeeze %dma_wait3A_204 : memref<1x128xi32, #tpu.memory_space<vmem>> -> memref<128xi32, #tpu.memory_space<vmem>>
        %dma_wait3A_206 = arith.constant 0 : i32
        %dma_wait3A_207 = arith.constant 0 : i32
        %dma_wait3A_208 = tpu.memref_slice %arg5[%arg0, %dma_wait3A_206, %dma_wait3A_207] : memref<2x50000x16xf32, #tpu.memory_space<hbm>> -> memref<1x50000x16xf32, #tpu.memory_space<hbm>>
        %dma_wait3A_209 = tpu.memref_squeeze %dma_wait3A_208 : memref<1x50000x16xf32, #tpu.memory_space<hbm>> -> memref<50000x16xf32, #tpu.memory_space<hbm>>
        %dma_wait3A_210 = arith.constant 0 : i32
        %dma_wait3A_211 = arith.constant 0 : i32
        %dma_wait3A_212 = tpu.memref_slice %dma_wait3A_209[%dma_wait3A_210, %dma_wait3A_211] : memref<50000x16xf32, #tpu.memory_space<hbm>> -> memref<50000x16xf32, #tpu.memory_space<hbm>>
        tpu.wait_indirect_dma semaphore(%arg23 : memref<!tpu.dma_semaphore, #tpu.memory_space<semaphore_mem>>) src(%dma_wait3A_212 : memref<50000x16xf32, #tpu.memory_space<hbm>>) dst(%dma_wait3A_202 : memref<128x16xf32, #tpu.memory_space<vmem>>)
        %add3A_213 = arith.constant 1 : i32
        %add3A_214 = arith.addi %add3A_116, %add3A_213 : i32
        %lt3A_215 = arith.constant 100 : i32
        %lt3A_216 = arith.cmpi slt, %add3A_214, %lt3A_215 : i32
        %convert_element_type3A_217 = arith.extui %lt3A_216 : i1 to i32
        %cond3A_218 = arith.constant 0 : i32
        %cond3A_219 = arith.cmpi ne, %convert_element_type3A_217, %cond3A_218 : i32
        scf.if %cond3A_219 {
          %dma_wait3A_228 = arith.constant 0 : i32
          %dma_wait3A_229 = arith.constant 0 : i32
          %dma_wait3A_230 = tpu.memref_slice %arg2[%dma_wait3A_228, %dma_wait3A_229] : memref<6400x128xi32, #tpu.memory_space<hbm>> -> memref<4x128xi32, #tpu.memory_space<hbm>>
          %dma_wait3A_231 = arith.constant 0 : i32
          %dma_wait3A_232 = arith.constant 0 : i32
          %dma_wait3A_233 = tpu.memref_slice %arg2[%dma_wait3A_231, %dma_wait3A_232] : memref<6400x128xi32, #tpu.memory_space<hbm>> -> memref<4x128xi32, #tpu.memory_space<hbm>>
          tpu.wait_dma2 semaphore(%arg20 : memref<!tpu.dma_semaphore, #tpu.memory_space<semaphore_mem>>) src(%dma_wait3A_233 : memref<4x128xi32, #tpu.memory_space<hbm>>) dst(%arg7 : memref<4x128xi32, #tpu.memory_space<vmem>>)
          %dma_wait3A_234 = arith.constant 0 : i32
          %dma_wait3A_235 = arith.constant 0 : i32
          %dma_wait3A_236 = tpu.memref_slice %arg3[%dma_wait3A_234, %dma_wait3A_235] : memref<6400x128xi32, #tpu.memory_space<hbm>> -> memref<4x128xi32, #tpu.memory_space<hbm>>
          %dma_wait3A_237 = arith.constant 0 : i32
          %dma_wait3A_238 = arith.constant 0 : i32
          %dma_wait3A_239 = tpu.memref_slice %arg3[%dma_wait3A_237, %dma_wait3A_238] : memref<6400x128xi32, #tpu.memory_space<hbm>> -> memref<4x128xi32, #tpu.memory_space<hbm>>
          tpu.wait_dma2 semaphore(%arg20 : memref<!tpu.dma_semaphore, #tpu.memory_space<semaphore_mem>>) src(%dma_wait3A_239 : memref<4x128xi32, #tpu.memory_space<hbm>>) dst(%arg9 : memref<4x128xi32, #tpu.memory_space<vmem>>)
          %dma_wait3A_240 = arith.constant 0 : i32
          %dma_wait3A_241 = arith.constant 0 : i32
          %dma_wait3A_242 = tpu.memref_slice %arg4[%dma_wait3A_240, %dma_wait3A_241] : memref<819200x16xf32, #tpu.memory_space<hbm>> -> memref<512x16xf32, #tpu.memory_space<hbm>>
          %dma_wait3A_243 = arith.constant 0 : i32
          %dma_wait3A_244 = arith.constant 0 : i32
          %dma_wait3A_245 = tpu.memref_slice %arg4[%dma_wait3A_243, %dma_wait3A_244] : memref<819200x16xf32, #tpu.memory_space<hbm>> -> memref<512x16xf32, #tpu.memory_space<hbm>>
          tpu.wait_dma2 semaphore(%arg20 : memref<!tpu.dma_semaphore, #tpu.memory_space<semaphore_mem>>) src(%dma_wait3A_245 : memref<512x16xf32, #tpu.memory_space<hbm>>) dst(%arg11 : memref<512x16xf32, #tpu.memory_space<vmem>>)
          %dma_start3A_246 = arith.constant 0 : i32
          %dma_start3A_247 = arith.constant 0 : i32
          %dma_start3A_248 = arith.constant 0 : i32
          %dma_start3A_249 = tpu.memref_slice %arg13[%dma_start3A_247, %dma_start3A_248] : memref<512x16xf32, #tpu.memory_space<vmem>> -> memref<128x16xf32, #tpu.memory_space<vmem>>
          %dma_start3A_250 = arith.constant 0 : i32
          %dma_start3A_251 = tpu.memref_slice %arg7[%dma_start3A_246, %dma_start3A_250] : memref<4x128xi32, #tpu.memory_space<vmem>> -> memref<1x128xi32, #tpu.memory_space<vmem>>
          %dma_start3A_252 = tpu.memref_squeeze %dma_start3A_251 : memref<1x128xi32, #tpu.memory_space<vmem>> -> memref<128xi32, #tpu.memory_space<vmem>>
          %dma_start3A_253 = arith.constant 0 : i32
          %dma_start3A_254 = arith.constant 0 : i32
          %dma_start3A_255 = tpu.memref_slice %arg5[%arg0, %dma_start3A_253, %dma_start3A_254] : memref<2x50000x16xf32, #tpu.memory_space<hbm>> -> memref<1x50000x16xf32, #tpu.memory_space<hbm>>
          %dma_start3A_256 = tpu.memref_squeeze %dma_start3A_255 : memref<1x50000x16xf32, #tpu.memory_space<hbm>> -> memref<50000x16xf32, #tpu.memory_space<hbm>>
          %dma_start3A_257 = arith.constant 0 : i32
          %dma_start3A_258 = arith.constant 0 : i32
          %dma_start3A_259 = tpu.memref_slice %dma_start3A_256[%dma_start3A_257, %dma_start3A_258] : memref<50000x16xf32, #tpu.memory_space<hbm>> -> memref<50000x16xf32, #tpu.memory_space<hbm>>
          tpu.enqueue_indirect_dma source(%dma_start3A_259 : memref<50000x16xf32, #tpu.memory_space<hbm>>) target(%dma_start3A_249 : memref<128x16xf32, #tpu.memory_space<vmem>>) offsets(%dma_start3A_252 : memref<128xi32, #tpu.memory_space<vmem>>) semaphore(%arg22 : memref<!tpu.dma_semaphore, #tpu.memory_space<semaphore_mem>>)
          %dma_start3A_260 = arith.constant 1 : i32
          %dma_start3A_261 = arith.constant 128 : i32
          %dma_start3A_262 = arith.constant 0 : i32
          %dma_start3A_263 = tpu.memref_slice %arg13[%dma_start3A_261, %dma_start3A_262] : memref<512x16xf32, #tpu.memory_space<vmem>> -> memref<128x16xf32, #tpu.memory_space<vmem>>
          %dma_start3A_264 = arith.constant 0 : i32
          %dma_start3A_265 = tpu.memref_slice %arg7[%dma_start3A_260, %dma_start3A_264] : memref<4x128xi32, #tpu.memory_space<vmem>> -> memref<1x128xi32, #tpu.memory_space<vmem>>
          %dma_start3A_266 = tpu.memref_squeeze %dma_start3A_265 : memref<1x128xi32, #tpu.memory_space<vmem>> -> memref<128xi32, #tpu.memory_space<vmem>>
          %dma_start3A_267 = arith.constant 0 : i32
          %dma_start3A_268 = arith.constant 0 : i32
          %dma_start3A_269 = tpu.memref_slice %arg5[%arg0, %dma_start3A_267, %dma_start3A_268] : memref<2x50000x16xf32, #tpu.memory_space<hbm>> -> memref<1x50000x16xf32, #tpu.memory_space<hbm>>
          %dma_start3A_270 = tpu.memref_squeeze %dma_start3A_269 : memref<1x50000x16xf32, #tpu.memory_space<hbm>> -> memref<50000x16xf32, #tpu.memory_space<hbm>>
          %dma_start3A_271 = arith.constant 0 : i32
          %dma_start3A_272 = arith.constant 0 : i32
          %dma_start3A_273 = tpu.memref_slice %dma_start3A_270[%dma_start3A_271, %dma_start3A_272] : memref<50000x16xf32, #tpu.memory_space<hbm>> -> memref<50000x16xf32, #tpu.memory_space<hbm>>
          tpu.enqueue_indirect_dma source(%dma_start3A_273 : memref<50000x16xf32, #tpu.memory_space<hbm>>) target(%dma_start3A_263 : memref<128x16xf32, #tpu.memory_space<vmem>>) offsets(%dma_start3A_266 : memref<128xi32, #tpu.memory_space<vmem>>) semaphore(%arg22 : memref<!tpu.dma_semaphore, #tpu.memory_space<semaphore_mem>>)
          %dma_start3A_274 = arith.constant 2 : i32
          %dma_start3A_275 = arith.constant 256 : i32
          %dma_start3A_276 = arith.constant 0 : i32
          %dma_start3A_277 = tpu.memref_slice %arg13[%dma_start3A_275, %dma_start3A_276] : memref<512x16xf32, #tpu.memory_space<vmem>> -> memref<128x16xf32, #tpu.memory_space<vmem>>
          %dma_start3A_278 = arith.constant 0 : i32
          %dma_start3A_279 = tpu.memref_slice %arg7[%dma_start3A_274, %dma_start3A_278] : memref<4x128xi32, #tpu.memory_space<vmem>> -> memref<1x128xi32, #tpu.memory_space<vmem>>
          %dma_start3A_280 = tpu.memref_squeeze %dma_start3A_279 : memref<1x128xi32, #tpu.memory_space<vmem>> -> memref<128xi32, #tpu.memory_space<vmem>>
          %dma_start3A_281 = arith.constant 0 : i32
          %dma_start3A_282 = arith.constant 0 : i32
          %dma_start3A_283 = tpu.memref_slice %arg5[%arg0, %dma_start3A_281, %dma_start3A_282] : memref<2x50000x16xf32, #tpu.memory_space<hbm>> -> memref<1x50000x16xf32, #tpu.memory_space<hbm>>
          %dma_start3A_284 = tpu.memref_squeeze %dma_start3A_283 : memref<1x50000x16xf32, #tpu.memory_space<hbm>> -> memref<50000x16xf32, #tpu.memory_space<hbm>>
          %dma_start3A_285 = arith.constant 0 : i32
          %dma_start3A_286 = arith.constant 0 : i32
          %dma_start3A_287 = tpu.memref_slice %dma_start3A_284[%dma_start3A_285, %dma_start3A_286] : memref<50000x16xf32, #tpu.memory_space<hbm>> -> memref<50000x16xf32, #tpu.memory_space<hbm>>
          tpu.enqueue_indirect_dma source(%dma_start3A_287 : memref<50000x16xf32, #tpu.memory_space<hbm>>) target(%dma_start3A_277 : memref<128x16xf32, #tpu.memory_space<vmem>>) offsets(%dma_start3A_280 : memref<128xi32, #tpu.memory_space<vmem>>) semaphore(%arg22 : memref<!tpu.dma_semaphore, #tpu.memory_space<semaphore_mem>>)
          %dma_start3A_288 = arith.constant 3 : i32
          %dma_start3A_289 = arith.constant 384 : i32
          %dma_start3A_290 = arith.constant 0 : i32
          %dma_start3A_291 = tpu.memref_slice %arg13[%dma_start3A_289, %dma_start3A_290] : memref<512x16xf32, #tpu.memory_space<vmem>> -> memref<128x16xf32, #tpu.memory_space<vmem>>
          %dma_start3A_292 = arith.constant 0 : i32
          %dma_start3A_293 = tpu.memref_slice %arg7[%dma_start3A_288, %dma_start3A_292] : memref<4x128xi32, #tpu.memory_space<vmem>> -> memref<1x128xi32, #tpu.memory_space<vmem>>
          %dma_start3A_294 = tpu.memref_squeeze %dma_start3A_293 : memref<1x128xi32, #tpu.memory_space<vmem>> -> memref<128xi32, #tpu.memory_space<vmem>>
          %dma_start3A_295 = arith.constant 0 : i32
          %dma_start3A_296 = arith.constant 0 : i32
          %dma_start3A_297 = tpu.memref_slice %arg5[%arg0, %dma_start3A_295, %dma_start3A_296] : memref<2x50000x16xf32, #tpu.memory_space<hbm>> -> memref<1x50000x16xf32, #tpu.memory_space<hbm>>
          %dma_start3A_298 = tpu.memref_squeeze %dma_start3A_297 : memref<1x50000x16xf32, #tpu.memory_space<hbm>> -> memref<50000x16xf32, #tpu.memory_space<hbm>>
          %dma_start3A_299 = arith.constant 0 : i32
          %dma_start3A_300 = arith.constant 0 : i32
          %dma_start3A_301 = tpu.memref_slice %dma_start3A_298[%dma_start3A_299, %dma_start3A_300] : memref<50000x16xf32, #tpu.memory_space<hbm>> -> memref<50000x16xf32, #tpu.memory_space<hbm>>
          tpu.enqueue_indirect_dma source(%dma_start3A_301 : memref<50000x16xf32, #tpu.memory_space<hbm>>) target(%dma_start3A_291 : memref<128x16xf32, #tpu.memory_space<vmem>>) offsets(%dma_start3A_294 : memref<128xi32, #tpu.memory_space<vmem>>) semaphore(%arg22 : memref<!tpu.dma_semaphore, #tpu.memory_space<semaphore_mem>>)
        } else {
        }
        %scan3A_220 = arith.constant 0 : i32
        %scan3A_221 = arith.constant 128 : i32
        %scan3A_222 = arith.addi %scan3A_220, %scan3A_221 : i32
        %scan3A_223 = arith.constant 1 : i32
        scf.for %scan3A_228 = %scan3A_220 to %scan3A_222 step %scan3A_223  : i32 {
          %mul3A_229 = arith.constant 4 : i32
          %mul3A_230 = arith.muli %scan3A_228, %mul3A_229 : i32
          %add3A_231 = arith.constant 0 : i32
          %add3A_232 = arith.addi %add3A_231, %mul3A_230 : i32
          %add3A_233 = arith.constant 0 : i32
          %add3A_234 = arith.addi %add3A_232, %add3A_233 : i32
          %get3A = arith.index_cast %add3A_234 : i32 to index
          %get3A_235 = arith.constant 0 : index
          %get3A_236 = tpu.vector_load %arg12[%get3A, %get3A_235] {strides = array<i32>} : memref<512x16xf32, #tpu.memory_space<vmem>>, vector<1x16xf32>,
          %get3A_237 = vector.shape_cast %get3A_236 : vector<1x16xf32> to vector<1x16xf32>
          %eq3A_238 = arith.constant 0 : i32
          %eq3A_239 = arith.cmpi eq, %arg0, %eq3A_238 : i32
          %slice3A = vector.extract_strided_slice %get3A_237 {offsets = [0, 2], sizes = [1, 1], strides = [1, 1]} : vector<1x16xf32> to vector<1x1xf32>
          %squeeze3A = vector.extract %slice3A[0, 0] : f32 from vector<1x1xf32>
          %slice3A_240 = vector.extract_strided_slice %get3A_237 {offsets = [0, 3], sizes = [1, 1], strides = [1, 1]} : vector<1x16xf32> to vector<1x1xf32>
          %squeeze3A_241 = vector.extract %slice3A_240[0, 0] : f32 from vector<1x1xf32>
          %select_n3A_242 = arith.select %eq3A_239, %squeeze3A, %squeeze3A_241 : f32
          %get3A_243 = arith.index_cast %add3A_234 : i32 to index
          %get3A_244 = arith.constant 0 : index
          %get3A_245 = tpu.vector_load %arg14[%get3A_243, %get3A_244] {strides = array<i32>} : memref<512x16xf32, #tpu.memory_space<vmem>>, vector<1x16xf32>,
          %get3A_246 = vector.shape_cast %get3A_245 : vector<1x16xf32> to vector<1x16xf32>
          %mul3A_247 = vector.broadcast %select_n3A_242 : f32 to vector<1x16xf32>
          %mul3A_248 = arith.mulf %get3A_246, %mul3A_247 : vector<1x16xf32>
          %swap3A = arith.index_cast %add3A_234 : i32 to index
          %swap3A_249 = arith.constant 0 : index
          %swap3A_250 = tpu.vector_load %arg16[%swap3A, %swap3A_249] {strides = array<i32>} : memref<512x16xf32, #tpu.memory_space<vmem>>, vector<1x16xf32>,
          %swap3A_251 = vector.shape_cast %swap3A_250 : vector<1x16xf32> to vector<1x16xf32>
          %swap3A_252 = vector.shape_cast %mul3A_248 : vector<1x16xf32> to vector<1x16xf32>
          tpu.vector_store %arg16[%swap3A, %swap3A_249], %swap3A_252 {strides = array<i32>} : memref<512x16xf32, #tpu.memory_space<vmem>>, vector<1x16xf32>,
          %add3A_253 = arith.constant 1 : i32
          %add3A_254 = arith.addi %add3A_232, %add3A_253 : i32
          %get3A_255 = arith.index_cast %add3A_254 : i32 to index
          %get3A_256 = arith.constant 0 : index
          %get3A_257 = tpu.vector_load %arg12[%get3A_255, %get3A_256] {strides = array<i32>} : memref<512x16xf32, #tpu.memory_space<vmem>>, vector<1x16xf32>,
          %get3A_258 = vector.shape_cast %get3A_257 : vector<1x16xf32> to vector<1x16xf32>
          %eq3A_259 = arith.constant 0 : i32
          %eq3A_260 = arith.cmpi eq, %arg0, %eq3A_259 : i32
          %slice3A_261 = vector.extract_strided_slice %get3A_258 {offsets = [0, 2], sizes = [1, 1], strides = [1, 1]} : vector<1x16xf32> to vector<1x1xf32>
          %squeeze3A_262 = vector.extract %slice3A_261[0, 0] : f32 from vector<1x1xf32>
          %slice3A_263 = vector.extract_strided_slice %get3A_258 {offsets = [0, 3], sizes = [1, 1], strides = [1, 1]} : vector<1x16xf32> to vector<1x1xf32>
          %squeeze3A_264 = vector.extract %slice3A_263[0, 0] : f32 from vector<1x1xf32>
          %select_n3A_265 = arith.select %eq3A_260, %squeeze3A_262, %squeeze3A_264 : f32
          %get3A_266 = arith.index_cast %add3A_254 : i32 to index
          %get3A_267 = arith.constant 0 : index
          %get3A_268 = tpu.vector_load %arg14[%get3A_266, %get3A_267] {strides = array<i32>} : memref<512x16xf32, #tpu.memory_space<vmem>>, vector<1x16xf32>,
          %get3A_269 = vector.shape_cast %get3A_268 : vector<1x16xf32> to vector<1x16xf32>
          %mul3A_270 = vector.broadcast %select_n3A_265 : f32 to vector<1x16xf32>
          %mul3A_271 = arith.mulf %get3A_269, %mul3A_270 : vector<1x16xf32>
          %swap3A_272 = arith.index_cast %add3A_254 : i32 to index
          %swap3A_273 = arith.constant 0 : index
          %swap3A_274 = tpu.vector_load %arg16[%swap3A_272, %swap3A_273] {strides = array<i32>} : memref<512x16xf32, #tpu.memory_space<vmem>>, vector<1x16xf32>,
          %swap3A_275 = vector.shape_cast %swap3A_274 : vector<1x16xf32> to vector<1x16xf32>
          %swap3A_276 = vector.shape_cast %mul3A_271 : vector<1x16xf32> to vector<1x16xf32>
          tpu.vector_store %arg16[%swap3A_272, %swap3A_273], %swap3A_276 {strides = array<i32>} : memref<512x16xf32, #tpu.memory_space<vmem>>, vector<1x16xf32>,
          %add3A_277 = arith.constant 2 : i32
          %add3A_278 = arith.addi %add3A_232, %add3A_277 : i32
          %get3A_279 = arith.index_cast %add3A_278 : i32 to index
          %get3A_280 = arith.constant 0 : index
          %get3A_281 = tpu.vector_load %arg12[%get3A_279, %get3A_280] {strides = array<i32>} : memref<512x16xf32, #tpu.memory_space<vmem>>, vector<1x16xf32>,
          %get3A_282 = vector.shape_cast %get3A_281 : vector<1x16xf32> to vector<1x16xf32>
          %eq3A_283 = arith.constant 0 : i32
          %eq3A_284 = arith.cmpi eq, %arg0, %eq3A_283 : i32
          %slice3A_285 = vector.extract_strided_slice %get3A_282 {offsets = [0, 2], sizes = [1, 1], strides = [1, 1]} : vector<1x16xf32> to vector<1x1xf32>
          %squeeze3A_286 = vector.extract %slice3A_285[0, 0] : f32 from vector<1x1xf32>
          %slice3A_287 = vector.extract_strided_slice %get3A_282 {offsets = [0, 3], sizes = [1, 1], strides = [1, 1]} : vector<1x16xf32> to vector<1x1xf32>
          %squeeze3A_288 = vector.extract %slice3A_287[0, 0] : f32 from vector<1x1xf32>
          %select_n3A_289 = arith.select %eq3A_284, %squeeze3A_286, %squeeze3A_288 : f32
          %get3A_290 = arith.index_cast %add3A_278 : i32 to index
          %get3A_291 = arith.constant 0 : index
          %get3A_292 = tpu.vector_load %arg14[%get3A_290, %get3A_291] {strides = array<i32>} : memref<512x16xf32, #tpu.memory_space<vmem>>, vector<1x16xf32>,
          %get3A_293 = vector.shape_cast %get3A_292 : vector<1x16xf32> to vector<1x16xf32>
          %mul3A_294 = vector.broadcast %select_n3A_289 : f32 to vector<1x16xf32>
          %mul3A_295 = arith.mulf %get3A_293, %mul3A_294 : vector<1x16xf32>
          %swap3A_296 = arith.index_cast %add3A_278 : i32 to index
          %swap3A_297 = arith.constant 0 : index
          %swap3A_298 = tpu.vector_load %arg16[%swap3A_296, %swap3A_297] {strides = array<i32>} : memref<512x16xf32, #tpu.memory_space<vmem>>, vector<1x16xf32>,
          %swap3A_299 = vector.shape_cast %swap3A_298 : vector<1x16xf32> to vector<1x16xf32>
          %swap3A_300 = vector.shape_cast %mul3A_295 : vector<1x16xf32> to vector<1x16xf32>
          tpu.vector_store %arg16[%swap3A_296, %swap3A_297], %swap3A_300 {strides = array<i32>} : memref<512x16xf32, #tpu.memory_space<vmem>>, vector<1x16xf32>,
          %add3A_301 = arith.constant 3 : i32
          %add3A_302 = arith.addi %add3A_232, %add3A_301 : i32
          %get3A_303 = arith.index_cast %add3A_302 : i32 to index
          %get3A_304 = arith.constant 0 : index
          %get3A_305 = tpu.vector_load %arg12[%get3A_303, %get3A_304] {strides = array<i32>} : memref<512x16xf32, #tpu.memory_space<vmem>>, vector<1x16xf32>,
          %get3A_306 = vector.shape_cast %get3A_305 : vector<1x16xf32> to vector<1x16xf32>
          %eq3A_307 = arith.constant 0 : i32
          %eq3A_308 = arith.cmpi eq, %arg0, %eq3A_307 : i32
          %slice3A_309 = vector.extract_strided_slice %get3A_306 {offsets = [0, 2], sizes = [1, 1], strides = [1, 1]} : vector<1x16xf32> to vector<1x1xf32>
          %squeeze3A_310 = vector.extract %slice3A_309[0, 0] : f32 from vector<1x1xf32>
          %slice3A_311 = vector.extract_strided_slice %get3A_306 {offsets = [0, 3], sizes = [1, 1], strides = [1, 1]} : vector<1x16xf32> to vector<1x1xf32>
          %squeeze3A_312 = vector.extract %slice3A_311[0, 0] : f32 from vector<1x1xf32>
          %select_n3A_313 = arith.select %eq3A_308, %squeeze3A_310, %squeeze3A_312 : f32
          %get3A_314 = arith.index_cast %add3A_302 : i32 to index
          %get3A_315 = arith.constant 0 : index
          %get3A_316 = tpu.vector_load %arg14[%get3A_314, %get3A_315] {strides = array<i32>} : memref<512x16xf32, #tpu.memory_space<vmem>>, vector<1x16xf32>,
          %get3A_317 = vector.shape_cast %get3A_316 : vector<1x16xf32> to vector<1x16xf32>
          %mul3A_318 = vector.broadcast %select_n3A_313 : f32 to vector<1x16xf32>
          %mul3A_319 = arith.mulf %get3A_317, %mul3A_318 : vector<1x16xf32>
          %swap3A_320 = arith.index_cast %add3A_302 : i32 to index
          %swap3A_321 = arith.constant 0 : index
          %swap3A_322 = tpu.vector_load %arg16[%swap3A_320, %swap3A_321] {strides = array<i32>} : memref<512x16xf32, #tpu.memory_space<vmem>>, vector<1x16xf32>,
          %swap3A_323 = vector.shape_cast %swap3A_322 : vector<1x16xf32> to vector<1x16xf32>
          %swap3A_324 = vector.shape_cast %mul3A_319 : vector<1x16xf32> to vector<1x16xf32>
          tpu.vector_store %arg16[%swap3A_320, %swap3A_321], %swap3A_324 {strides = array<i32>} : memref<512x16xf32, #tpu.memory_space<vmem>>, vector<1x16xf32>,
        }
        %scan3A_224 = arith.constant 128 : i32
        %run_scoped3A = arith.constant 0 : i32
        "tpu.region"() ({
          %run_scoped3A_228 = tpu.sem_alloc : memref<!tpu.dma_semaphore, #tpu.memory_space<semaphore_mem>>
          %dma_start3A_229 = arith.constant 0 : i32
          %dma_start3A_230 = arith.constant 0 : i32
          %dma_start3A_231 = tpu.memref_slice %arg16[%dma_start3A_229, %dma_start3A_230] : memref<512x16xf32, #tpu.memory_space<vmem>> -> memref<128x16xf32, #tpu.memory_space<vmem>>
          %dma_start3A_232 = arith.constant 0 : i32
          %dma_start3A_233 = tpu.memref_slice %arg10[%run_scoped3A, %dma_start3A_232] : memref<4x128xi32, #tpu.memory_space<vmem>> -> memref<1x128xi32, #tpu.memory_space<vmem>>
          %dma_start3A_234 = tpu.memref_squeeze %dma_start3A_233 : memref<1x128xi32, #tpu.memory_space<vmem>> -> memref<128xi32, #tpu.memory_space<vmem>>
          %dma_start3A_235 = arith.constant 0 : i32
          %dma_start3A_236 = arith.constant 0 : i32
          %dma_start3A_237 = tpu.memref_slice %arg19[%dma_start3A_235, %dma_start3A_236] : memref<50176x16xf32, #tpu.memory_space<vmem_shared>> -> memref<50176x16xf32, #tpu.memory_space<vmem_shared>>
          tpu.enqueue_indirect_dma source(%dma_start3A_231 : memref<128x16xf32, #tpu.memory_space<vmem>>) target(%dma_start3A_237 : memref<50176x16xf32, #tpu.memory_space<vmem_shared>>) offsets(%dma_start3A_234 : memref<128xi32, #tpu.memory_space<vmem>>) semaphore(%run_scoped3A_228 : memref<!tpu.dma_semaphore, #tpu.memory_space<semaphore_mem>>) {add = true}
          %dma_wait3A_238 = arith.constant 0 : i32
          %dma_wait3A_239 = arith.constant 0 : i32
          %dma_wait3A_240 = tpu.memref_slice %arg16[%dma_wait3A_238, %dma_wait3A_239] : memref<512x16xf32, #tpu.memory_space<vmem>> -> memref<128x16xf32, #tpu.memory_space<vmem>>
          %dma_wait3A_241 = arith.constant 0 : i32
          %dma_wait3A_242 = tpu.memref_slice %arg10[%run_scoped3A, %dma_wait3A_241] : memref<4x128xi32, #tpu.memory_space<vmem>> -> memref<1x128xi32, #tpu.memory_space<vmem>>
          %dma_wait3A_243 = tpu.memref_squeeze %dma_wait3A_242 : memref<1x128xi32, #tpu.memory_space<vmem>> -> memref<128xi32, #tpu.memory_space<vmem>>
          %dma_wait3A_244 = arith.constant 0 : i32
          %dma_wait3A_245 = arith.constant 0 : i32
          %dma_wait3A_246 = tpu.memref_slice %arg19[%dma_wait3A_244, %dma_wait3A_245] : memref<50176x16xf32, #tpu.memory_space<vmem_shared>> -> memref<50176x16xf32, #tpu.memory_space<vmem_shared>>
          tpu.wait_indirect_dma semaphore(%run_scoped3A_228 : memref<!tpu.dma_semaphore, #tpu.memory_space<semaphore_mem>>) src(%dma_wait3A_240 : memref<128x16xf32, #tpu.memory_space<vmem>>) dst(%dma_wait3A_246 : memref<50176x16xf32, #tpu.memory_space<vmem_shared>>)
          tpu.yield
        }) : () -> ()
        %run_scoped3A_225 = arith.constant 1 : i32
        "tpu.region"() ({
          %run_scoped3A_228 = tpu.sem_alloc : memref<!tpu.dma_semaphore, #tpu.memory_space<semaphore_mem>>
          %dma_start3A_229 = arith.constant 128 : i32
          %dma_start3A_230 = arith.constant 0 : i32
          %dma_start3A_231 = tpu.memref_slice %arg16[%dma_start3A_229, %dma_start3A_230] : memref<512x16xf32, #tpu.memory_space<vmem>> -> memref<128x16xf32, #tpu.memory_space<vmem>>
          %dma_start3A_232 = arith.constant 0 : i32
          %dma_start3A_233 = tpu.memref_slice %arg10[%run_scoped3A_225, %dma_start3A_232] : memref<4x128xi32, #tpu.memory_space<vmem>> -> memref<1x128xi32, #tpu.memory_space<vmem>>
          %dma_start3A_234 = tpu.memref_squeeze %dma_start3A_233 : memref<1x128xi32, #tpu.memory_space<vmem>> -> memref<128xi32, #tpu.memory_space<vmem>>
          %dma_start3A_235 = arith.constant 0 : i32
          %dma_start3A_236 = arith.constant 0 : i32
          %dma_start3A_237 = tpu.memref_slice %arg19[%dma_start3A_235, %dma_start3A_236] : memref<50176x16xf32, #tpu.memory_space<vmem_shared>> -> memref<50176x16xf32, #tpu.memory_space<vmem_shared>>
          tpu.enqueue_indirect_dma source(%dma_start3A_231 : memref<128x16xf32, #tpu.memory_space<vmem>>) target(%dma_start3A_237 : memref<50176x16xf32, #tpu.memory_space<vmem_shared>>) offsets(%dma_start3A_234 : memref<128xi32, #tpu.memory_space<vmem>>) semaphore(%run_scoped3A_228 : memref<!tpu.dma_semaphore, #tpu.memory_space<semaphore_mem>>) {add = true}
          %dma_wait3A_238 = arith.constant 128 : i32
          %dma_wait3A_239 = arith.constant 0 : i32
          %dma_wait3A_240 = tpu.memref_slice %arg16[%dma_wait3A_238, %dma_wait3A_239] : memref<512x16xf32, #tpu.memory_space<vmem>> -> memref<128x16xf32, #tpu.memory_space<vmem>>
          %dma_wait3A_241 = arith.constant 0 : i32
          %dma_wait3A_242 = tpu.memref_slice %arg10[%run_scoped3A_225, %dma_wait3A_241] : memref<4x128xi32, #tpu.memory_space<vmem>> -> memref<1x128xi32, #tpu.memory_space<vmem>>
          %dma_wait3A_243 = tpu.memref_squeeze %dma_wait3A_242 : memref<1x128xi32, #tpu.memory_space<vmem>> -> memref<128xi32, #tpu.memory_space<vmem>>
          %dma_wait3A_244 = arith.constant 0 : i32
          %dma_wait3A_245 = arith.constant 0 : i32
          %dma_wait3A_246 = tpu.memref_slice %arg19[%dma_wait3A_244, %dma_wait3A_245] : memref<50176x16xf32, #tpu.memory_space<vmem_shared>> -> memref<50176x16xf32, #tpu.memory_space<vmem_shared>>
          tpu.wait_indirect_dma semaphore(%run_scoped3A_228 : memref<!tpu.dma_semaphore, #tpu.memory_space<semaphore_mem>>) src(%dma_wait3A_240 : memref<128x16xf32, #tpu.memory_space<vmem>>) dst(%dma_wait3A_246 : memref<50176x16xf32, #tpu.memory_space<vmem_shared>>)
          tpu.yield
        }) : () -> ()
        %run_scoped3A_226 = arith.constant 2 : i32
        "tpu.region"() ({
          %run_scoped3A_228 = tpu.sem_alloc : memref<!tpu.dma_semaphore, #tpu.memory_space<semaphore_mem>>
          %dma_start3A_229 = arith.constant 256 : i32
          %dma_start3A_230 = arith.constant 0 : i32
          %dma_start3A_231 = tpu.memref_slice %arg16[%dma_start3A_229, %dma_start3A_230] : memref<512x16xf32, #tpu.memory_space<vmem>> -> memref<128x16xf32, #tpu.memory_space<vmem>>
          %dma_start3A_232 = arith.constant 0 : i32
          %dma_start3A_233 = tpu.memref_slice %arg10[%run_scoped3A_226, %dma_start3A_232] : memref<4x128xi32, #tpu.memory_space<vmem>> -> memref<1x128xi32, #tpu.memory_space<vmem>>
          %dma_start3A_234 = tpu.memref_squeeze %dma_start3A_233 : memref<1x128xi32, #tpu.memory_space<vmem>> -> memref<128xi32, #tpu.memory_space<vmem>>
          %dma_start3A_235 = arith.constant 0 : i32
          %dma_start3A_236 = arith.constant 0 : i32
          %dma_start3A_237 = tpu.memref_slice %arg19[%dma_start3A_235, %dma_start3A_236] : memref<50176x16xf32, #tpu.memory_space<vmem_shared>> -> memref<50176x16xf32, #tpu.memory_space<vmem_shared>>
          tpu.enqueue_indirect_dma source(%dma_start3A_231 : memref<128x16xf32, #tpu.memory_space<vmem>>) target(%dma_start3A_237 : memref<50176x16xf32, #tpu.memory_space<vmem_shared>>) offsets(%dma_start3A_234 : memref<128xi32, #tpu.memory_space<vmem>>) semaphore(%run_scoped3A_228 : memref<!tpu.dma_semaphore, #tpu.memory_space<semaphore_mem>>) {add = true}
          %dma_wait3A_238 = arith.constant 256 : i32
          %dma_wait3A_239 = arith.constant 0 : i32
          %dma_wait3A_240 = tpu.memref_slice %arg16[%dma_wait3A_238, %dma_wait3A_239] : memref<512x16xf32, #tpu.memory_space<vmem>> -> memref<128x16xf32, #tpu.memory_space<vmem>>
          %dma_wait3A_241 = arith.constant 0 : i32
          %dma_wait3A_242 = tpu.memref_slice %arg10[%run_scoped3A_226, %dma_wait3A_241] : memref<4x128xi32, #tpu.memory_space<vmem>> -> memref<1x128xi32, #tpu.memory_space<vmem>>
          %dma_wait3A_243 = tpu.memref_squeeze %dma_wait3A_242 : memref<1x128xi32, #tpu.memory_space<vmem>> -> memref<128xi32, #tpu.memory_space<vmem>>
          %dma_wait3A_244 = arith.constant 0 : i32
          %dma_wait3A_245 = arith.constant 0 : i32
          %dma_wait3A_246 = tpu.memref_slice %arg19[%dma_wait3A_244, %dma_wait3A_245] : memref<50176x16xf32, #tpu.memory_space<vmem_shared>> -> memref<50176x16xf32, #tpu.memory_space<vmem_shared>>
          tpu.wait_indirect_dma semaphore(%run_scoped3A_228 : memref<!tpu.dma_semaphore, #tpu.memory_space<semaphore_mem>>) src(%dma_wait3A_240 : memref<128x16xf32, #tpu.memory_space<vmem>>) dst(%dma_wait3A_246 : memref<50176x16xf32, #tpu.memory_space<vmem_shared>>)
          tpu.yield
        }) : () -> ()
        %run_scoped3A_227 = arith.constant 3 : i32
        "tpu.region"() ({
          %run_scoped3A_228 = tpu.sem_alloc : memref<!tpu.dma_semaphore, #tpu.memory_space<semaphore_mem>>
          %dma_start3A_229 = arith.constant 384 : i32
          %dma_start3A_230 = arith.constant 0 : i32
          %dma_start3A_231 = tpu.memref_slice %arg16[%dma_start3A_229, %dma_start3A_230] : memref<512x16xf32, #tpu.memory_space<vmem>> -> memref<128x16xf32, #tpu.memory_space<vmem>>
          %dma_start3A_232 = arith.constant 0 : i32
          %dma_start3A_233 = tpu.memref_slice %arg10[%run_scoped3A_227, %dma_start3A_232] : memref<4x128xi32, #tpu.memory_space<vmem>> -> memref<1x128xi32, #tpu.memory_space<vmem>>
          %dma_start3A_234 = tpu.memref_squeeze %dma_start3A_233 : memref<1x128xi32, #tpu.memory_space<vmem>> -> memref<128xi32, #tpu.memory_space<vmem>>
          %dma_start3A_235 = arith.constant 0 : i32
          %dma_start3A_236 = arith.constant 0 : i32
          %dma_start3A_237 = tpu.memref_slice %arg19[%dma_start3A_235, %dma_start3A_236] : memref<50176x16xf32, #tpu.memory_space<vmem_shared>> -> memref<50176x16xf32, #tpu.memory_space<vmem_shared>>
          tpu.enqueue_indirect_dma source(%dma_start3A_231 : memref<128x16xf32, #tpu.memory_space<vmem>>) target(%dma_start3A_237 : memref<50176x16xf32, #tpu.memory_space<vmem_shared>>) offsets(%dma_start3A_234 : memref<128xi32, #tpu.memory_space<vmem>>) semaphore(%run_scoped3A_228 : memref<!tpu.dma_semaphore, #tpu.memory_space<semaphore_mem>>) {add = true}
          %dma_wait3A_238 = arith.constant 384 : i32
          %dma_wait3A_239 = arith.constant 0 : i32
          %dma_wait3A_240 = tpu.memref_slice %arg16[%dma_wait3A_238, %dma_wait3A_239] : memref<512x16xf32, #tpu.memory_space<vmem>> -> memref<128x16xf32, #tpu.memory_space<vmem>>
          %dma_wait3A_241 = arith.constant 0 : i32
          %dma_wait3A_242 = tpu.memref_slice %arg10[%run_scoped3A_227, %dma_wait3A_241] : memref<4x128xi32, #tpu.memory_space<vmem>> -> memref<1x128xi32, #tpu.memory_space<vmem>>
          %dma_wait3A_243 = tpu.memref_squeeze %dma_wait3A_242 : memref<1x128xi32, #tpu.memory_space<vmem>> -> memref<128xi32, #tpu.memory_space<vmem>>
          %dma_wait3A_244 = arith.constant 0 : i32
          %dma_wait3A_245 = arith.constant 0 : i32
          %dma_wait3A_246 = tpu.memref_slice %arg19[%dma_wait3A_244, %dma_wait3A_245] : memref<50176x16xf32, #tpu.memory_space<vmem_shared>> -> memref<50176x16xf32, #tpu.memory_space<vmem_shared>>
          tpu.wait_indirect_dma semaphore(%run_scoped3A_228 : memref<!tpu.dma_semaphore, #tpu.memory_space<semaphore_mem>>) src(%dma_wait3A_240 : memref<128x16xf32, #tpu.memory_space<vmem>>) dst(%dma_wait3A_246 : memref<50176x16xf32, #tpu.memory_space<vmem_shared>>)
          tpu.yield
        }) : () -> ()
      } else {
      }
    }
    %scan3A_105 = arith.constant 100 : i32
    %barrier3A_106 = arith.constant 0 : index
    tpu.barrier barrier_id(%barrier3A_106)
    %scan3A_107 = arith.constant 0 : i32
    %scan3A_108 = arith.constant 7 : i32
    %scan3A_109 = arith.addi %scan3A_107, %scan3A_108 : i32
    %scan3A_110 = arith.constant 1 : i32
    scf.for %scan3A_112 = %scan3A_107 to %scan3A_109 step %scan3A_110  : i32 {
      %mul3A_113 = arith.constant 1 : i32
      %mul3A_114 = arith.muli %scan3A_112, %mul3A_113 : i32
      %add3A_115 = arith.constant 0 : i32
      %add3A_116 = arith.addi %add3A_115, %mul3A_114 : i32
      %mul3A_117 = arith.constant 16 : i32
      %mul3A_118 = arith.muli %add3A_116, %mul3A_117 : i32
      %add3A_119 = arith.addi %arg1, %mul3A_118 : i32
      %lt3A = arith.constant 98 : i32
      %lt3A_120 = arith.cmpi slt, %add3A_119, %lt3A : i32
      %convert_element_type3A = arith.extui %lt3A_120 : i1 to i32
      %cond3A = arith.constant 0 : i32
      %cond3A_121 = arith.cmpi ne, %convert_element_type3A, %cond3A : i32
      scf.if %cond3A_121 {
        %mul3A_122 = arith.constant 512 : i32
        %mul3A_123 = arith.muli %add3A_119, %mul3A_122 : i32
        %mul3A_124 = arith.constant 512 : i32
        %mul3A_125 = arith.muli %add3A_119, %mul3A_124 : i32
        "tpu.region"() ({
          %run_scoped3A = tpu.sem_alloc : memref<!tpu.dma_semaphore, #tpu.memory_space<semaphore_mem>>
          %dma_start3A_126 = arith.constant 0 : i32
          %dma_start3A_127 = tpu.memref_slice %arg6[%arg0, %mul3A_125, %dma_start3A_126] : memref<2x50176x16xf32, #tpu.memory_space<hbm>> -> memref<1x512x16xf32, #tpu.memory_space<hbm>>
          %dma_start3A_128 = tpu.memref_squeeze %dma_start3A_127 : memref<1x512x16xf32, #tpu.memory_space<hbm>> -> memref<512x16xf32, #tpu.memory_space<hbm>>
          %dma_start3A_129 = arith.constant 0 : i32
          %dma_start3A_130 = tpu.memref_slice %arg19[%mul3A_123, %dma_start3A_129] : memref<50176x16xf32, #tpu.memory_space<vmem_shared>> -> memref<512x16xf32, #tpu.memory_space<vmem_shared>>
          tpu.enqueue_dma source(%dma_start3A_130 : memref<512x16xf32, #tpu.memory_space<vmem_shared>>) target(%dma_start3A_128 : memref<512x16xf32, #tpu.memory_space<hbm>>) target_semaphore(%run_scoped3A : memref<!tpu.dma_semaphore, #tpu.memory_space<semaphore_mem>>)
          %dma_wait3A_131 = arith.constant 0 : i32
          %dma_wait3A_132 = tpu.memref_slice %arg6[%arg0, %mul3A_125, %dma_wait3A_131] : memref<2x50176x16xf32, #tpu.memory_space<hbm>> -> memref<1x512x16xf32, #tpu.memory_space<hbm>>
          %dma_wait3A_133 = tpu.memref_squeeze %dma_wait3A_132 : memref<1x512x16xf32, #tpu.memory_space<hbm>> -> memref<512x16xf32, #tpu.memory_space<hbm>>
          %dma_wait3A_134 = arith.constant 0 : i32
          %dma_wait3A_135 = tpu.memref_slice %arg19[%mul3A_123, %dma_wait3A_134] : memref<50176x16xf32, #tpu.memory_space<vmem_shared>> -> memref<512x16xf32, #tpu.memory_space<vmem_shared>>
          tpu.wait_dma2 semaphore(%run_scoped3A : memref<!tpu.dma_semaphore, #tpu.memory_space<semaphore_mem>>) src(%dma_wait3A_135 : memref<512x16xf32, #tpu.memory_space<vmem_shared>>) dst(%dma_wait3A_133 : memref<512x16xf32, #tpu.memory_space<hbm>>)
          tpu.yield
        }) : () -> ()
      } else {
      }
    }
    %scan3A_111 = arith.constant 7 : i32
    return
  }
}

module attributes {stable_mosaic.version = 14 : i64} {
  func.func @_pre_body(%arg0: i32, %arg1: memref<2000x65xf32, #tpu.memory_space<vmem>>, %arg2: memref<2000x65xf32, #tpu.memory_space<vmem>>, %arg3: memref<64x65xf32, #tpu.memory_space<vmem>>, %arg4: memref<1x64xf32, #tpu.memory_space<vmem>>, %arg5: memref<64x65xf32, #tpu.memory_space<vmem>>, %arg6: memref<1x64xf32, #tpu.memory_space<vmem>>, %arg7: memref<64x4xf32, #tpu.memory_space<vmem>>, %arg8: memref<64x4xf32, #tpu.memory_space<vmem>>, %arg9: memref<2x2000x16xf32, #tpu.memory_space<vmem>>, %arg10: memref<2x2000x16xf32, #tpu.memory_space<vmem>>, %arg11: memref<2000x16xf32, #tpu.memory_space<vmem>>, %arg12: memref<2000x16xf32, #tpu.memory_space<vmem>>, %arg13: memref<1x16xf32, #tpu.memory_space<vmem>>, %arg14: memref<1x4xf32, #tpu.memory_space<vmem>>, %arg15: memref<1x4xf32, #tpu.memory_space<vmem>>) attributes {dimension_semantics = [#tpu.dimension_semantics<arbitrary>], iteration_bounds = array<i64: 25>, scalar_prefetch = 0 : i64, scratch_operands = 2 : i64, tpu.core_type = #tpu.core_type<tc>, window_params = [{transform_indices = @transform_0, window_bounds = array<i64: 2000, 65>}, {transform_indices = @transform_1, window_bounds = array<i64: 2000, 65>}, {pipeline_mode = #tpu.pipeline_mode<synchronous>, transform_indices = @transform_2, window_bounds = array<i64: 64, 65>}, {pipeline_mode = #tpu.pipeline_mode<synchronous>, transform_indices = @transform_3, window_bounds = array<i64: 1, 64>}, {pipeline_mode = #tpu.pipeline_mode<synchronous>, transform_indices = @transform_4, window_bounds = array<i64: 64, 65>}, {pipeline_mode = #tpu.pipeline_mode<synchronous>, transform_indices = @transform_5, window_bounds = array<i64: 1, 64>}, {pipeline_mode = #tpu.pipeline_mode<synchronous>, transform_indices = @transform_6, window_bounds = array<i64: 64, 4>}, {pipeline_mode = #tpu.pipeline_mode<synchronous>, transform_indices = @transform_7, window_bounds = array<i64: 64, 4>}, {transform_indices = @transform_8, window_bounds = array<i64: 2, 2000, 16>}, {transform_indices = @transform_9, window_bounds = array<i64: 2, 2000, 16>}, {transform_indices = @transform_10, window_bounds = array<i64: 2000, 16>}, {transform_indices = @transform_11, window_bounds = array<i64: 2000, 16>}, {pipeline_mode = #tpu.pipeline_mode<synchronous>, transform_indices = @transform_12, window_bounds = array<i64: 1, 16>}]} {
    %get3A = arith.constant 0 : index
    %get3A_0 = arith.constant 0 : index
    %get3A_1 = vector.load %arg1[%get3A, %get3A_0] : memref<2000x65xf32, #tpu.memory_space<vmem>>, vector<2000x65xf32>
    %get3A_2 = arith.constant 0 : index
    %get3A_3 = arith.constant 0 : index
    %get3A_4 = vector.load %arg3[%get3A_2, %get3A_3] : memref<64x65xf32, #tpu.memory_space<vmem>>, vector<64x65xf32>
    %transpose3A = tpu.transpose %get3A_4, [1, 0] : vector<64x65xf32> -> vector<65x64xf32>
    %dot_general3A = arith.constant dense<0.000000e+00> : vector<2000x64xf32>
    %dot_general3A_5 = tpu.matmul %get3A_1, %transpose3A, %dot_general3A {dimension_numbers = #tpu.dot_dimension_numbers<[1], [0], [0], [1], [0, 0, 1, 1], [], []>, precision = #tpu.contract_precision<fp32>, transpose_lhs_hint = false} : vector<2000x65xf32>, vector<65x64xf32>, vector<2000x64xf32> -> vector<2000x64xf32>
    %get3A_6 = arith.constant 0 : index
    %get3A_7 = arith.constant 0 : index
    %get3A_8 = vector.load %arg4[%get3A_6, %get3A_7] : memref<1x64xf32, #tpu.memory_space<vmem>>, vector<1x64xf32>
    %add3A = vector.broadcast %get3A_8 : vector<1x64xf32> to vector<2000x64xf32>
    %add3A_9 = arith.addf %dot_general3A_5, %add3A : vector<2000x64xf32>
    %get3A_10 = arith.constant 0 : index
    %get3A_11 = arith.constant 0 : index
    %get3A_12 = vector.load %arg2[%get3A_10, %get3A_11] : memref<2000x65xf32, #tpu.memory_space<vmem>>, vector<2000x65xf32>
    %get3A_13 = arith.constant 0 : index
    %get3A_14 = arith.constant 0 : index
    %get3A_15 = vector.load %arg5[%get3A_13, %get3A_14] : memref<64x65xf32, #tpu.memory_space<vmem>>, vector<64x65xf32>
    %transpose3A_16 = tpu.transpose %get3A_15, [1, 0] : vector<64x65xf32> -> vector<65x64xf32>
    %dot_general3A_17 = arith.constant dense<0.000000e+00> : vector<2000x64xf32>
    %dot_general3A_18 = tpu.matmul %get3A_12, %transpose3A_16, %dot_general3A_17 {dimension_numbers = #tpu.dot_dimension_numbers<[1], [0], [0], [1], [0, 0, 1, 1], [], []>, precision = #tpu.contract_precision<fp32>, transpose_lhs_hint = false} : vector<2000x65xf32>, vector<65x64xf32>, vector<2000x64xf32> -> vector<2000x64xf32>
    %get3A_19 = arith.constant 0 : index
    %get3A_20 = arith.constant 0 : index
    %get3A_21 = vector.load %arg6[%get3A_19, %get3A_20] : memref<1x64xf32, #tpu.memory_space<vmem>>, vector<1x64xf32>
    %add3A_22 = vector.broadcast %get3A_21 : vector<1x64xf32> to vector<2000x64xf32>
    %add3A_23 = arith.addf %dot_general3A_18, %add3A_22 : vector<2000x64xf32>
    %slice3A = vector.extract_strided_slice %add3A_23 {offsets = [0, 0], sizes = [2000, 16], strides = [1, 1]} : vector<2000x64xf32> to vector<2000x16xf32>
    %swap3A = arith.constant 0 : index
    %swap3A_24 = arith.constant 0 : index
    %swap3A_25 = arith.constant 0 : index
    %swap3A_26 = vector.load %arg9[%swap3A, %swap3A_24, %swap3A_25] : memref<2x2000x16xf32, #tpu.memory_space<vmem>>, vector<1x2000x16xf32>
    %swap3A_27 = vector.shape_cast %swap3A_26 : vector<1x2000x16xf32> to vector<2000x16xf32>
    %swap3A_28 = vector.shape_cast %slice3A : vector<2000x16xf32> to vector<1x2000x16xf32>
    tpu.vector_store %arg9[%swap3A, %swap3A_24, %swap3A_25], %swap3A_28 {strides = array<i32>} : memref<2x2000x16xf32, #tpu.memory_space<vmem>>, vector<1x2000x16xf32>,
    %slice3A_29 = vector.extract_strided_slice %add3A_23 {offsets = [0, 16], sizes = [2000, 16], strides = [1, 1]} : vector<2000x64xf32> to vector<2000x16xf32>
    %swap3A_30 = arith.constant 1 : index
    %swap3A_31 = arith.constant 0 : index
    %swap3A_32 = arith.constant 0 : index
    %swap3A_33 = vector.load %arg9[%swap3A_30, %swap3A_31, %swap3A_32] : memref<2x2000x16xf32, #tpu.memory_space<vmem>>, vector<1x2000x16xf32>
    %swap3A_34 = vector.shape_cast %swap3A_33 : vector<1x2000x16xf32> to vector<2000x16xf32>
    %swap3A_35 = vector.shape_cast %slice3A_29 : vector<2000x16xf32> to vector<1x2000x16xf32>
    tpu.vector_store %arg9[%swap3A_30, %swap3A_31, %swap3A_32], %swap3A_35 {strides = array<i32>} : memref<2x2000x16xf32, #tpu.memory_space<vmem>>, vector<1x2000x16xf32>,
    %slice3A_36 = vector.extract_strided_slice %add3A_23 {offsets = [0, 32], sizes = [2000, 16], strides = [1, 1]} : vector<2000x64xf32> to vector<2000x16xf32>
    %swap3A_37 = arith.constant 0 : index
    %swap3A_38 = arith.constant 0 : index
    %swap3A_39 = arith.constant 0 : index
    %swap3A_40 = vector.load %arg10[%swap3A_37, %swap3A_38, %swap3A_39] : memref<2x2000x16xf32, #tpu.memory_space<vmem>>, vector<1x2000x16xf32>
    %swap3A_41 = vector.shape_cast %swap3A_40 : vector<1x2000x16xf32> to vector<2000x16xf32>
    %swap3A_42 = vector.shape_cast %slice3A_36 : vector<2000x16xf32> to vector<1x2000x16xf32>
    tpu.vector_store %arg10[%swap3A_37, %swap3A_38, %swap3A_39], %swap3A_42 {strides = array<i32>} : memref<2x2000x16xf32, #tpu.memory_space<vmem>>, vector<1x2000x16xf32>,
    %slice3A_43 = vector.extract_strided_slice %add3A_23 {offsets = [0, 48], sizes = [2000, 16], strides = [1, 1]} : vector<2000x64xf32> to vector<2000x16xf32>
    %swap3A_44 = arith.constant 1 : index
    %swap3A_45 = arith.constant 0 : index
    %swap3A_46 = arith.constant 0 : index
    %swap3A_47 = vector.load %arg10[%swap3A_44, %swap3A_45, %swap3A_46] : memref<2x2000x16xf32, #tpu.memory_space<vmem>>, vector<1x2000x16xf32>
    %swap3A_48 = vector.shape_cast %swap3A_47 : vector<1x2000x16xf32> to vector<2000x16xf32>
    %swap3A_49 = vector.shape_cast %slice3A_43 : vector<2000x16xf32> to vector<1x2000x16xf32>
    tpu.vector_store %arg10[%swap3A_44, %swap3A_45, %swap3A_46], %swap3A_49 {strides = array<i32>} : memref<2x2000x16xf32, #tpu.memory_space<vmem>>, vector<1x2000x16xf32>,
    %broadcast_in_dim3A = arith.constant 0.000000e+00 : f32
    %broadcast_in_dim3A_50 = vector.broadcast %broadcast_in_dim3A : f32 to vector<2000x12xf32>
    %get3A_51 = arith.constant 0 : index
    %get3A_52 = arith.constant 0 : index
    %get3A_53 = vector.load %arg7[%get3A_51, %get3A_52] : memref<64x4xf32, #tpu.memory_space<vmem>>, vector<64x4xf32>
    %dot_general3A_54 = arith.constant dense<0.000000e+00> : vector<2000x4xf32>
    %dot_general3A_55 = tpu.matmul %add3A_23, %get3A_53, %dot_general3A_54 {dimension_numbers = #tpu.dot_dimension_numbers<[1], [0], [0], [1], [0, 0, 1, 1], [], []>, precision = #tpu.contract_precision<fp32>, transpose_lhs_hint = false} : vector<2000x64xf32>, vector<64x4xf32>, vector<2000x4xf32> -> vector<2000x4xf32>
    %get3A_56 = arith.constant 0 : index
    %get3A_57 = arith.constant 0 : index
    %get3A_58 = vector.load %arg8[%get3A_56, %get3A_57] : memref<64x4xf32, #tpu.memory_space<vmem>>, vector<64x4xf32>
    %dot_general3A_59 = arith.constant dense<0.000000e+00> : vector<2000x4xf32>
    %dot_general3A_60 = tpu.matmul %add3A_9, %get3A_58, %dot_general3A_59 {dimension_numbers = #tpu.dot_dimension_numbers<[1], [0], [0], [1], [0, 0, 1, 1], [], []>, precision = #tpu.contract_precision<fp32>, transpose_lhs_hint = false} : vector<2000x64xf32>, vector<64x4xf32>, vector<2000x4xf32> -> vector<2000x4xf32>
    %concatenate3A = tpu.concatenate %dot_general3A_55, %broadcast_in_dim3A_50 in 1 : vector<2000x4xf32>, vector<2000x12xf32> -> vector<2000x16xf32>
    %swap3A_61 = arith.constant 0 : index
    %swap3A_62 = arith.constant 0 : index
    %swap3A_63 = vector.load %arg11[%swap3A_61, %swap3A_62] : memref<2000x16xf32, #tpu.memory_space<vmem>>, vector<2000x16xf32>
    tpu.vector_store %arg11[%swap3A_61, %swap3A_62], %concatenate3A {strides = array<i32>} : memref<2000x16xf32, #tpu.memory_space<vmem>>, vector<2000x16xf32>,
    %concatenate3A_64 = tpu.concatenate %dot_general3A_60, %broadcast_in_dim3A_50 in 1 : vector<2000x4xf32>, vector<2000x12xf32> -> vector<2000x16xf32>
    %swap3A_65 = arith.constant 0 : index
    %swap3A_66 = arith.constant 0 : index
    %swap3A_67 = vector.load %arg12[%swap3A_65, %swap3A_66] : memref<2000x16xf32, #tpu.memory_space<vmem>>, vector<2000x16xf32>
    tpu.vector_store %arg12[%swap3A_65, %swap3A_66], %concatenate3A_64 {strides = array<i32>} : memref<2000x16xf32, #tpu.memory_space<vmem>>, vector<2000x16xf32>,
    %reduce_max3A = arith.constant dense<0xFF800000> : vector<4xf32>
    %reduce_max3A_68 = vector.multi_reduction <maximumf>, %dot_general3A_55, %reduce_max3A [0] : vector<2000x4xf32> to vector<4xf32>
    %broadcast_in_dim3A_69 = vector.shape_cast %reduce_max3A_68 : vector<4xf32> to vector<1x4xf32>
    %reduce_max3A_70 = arith.constant dense<0xFF800000> : vector<4xf32>
    %reduce_max3A_71 = vector.multi_reduction <maximumf>, %dot_general3A_60, %reduce_max3A_70 [0] : vector<2000x4xf32> to vector<4xf32>
    %broadcast_in_dim3A_72 = vector.shape_cast %reduce_max3A_71 : vector<4xf32> to vector<1x4xf32>
    %eq3A = arith.constant 0 : i32
    %eq3A_73 = arith.cmpi eq, %arg0, %eq3A : i32
    %convert_element_type3A = arith.extui %eq3A_73 : i1 to i32
    %cond3A = arith.constant 0 : i32
    %cond3A_74 = arith.cmpi ne, %convert_element_type3A, %cond3A : i32
    scf.if %cond3A_74 {
      %swap3A_84 = arith.constant 0 : index
      %swap3A_85 = arith.constant 0 : index
      %swap3A_86 = vector.load %arg14[%swap3A_84, %swap3A_85] : memref<1x4xf32, #tpu.memory_space<vmem>>, vector<1x4xf32>
      tpu.vector_store %arg14[%swap3A_84, %swap3A_85], %broadcast_in_dim3A_69 {strides = array<i32>} : memref<1x4xf32, #tpu.memory_space<vmem>>, vector<1x4xf32>,
      %swap3A_87 = arith.constant 0 : index
      %swap3A_88 = arith.constant 0 : index
      %swap3A_89 = vector.load %arg15[%swap3A_87, %swap3A_88] : memref<1x4xf32, #tpu.memory_space<vmem>>, vector<1x4xf32>
      tpu.vector_store %arg15[%swap3A_87, %swap3A_88], %broadcast_in_dim3A_72 {strides = array<i32>} : memref<1x4xf32, #tpu.memory_space<vmem>>, vector<1x4xf32>,
    } else {
    }
    %gt3A = arith.constant 0 : i32
    %gt3A_75 = arith.cmpi sgt, %arg0, %gt3A : i32
    %convert_element_type3A_76 = arith.extui %gt3A_75 : i1 to i32
    %cond3A_77 = arith.constant 0 : i32
    %cond3A_78 = arith.cmpi ne, %convert_element_type3A_76, %cond3A_77 : i32
    scf.if %cond3A_78 {
      %get3A_84 = arith.constant 0 : index
      %get3A_85 = arith.constant 0 : index
      %get3A_86 = vector.load %arg14[%get3A_84, %get3A_85] : memref<1x4xf32, #tpu.memory_space<vmem>>, vector<1x4xf32>
      %max3A = arith.maximumf %get3A_86, %broadcast_in_dim3A_69 : vector<1x4xf32>
      %swap3A_87 = arith.constant 0 : index
      %swap3A_88 = arith.constant 0 : index
      %swap3A_89 = vector.load %arg14[%swap3A_87, %swap3A_88] : memref<1x4xf32, #tpu.memory_space<vmem>>, vector<1x4xf32>
      tpu.vector_store %arg14[%swap3A_87, %swap3A_88], %max3A {strides = array<i32>} : memref<1x4xf32, #tpu.memory_space<vmem>>, vector<1x4xf32>,
      %get3A_90 = arith.constant 0 : index
      %get3A_91 = arith.constant 0 : index
      %get3A_92 = vector.load %arg15[%get3A_90, %get3A_91] : memref<1x4xf32, #tpu.memory_space<vmem>>, vector<1x4xf32>
      %max3A_93 = arith.maximumf %get3A_92, %broadcast_in_dim3A_72 : vector<1x4xf32>
      %swap3A_94 = arith.constant 0 : index
      %swap3A_95 = arith.constant 0 : index
      %swap3A_96 = vector.load %arg15[%swap3A_94, %swap3A_95] : memref<1x4xf32, #tpu.memory_space<vmem>>, vector<1x4xf32>
      tpu.vector_store %arg15[%swap3A_94, %swap3A_95], %max3A_93 {strides = array<i32>} : memref<1x4xf32, #tpu.memory_space<vmem>>, vector<1x4xf32>,
    } else {
    }
    %eq3A_79 = arith.constant 24 : i32
    %eq3A_80 = arith.cmpi eq, %arg0, %eq3A_79 : i32
    %convert_element_type3A_81 = arith.extui %eq3A_80 : i1 to i32
    %cond3A_82 = arith.constant 0 : i32
    %cond3A_83 = arith.cmpi ne, %convert_element_type3A_81, %cond3A_82 : i32
    scf.if %cond3A_83 {
      %get3A_84 = arith.constant 0 : index
      %get3A_85 = arith.constant 0 : index
      %get3A_86 = vector.load %arg14[%get3A_84, %get3A_85] : memref<1x4xf32, #tpu.memory_space<vmem>>, vector<1x4xf32>
      %get3A_87 = arith.constant 0 : index
      %get3A_88 = arith.constant 0 : index
      %get3A_89 = vector.load %arg15[%get3A_87, %get3A_88] : memref<1x4xf32, #tpu.memory_space<vmem>>, vector<1x4xf32>
      %add3A_90 = arith.addf %get3A_86, %get3A_89 : vector<1x4xf32>
      %broadcast_in_dim3A_91 = arith.constant 0.000000e+00 : f32
      %broadcast_in_dim3A_92 = vector.broadcast %broadcast_in_dim3A_91 : f32 to vector<1x12xf32>
      %concatenate3A_93 = tpu.concatenate %add3A_90, %broadcast_in_dim3A_92 in 1 : vector<1x4xf32>, vector<1x12xf32> -> vector<1x16xf32>
      %swap3A_94 = arith.constant 0 : index
      %swap3A_95 = arith.constant 0 : index
      %swap3A_96 = vector.load %arg13[%swap3A_94, %swap3A_95] : memref<1x16xf32, #tpu.memory_space<vmem>>, vector<1x16xf32>
      tpu.vector_store %arg13[%swap3A_94, %swap3A_95], %concatenate3A_93 {strides = array<i32>} : memref<1x16xf32, #tpu.memory_space<vmem>>, vector<1x16xf32>,
    } else {
    }
    return
  }
  func.func @transform_0(%arg0: i32) -> (i32, i32) {
    %c0_i32 = arith.constant 0 : i32
    %c0_i32_0 = arith.constant 0 : i32
    return %arg0, %c0_i32 : i32, i32
  }
  func.func @transform_1(%arg0: i32) -> (i32, i32) {
    %c0_i32 = arith.constant 0 : i32
    %c0_i32_0 = arith.constant 0 : i32
    return %arg0, %c0_i32 : i32, i32
  }
  func.func @transform_2(%arg0: i32) -> (i32, i32) {
    %c0_i32 = arith.constant 0 : i32
    %c0_i32_0 = arith.constant 0 : i32
    %c0_i32_1 = arith.constant 0 : i32
    return %c0_i32, %c0_i32_0 : i32, i32
  }
  func.func @transform_3(%arg0: i32) -> (i32, i32) {
    %c0_i32 = arith.constant 0 : i32
    %c0_i32_0 = arith.constant 0 : i32
    %c0_i32_1 = arith.constant 0 : i32
    return %c0_i32, %c0_i32_0 : i32, i32
  }
  func.func @transform_4(%arg0: i32) -> (i32, i32) {
    %c0_i32 = arith.constant 0 : i32
    %c0_i32_0 = arith.constant 0 : i32
    %c0_i32_1 = arith.constant 0 : i32
    return %c0_i32, %c0_i32_0 : i32, i32
  }
  func.func @transform_5(%arg0: i32) -> (i32, i32) {
    %c0_i32 = arith.constant 0 : i32
    %c0_i32_0 = arith.constant 0 : i32
    %c0_i32_1 = arith.constant 0 : i32
    return %c0_i32, %c0_i32_0 : i32, i32
  }
  func.func @transform_6(%arg0: i32) -> (i32, i32) {
    %c0_i32 = arith.constant 0 : i32
    %c0_i32_0 = arith.constant 0 : i32
    %c0_i32_1 = arith.constant 0 : i32
    return %c0_i32, %c0_i32_0 : i32, i32
  }
  func.func @transform_7(%arg0: i32) -> (i32, i32) {
    %c0_i32 = arith.constant 0 : i32
    %c0_i32_0 = arith.constant 0 : i32
    %c0_i32_1 = arith.constant 0 : i32
    return %c0_i32, %c0_i32_0 : i32, i32
  }
  func.func @transform_8(%arg0: i32) -> (i32, i32, i32) {
    %c0_i32 = arith.constant 0 : i32
    %c0_i32_0 = arith.constant 0 : i32
    %c0_i32_1 = arith.constant 0 : i32
    return %c0_i32, %arg0, %c0_i32_0 : i32, i32, i32
  }
  func.func @transform_9(%arg0: i32) -> (i32, i32, i32) {
    %c0_i32 = arith.constant 0 : i32
    %c0_i32_0 = arith.constant 0 : i32
    %c0_i32_1 = arith.constant 0 : i32
    return %c0_i32, %arg0, %c0_i32_0 : i32, i32, i32
  }
  func.func @transform_10(%arg0: i32) -> (i32, i32) {
    %c0_i32 = arith.constant 0 : i32
    %c0_i32_0 = arith.constant 0 : i32
    return %arg0, %c0_i32 : i32, i32
  }
  func.func @transform_11(%arg0: i32) -> (i32, i32) {
    %c0_i32 = arith.constant 0 : i32
    %c0_i32_0 = arith.constant 0 : i32
    return %arg0, %c0_i32 : i32, i32
  }
  func.func @transform_12(%arg0: i32) -> (i32, i32) {
    %c0_i32 = arith.constant 0 : i32
    %c0_i32_0 = arith.constant 0 : i32
    %c0_i32_1 = arith.constant 0 : i32
    return %c0_i32, %c0_i32_0 : i32, i32
  }
}

module attributes {stable_mosaic.version = 14 : i64} {
  func.func @_post_body(%arg0: i32, %arg1: memref<2x2000x16xf32, #tpu.memory_space<vmem>>, %arg2: memref<2x2000x16xf32, #tpu.memory_space<vmem>>, %arg3: memref<2x2000x16xf32, #tpu.memory_space<vmem>>, %arg4: memref<1x1x2000xi32, #tpu.memory_space<vmem>>, %arg5: memref<32x64xf32, #tpu.memory_space<vmem>>, %arg6: memref<1x32xf32, #tpu.memory_space<vmem>>, %arg7: memref<8x32xf32, #tpu.memory_space<vmem>>, %arg8: memref<1x1xf32, #tpu.memory_space<vmem>>, %arg9: memref<256x1xf32, #tpu.memory_space<vmem>>, %arg10: memref<256x65xf32, #tpu.memory_space<vmem>>) attributes {dimension_semantics = [#tpu.dimension_semantics<arbitrary>], iteration_bounds = array<i64: 25>, scalar_prefetch = 0 : i64, scratch_operands = 1 : i64, tpu.core_type = #tpu.core_type<tc>, window_params = [{transform_indices = @transform_0, window_bounds = array<i64: 2, 2000, 16>}, {transform_indices = @transform_1, window_bounds = array<i64: 2, 2000, 16>}, {transform_indices = @transform_2, window_bounds = array<i64: 2, 2000, 16>}, {transform_indices = @transform_3, window_bounds = array<i64: 1, 1, 2000>}, {pipeline_mode = #tpu.pipeline_mode<synchronous>, transform_indices = @transform_4, window_bounds = array<i64: 32, 64>}, {pipeline_mode = #tpu.pipeline_mode<synchronous>, transform_indices = @transform_5, window_bounds = array<i64: 1, 32>}, {pipeline_mode = #tpu.pipeline_mode<synchronous>, transform_indices = @transform_6, window_bounds = array<i64: 8, 32>}, {pipeline_mode = #tpu.pipeline_mode<synchronous>, transform_indices = @transform_7, window_bounds = array<i64: 1, 1>}, {pipeline_mode = #tpu.pipeline_mode<synchronous>, transform_indices = @transform_8, window_bounds = array<i64: 256, 1>}]} {
    %get3A = arith.constant 0 : index
    %get3A_0 = arith.constant 0 : index
    %get3A_1 = arith.constant 0 : index
    %get3A_2 = vector.load %arg1[%get3A, %get3A_0, %get3A_1] : memref<2x2000x16xf32, #tpu.memory_space<vmem>>, vector<1x2000x16xf32>
    %get3A_3 = vector.shape_cast %get3A_2 : vector<1x2000x16xf32> to vector<2000x16xf32>
    %get3A_4 = arith.constant 1 : index
    %get3A_5 = arith.constant 0 : index
    %get3A_6 = arith.constant 0 : index
    %get3A_7 = vector.load %arg1[%get3A_4, %get3A_5, %get3A_6] : memref<2x2000x16xf32, #tpu.memory_space<vmem>>, vector<1x2000x16xf32>
    %get3A_8 = vector.shape_cast %get3A_7 : vector<1x2000x16xf32> to vector<2000x16xf32>
    %add3A = arith.addf %get3A_3, %get3A_8 : vector<2000x16xf32>
    %get3A_9 = arith.constant 0 : index
    %get3A_10 = arith.constant 0 : index
    %get3A_11 = arith.constant 0 : index
    %get3A_12 = vector.load %arg2[%get3A_9, %get3A_10, %get3A_11] : memref<2x2000x16xf32, #tpu.memory_space<vmem>>, vector<1x2000x16xf32>
    %get3A_13 = vector.shape_cast %get3A_12 : vector<1x2000x16xf32> to vector<2000x16xf32>
    %slice3A = vector.extract_strided_slice %add3A {offsets = [0, 0], sizes = [2000, 1], strides = [1, 1]} : vector<2000x16xf32> to vector<2000x1xf32>
    %add3A_14 = arith.constant 1.000000e-16 : f32
    %add3A_15 = vector.broadcast %add3A_14 : f32 to vector<2000x1xf32>
    %add3A_16 = arith.addf %slice3A, %add3A_15 : vector<2000x1xf32>
    %div3A = vector.broadcast %add3A_16 : vector<2000x1xf32> to vector<2000x16xf32>
    %div3A_17 = arith.divf %get3A_13, %div3A : vector<2000x16xf32>
    %get3A_18 = arith.constant 1 : index
    %get3A_19 = arith.constant 0 : index
    %get3A_20 = arith.constant 0 : index
    %get3A_21 = vector.load %arg2[%get3A_18, %get3A_19, %get3A_20] : memref<2x2000x16xf32, #tpu.memory_space<vmem>>, vector<1x2000x16xf32>
    %get3A_22 = vector.shape_cast %get3A_21 : vector<1x2000x16xf32> to vector<2000x16xf32>
    %slice3A_23 = vector.extract_strided_slice %add3A {offsets = [0, 1], sizes = [2000, 1], strides = [1, 1]} : vector<2000x16xf32> to vector<2000x1xf32>
    %add3A_24 = arith.constant 1.000000e-16 : f32
    %add3A_25 = vector.broadcast %add3A_24 : f32 to vector<2000x1xf32>
    %add3A_26 = arith.addf %slice3A_23, %add3A_25 : vector<2000x1xf32>
    %div3A_27 = vector.broadcast %add3A_26 : vector<2000x1xf32> to vector<2000x16xf32>
    %div3A_28 = arith.divf %get3A_22, %div3A_27 : vector<2000x16xf32>
    %get3A_29 = arith.constant 0 : index
    %get3A_30 = arith.constant 0 : index
    %get3A_31 = arith.constant 0 : index
    %get3A_32 = vector.load %arg3[%get3A_29, %get3A_30, %get3A_31] : memref<2x2000x16xf32, #tpu.memory_space<vmem>>, vector<1x2000x16xf32>
    %get3A_33 = vector.shape_cast %get3A_32 : vector<1x2000x16xf32> to vector<2000x16xf32>
    %slice3A_34 = vector.extract_strided_slice %add3A {offsets = [0, 2], sizes = [2000, 1], strides = [1, 1]} : vector<2000x16xf32> to vector<2000x1xf32>
    %add3A_35 = arith.constant 1.000000e-16 : f32
    %add3A_36 = vector.broadcast %add3A_35 : f32 to vector<2000x1xf32>
    %add3A_37 = arith.addf %slice3A_34, %add3A_36 : vector<2000x1xf32>
    %div3A_38 = vector.broadcast %add3A_37 : vector<2000x1xf32> to vector<2000x16xf32>
    %div3A_39 = arith.divf %get3A_33, %div3A_38 : vector<2000x16xf32>
    %get3A_40 = arith.constant 1 : index
    %get3A_41 = arith.constant 0 : index
    %get3A_42 = arith.constant 0 : index
    %get3A_43 = vector.load %arg3[%get3A_40, %get3A_41, %get3A_42] : memref<2x2000x16xf32, #tpu.memory_space<vmem>>, vector<1x2000x16xf32>
    %get3A_44 = vector.shape_cast %get3A_43 : vector<1x2000x16xf32> to vector<2000x16xf32>
    %slice3A_45 = vector.extract_strided_slice %add3A {offsets = [0, 3], sizes = [2000, 1], strides = [1, 1]} : vector<2000x16xf32> to vector<2000x1xf32>
    %add3A_46 = arith.constant 1.000000e-16 : f32
    %add3A_47 = vector.broadcast %add3A_46 : f32 to vector<2000x1xf32>
    %add3A_48 = arith.addf %slice3A_45, %add3A_47 : vector<2000x1xf32>
    %div3A_49 = vector.broadcast %add3A_48 : vector<2000x1xf32> to vector<2000x16xf32>
    %div3A_50 = arith.divf %get3A_44, %div3A_49 : vector<2000x16xf32>
    %concatenate3A = tpu.concatenate %div3A_17, %div3A_28, %div3A_39, %div3A_50 in 1 : vector<2000x16xf32>, vector<2000x16xf32>, vector<2000x16xf32>, vector<2000x16xf32> -> vector<2000x64xf32>
    %max3A = arith.constant 0.000000e+00 : f32
    %max3A_51 = vector.broadcast %max3A : f32 to vector<2000x64xf32>
    %max3A_52 = arith.maximumf %concatenate3A, %max3A_51 : vector<2000x64xf32>
    %get3A_53 = arith.constant 0 : index
    %get3A_54 = arith.constant 0 : index
    %get3A_55 = arith.constant 0 : index
    %get3A_56 = vector.load %arg4[%get3A_53, %get3A_54, %get3A_55] : memref<1x1x2000xi32, #tpu.memory_space<vmem>>, vector<1x1x2000xi32>
    %get3A_57 = vector.shape_cast %get3A_56 : vector<1x1x2000xi32> to vector<2000xi32>
    %broadcast_in_dim3A = vector.shape_cast %get3A_57 : vector<2000xi32> to vector<2000x1xi32>
    %iota3A = tpu.iota {dimensions = array<i32: 1>} : vector<2000x256xi32>
    %eq3A = vector.broadcast %broadcast_in_dim3A : vector<2000x1xi32> to vector<2000x256xi32>
    %eq3A_58 = arith.cmpi eq, %eq3A, %iota3A : vector<2000x256xi32>
    %convert_element_type3A = arith.extui %eq3A_58 : vector<2000x256xi1> to vector<2000x256xi32>
    %convert_element_type3A_59 = arith.sitofp %convert_element_type3A : vector<2000x256xi32> to vector<2000x256xf32>
    %broadcast_in_dim3A_60 = arith.constant 1.000000e+00 : f32
    %broadcast_in_dim3A_61 = vector.broadcast %broadcast_in_dim3A_60 : f32 to vector<2000x1xf32>
    %concatenate3A_62 = tpu.concatenate %max3A_52, %broadcast_in_dim3A_61 in 1 : vector<2000x64xf32>, vector<2000x1xf32> -> vector<2000x65xf32>
    %dot_general3A = arith.constant dense<0.000000e+00> : vector<256x65xf32>
    %dot_general3A_63 = tpu.matmul %convert_element_type3A_59, %concatenate3A_62, %dot_general3A {dimension_numbers = #tpu.dot_dimension_numbers<[0], [0], [1], [1], [0, 1, 1, 1], [], []>, precision = #tpu.contract_precision<fp32>, transpose_lhs_hint = false} : vector<2000x256xf32>, vector<2000x65xf32>, vector<256x65xf32> -> vector<256x65xf32>
    %eq3A_64 = arith.constant 0 : i32
    %eq3A_65 = arith.cmpi eq, %arg0, %eq3A_64 : i32
    %convert_element_type3A_66 = arith.extui %eq3A_65 : i1 to i32
    %cond3A = arith.constant 0 : i32
    %cond3A_67 = arith.cmpi ne, %convert_element_type3A_66, %cond3A : i32
    scf.if %cond3A_67 {
      %swap3A = arith.constant 0 : index
      %swap3A_77 = arith.constant 0 : index
      %swap3A_78 = vector.load %arg10[%swap3A, %swap3A_77] : memref<256x65xf32, #tpu.memory_space<vmem>>, vector<256x65xf32>
      tpu.vector_store %arg10[%swap3A, %swap3A_77], %dot_general3A_63 {strides = array<i32>} : memref<256x65xf32, #tpu.memory_space<vmem>>, vector<256x65xf32>,
    } else {
    }
    %gt3A = arith.constant 0 : i32
    %gt3A_68 = arith.cmpi sgt, %arg0, %gt3A : i32
    %convert_element_type3A_69 = arith.extui %gt3A_68 : i1 to i32
    %cond3A_70 = arith.constant 0 : i32
    %cond3A_71 = arith.cmpi ne, %convert_element_type3A_69, %cond3A_70 : i32
    scf.if %cond3A_71 {
      %get3A_77 = arith.constant 0 : index
      %get3A_78 = arith.constant 0 : index
      %get3A_79 = vector.load %arg10[%get3A_77, %get3A_78] : memref<256x65xf32, #tpu.memory_space<vmem>>, vector<256x65xf32>
      %add3A_80 = arith.addf %get3A_79, %dot_general3A_63 : vector<256x65xf32>
      %swap3A = arith.constant 0 : index
      %swap3A_81 = arith.constant 0 : index
      %swap3A_82 = vector.load %arg10[%swap3A, %swap3A_81] : memref<256x65xf32, #tpu.memory_space<vmem>>, vector<256x65xf32>
      tpu.vector_store %arg10[%swap3A, %swap3A_81], %add3A_80 {strides = array<i32>} : memref<256x65xf32, #tpu.memory_space<vmem>>, vector<256x65xf32>,
    } else {
    }
    %eq3A_72 = arith.constant 24 : i32
    %eq3A_73 = arith.cmpi eq, %arg0, %eq3A_72 : i32
    %convert_element_type3A_74 = arith.extui %eq3A_73 : i1 to i32
    %cond3A_75 = arith.constant 0 : i32
    %cond3A_76 = arith.cmpi ne, %convert_element_type3A_74, %cond3A_75 : i32
    scf.if %cond3A_76 {
      %get3A_77 = arith.constant 0 : index
      %get3A_78 = arith.constant 0 : index
      %get3A_79 = vector.load %arg10[%get3A_77, %get3A_78] : memref<256x65xf32, #tpu.memory_space<vmem>>, vector<256x65xf32>
      %slice3A_80 = vector.extract_strided_slice %get3A_79 {offsets = [0, 0], sizes = [256, 64], strides = [1, 1]} : vector<256x65xf32> to vector<256x64xf32>
      %slice3A_81 = vector.extract_strided_slice %get3A_79 {offsets = [0, 64], sizes = [256, 1], strides = [1, 1]} : vector<256x65xf32> to vector<256x1xf32>
      %max3A_82 = arith.constant 1.000000e+00 : f32
      %max3A_83 = vector.broadcast %max3A_82 : f32 to vector<256x1xf32>
      %max3A_84 = arith.maximumf %slice3A_81, %max3A_83 : vector<256x1xf32>
      %div3A_85 = vector.broadcast %max3A_84 : vector<256x1xf32> to vector<256x64xf32>
      %div3A_86 = arith.divf %slice3A_80, %div3A_85 : vector<256x64xf32>
      %get3A_87 = arith.constant 0 : index
      %get3A_88 = arith.constant 0 : index
      %get3A_89 = vector.load %arg5[%get3A_87, %get3A_88] : memref<32x64xf32, #tpu.memory_space<vmem>>, vector<32x64xf32>
      %transpose3A = tpu.transpose %get3A_89, [1, 0] : vector<32x64xf32> -> vector<64x32xf32>
      %dot_general3A_90 = arith.constant dense<0.000000e+00> : vector<256x32xf32>
      %dot_general3A_91 = tpu.matmul %div3A_86, %transpose3A, %dot_general3A_90 {dimension_numbers = #tpu.dot_dimension_numbers<[1], [0], [0], [1], [0, 0, 1, 1], [], []>, precision = #tpu.contract_precision<fp32>, transpose_lhs_hint = false} : vector<256x64xf32>, vector<64x32xf32>, vector<256x32xf32> -> vector<256x32xf32>
      %get3A_92 = arith.constant 0 : index
      %get3A_93 = arith.constant 0 : index
      %get3A_94 = vector.load %arg6[%get3A_92, %get3A_93] : memref<1x32xf32, #tpu.memory_space<vmem>>, vector<1x32xf32>
      %add3A_95 = vector.broadcast %get3A_94 : vector<1x32xf32> to vector<256x32xf32>
      %add3A_96 = arith.addf %dot_general3A_91, %add3A_95 : vector<256x32xf32>
      %max3A_97 = arith.constant 0.000000e+00 : f32
      %max3A_98 = vector.broadcast %max3A_97 : f32 to vector<256x32xf32>
      %max3A_99 = arith.maximumf %add3A_96, %max3A_98 : vector<256x32xf32>
      %get3A_100 = arith.constant 0 : index
      %get3A_101 = arith.constant 0 : index
      %get3A_102 = vector.load %arg7[%get3A_100, %get3A_101] : memref<8x32xf32, #tpu.memory_space<vmem>>, vector<8x32xf32>
      %transpose3A_103 = tpu.transpose %get3A_102, [1, 0] : vector<8x32xf32> -> vector<32x8xf32>
      %dot_general3A_104 = arith.constant dense<0.000000e+00> : vector<256x8xf32>
      %dot_general3A_105 = tpu.matmul %max3A_99, %transpose3A_103, %dot_general3A_104 {dimension_numbers = #tpu.dot_dimension_numbers<[1], [0], [0], [1], [0, 0, 1, 1], [], []>, precision = #tpu.contract_precision<fp32>, transpose_lhs_hint = false} : vector<256x32xf32>, vector<32x8xf32>, vector<256x8xf32> -> vector<256x8xf32>
      %slice3A_106 = vector.extract_strided_slice %dot_general3A_105 {offsets = [0, 0], sizes = [256, 1], strides = [1, 1]} : vector<256x8xf32> to vector<256x1xf32>
      %get3A_107 = arith.constant 0 : index
      %get3A_108 = arith.constant 0 : index
      %get3A_109 = vector.load %arg8[%get3A_107, %get3A_108] : memref<1x1xf32, #tpu.memory_space<vmem>>, vector<1x1xf32>
      %get3A_110 = vector.extract %get3A_109[0, 0] : f32 from vector<1x1xf32>
      %add3A_111 = vector.broadcast %get3A_110 : f32 to vector<256x1xf32>
      %add3A_112 = arith.addf %slice3A_106, %add3A_111 : vector<256x1xf32>
      %swap3A = arith.constant 0 : index
      %swap3A_113 = arith.constant 0 : index
      %swap3A_114 = vector.load %arg9[%swap3A, %swap3A_113] : memref<256x1xf32, #tpu.memory_space<vmem>>, vector<256x1xf32>
      tpu.vector_store %arg9[%swap3A, %swap3A_113], %add3A_112 {strides = array<i32>} : memref<256x1xf32, #tpu.memory_space<vmem>>, vector<256x1xf32>,
    } else {
    }
    return
  }
  func.func @transform_0(%arg0: i32) -> (i32, i32, i32) {
    %c0_i32 = arith.constant 0 : i32
    %c0_i32_0 = arith.constant 0 : i32
    %c0_i32_1 = arith.constant 0 : i32
    return %c0_i32, %arg0, %c0_i32_0 : i32, i32, i32
  }
  func.func @transform_1(%arg0: i32) -> (i32, i32, i32) {
    %c0_i32 = arith.constant 0 : i32
    %c0_i32_0 = arith.constant 0 : i32
    %c0_i32_1 = arith.constant 0 : i32
    return %c0_i32, %arg0, %c0_i32_0 : i32, i32, i32
  }
  func.func @transform_2(%arg0: i32) -> (i32, i32, i32) {
    %c0_i32 = arith.constant 0 : i32
    %c0_i32_0 = arith.constant 0 : i32
    %c0_i32_1 = arith.constant 0 : i32
    return %c0_i32, %arg0, %c0_i32_0 : i32, i32, i32
  }
  func.func @transform_3(%arg0: i32) -> (i32, i32, i32) {
    %c0_i32 = arith.constant 0 : i32
    %c0_i32_0 = arith.constant 0 : i32
    %c0_i32_1 = arith.constant 0 : i32
    return %arg0, %c0_i32, %c0_i32_0 : i32, i32, i32
  }
  func.func @transform_4(%arg0: i32) -> (i32, i32) {
    %c0_i32 = arith.constant 0 : i32
    %c0_i32_0 = arith.constant 0 : i32
    %c0_i32_1 = arith.constant 0 : i32
    return %c0_i32, %c0_i32_0 : i32, i32
  }
  func.func @transform_5(%arg0: i32) -> (i32, i32) {
    %c0_i32 = arith.constant 0 : i32
    %c0_i32_0 = arith.constant 0 : i32
    %c0_i32_1 = arith.constant 0 : i32
    return %c0_i32, %c0_i32_0 : i32, i32
  }
  func.func @transform_6(%arg0: i32) -> (i32, i32) {
    %c0_i32 = arith.constant 0 : i32
    %c0_i32_0 = arith.constant 0 : i32
    %c0_i32_1 = arith.constant 0 : i32
    return %c0_i32, %c0_i32_0 : i32, i32
  }
  func.func @transform_7(%arg0: i32) -> (i32, i32) {
    %c0_i32 = arith.constant 0 : i32
    %c0_i32_0 = arith.constant 0 : i32
    %c0_i32_1 = arith.constant 0 : i32
    return %c0_i32, %c0_i32_0 : i32, i32
  }
  func.func @transform_8(%arg0: i32) -> (i32, i32) {
    %c0_i32 = arith.constant 0 : i32
    %c0_i32_0 = arith.constant 0 : i32
    %c0_i32_1 = arith.constant 0 : i32
    return %c0_i32, %c0_i32_0 : i32, i32
  }
}

</mosaic_0001>

<sc_bundles>
// kernel: kernel.10.cloned.1.call-start
scs
__scs_entry_jumppad:
0x0: {  	(pc) =	sbr.rel $0x88, $3  }
0x1: {  	(tag) =	ssettag $0x0;
	lr =	simm.s32 $0x1  }
0x2: {  	[smem:$0x3F8F] =	sst lr;
	_ =	strace $0xD0000000  }
0x3: {  	_ = 	snop  }
0x4: {  	_ = 	snop  }
0x5: {  	_ = 	snop  }
0x6: {  	_ = 	snop  }
0x7: {  	_ = 	snop  }
__scs_overlays_trampoline_lowered:
0x8: {  	[smem:$0x3F9E] =	sst s0  }
0x9: {  	[smem:$0x3F9F] =	sst s1  }
0xa: {  	[smem:$0x3FA0] =	sst s2  }
0xb: {  	[smem:$0x3FA1] =	sst s3  }
0xc: {  	[smem:$0x3FA2] =	sst s4  }
0xd: {  	[smem:$0x3FA3] =	sst s5  }
0xe: {  	[smem:$0x3FA4] =	sst s6  }
0xf: {  	[smem:$0x3FA5] =	sst s7  }
0x10: {  	[smem:$0x3FA6] =	sst s8  }
0x11: {  	[smem:$0x3FA7] =	sst s9;
	s0 =	simm.s32 @!p0 $0x0  }
0x12: {  	s1 =	sld [smem:$0x3F8D];
	s0 =	simm.s32 @p0 $0x1  }
0x13: {  	[smem:$0x3FA8] =	sst s0;
	s0 =	simm.s32 @!p1 $0x0  }
0x14: {  	s2 =	sld [smem:$0x3F8C];
	s0 =	simm.s32 @p1 $0x1  }
0x15: {  	[smem:$0x3FA9] =	sst s0;
	s0 =	simm.s32 @!p2 $0x0  }
0x16: {  	s3 =	sld [smem:$0x3FDB];
	s0 =	simm.s32 @p2 $0x1  }
0x17: {  	s4 =	simm.s32 $0x1BF5;
	[smem:$0x3FAB] =	sst s0  }
0x18: {  	s0 =	sld [smem:$0x3F8E];
	_ =	swait.ge [sflag:s4], $0x0  }
0x19: {  	s7 =	sld [smem:$0x3F8F]  }
0x1a: {  	s8 =	sadd.s32 $0xFFFFE003, lr  }
0x1b: {  	s9 =	sadd.s32 $0xFFFFFEF7, lr;
	s5 =	simm.s32 $0xFFFFFFFF;
	p2 =	slt.u32 s8, $0xFFFFF086  }
0x1c: {  	p1 =	slt.u32 s9, $0xF7A;
	s5 =	simm.s32 @!p2 $0x0  }
0x1d: {  	s5 =	simm.s32 @p1 $0x1;
	p0 =	seq.s32 s7, s2  }
0x1e: {  	s7 =	smul.u32 @!p0 $0xF7A, s2;
	p2 =	seq.s32 @!p0 s5, $0x0  }
0x1f: {  	s9 =	smul.u32 $0xF7A, s1;
	s8 =	simm.s32 @!p0 $0x1BF5;
	p2 =	por !p2, p0  }
0x20: {  	[sflag:s8] =	ssyncset.s32 @!p0 $0xFFFFF086;
	s6 =	sadd.s32 @!p0 s3, s7;
	s7 =	simm.s32 @!p0 $0x108  }
0x21: {  	s3 =	sadd.s32 s3, s9;
	s6 =	sadd.s32 @!p0 $0x88, s6;
	s7 =	simm.s32 @p2 $0x1082  }
0x22: {  	[simem:s7], [sflag:s8] =	dma.local @!p0 [hbm:s6], $0xF7A  }
0x23: {  	s9 =	sor.u32 $0xD0000000, s2;
	s6 =	simm.s32 $0x108;
	_ =	swait.ge @!p0 [sflag:s8], $0x0  }
0x24: {  	s3 =	sadd.s32 $0x88, s3;
	s6 =	simm.s32 @!p1 $0x1082;
	[sflag:s4] =	ssyncset.s32 $0xFFFFF086  }
0x25: {  	[simem:s6], [sflag:s4] =	dma.local [hbm:s3], $0xF7A  }
0x26: {  	[smem:$0x3F8F] =	sst s1;
	(tag) =	ssettag s2;
	_ =	strace s9  }
0x27: {  	s1 =	sld [smem:$0x3F9F]  }
0x28: {  	s2 =	sld [smem:$0x3FA0]  }
0x29: {  	s4 =	sld [smem:$0x3FA2]  }
0x2a: {  	p0 =	seq.s32 s5, $0x0;
	s5 =	sld [smem:$0x3FA3]  }
0x2b: {  	s6 =	sld [smem:$0x3FA4]  }
0x2c: {  	s7 =	sld [smem:$0x3FA5]  }
0x2d: {  	s3 =	simm.s32 $0x108;
	s8 =	sld [smem:$0x3FA6]  }
0x2e: {  	s3 =	simm.s32 @!p0 $0x1082;
	s9 =	sld [smem:$0x3FA7]  }
0x2f: {  	lr =	sadd.s32 s0, s3;
	s0 =	sld [smem:$0x3F9E]  }
0x30: {  	s3 =	sld [smem:$0x3FA1]  }
0x31: {  	[smem:$0x3FAA] =	sst s10  }
0x32: {  	s10 =	sld [smem:$0x3FA8];
	_ =	sdelay $0x3  }
0x33: {  	p0 =	seq.s32 s10, $0x1;
	s10 =	sld [smem:$0x3FAA];
	_ =	sdelay $0x3  }
0x34: {  	[smem:$0x3FAA] =	sst s10  }
0x35: {  	s10 =	sld [smem:$0x3FA9];
	_ =	sdelay $0x3  }
0x36: {  	p1 =	seq.s32 s10, $0x1;
	s10 =	sld [smem:$0x3FAA];
	_ =	sdelay $0x3  }
0x37: {  	[smem:$0x3FAA] =	sst s10  }
0x38: {  	s10 =	sld [smem:$0x3FAB]  }
0x39: {  	_ = 	snop;
	(pc) =	sbr.ind lr, $3  }
0x3a: {  	_ = 	snop  }
0x3b: {  	_ = 	snop  }
0x3c: {  	p2 =	seq.s32 s10, $0x1;
	s10 =	sld [smem:$0x3FAA]  }
0x3d: {  	_ =	shalt  }
0x3e: {  	_ =	shalt  }
0x3f: {  	_ =	shalt  }
0x40: {  	_ =	shalt  }
0x41: {  	_ =	shalt  }
0x42: {  	_ =	shalt  }
0x43: {  	_ =	shalt  }
0x44: {  	_ =	shalt  }
0x45: {  	_ =	shalt  }
0x46: {  	_ =	shalt  }
0x47: {  	_ =	shalt  }
0x48: {  	_ =	shalt  }
0x49: {  	_ =	shalt  }
0x4a: {  	_ =	shalt  }
0x4b: {  	_ =	shalt  }
0x4c: {  	_ =	shalt  }
0x4d: {  	_ =	shalt  }
0x4e: {  	_ =	shalt  }
0x4f: {  	_ =	shalt  }
0x50: {  	_ =	shalt  }
0x51: {  	_ =	shalt  }
0x52: {  	_ =	shalt  }
0x53: {  	_ =	shalt  }
0x54: {  	_ =	shalt  }
0x55: {  	_ =	shalt  }
0x56: {  	_ =	shalt  }
0x57: {  	_ =	shalt  }
0x58: {  	_ =	shalt  }
0x59: {  	_ =	shalt  }
0x5a: {  	_ =	shalt  }
0x5b: {  	_ =	shalt  }
0x5c: {  	_ =	shalt  }
0x5d: {  	_ =	shalt  }
0x5e: {  	_ =	shalt  }
0x5f: {  	_ =	shalt  }
0x60: {  	_ =	shalt  }
0x61: {  	_ =	shalt  }
0x62: {  	_ =	shalt  }
0x63: {  	_ =	shalt  }
0x64: {  	_ =	shalt  }
0x65: {  	_ =	shalt  }
0x66: {  	_ =	shalt  }
0x67: {  	_ =	shalt  }
0x68: {  	_ =	shalt  }
0x69: {  	_ =	shalt  }
0x6a: {  	_ =	shalt  }
0x6b: {  	_ =	shalt  }
0x6c: {  	_ =	shalt  }
0x6d: {  	_ =	shalt  }
0x6e: {  	_ =	shalt  }
0x6f: {  	_ =	shalt  }
0x70: {  	_ =	shalt  }
0x71: {  	_ =	shalt  }
0x72: {  	_ =	shalt  }
0x73: {  	_ =	shalt  }
0x74: {  	_ =	shalt  }
0x75: {  	_ =	shalt  }
0x76: {  	_ =	shalt  }
0x77: {  	_ =	shalt  }
0x78: {  	_ =	shalt  }
0x79: {  	_ =	shalt  }
0x7a: {  	_ =	shalt  }
0x7b: {  	_ =	shalt  }
0x7c: {  	_ =	shalt  }
0x7d: {  	_ =	shalt  }
0x7e: {  	_ =	shalt  }
0x7f: {  	_ =	shalt  }
0x80: {  	_ =	shalt  }
0x81: {  	_ =	shalt  }
0x82: {  	_ =	shalt  }
0x83: {  	_ =	shalt  }
0x84: {  	_ =	shalt  }
0x85: {  	_ =	shalt  }
0x86: {  	_ =	shalt  }
0x87: {  	_ =	shalt  }
.Lfunc_end0:
.L_simem_size_0:
called_computation.1_lowered:
.L_overlay_start_0:
0x88: {  	s2 =	sld [smem:$0x3FD9]  }
0x89: {  	s3 =	sld [smem:$0x3FFE];
	_ =	sdelay $0x1  }
0x8a: {  	s1 =	srdreg.scid  }
0x8b: {  	s0 =	sand.u32 $0x1, s1  }
0x8c: {  	s17 =	sshll.u32 s0, $0xA;
	s2 =	sadd.s32 s3, s2  }
0x8d: {  	s2 =	sadd.s32 s2, s17  }
0x8e: {  	[smem:$0x3FB6] =	sst s2  }
0x8f: {  	_ = 	snop  }
0x90: {  	(tm) =	ssettm $0x1  }
0x91: {  	s18 =	sld [smem:$0x3FFB];
	_ =	sdelay $0x3  }
0x92: {  	_ =	strace s18  }
0x93: {  	s2 =	sld [smem:$0x3FFC];
	_ =	sdelay $0x3  }
0x94: {  	_ =	strace s2  }
0x95: {  	s2 =	sld [smem:$0x3FFD];
	_ =	sdelay $0x3  }
0x96: {  	_ =	strace s2  }
0x97: {  	_ =	strace $0x8FFFFFFF  }
0x98: {  	s19 =	sld [smem:$0x3FDB];
	_ =	sdelay $0x1  }
0x99: {  	s20 =	simm.s32 $_scs_section_size  }
0x9a: {  	s4 =	simm.s32 $_size__tile_overlayer_lowered;
	s5 =	simm.s32 $_tile_overlayer_lowered  }
0x9b: {  	s6 =	simm.s32 $0x1BFF;
	s21 =	sshll.u32 s5, $0x1;
	s3 =	sadd.s32 s20, s19  }
0x9c: {  	s22 =	simm.s32 $0x0;
	s4 =	sshll.u32 s4, $0x1;
	s5 =	sadd.s32 s21, s3  }
0x9d: {  	[timem:s22], [sflag:s6] =	dma.local [hbm:s5], s4  }
0x9e: {  	_ =	swait.ge [sflag:s6], s4  }
0x9f: {  	s4 =	ssub.s32 $0x0, s4;
	[sflag:s6] =	ssyncset.done $0x0  }
0xa0: {  	[sflag:s6] =	ssyncadd.s32 s4;
	_ =	sdelay $0x1  }
0xa1: {  	s23 =	simm.s32 $0x1B8B  }
0xa2: {  	_ =	swait.ge [sflag:s23], $0x1  }
0xa3: {  	[sflag:s23] =	ssyncset.done $0x0  }
0xa4: {  	[sflag:s23] =	ssyncadd.s32 $0xFFFFFFFF  }
0xa5: {  	s4 =	sld [smem:$0x0]  }
0xa6: {  	s5 =	sand.u32 $0xFFFFFFFE, s1  }
0xa7: {  	p0 =	sne.s32 s1, s5  }
0xa8: {  	s5 =	sshll.u32 @p0 s5, $0xE  }
0xa9: {  	s5 =	sadd.s32 @p0 $0x11B8D, s5;
	s6 =	sshll.u32 @p0 s4, $0x11  }
0xaa: {  	s5 =	sor.u32 @p0 s6, s5  }
0xab: {  	[sflag:s5] =	ssyncadd.remote.s32 @p0 $0x1;
	_ =	sdelay $0x1  }
0xac: {  	s5 =	simm.s32 @p0 $0x1B8D  }
0xad: {  	_ =	swait.eq @p0 [sflag:s5], $0x1  }
0xae: {  	[sflag:s5] =	ssyncadd.s32 @p0 $0xFFFFFFFF  }
0xaf: {  	s6 =	sshll.u32 @!p0 s1, $0xE  }
0xb0: {  	s6 =	sor.u32 @!p0 $0x4000, s6;
	s5 =	simm.s32 @!p0 $0x1B8D  }
0xb1: {  	s4 =	sshll.u32 @!p0 s4, $0x11;
	s6 =	sadd.s32 @!p0 $0x11B8D, s6;
	_ =	swait.eq @!p0 [sflag:s5], $0x1  }
0xb2: {  	s4 =	sor.u32 @!p0 s4, s6;
	[sflag:s5] =	ssyncadd.s32 @!p0 $0xFFFFFFFF  }
0xb3: {  	s25 =	simm.s32 $0x1B8E;
	s24 =	sld [smem:$0x3FFE];
	[sflag:s4] =	ssyncadd.remote.s32 @!p0 $0x1  }
0xb4: {  	s26 =	simm.s32 $execute0_lowered;
	[smem:$0x3FD2] =	sst s25  }
0xb5: {  	s5 =	sshll.u32 s26, $0x1;
	_ =	strace $0x8000004C;
	[dreg:$0x1] =	wrdreg $0xFFFFFFFF  }
0xb6: {  	s28 =	simm.s32 $_size_execute0_lowered;
	s3 =	sadd.s32 s3, s5;
	[dreg:$0x0] =	wrdreg $0x0  }
0xb7: {  	s5 =	sshll.u32 s28, $0x1;
	[dreg:$0x2] =	wrdreg s3  }
0xb8: {  	[dreg:$0x3] =	wrdreg s5  }
0xb9: {  	[dreg:$0x4] =	wrdreg $0xC0  }
0xba: {  	_ =	task [dreg:s22], $0x5FFFF  }
0xbb: {  	[dreg:$0x1] =	wrdreg $0xFFFFFFFF  }
0xbc: {  	[dreg:$0x0] =	wrdreg $0x60  }
0xbd: {  	[dreg:$0x2] =	wrdreg s24  }
0xbe: {  	[dreg:$0x3] =	wrdreg $0xC8000  }
0xbf: {  	[dreg:$0x4] =	wrdreg $0x9  }
0xc0: {  	_ =	task.clear_ibuf [dreg:s22], $0x5FFFF;
	_ =	strace $0x9000004C  }
0xc1: {  	s29 =	simm.s32 $0x9;
	_ =	strace $0x8000004E  }
0xc2: {  	_ =	swait.ge [sflag:s29], $0x1  }
0xc3: {  	[sflag:s29] =	ssyncadd.s32 $0xFFFFFFFF  }
0xc4: {  	_ =	strace $0x9000004E  }
0xc5: {  	_ =	sfence  }
0xc6: {  	s30 =	sld [smem:$0x0];
	_ =	sdelay $0x2  }
0xc7: {  	s31 =	sshll.u32 s1, $0xD;
	s1 =	sshrl.u32 s1, $0x2  }
0xc8: {  	s4 =	sand.u32 $0x4000, s31;
	s1 =	sadd.s32 s1, s30  }
0xc9: {  	s0 =	sor.u32 s4, s0;
	s1 =	sshll.u32 s1, $0x11  }
0xca: {  	s0 =	sor.u32 s1, s0  }
0xcb: {  	s0 =	sadd.s32 $0x8F2B, s0  }
0xcc: {  	[sflag:s0] =	ssyncadd.remote.s32 $0x1  }
0xcd: {  	_ =	sfence.sel $0xFFFF  }
0xce: {  	[dreg:$0x0] =	wrdreg $0xFFFFFFFF;
	(pc) =	sbr.abs _section_cstart, $3  }
0xcf: {  	[dreg:$0x1] =	wrdreg $0xFFFFFFFF  }
0xd0: {  	_ =	task.clear_ibuf [dreg:s22], $0x2FFFF;
	_ =	strace $0x9FFFFFFF  }
0xd1: {  	(tm) =	ssettm $0x7FFFFFFF  }
tec
execute0_lowered:
.L_overlay_start_1:
0x0: {  	(tag) =	ssettag $0x1  }
0x1: {  	s0 =	rddreg [dreg:$0x0]  }
0x2: {  	s1 =	rddreg [dreg:$0x1]  }
0x3: {  	s2 =	srdreg.scid;
	s4 =	simm.s32 $0x0;
	s3 =	simm.s32 $0x0  }
0x4: {  	s20 =	stileid.u32;
	s29 =	simm.s32 $0x8800;
	s30 =	simm.s32 $0x5  }
0x5: {  	s31 =	simm.s32 $0x400;
	s2 =	sand.u32 $0x1, s2;
	[dreg:$0x3] =	wrdreg s3  }
0x6: {  	[smem:$0x7FF] =	sst s4;
	s4 =	sadd.s32 $0x4D600, s0;
	s5 =	sadd.s32 $0x34600, s0  }
0x7: {  	s6 =	sadd.s32 $0x289400, s0;
	s10 =	sshll.u32 s20, $0xD;
	s28 =	smul.u32 $0xC800, s20  }
0x8: {  	s16 =	sor.u32 $0x60, s20;
	s23 =	smul.u32 $0x186A0, s2;
	_ =	strace $0x8000004D  }
0x9: {  	s7 =	ssub.s32 $0x2, s2;
	s9 =	smul.u32 $0xC4000, s2;
	s11 =	sor.u32 $0x40000, s10  }
0xa: {  	s12 =	sor.u32 $0x60000, s10;
	s14 =	sor.u32 $0x80000, s10;
	s15 =	sor.u32 $0xA0000, s10  }
0xb: {  	s18 =	sshll.u32 s16, $0xD;
	p0 =	sgt.u32 s16, $0x61;
	s8 =	sshrl.u32 s7, $0x1  }
0xc: {  	p1 =	seq.s32 s2, $0x0;
	s3 =	sadd.s32 s23, s0;
	s7 =	ssub.s32 s7, s8  }
0xd: {  	s8 =	sor.u32 $0x20000, s10;
	s13 =	sadd.s32 s9, s10;
	s17 =	sadd.s32 s9, s11  }
0xe: {  	s19 =	sadd.s32 s9, s12;
	s21 =	sadd.s32 s9, s14;
	s22 =	sadd.s32 s9, s15  }
0xf: {  	s13 =	sshrl.u32 s13, $0x3;
	s24 =	sadd.s32 s9, s8;
	s25 =	sshrl.u32 s17, $0x3  }
0x10: {  	s26 =	sshrl.u32 s19, $0x3;
	s9 =	sadd.s32 s9, s18;
	s16 =	smax.u32 s7, $0x1  }
0x11: {  	s23 =	sshrl.u32 s22, $0x3;
	s22 =	sadd.s32 s11, s1;
	[dreg:$0xe] =	wrdreg s16  }
0x12: {  	s17 =	sadd.s32 $0x3600, s3;
	s13 =	sadd.s32 s6, s13;
	[dreg:$0x11] =	wrdreg s22  }
0x13: {  	s3 =	simm.s32 $0x80;
	s19 =	sadd.s32 s6, s26;
	[dreg:$0x4] =	wrdreg s13  }
0x14: {  	s13 =	sshrl.u32 s24, $0x3;
	[dreg:$0x7] =	wrdreg s19;
	s19 =	sadd.s32 s10, s1  }
0x15: {  	s24 =	smul.u32 $0x1900, s20;
	s13 =	sadd.s32 s6, s13;
	[dreg:$0xf] =	wrdreg s19  }
0x16: {  	s7 =	simm.s32 $0x600;
	[dreg:$0x5] =	wrdreg s13;
	s13 =	sadd.s32 s6, s25  }
0x17: {  	s9 =	sshrl.u32 s9, $0x3;
	s26 =	sadd.s32 s4, s24;
	[dreg:$0x6] =	wrdreg s13  }
0x18: {  	s13 =	sshrl.u32 s21, $0x3;
	[dreg:$0xb] =	wrdreg s26;
	s21 =	sadd.s32 s8, s1  }
0x19: {  	s16 =	simm.s32 $0x780;
	s26 =	sadd.s32 s18, s1;
	[dreg:$0x10] =	wrdreg s21  }
0x1a: {  	s10 =	simm.s32 $0x2;
	s13 =	sadd.s32 s6, s13;
	[dreg:$0x15] =	wrdreg s26  }
0x1b: {  	s25 =	smul.u32 $0x19000, s20;
	[dreg:$0x8] =	wrdreg s13;
	s13 =	sadd.s32 s6, s23  }
0x1c: {  	s8 =	simm.s32 $0x6;
	s6 =	sadd.s32 s6, s9;
	[dreg:$0x9] =	wrdreg s13  }
0x1d: {  	s18 =	simm.s32 $0xC000;
	s9 =	sadd.s32 s5, s24;
	[dreg:$0xa] =	wrdreg s6  }
.Ltmp0:
0x1e: {  	s23 =	sadd.s32 s12, s1;
	[dreg:$0xc] =	wrdreg s9;
	(pc) =	sbr.rel .LBB2_1-.Ltmp0, $4  }
0x1f: {  	s24 =	sadd.s32 s14, s1;
	s13 =	sadd.s32 $0x97600, s0;
	[dreg:$0x12] =	wrdreg s23  }
0x20: {  	[dreg:$0x13] =	wrdreg s24;
	s24 =	smul.u32 $0x64, s20;
	s0 =	sadd.s32 s13, s25  }
0x21: {  	s6 =	simm.s32 $0x200;
	s25 =	sadd.s32 s15, s1;
	[dreg:$0xd] =	wrdreg s0  }
0x22: {  	v0 =	vimm.f32 $0.0e+00;
	s9 =	simm.s32 $0x3;
	[dreg:$0x14] =	wrdreg s25;
	s0 =	simm.s32 $0x4  }
.LBB2_12:
0x23: {  	s2 =	stileid.u32;
	[bflag:$0x0] =	sbarrier.arrive $0xFFFF  }
0x24: {  	s2 =	sshll.u32 s2, $0x6;
	s11 =	rddreg [dreg:$0xf]  }
0x25: {  	s12 =	rddreg [dreg:$0x4];
	s2 =	sor.u32 $0x1C05, s2;
	s11 =	sshrl.u32 s11, $0x3  }
0x26: {  	[hbm:s12], [sflag:s2] =	dma.local [spmem:s11], $0x400  }
0x27: {  	_ =	swait.ge [sflag:s30], $0x400  }
0x28: {  	[sflag:s30] =	ssyncset.done $0x0;
	s25 =	rddreg [dreg:$0x10]  }
0x29: {  	s26 =	rddreg [dreg:$0x5];
	[sflag:s30] =	ssyncadd.s32 $0xFFFFFC00;
	s11 =	sshrl.u32 s25, $0x3  }
0x2a: {  	[hbm:s26], [sflag:s2] =	dma.local [spmem:s11], $0x400  }
0x2b: {  	_ =	swait.ge [sflag:s30], $0x400  }
0x2c: {  	[sflag:s30] =	ssyncset.done $0x0;
	s12 =	rddreg [dreg:$0x11]  }
0x2d: {  	s14 =	rddreg [dreg:$0x6];
	[sflag:s30] =	ssyncadd.s32 $0xFFFFFC00;
	s11 =	sshrl.u32 s12, $0x3  }
0x2e: {  	[hbm:s14], [sflag:s2] =	dma.local [spmem:s11], $0x400  }
0x2f: {  	_ =	swait.ge [sflag:s30], $0x400  }
0x30: {  	[sflag:s30] =	ssyncset.done $0x0;
	s15 =	rddreg [dreg:$0x12]  }
0x31: {  	s19 =	rddreg [dreg:$0x7];
	[sflag:s30] =	ssyncadd.s32 $0xFFFFFC00;
	s11 =	sshrl.u32 s15, $0x3  }
0x32: {  	[hbm:s19], [sflag:s2] =	dma.local [spmem:s11], $0x400  }
0x33: {  	_ =	swait.ge [sflag:s30], $0x400  }
0x34: {  	[sflag:s30] =	ssyncset.done $0x0;
	s20 =	rddreg [dreg:$0x13]  }
0x35: {  	s21 =	rddreg [dreg:$0x8];
	[sflag:s30] =	ssyncadd.s32 $0xFFFFFC00;
	s11 =	sshrl.u32 s20, $0x3  }
0x36: {  	[hbm:s21], [sflag:s2] =	dma.local [spmem:s11], $0x400  }
0x37: {  	_ =	swait.ge [sflag:s30], $0x400  }
0x38: {  	[sflag:s30] =	ssyncset.done $0x0;
	s22 =	rddreg [dreg:$0x14]  }
0x39: {  	s23 =	rddreg [dreg:$0x9];
	[sflag:s30] =	ssyncadd.s32 $0xFFFFFC00;
	s11 =	sshrl.u32 s22, $0x3  }
0x3a: {  	[hbm:s23], [sflag:s2] =	dma.local [spmem:s11], $0x400  }
0x3b: {  	_ =	swait.ge [sflag:s30], $0x400  }
0x3c: {  	[sflag:s30] =	ssyncset.done $0x0;
	s11 =	rddreg [dreg:$0x15]  }
0x3d: {  	s12 =	rddreg [dreg:$0xa];
	[sflag:s30] =	ssyncadd.s32 $0xFFFFFC00;
	s11 =	sshrl.u32 @!p0 s11, $0x3  }
0x3e: {  	[hbm:s12], [sflag:s2] =	dma.local @!p0 [spmem:s11], $0x400  }
0x3f: {  	s2 =	simm.s32 @!p0 $0x5  }
0x40: {  	_ =	swait.ge @!p0 [sflag:s2], $0x400  }
0x41: {  	s25 =	rddreg [dreg:$0x3]  }
0x42: {  	s26 =	rddreg [dreg:$0xe];
	s11 =	sadd.s32 $0x1, s25  }
0x43: {  	p2 =	sne.s32 s11, s26  }
.Ltmp1:
0x44: {  	_ = 	snop;
	(pc) =	sbr.rel @!p2 .LBB2_13-.Ltmp1, $3  }
0x45: {  	_ =	sdelay $0x1  }
0x46: {  	[sflag:s2] =	ssyncset.done @!p0 $0x0  }
0x47: {  	[sflag:s2] =	ssyncadd.s32 @!p0 $0xFFFFFC00;
	[dreg:$0x3] =	wrdreg s11  }
.LBB2_1:
0x48: {  	s2 =	simm.s32 $0x40;
	s19 =	simm.s32 $0x0  }
.LBB2_2:
0x49: {  	p2 =	sne.s32 s2, $0x7FC0;
	[tilespmem:s19+$0x8800] =	vst v0;
	s19 =	smov.u32 s2;
	s2 =	sadd.s32 $0x40, s2  }
.Ltmp2:
0x4a: {  	(pc) =	sbr.rel @p2 .LBB2_2-.Ltmp2, $2  }
0x4b: {  	_ =	sdelay $0x2  }
0x4c: {  	s19 =	sshra.s32 s19, $0x2  }
0x4d: {  	[tilespmem:s19+$0x8800] =	vst v0;
	s2 =	rddreg [dreg:$0xf]  }
0x4e: {  	[spmem:s2] =	stream.linear.scatter [tilespmem:s29], [sflag:$0x5], $0x2000, $0x38;
	[tilespmem:$0x18C00] =	vst v63  }
0x4f: {  	_ =	swait.ge [sflag:s30], $0x2000  }
0x50: {  	[sflag:s30] =	ssyncset.done $0x0  }
0x51: {  	s20 =	rddreg [dreg:$0x10];
	[sflag:s30] =	ssyncadd.s32 $0xFFFFE000  }
0x52: {  	[spmem:s20] =	stream.linear.scatter [tilespmem:s29], [sflag:$0x5], $0x2000, $0x38;
	[tilespmem:$0x18C00] =	vst v63  }
0x53: {  	_ =	swait.ge [sflag:s30], $0x2000  }
0x54: {  	[sflag:s30] =	ssyncset.done $0x0  }
0x55: {  	s21 =	rddreg [dreg:$0x11];
	[sflag:s30] =	ssyncadd.s32 $0xFFFFE000  }
0x56: {  	[spmem:s21] =	stream.linear.scatter [tilespmem:s29], [sflag:$0x5], $0x2000, $0x38;
	[tilespmem:$0x18C00] =	vst v63  }
0x57: {  	_ =	swait.ge [sflag:s30], $0x2000  }
0x58: {  	[sflag:s30] =	ssyncset.done $0x0  }
0x59: {  	s22 =	rddreg [dreg:$0x12];
	[sflag:s30] =	ssyncadd.s32 $0xFFFFE000  }
0x5a: {  	[spmem:s22] =	stream.linear.scatter [tilespmem:s29], [sflag:$0x5], $0x2000, $0x38;
	[tilespmem:$0x18C00] =	vst v63  }
0x5b: {  	_ =	swait.ge [sflag:s30], $0x2000  }
0x5c: {  	[sflag:s30] =	ssyncset.done $0x0  }
0x5d: {  	s23 =	rddreg [dreg:$0x13];
	[sflag:s30] =	ssyncadd.s32 $0xFFFFE000  }
0x5e: {  	[spmem:s23] =	stream.linear.scatter [tilespmem:s29], [sflag:$0x5], $0x2000, $0x38;
	[tilespmem:$0x18C00] =	vst v63  }
0x5f: {  	_ =	swait.ge [sflag:s30], $0x2000  }
0x60: {  	[sflag:s30] =	ssyncset.done $0x0  }
0x61: {  	s25 =	rddreg [dreg:$0x14];
	[sflag:s30] =	ssyncadd.s32 $0xFFFFE000  }
0x62: {  	[spmem:s25] =	stream.linear.scatter [tilespmem:s29], [sflag:$0x5], $0x2000, $0x38;
	[tilespmem:$0x18C00] =	vst v63  }
0x63: {  	_ =	swait.ge [sflag:s30], $0x2000  }
0x64: {  	[sflag:s30] =	ssyncset.done $0x0  }
0x65: {  	s2 =	simm.s32 @!p0 $0x8800;
	s11 =	rddreg [dreg:$0x15];
	[sflag:s30] =	ssyncadd.s32 $0xFFFFE000  }
0x66: {  	[spmem:s11] =	stream.linear.scatter @!p0 [tilespmem:s2], [sflag:$0x5], $0x2000, $0x38;
	[tilespmem:$0x18C00] =	vst v63  }
0x67: {  	s2 =	simm.s32 @!p0 $0x5  }
0x68: {  	_ =	swait.ge @!p0 [sflag:s2], $0x2000  }
0x69: {  	[sflag:s2] =	ssyncset.done @!p0 $0x0  }
0x6a: {  	[sflag:s2] =	ssyncadd.s32 @!p0 $0xFFFFE000  }
0x6b: {  	[bflag:$0x0] =	sbarrier.arrive $0xFFFF  }
0x6c: {  	s19 =	simm.s32 $0x0;
	s26 =	rddreg [dreg:$0xb]  }
0x6d: {  	[tilespmem:s19], [sflag:$0x1] =	stream.linear.gather [hbm4b:s26+s19], $0x200, $0x38;
	[tilespmem:$0x18C00] =	vst v63  }
0x6e: {  	s11 =	rddreg [dreg:$0xc]  }
0x6f: {  	[tilespmem:s31], [sflag:$0x1] =	stream.linear.gather [hbm4b:s11+s19], $0x200, $0x38;
	[tilespmem:$0x18C00] =	vst v63  }
0x70: {  	s14 =	simm.s32 $0x800;
	s15 =	simm.s32 $0x1;
	s12 =	rddreg [dreg:$0xd]  }
0x71: {  	[tilespmem:s14], [sflag:$0x1] =	stream.linear.gather [hbm4b:s12+s19], $0x2000, $0x38;
	[tilespmem:$0x18C00] =	vst v63  }
0x72: {  	_ =	swait.ge [sflag:s15], $0x200  }
0x73: {  	[sflag:s15] =	ssyncset.done $0x0  }
0x74: {  	[sflag:s15] =	ssyncadd.s32 $0xFFFFFE00  }
0x75: {  	_ =	swait.ge [sflag:s15], $0x200  }
0x76: {  	[sflag:s15] =	ssyncset.done $0x0  }
0x77: {  	[sflag:s15] =	ssyncadd.s32 $0xFFFFFE00  }
0x78: {  	_ =	swait.ge [sflag:s15], $0x2000  }
0x79: {  	[sflag:s15] =	ssyncset.done $0x0  }
0x7a: {  	s20 =	simm.s32 $0x4800;
	[sflag:s15] =	ssyncadd.s32 $0xFFFFE000  }
0x7b: {  	[tilespmem:s20], [sflag:$0x3] =	stream.indirect.gather [hbm4b:s17+s3], $0x10, s19, s3, $0xb8;
	[tilespmem:$0x18C00] =	vst v63  }
0x7c: {  	s21 =	simm.s32 $0x5000  }
0x7d: {  	[tilespmem:s21], [sflag:$0x3] =	stream.indirect.gather [hbm4b:s17+s3], $0x10, s3, s3, $0xb8;
	[tilespmem:$0x18C00] =	vst v63  }
.Ltmp3:
0x7e: {  	_ = 	snop;
	(pc) =	sbr.rel .LBB2_4-.Ltmp3, $4  }
0x7f: {  	s22 =	simm.s32 $0x100;
	s23 =	simm.s32 $0x5800  }
0x80: {  	[tilespmem:s23], [sflag:$0x3] =	stream.indirect.gather [hbm4b:s17+s3], $0x10, s22, s3, $0xb8;
	[tilespmem:$0x18C00] =	vst v63  }
0x81: {  	s25 =	simm.s32 $0x180;
	s26 =	simm.s32 $0x6000  }
0x82: {  	[tilespmem:s26], [sflag:$0x3] =	stream.indirect.gather [hbm4b:s17+s3], $0x10, s25, s3, $0xb8;
	[tilespmem:$0x18C00] =	vst v63  }
.LBB2_7:
0x83: {  	(v2sf) =	vpush v11, $0x0;
	s11 =	spop (v2sf)  }
0x84: {  	v14 =	vld [tilespmem:s23+$0x2800];
	(v2sf) =	vpush v11, $0x1;
	s12 =	spop (v2sf)  }
0x85: {  	[tilespmem:s22+$0xA830] =	vst v13;
	v9 =	vmul.f32 s2, v9;
	(v2sf) =	vpush v10, $0x0;
	s2 =	spop (v2sf)  }
0x86: {  	v13 =	vld [tilespmem:s23+$0x2810];
	(v2sf) =	vpush v10, $0x1;
	s14 =	spop (v2sf)  }
0x87: {  	v61 =	vld [tilespmem:s21+$0x6830];
	s11 =	smov.u32 @p1 s26;
	[tilespmem:s22+$0xA800] =	vst v9;
	(v2sf) =	vpush v12, $0x0;
	s15 =	spop (v2sf)  }
0x88: {  	v8 =	vmul.f32 s11, v8;
	v9 =	vld [tilespmem:s23+$0x2820];
	(v2sf) =	vpush v12, $0x1;
	s11 =	spop (v2sf)  }
0x89: {  	(v2sf) =	vpush v14, $0x0;
	s25 =	spop (v2sf)  }
0x8a: {  	s2 =	smov.u32 @p1 s12;
	(v2sf) =	vpush v14, $0x1;
	s12 =	spop (v2sf)  }
0x8b: {  	v62 =	vld [tilespmem:s23+$0x6800];
	[tilespmem:s22+$0xA810] =	vst v8;
	v5 =	vmul.f32 s2, v5;
	s15 =	smov.u32 @p1 s14;
	(v2sf) =	vpush v13, $0x0;
	s2 =	spop (v2sf)  }
0x8c: {  	v8 =	vld [tilespmem:s23+$0x6810];
	v11 =	vmul.f32 s15, v61;
	(v2sf) =	vpush v13, $0x1;
	s14 =	spop (v2sf)  }
0x8d: {  	v63 =	vld [tilespmem:s23+$0x6820];
	[tilespmem:s22+$0xA820] =	vst v5;
	(v2sf) =	vpush v9, $0x0;
	s15 =	spop (v2sf)  }
0x8e: {  	[tilespmem:s21+$0xA830] =	vst v11;
	(v2sf) =	vpush v9, $0x1;
	s22 =	spop (v2sf)  }
0x8f: {  	v5 =	vld [tilespmem:s20+$0x6830];
	s26 =	spop (v2sf)  }
0x90: {  	s25 =	smov.u32 @p1 s11;
	s11 =	spop (v2sf)  }
0x91: {  	v3 =	vmul.f32 s25, v3;
	s2 =	smov.u32 @p1 s12;
	s12 =	spop (v2sf)  }
0x92: {  	v2 =	vmul.f32 s2, v2;
	s15 =	smov.u32 @p1 s14;
	s2 =	spop (v2sf)  }
0x93: {  	[tilespmem:s21+$0xA800] =	vst v3;
	v1 =	vmul.f32 s15, v1;
	s26 =	smov.u32 @p1 s22;
	s14 =	spop (v2sf)  }
0x94: {  	[tilespmem:s21+$0xA810] =	vst v2;
	v2 =	vmul.f32 s26, v5;
	s15 =	spop (v2sf)  }
0x95: {  	[tilespmem:s21+$0xA820] =	vst v1;
	s21 =	spop (v2sf)  }
0x96: {  	[tilespmem:s20+$0xA830] =	vst v2;
	s22 =	spop (v2sf)  }
0x97: {  	v1 =	vld [tilespmem:s23+$0x6830];
	s25 =	spop (v2sf)  }
0x98: {  	s12 =	smov.u32 @p1 s11;
	s11 =	spop (v2sf)  }
0x99: {  	v2 =	vmul.f32 s12, v7;
	s14 =	smov.u32 @p1 s2;
	s2 =	spop (v2sf)  }
0x9a: {  	v3 =	vmul.f32 s14, v6;
	s21 =	smov.u32 @p1 s15;
	s12 =	spop (v2sf)  }
0x9b: {  	[tilespmem:s20+$0xA800] =	vst v2;
	v4 =	vmul.f32 s21, v4;
	s25 =	smov.u32 @p1 s22;
	s14 =	spop (v2sf)  }
0x9c: {  	[tilespmem:s20+$0xA810] =	vst v3;
	v1 =	vmul.f32 s25, v1;
	s2 =	smov.u32 @p1 s11;
	s11 =	spop (v2sf)  }
0x9d: {  	[tilespmem:s20+$0xA820] =	vst v4;
	v2 =	vmul.f32 s2, v62;
	s14 =	smov.u32 @p1 s12;
	s2 =	spop (v2sf)  }
0x9e: {  	[tilespmem:s23+$0xA830] =	vst v1;
	v1 =	vmul.f32 s14, v8;
	s2 =	smov.u32 @p1 s11  }
0x9f: {  	[tilespmem:s23+$0xA800] =	vst v2;
	v2 =	vmul.f32 s2, v63  }
0xa0: {  	[tilespmem:s23+$0xA810] =	vst v1  }
0xa1: {  	s21 =	simm.s32 $0xA800;
	[tilespmem:s23+$0xA820] =	vst v2  }
0xa2: {  	[spmem:s1] =	stream.indirect.scatter.add.f32 [tilespmem:s21], [sflag:$0x6], $0x10, s7, s3, $0xb8;
	[tilespmem:$0x18C00] =	vst v63  }
0xa3: {  	_ =	swait.ge [sflag:s8], $0x800  }
0xa4: {  	[sflag:s8] =	ssyncset.done $0x0  }
0xa5: {  	s22 =	simm.s32 $0x680;
	s23 =	simm.s32 $0xB000;
	[sflag:s8] =	ssyncadd.s32 $0xFFFFF800  }
0xa6: {  	[spmem:s1] =	stream.indirect.scatter.add.f32 [tilespmem:s23], [sflag:$0x6], $0x10, s22, s3, $0xb8;
	[tilespmem:$0x18C00] =	vst v63  }
0xa7: {  	_ =	swait.ge [sflag:s8], $0x800  }
0xa8: {  	[sflag:s8] =	ssyncset.done $0x0  }
0xa9: {  	s26 =	simm.s32 $0xB800;
	s25 =	simm.s32 $0x700;
	[sflag:s8] =	ssyncadd.s32 $0xFFFFF800  }
0xaa: {  	[spmem:s1] =	stream.indirect.scatter.add.f32 [tilespmem:s26], [sflag:$0x6], $0x10, s25, s3, $0xb8;
	[tilespmem:$0x18C00] =	vst v63  }
0xab: {  	_ =	swait.ge [sflag:s8], $0x800  }
0xac: {  	[sflag:s8] =	ssyncset.done $0x0  }
0xad: {  	s2 =	simm.s32 $0x5;
	[sflag:s8] =	ssyncadd.s32 $0xFFFFF800  }
0xae: {  	[spmem:s1] =	stream.indirect.scatter.add.f32 [tilespmem:s18], [sflag:$0x5], $0x10, s16, s3, $0xb8;
	[tilespmem:$0x18C00] =	vst v63  }
.LBB2_11:
0xaf: {  	s19 =	sadd.s32 $0x1, s19  }
0xb0: {  	p2 =	sne.s32 s19, $0x64  }
.Ltmp4:
0xb1: {  	_ = 	snop;
	(pc) =	sbr.rel @!p2 .LBB2_12-.Ltmp4, $4  }
0xb2: {  	_ = 	snop  }
0xb3: {  	_ =	swait.ge [sflag:s2], $0x800  }
0xb4: {  	[sflag:s2] =	ssyncset.done $0x0  }
0xb5: {  	[sflag:s2] =	ssyncadd.s32 $0xFFFFF800  }
.LBB2_4:
0xb6: {  	s2 =	sand.u32 $0x1, s19  }
0xb7: {  	p2 =	seq.s32 s2, $0x0  }
.Ltmp5:
0xb8: {  	_ = 	snop;
	(pc) =	sbr.rel @!p2 .LBB2_5-.Ltmp5, $1  }
0xb9: {  	_ =	sdelay $0x3  }
0xba: {  	s2 =	sor.u32 $0x1, s19  }
0xbb: {  	s20 =	sshll.u32 s2, $0x9  }
0xbc: {  	s20 =	sadd.s32 s28, s20  }
0xbd: {  	s20 =	sshrl.u32 s20, $0x3  }
0xbe: {  	s22 =	simm.s32 $0x0;
	s2 =	sadd.s32 s24, s2;
	s21 =	sadd.s32 s4, s20  }
0xbf: {  	[tilespmem:s6], [sflag:$0x2] =	stream.linear.gather [hbm4b:s21+s22], $0x200, $0x38;
	[tilespmem:$0x18C00] =	vst v63  }
0xc0: {  	s2 =	sshll.u32 s2, $0xA;
	s20 =	sadd.s32 s5, s20  }
0xc1: {  	[tilespmem:s7], [sflag:$0x2] =	stream.linear.gather [hbm4b:s20+s22], $0x200, $0x38;
	[tilespmem:$0x18C00] =	vst v63  }
0xc2: {  	s11 =	simm.s32 $0x2800;
	s2 =	sadd.s32 s13, s2  }
0xc3: {  	[tilespmem:s11], [sflag:$0x2] =	stream.linear.gather [hbm4b:s2+s22], $0x2000, $0x38;
	[tilespmem:$0x18C00] =	vst v63  }
0xc4: {  	_ =	swait.ge [sflag:s9], $0x800  }
0xc5: {  	[sflag:s9] =	ssyncset.done $0x0  }
0xc6: {  	[sflag:s9] =	ssyncadd.s32 $0xFFFFF800  }
0xc7: {  	_ =	swait.ge [sflag:s9], $0x800  }
0xc8: {  	[sflag:s9] =	ssyncset.done $0x0  }
0xc9: {  	[sflag:s9] =	ssyncadd.s32 $0xFFFFF800  }
0xca: {  	_ =	swait.ge [sflag:s9], $0x800  }
0xcb: {  	[sflag:s9] =	ssyncset.done $0x0  }
0xcc: {  	[sflag:s9] =	ssyncadd.s32 $0xFFFFF800  }
0xcd: {  	_ =	swait.ge [sflag:s9], $0x800  }
0xce: {  	[sflag:s9] =	ssyncset.done $0x0  }
0xcf: {  	[sflag:s9] =	ssyncadd.s32 $0xFFFFF800  }
0xd0: {  	_ =	swait.ge [sflag:s10], $0x200  }
0xd1: {  	[sflag:s10] =	ssyncset.done $0x0  }
0xd2: {  	[sflag:s10] =	ssyncadd.s32 $0xFFFFFE00  }
0xd3: {  	_ =	swait.ge [sflag:s10], $0x200  }
0xd4: {  	[sflag:s10] =	ssyncset.done $0x0  }
0xd5: {  	[sflag:s10] =	ssyncadd.s32 $0xFFFFFE00  }
0xd6: {  	_ =	swait.ge [sflag:s10], $0x2000  }
0xd7: {  	[sflag:s10] =	ssyncset.done $0x0  }
0xd8: {  	s15 =	simm.s32 $0x6800;
	[sflag:s10] =	ssyncadd.s32 $0xFFFFE000  }
0xd9: {  	[tilespmem:s15], [sflag:$0x4] =	stream.indirect.gather [hbm4b:s17+s3], $0x10, s6, s3, $0xb8;
	[tilespmem:$0x18C00] =	vst v63  }
0xda: {  	s21 =	simm.s32 $0x7000;
	s20 =	simm.s32 $0x280  }
0xdb: {  	[tilespmem:s21], [sflag:$0x4] =	stream.indirect.gather [hbm4b:s17+s3], $0x10, s20, s3, $0xb8;
	[tilespmem:$0x18C00] =	vst v63  }
0xdc: {  	s23 =	simm.s32 $0x7800;
	s22 =	simm.s32 $0x300  }
0xdd: {  	[tilespmem:s23], [sflag:$0x4] =	stream.indirect.gather [hbm4b:s17+s3], $0x10, s22, s3, $0xb8;
	[tilespmem:$0x18C00] =	vst v63  }
0xde: {  	s25 =	simm.s32 $0x380;
	s26 =	simm.s32 $0x8000;
	s22 =	simm.s32 $0x0  }
0xdf: {  	[tilespmem:s26], [sflag:$0x4] =	stream.indirect.gather [hbm4b:s17+s3], $0x10, s25, s3, $0xb8;
	[tilespmem:$0x18C00] =	vst v63  }
0xe0: {  	v1 =	vld [tilespmem:s22+$0x830];
	_ =	sdelay $0x1  }
0xe1: {  	v2 =	vld [tilespmem:s22+$0x800];
	_ =	sdelay $0x1  }
0xe2: {  	v3 =	vld [tilespmem:s22+$0x810]  }
0xe3: {  	(v2sf) =	vpush v1, $0x0  }
0xe4: {  	v4 =	vld [tilespmem:s22+$0x820];
	(v2sf) =	vpush v1, $0x1  }
0xe5: {  	s21 =	simm.s32 $0x40;
	(v2sf) =	vpush v2, $0x0  }
0xe6: {  	v1 =	vld [tilespmem:s21+$0x830];
	(v2sf) =	vpush v2, $0x1  }
0xe7: {  	(v2sf) =	vpush v3, $0x0  }
0xe8: {  	v6 =	vld [tilespmem:s21+$0x800];
	(v2sf) =	vpush v3, $0x1  }
0xe9: {  	(v2sf) =	vpush v4, $0x0  }
0xea: {  	v7 =	vld [tilespmem:s21+$0x810];
	(v2sf) =	vpush v4, $0x1  }
0xeb: {  	(v2sf) =	vpush v1, $0x0  }
0xec: {  	v12 =	vld [tilespmem:s21+$0x820];
	(v2sf) =	vpush v1, $0x1  }
0xed: {  	s20 =	simm.s32 $0x80;
	(v2sf) =	vpush v6, $0x0  }
0xee: {  	v4 =	vld [tilespmem:s20+$0x830];
	(v2sf) =	vpush v6, $0x1  }
0xef: {  	(v2sf) =	vpush v7, $0x0  }
0xf0: {  	v14 =	vld [tilespmem:s20+$0x800];
	(v2sf) =	vpush v7, $0x1  }
0xf1: {  	v9 =	vld [tilespmem:s22+$0x4800];
	(v2sf) =	vpush v12, $0x0  }
0xf2: {  	v8 =	vld [tilespmem:s22+$0x4810];
	(v2sf) =	vpush v12, $0x1  }
0xf3: {  	v5 =	vld [tilespmem:s22+$0x4820];
	s2 =	spop (v2sf);
	(v2sf) =	vpush v4, $0x0  }
0xf4: {  	v13 =	vld [tilespmem:s22+$0x4830];
	s25 =	spop (v2sf);
	(v2sf) =	vpush v4, $0x1  }
0xf5: {  	v11 =	vld [tilespmem:s20+$0x810];
	s26 =	spop (v2sf);
	(v2sf) =	vpush v14, $0x0  }
0xf6: {  	v10 =	vld [tilespmem:s20+$0x820];
	s25 =	smov.u32 @p1 s2;
	s2 =	spop (v2sf);
	(v2sf) =	vpush v14, $0x1  }
0xf7: {  	v2 =	vld [tilespmem:s21+$0x4810]  }
0xf8: {  	v3 =	vld [tilespmem:s21+$0x4800]  }
0xf9: {  	v1 =	vld [tilespmem:s21+$0x4820]  }
0xfa: {  	v7 =	vld [tilespmem:s20+$0x4800]  }
0xfb: {  	s23 =	simm.s32 $0xC0;
	v6 =	vld [tilespmem:s20+$0x4810]  }
0xfc: {  	v12 =	vld [tilespmem:s23+$0x830];
	v13 =	vmul.f32 s25, v13  }
0xfd: {  	v4 =	vld [tilespmem:s20+$0x4820];
	s25 =	simm.s32 $0x400;
	s2 =	smov.u32 @p1 s26;
	s26 =	spop (v2sf)  }
.LBB2_9:
0xfe: {  	p2 =	sne.s32 s25, $0x7F00;
	v14 =	vld [tilespmem:s23+$0x800];
	(v2sf) =	vpush v11, $0x0;
	v15 =	vmul.f32 s2, v9;
	[tilespmem:s22+$0x8830] =	vst v13;
	s2 =	spop (v2sf);
	v9 =	vmov v3;
	s11 =	smov.u32 s21  }
0xff: {  	s21 =	smov.u32 s20;
	(v2sf) =	vpush v11, $0x1;
	v13 =	vld [tilespmem:s11+$0x4830];
	s2 =	smov.u32 @p1 s26;
	s26 =	spop (v2sf);
	v3 =	vmov v7  }
0x100: {  	s20 =	smov.u32 s23;
	v11 =	vld [tilespmem:s23+$0x810];
	(v2sf) =	vpush v10, $0x0;
	[tilespmem:s22+$0x8800] =	vst v15;
	v15 =	vmul.f32 s2, v8;
	s2 =	spop (v2sf);
	v8 =	vmovc v2;
	v2 =	vmov v6  }
.Ltmp6:
0x101: {  	(v2sf) =	vpush v10, $0x1;
	v10 =	vld [tilespmem:s20+$0x820];
	s23 =	spop (v2sf);
	s2 =	smov.u32 @p1 s26;
	(pc) =	sbr.rel @p2 .LBB2_9-.Ltmp6, $4  }
0x102: {  	v7 =	vld [tilespmem:s20+$0x4800];
	(v2sf) =	vpush v12, $0x0;
	s26 =	spop (v2sf);
	[tilespmem:s22+$0x8810] =	vst v15;
	v15 =	vmul.f32 s2, v5;
	v5 =	vmovc v1;
	v1 =	vmov v4  }
0x103: {  	v6 =	vld [tilespmem:s20+$0x4810];
	(v2sf) =	vpush v12, $0x1;
	s26 =	smov.u32 @p1 s23;
	s12 =	spop (v2sf)  }
0x104: {  	s23 =	sshra.s32 s25, $0x2;
	v4 =	vld [tilespmem:s20+$0x4820];
	(v2sf) =	vpush v14, $0x0;
	v13 =	vmul.f32 s26, v13;
	s2 =	spop (v2sf);
	[tilespmem:s22+$0x8820] =	vst v15;
	s22 =	smov.u32 s11  }
0x105: {  	s25 =	sadd.s32 $0x100, s25;
	v12 =	vld [tilespmem:s23+$0x830];
	(v2sf) =	vpush v14, $0x1;
	s2 =	smov.u32 @p1 s12;
	s26 =	spop (v2sf)  }
0x106: {  	(v2sf) =	vpush v11, $0x0;
	s11 =	spop (v2sf)  }
0x107: {  	v14 =	vld [tilespmem:s23+$0x800];
	(v2sf) =	vpush v11, $0x1;
	s12 =	spop (v2sf)  }
0x108: {  	[tilespmem:s22+$0x8830] =	vst v13;
	v9 =	vmul.f32 s2, v9;
	(v2sf) =	vpush v10, $0x0;
	s2 =	spop (v2sf)  }
0x109: {  	v13 =	vld [tilespmem:s23+$0x810];
	(v2sf) =	vpush v10, $0x1;
	s25 =	spop (v2sf)  }
0x10a: {  	v61 =	vld [tilespmem:s21+$0x4830];
	s11 =	smov.u32 @p1 s26;
	[tilespmem:s22+$0x8800] =	vst v9;
	(v2sf) =	vpush v12, $0x0;
	s26 =	spop (v2sf)  }
0x10b: {  	v8 =	vmul.f32 s11, v8;
	v9 =	vld [tilespmem:s23+$0x820];
	(v2sf) =	vpush v12, $0x1;
	s11 =	spop (v2sf)  }
0x10c: {  	(v2sf) =	vpush v14, $0x0;
	s14 =	spop (v2sf)  }
0x10d: {  	s2 =	smov.u32 @p1 s12;
	(v2sf) =	vpush v14, $0x1;
	s12 =	spop (v2sf)  }
0x10e: {  	v62 =	vld [tilespmem:s23+$0x4800];
	[tilespmem:s22+$0x8810] =	vst v8;
	v5 =	vmul.f32 s2, v5;
	s26 =	smov.u32 @p1 s25;
	(v2sf) =	vpush v13, $0x0;
	s2 =	spop (v2sf)  }
0x10f: {  	v8 =	vld [tilespmem:s23+$0x4810];
	v11 =	vmul.f32 s26, v61;
	(v2sf) =	vpush v13, $0x1;
	s25 =	spop (v2sf)  }
0x110: {  	v63 =	vld [tilespmem:s23+$0x4820];
	[tilespmem:s22+$0x8820] =	vst v5;
	(v2sf) =	vpush v9, $0x0;
	s22 =	spop (v2sf)  }
0x111: {  	[tilespmem:s21+$0x8830] =	vst v11;
	(v2sf) =	vpush v9, $0x1;
	s26 =	spop (v2sf)  }
0x112: {  	v5 =	vld [tilespmem:s20+$0x4830];
	s15 =	spop (v2sf)  }
0x113: {  	s14 =	smov.u32 @p1 s11;
	s11 =	spop (v2sf)  }
0x114: {  	v3 =	vmul.f32 s14, v3;
	s2 =	smov.u32 @p1 s12;
	s12 =	spop (v2sf)  }
0x115: {  	v2 =	vmul.f32 s2, v2;
	s22 =	smov.u32 @p1 s25;
	s2 =	spop (v2sf)  }
0x116: {  	[tilespmem:s21+$0x8800] =	vst v3;
	v1 =	vmul.f32 s22, v1;
	s15 =	smov.u32 @p1 s26;
	s14 =	spop (v2sf)  }
0x117: {  	[tilespmem:s21+$0x8810] =	vst v2;
	v2 =	vmul.f32 s15, v5;
	s15 =	spop (v2sf)  }
0x118: {  	[tilespmem:s21+$0x8820] =	vst v1;
	s21 =	spop (v2sf)  }
0x119: {  	[tilespmem:s20+$0x8830] =	vst v2;
	s22 =	spop (v2sf)  }
0x11a: {  	v1 =	vld [tilespmem:s23+$0x4830];
	s25 =	spop (v2sf)  }
0x11b: {  	s12 =	smov.u32 @p1 s11;
	s11 =	spop (v2sf)  }
0x11c: {  	v2 =	vmul.f32 s12, v7;
	s14 =	smov.u32 @p1 s2;
	s2 =	spop (v2sf)  }
0x11d: {  	v3 =	vmul.f32 s14, v6;
	s21 =	smov.u32 @p1 s15;
	s12 =	spop (v2sf)  }
0x11e: {  	[tilespmem:s20+$0x8800] =	vst v2;
	v4 =	vmul.f32 s21, v4;
	s25 =	smov.u32 @p1 s22;
	s14 =	spop (v2sf)  }
0x11f: {  	[tilespmem:s20+$0x8810] =	vst v3;
	v1 =	vmul.f32 s25, v1;
	s2 =	smov.u32 @p1 s11;
	s11 =	spop (v2sf)  }
0x120: {  	[tilespmem:s20+$0x8820] =	vst v4;
	v2 =	vmul.f32 s2, v62;
	s14 =	smov.u32 @p1 s12;
	s2 =	spop (v2sf)  }
0x121: {  	[tilespmem:s23+$0x8830] =	vst v1;
	v1 =	vmul.f32 s14, v8;
	s2 =	smov.u32 @p1 s11  }
0x122: {  	[tilespmem:s23+$0x8800] =	vst v2;
	v2 =	vmul.f32 s2, v63  }
0x123: {  	[tilespmem:s23+$0x8810] =	vst v1  }
0x124: {  	s2 =	simm.s32 $0x6;
	[tilespmem:s23+$0x8820] =	vst v2  }
0x125: {  	[spmem:s1] =	stream.indirect.scatter.add.f32 [tilespmem:s29], [sflag:$0x6], $0x10, s31, s3, $0xb8;
	[tilespmem:$0x18C00] =	vst v63  }
0x126: {  	_ =	swait.ge [sflag:s2], $0x800  }
0x127: {  	[sflag:s2] =	ssyncset.done $0x0  }
0x128: {  	s21 =	simm.s32 $0x9000;
	s20 =	simm.s32 $0x480;
	[sflag:s2] =	ssyncadd.s32 $0xFFFFF800  }
0x129: {  	[spmem:s1] =	stream.indirect.scatter.add.f32 [tilespmem:s21], [sflag:$0x6], $0x10, s20, s3, $0xb8;
	[tilespmem:$0x18C00] =	vst v63  }
0x12a: {  	_ =	swait.ge [sflag:s2], $0x800  }
0x12b: {  	[sflag:s2] =	ssyncset.done $0x0  }
0x12c: {  	s22 =	simm.s32 $0x500;
	s23 =	simm.s32 $0x9800;
	[sflag:s2] =	ssyncadd.s32 $0xFFFFF800  }
0x12d: {  	[spmem:s1] =	stream.indirect.scatter.add.f32 [tilespmem:s23], [sflag:$0x6], $0x10, s22, s3, $0xb8;
	[tilespmem:$0x18C00] =	vst v63  }
.Ltmp7:
0x12e: {  	_ = 	snop;
	(pc) =	sbr.rel .LBB2_11-.Ltmp7, $4  }
0x12f: {  	_ =	swait.ge [sflag:s2], $0x800  }
0x130: {  	[sflag:s2] =	ssyncset.done $0x0  }
0x131: {  	s26 =	simm.s32 $0xA000;
	s25 =	simm.s32 $0x580;
	[sflag:s2] =	ssyncadd.s32 $0xFFFFF800  }
0x132: {  	[spmem:s1] =	stream.indirect.scatter.add.f32 [tilespmem:s26], [sflag:$0x6], $0x10, s25, s3, $0xb8;
	[tilespmem:$0x18C00] =	vst v63  }
.LBB2_5:
0x133: {  	p2 =	seq.s32 s19, $0x63  }
0x134: {  	s20 =	sadd.s32 @!p2 $0x1, s19  }
0x135: {  	s2 =	sshll.u32 @!p2 s20, $0x9  }
0x136: {  	s2 =	sadd.s32 @!p2 s28, s2  }
0x137: {  	s21 =	sshrl.u32 @!p2 s2, $0x3  }
0x138: {  	s20 =	sadd.s32 @!p2 s24, s20;
	s2 =	simm.s32 @!p2 $0x0;
	s22 =	sadd.s32 @!p2 s4, s21  }
0x139: {  	[tilespmem:s2], [sflag:$0x1] =	stream.linear.gather @!p2 [hbm4b:s22+s2], $0x200, $0x38;
	[tilespmem:$0x18C00] =	vst v63  }
0x13a: {  	s20 =	sshll.u32 @!p2 s20, $0xA;
	s21 =	sadd.s32 @!p2 s5, s21;
	s22 =	simm.s32 @!p2 $0x400  }
0x13b: {  	[tilespmem:s22], [sflag:$0x1] =	stream.linear.gather @!p2 [hbm4b:s21+s2], $0x200, $0x38;
	[tilespmem:$0x18C00] =	vst v63  }
0x13c: {  	s20 =	sadd.s32 @!p2 s13, s20;
	s21 =	simm.s32 @!p2 $0x800  }
0x13d: {  	[tilespmem:s21], [sflag:$0x1] =	stream.linear.gather @!p2 [hbm4b:s20+s2], $0x2000, $0x38;
	[tilespmem:$0x18C00] =	vst v63  }
0x13e: {  	_ =	swait.ge [sflag:s0], $0x800  }
0x13f: {  	[sflag:s0] =	ssyncset.done $0x0  }
0x140: {  	[sflag:s0] =	ssyncadd.s32 $0xFFFFF800  }
0x141: {  	_ =	swait.ge [sflag:s0], $0x800  }
0x142: {  	[sflag:s0] =	ssyncset.done $0x0  }
0x143: {  	[sflag:s0] =	ssyncadd.s32 $0xFFFFF800  }
0x144: {  	_ =	swait.ge [sflag:s0], $0x800  }
0x145: {  	[sflag:s0] =	ssyncset.done $0x0  }
0x146: {  	[sflag:s0] =	ssyncadd.s32 $0xFFFFF800  }
0x147: {  	_ =	swait.ge [sflag:s0], $0x800  }
0x148: {  	[sflag:s0] =	ssyncset.done $0x0  }
0x149: {  	s11 =	simm.s32 @!p2 $0x1;
	[sflag:s0] =	ssyncadd.s32 $0xFFFFF800  }
0x14a: {  	_ =	swait.ge @!p2 [sflag:s11], $0x200  }
0x14b: {  	[sflag:s11] =	ssyncset.done @!p2 $0x0  }
0x14c: {  	[sflag:s11] =	ssyncadd.s32 @!p2 $0xFFFFFE00  }
0x14d: {  	_ =	swait.ge @!p2 [sflag:s11], $0x200  }
0x14e: {  	[sflag:s11] =	ssyncset.done @!p2 $0x0  }
0x14f: {  	[sflag:s11] =	ssyncadd.s32 @!p2 $0xFFFFFE00  }
0x150: {  	_ =	swait.ge @!p2 [sflag:s11], $0x2000  }
0x151: {  	[sflag:s11] =	ssyncset.done @!p2 $0x0  }
0x152: {  	s12 =	simm.s32 @!p2 $0x4800;
	[sflag:s11] =	ssyncadd.s32 @!p2 $0xFFFFE000;
	s11 =	simm.s32 @!p2 $0x80  }
0x153: {  	[tilespmem:s12], [sflag:$0x3] =	stream.indirect.gather @!p2 [hbm4b:s17+s11], $0x10, s2, s11, $0xb8;
	[tilespmem:$0x18C00] =	vst v63  }
0x154: {  	s2 =	simm.s32 @!p2 $0x5000  }
0x155: {  	[tilespmem:s2], [sflag:$0x3] =	stream.indirect.gather @!p2 [hbm4b:s17+s11], $0x10, s11, s11, $0xb8;
	[tilespmem:$0x18C00] =	vst v63  }
0x156: {  	s12 =	simm.s32 @!p2 $0x5800;
	s2 =	simm.s32 @!p2 $0x100  }
0x157: {  	[tilespmem:s12], [sflag:$0x3] =	stream.indirect.gather @!p2 [hbm4b:s17+s11], $0x10, s2, s11, $0xb8;
	[tilespmem:$0x18C00] =	vst v63  }
0x158: {  	s22 =	simm.s32 $0x0;
	s2 =	simm.s32 @!p2 $0x180;
	s12 =	simm.s32 @!p2 $0x6000  }
0x159: {  	[tilespmem:s12], [sflag:$0x3] =	stream.indirect.gather @!p2 [hbm4b:s17+s11], $0x10, s2, s11, $0xb8;
	[tilespmem:$0x18C00] =	vst v63  }
0x15a: {  	v1 =	vld [tilespmem:s22+$0x2830];
	_ =	sdelay $0x1  }
0x15b: {  	v2 =	vld [tilespmem:s22+$0x2800];
	_ =	sdelay $0x1  }
0x15c: {  	v3 =	vld [tilespmem:s22+$0x2810]  }
0x15d: {  	(v2sf) =	vpush v1, $0x0  }
0x15e: {  	v4 =	vld [tilespmem:s22+$0x2820];
	(v2sf) =	vpush v1, $0x1  }
0x15f: {  	s21 =	simm.s32 $0x40;
	(v2sf) =	vpush v2, $0x0  }
0x160: {  	v1 =	vld [tilespmem:s21+$0x2830];
	(v2sf) =	vpush v2, $0x1  }
0x161: {  	v9 =	vld [tilespmem:s22+$0x6800];
	(v2sf) =	vpush v3, $0x0  }
0x162: {  	v6 =	vld [tilespmem:s21+$0x2800];
	(v2sf) =	vpush v3, $0x1  }
0x163: {  	v8 =	vld [tilespmem:s22+$0x6810];
	(v2sf) =	vpush v4, $0x0  }
0x164: {  	v7 =	vld [tilespmem:s21+$0x2810];
	(v2sf) =	vpush v4, $0x1  }
0x165: {  	v5 =	vld [tilespmem:s22+$0x6820];
	(v2sf) =	vpush v1, $0x0  }
0x166: {  	s20 =	simm.s32 $0x80;
	v12 =	vld [tilespmem:s21+$0x2820];
	(v2sf) =	vpush v1, $0x1  }
0x167: {  	v14 =	vld [tilespmem:s20+$0x2800];
	(v2sf) =	vpush v6, $0x0  }
0x168: {  	v4 =	vld [tilespmem:s20+$0x2830];
	(v2sf) =	vpush v6, $0x1  }
0x169: {  	v13 =	vld [tilespmem:s22+$0x6830];
	(v2sf) =	vpush v7, $0x0  }
0x16a: {  	v11 =	vld [tilespmem:s20+$0x2810];
	(v2sf) =	vpush v7, $0x1  }
0x16b: {  	v10 =	vld [tilespmem:s20+$0x2820];
	(v2sf) =	vpush v12, $0x0  }
0x16c: {  	v2 =	vld [tilespmem:s21+$0x6810];
	(v2sf) =	vpush v12, $0x1  }
0x16d: {  	v3 =	vld [tilespmem:s21+$0x6800];
	s2 =	spop (v2sf);
	(v2sf) =	vpush v4, $0x0  }
0x16e: {  	v1 =	vld [tilespmem:s21+$0x6820];
	s11 =	spop (v2sf);
	(v2sf) =	vpush v4, $0x1  }
0x16f: {  	v7 =	vld [tilespmem:s20+$0x6800];
	s12 =	spop (v2sf);
	(v2sf) =	vpush v14, $0x0  }
0x170: {  	s23 =	simm.s32 $0xC0;
	v6 =	vld [tilespmem:s20+$0x6810];
	s11 =	smov.u32 @p1 s2;
	s2 =	spop (v2sf);
	(v2sf) =	vpush v14, $0x1  }
0x171: {  	v12 =	vld [tilespmem:s23+$0x2830];
	v13 =	vmul.f32 s11, v13  }
0x172: {  	s25 =	simm.s32 $0x400;
	v4 =	vld [tilespmem:s20+$0x6820];
	s2 =	smov.u32 @p1 s12;
	s26 =	spop (v2sf)  }
.LBB2_6:
0x173: {  	p2 =	sne.s32 s25, $0x7F00;
	v14 =	vld [tilespmem:s23+$0x2800];
	(v2sf) =	vpush v11, $0x0;
	v15 =	vmul.f32 s2, v9;
	[tilespmem:s22+$0xA830] =	vst v13;
	s2 =	spop (v2sf);
	v9 =	vmov v3;
	s11 =	smov.u32 s21  }
0x174: {  	v3 =	vmov v7;
	s21 =	smov.u32 s20;
	(v2sf) =	vpush v11, $0x1;
	v13 =	vld [tilespmem:s11+$0x6830];
	s2 =	smov.u32 @p1 s26;
	s12 =	spop (v2sf)  }
0x175: {  	s20 =	smov.u32 s23;
	v11 =	vld [tilespmem:s23+$0x2810];
	(v2sf) =	vpush v10, $0x0;
	[tilespmem:s22+$0xA800] =	vst v15;
	v15 =	vmul.f32 s2, v8;
	s2 =	spop (v2sf);
	v8 =	vmovc v2;
	v2 =	vmov v6  }
.Ltmp8:
0x176: {  	(v2sf) =	vpush v10, $0x1;
	v10 =	vld [tilespmem:s20+$0x2820];
	s14 =	spop (v2sf);
	s2 =	smov.u32 @p1 s12;
	(pc) =	sbr.rel @p2 .LBB2_6-.Ltmp8, $4  }
0x177: {  	v7 =	vld [tilespmem:s20+$0x6800];
	(v2sf) =	vpush v12, $0x0;
	s12 =	spop (v2sf);
	[tilespmem:s22+$0xA810] =	vst v15;
	v15 =	vmul.f32 s2, v5;
	v5 =	vmovc v1;
	v1 =	vmov v4  }
0x178: {  	v6 =	vld [tilespmem:s20+$0x6810];
	(v2sf) =	vpush v12, $0x1;
	s12 =	smov.u32 @p1 s14;
	s14 =	spop (v2sf)  }
0x179: {  	s23 =	sshra.s32 s25, $0x2;
	v4 =	vld [tilespmem:s20+$0x6820];
	(v2sf) =	vpush v14, $0x0;
	v13 =	vmul.f32 s12, v13;
	s2 =	spop (v2sf);
	[tilespmem:s22+$0xA820] =	vst v15;
	s22 =	smov.u32 s11  }
0x17a: {  	s25 =	sadd.s32 $0x100, s25;
	v12 =	vld [tilespmem:s23+$0x2830];
	(v2sf) =	vpush v14, $0x1;
	s2 =	smov.u32 @p1 s14;
	s26 =	spop (v2sf)  }
.Ltmp9:
0x17b: {  	_ = 	snop;
	(pc) =	sbr.rel .LBB2_7-.Ltmp9, $1  }
0x17c: {  	_ =	sdelay $0x3  }
.LBB2_13:
0x17d: {  	_ =	sfence.sel $0x180000  }
0x17e: {  	[bflag:$0x0] =	sbarrier.arrive $0xFFFF  }
0x17f: {  	_ =	strace $0x9000004D  }
0x180: {  	s0 =	stileid.u32;
	[bflag:$0x2] =	sbarrier.arrive $0xFFFF  }
0x181: {  	p0 =	sne.s32 s0, $0x0;
	s0 =	rddreg [dreg:$0x2]  }
0x182: {  	s0 =	sadd.s32 @!p0 $0x100000, s0  }
0x183: {  	[sflag:s0] =	ssyncadd.tile.s32 @!p0 $0x1;
	_ =	shalt  }
.Lfunc_end2:
_tile_overlayer_lowered:
.L_overlay_start_2:
0x184: {  	(tag) =	ssettag $0x2  }
0x185: {  	s0 =	rddreg [dreg:$0x0];
	s2 =	stileid.u32  }
0x186: {  	s1 =	rddreg [dreg:$0x1];
	p0 =	sne.s32 s2, $0x0  }
0x187: {  	s3 =	rddreg [dreg:$0x2];
	[bflag:$0x3] =	sbarrier.arrive $0xFFFF;
	s2 =	simm.s32 @!p0 $0x1C05  }
0x188: {  	[timem:s3], [sflag:s2] =	dma.local @!p0 [hbm:s0], s1  }
0x189: {  	s0 =	simm.s32 @!p0 $0x5  }
0x18a: {  	_ =	swait.ge @!p0 [sflag:s0], s1  }
0x18b: {  	s1 =	ssub.s32 @!p0 $0x0, s1;
	[sflag:s0] =	ssyncset.done @!p0 $0x0  }
0x18c: {  	[sflag:s0] =	ssyncadd.s32 @!p0 s1  }
0x18d: {  	[bflag:$0x3] =	sbarrier.arrive $0xFFFF  }
0x18e: {  	_ =	shalt  }

// kernel: kernel.13.cloned.1.call-start
scs
__scs_entry_jumppad:
0x0: {  	(pc) =	sbr.rel $0x88, $3  }
0x1: {  	(tag) =	ssettag $0x0;
	lr =	simm.s32 $0x1  }
0x2: {  	[smem:$0x3F8F] =	sst lr;
	_ =	strace $0xD0000000  }
0x3: {  	_ = 	snop  }
0x4: {  	_ = 	snop  }
0x5: {  	_ = 	snop  }
0x6: {  	_ = 	snop  }
0x7: {  	_ = 	snop  }
__scs_overlays_trampoline_lowered:
0x8: {  	[smem:$0x3F9E] =	sst s0  }
0x9: {  	[smem:$0x3F9F] =	sst s1  }
0xa: {  	[smem:$0x3FA0] =	sst s2  }
0xb: {  	[smem:$0x3FA1] =	sst s3  }
0xc: {  	[smem:$0x3FA2] =	sst s4  }
0xd: {  	[smem:$0x3FA3] =	sst s5  }
0xe: {  	[smem:$0x3FA4] =	sst s6  }
0xf: {  	[smem:$0x3FA5] =	sst s7  }
0x10: {  	[smem:$0x3FA6] =	sst s8  }
0x11: {  	[smem:$0x3FA7] =	sst s9;
	s0 =	simm.s32 @!p0 $0x0  }
0x12: {  	s1 =	sld [smem:$0x3F8D];
	s0 =	simm.s32 @p0 $0x1  }
0x13: {  	[smem:$0x3FA8] =	sst s0;
	s0 =	simm.s32 @!p1 $0x0  }
0x14: {  	s2 =	sld [smem:$0x3F8C];
	s0 =	simm.s32 @p1 $0x1  }
0x15: {  	[smem:$0x3FA9] =	sst s0;
	s0 =	simm.s32 @!p2 $0x0  }
0x16: {  	s3 =	sld [smem:$0x3FDB];
	s0 =	simm.s32 @p2 $0x1  }
0x17: {  	s4 =	simm.s32 $0x1BF5;
	[smem:$0x3FAB] =	sst s0  }
0x18: {  	s0 =	sld [smem:$0x3F8E];
	_ =	swait.ge [sflag:s4], $0x0  }
0x19: {  	s7 =	sld [smem:$0x3F8F]  }
0x1a: {  	s8 =	sadd.s32 $0xFFFFE003, lr  }
0x1b: {  	s9 =	sadd.s32 $0xFFFFFEF7, lr;
	s5 =	simm.s32 $0xFFFFFFFF;
	p2 =	slt.u32 s8, $0xFFFFF086  }
0x1c: {  	p1 =	slt.u32 s9, $0xF7A;
	s5 =	simm.s32 @!p2 $0x0  }
0x1d: {  	s5 =	simm.s32 @p1 $0x1;
	p0 =	seq.s32 s7, s2  }
0x1e: {  	s7 =	smul.u32 @!p0 $0xF7A, s2;
	p2 =	seq.s32 @!p0 s5, $0x0  }
0x1f: {  	s9 =	smul.u32 $0xF7A, s1;
	s8 =	simm.s32 @!p0 $0x1BF5;
	p2 =	por !p2, p0  }
0x20: {  	[sflag:s8] =	ssyncset.s32 @!p0 $0xFFFFF086;
	s6 =	sadd.s32 @!p0 s3, s7;
	s7 =	simm.s32 @!p0 $0x108  }
0x21: {  	s3 =	sadd.s32 s3, s9;
	s6 =	sadd.s32 @!p0 $0x88, s6;
	s7 =	simm.s32 @p2 $0x1082  }
0x22: {  	[simem:s7], [sflag:s8] =	dma.local @!p0 [hbm:s6], $0xF7A  }
0x23: {  	s9 =	sor.u32 $0xD0000000, s2;
	s6 =	simm.s32 $0x108;
	_ =	swait.ge @!p0 [sflag:s8], $0x0  }
0x24: {  	s3 =	sadd.s32 $0x88, s3;
	s6 =	simm.s32 @!p1 $0x1082;
	[sflag:s4] =	ssyncset.s32 $0xFFFFF086  }
0x25: {  	[simem:s6], [sflag:s4] =	dma.local [hbm:s3], $0xF7A  }
0x26: {  	[smem:$0x3F8F] =	sst s1;
	(tag) =	ssettag s2;
	_ =	strace s9  }
0x27: {  	s1 =	sld [smem:$0x3F9F]  }
0x28: {  	s2 =	sld [smem:$0x3FA0]  }
0x29: {  	s4 =	sld [smem:$0x3FA2]  }
0x2a: {  	p0 =	seq.s32 s5, $0x0;
	s5 =	sld [smem:$0x3FA3]  }
0x2b: {  	s6 =	sld [smem:$0x3FA4]  }
0x2c: {  	s7 =	sld [smem:$0x3FA5]  }
0x2d: {  	s3 =	simm.s32 $0x108;
	s8 =	sld [smem:$0x3FA6]  }
0x2e: {  	s3 =	simm.s32 @!p0 $0x1082;
	s9 =	sld [smem:$0x3FA7]  }
0x2f: {  	lr =	sadd.s32 s0, s3;
	s0 =	sld [smem:$0x3F9E]  }
0x30: {  	s3 =	sld [smem:$0x3FA1]  }
0x31: {  	[smem:$0x3FAA] =	sst s10  }
0x32: {  	s10 =	sld [smem:$0x3FA8];
	_ =	sdelay $0x3  }
0x33: {  	p0 =	seq.s32 s10, $0x1;
	s10 =	sld [smem:$0x3FAA];
	_ =	sdelay $0x3  }
0x34: {  	[smem:$0x3FAA] =	sst s10  }
0x35: {  	s10 =	sld [smem:$0x3FA9];
	_ =	sdelay $0x3  }
0x36: {  	p1 =	seq.s32 s10, $0x1;
	s10 =	sld [smem:$0x3FAA];
	_ =	sdelay $0x3  }
0x37: {  	[smem:$0x3FAA] =	sst s10  }
0x38: {  	s10 =	sld [smem:$0x3FAB]  }
0x39: {  	_ = 	snop;
	(pc) =	sbr.ind lr, $3  }
0x3a: {  	_ = 	snop  }
0x3b: {  	_ = 	snop  }
0x3c: {  	p2 =	seq.s32 s10, $0x1;
	s10 =	sld [smem:$0x3FAA]  }
0x3d: {  	_ =	shalt  }
0x3e: {  	_ =	shalt  }
0x3f: {  	_ =	shalt  }
0x40: {  	_ =	shalt  }
0x41: {  	_ =	shalt  }
0x42: {  	_ =	shalt  }
0x43: {  	_ =	shalt  }
0x44: {  	_ =	shalt  }
0x45: {  	_ =	shalt  }
0x46: {  	_ =	shalt  }
0x47: {  	_ =	shalt  }
0x48: {  	_ =	shalt  }
0x49: {  	_ =	shalt  }
0x4a: {  	_ =	shalt  }
0x4b: {  	_ =	shalt  }
0x4c: {  	_ =	shalt  }
0x4d: {  	_ =	shalt  }
0x4e: {  	_ =	shalt  }
0x4f: {  	_ =	shalt  }
0x50: {  	_ =	shalt  }
0x51: {  	_ =	shalt  }
0x52: {  	_ =	shalt  }
0x53: {  	_ =	shalt  }
0x54: {  	_ =	shalt  }
0x55: {  	_ =	shalt  }
0x56: {  	_ =	shalt  }
0x57: {  	_ =	shalt  }
0x58: {  	_ =	shalt  }
0x59: {  	_ =	shalt  }
0x5a: {  	_ =	shalt  }
0x5b: {  	_ =	shalt  }
0x5c: {  	_ =	shalt  }
0x5d: {  	_ =	shalt  }
0x5e: {  	_ =	shalt  }
0x5f: {  	_ =	shalt  }
0x60: {  	_ =	shalt  }
0x61: {  	_ =	shalt  }
0x62: {  	_ =	shalt  }
0x63: {  	_ =	shalt  }
0x64: {  	_ =	shalt  }
0x65: {  	_ =	shalt  }
0x66: {  	_ =	shalt  }
0x67: {  	_ =	shalt  }
0x68: {  	_ =	shalt  }
0x69: {  	_ =	shalt  }
0x6a: {  	_ =	shalt  }
0x6b: {  	_ =	shalt  }
0x6c: {  	_ =	shalt  }
0x6d: {  	_ =	shalt  }
0x6e: {  	_ =	shalt  }
0x6f: {  	_ =	shalt  }
0x70: {  	_ =	shalt  }
0x71: {  	_ =	shalt  }
0x72: {  	_ =	shalt  }
0x73: {  	_ =	shalt  }
0x74: {  	_ =	shalt  }
0x75: {  	_ =	shalt  }
0x76: {  	_ =	shalt  }
0x77: {  	_ =	shalt  }
0x78: {  	_ =	shalt  }
0x79: {  	_ =	shalt  }
0x7a: {  	_ =	shalt  }
0x7b: {  	_ =	shalt  }
0x7c: {  	_ =	shalt  }
0x7d: {  	_ =	shalt  }
0x7e: {  	_ =	shalt  }
0x7f: {  	_ =	shalt  }
0x80: {  	_ =	shalt  }
0x81: {  	_ =	shalt  }
0x82: {  	_ =	shalt  }
0x83: {  	_ =	shalt  }
0x84: {  	_ =	shalt  }
0x85: {  	_ =	shalt  }
0x86: {  	_ =	shalt  }
0x87: {  	_ =	shalt  }
.Lfunc_end0:
.L_simem_size_0:
called_computation.2_lowered:
.L_overlay_start_0:
0x88: {  	s2 =	sld [smem:$0x3FD9]  }
0x89: {  	s3 =	sld [smem:$0x3FFE];
	_ =	sdelay $0x1  }
0x8a: {  	s1 =	srdreg.scid  }
0x8b: {  	s0 =	sand.u32 $0x1, s1  }
0x8c: {  	s16 =	sshll.u32 s0, $0xA;
	s2 =	sadd.s32 s3, s2  }
0x8d: {  	s2 =	sadd.s32 s2, s16  }
0x8e: {  	[smem:$0x3FB6] =	sst s2  }
0x8f: {  	_ = 	snop  }
0x90: {  	(tm) =	ssettm $0x1  }
0x91: {  	s17 =	sld [smem:$0x3FFB];
	_ =	sdelay $0x3  }
0x92: {  	_ =	strace s17  }
0x93: {  	s2 =	sld [smem:$0x3FFC];
	_ =	sdelay $0x3  }
0x94: {  	_ =	strace s2  }
0x95: {  	s2 =	sld [smem:$0x3FFD];
	_ =	sdelay $0x3  }
0x96: {  	_ =	strace s2  }
0x97: {  	_ =	strace $0x8FFFFFFF  }
0x98: {  	s18 =	sld [smem:$0x3FDB];
	_ =	sdelay $0x1  }
0x99: {  	s19 =	simm.s32 $_scs_section_size  }
0x9a: {  	s4 =	simm.s32 $_size__tile_overlayer_lowered;
	s5 =	simm.s32 $_tile_overlayer_lowered  }
0x9b: {  	s22 =	simm.s32 $0x1BFF;
	s21 =	sshll.u32 s5, $0x1;
	s2 =	sadd.s32 s19, s18  }
0x9c: {  	s6 =	simm.s32 $0x0;
	s20 =	sshll.u32 s4, $0x1;
	s4 =	sadd.s32 s21, s2  }
0x9d: {  	[timem:s6], [sflag:s22] =	dma.local [hbm:s4], s20  }
0x9e: {  	_ =	swait.ge [sflag:s22], s20  }
0x9f: {  	s3 =	ssub.s32 $0x0, s20;
	[sflag:s22] =	ssyncset.done $0x0  }
0xa0: {  	[sflag:s22] =	ssyncadd.s32 s3;
	_ =	sdelay $0x1  }
0xa1: {  	s23 =	simm.s32 $0x1B8B  }
0xa2: {  	_ =	swait.ge [sflag:s23], $0x1  }
0xa3: {  	[sflag:s23] =	ssyncset.done $0x0  }
0xa4: {  	s25 =	simm.s32 $0x1B8E;
	s24 =	sld [smem:$0x3FFE];
	[sflag:s23] =	ssyncadd.s32 $0xFFFFFFFF  }
0xa5: {  	s26 =	simm.s32 $execute0_lowered;
	[smem:$0x3FD2] =	sst s25  }
0xa6: {  	s4 =	sshll.u32 s26, $0x1;
	_ =	strace $0x80000049;
	[dreg:$0x1] =	wrdreg $0xFFFFFFFF  }
0xa7: {  	s28 =	simm.s32 $_size_execute0_lowered;
	s2 =	sadd.s32 s2, s4;
	[dreg:$0x0] =	wrdreg $0x0  }
0xa8: {  	s4 =	sshll.u32 s28, $0x1;
	[dreg:$0x2] =	wrdreg s2  }
0xa9: {  	[dreg:$0x3] =	wrdreg s4  }
0xaa: {  	[dreg:$0x4] =	wrdreg $0xC0  }
0xab: {  	_ =	task [dreg:s6], $0x5FFFF  }
0xac: {  	[dreg:$0x1] =	wrdreg $0xFFFFFFFF  }
0xad: {  	[dreg:$0x0] =	wrdreg $0x60  }
0xae: {  	[dreg:$0x2] =	wrdreg s24  }
0xaf: {  	[dreg:$0x3] =	wrdreg $0xC8000  }
0xb0: {  	[dreg:$0x4] =	wrdreg $0xA  }
0xb1: {  	_ =	task.clear_ibuf [dreg:s6], $0x5FFFF;
	_ =	strace $0x90000049  }
0xb2: {  	s29 =	simm.s32 $0xA;
	_ =	strace $0x8000004B  }
0xb3: {  	_ =	swait.ge [sflag:s29], $0x1  }
0xb4: {  	[sflag:s29] =	ssyncadd.s32 $0xFFFFFFFF  }
0xb5: {  	_ =	strace $0x9000004B  }
0xb6: {  	_ =	sfence  }
0xb7: {  	s30 =	sld [smem:$0x0];
	_ =	sdelay $0x2  }
0xb8: {  	s31 =	sshll.u32 s1, $0xD;
	s1 =	sshrl.u32 s1, $0x2  }
0xb9: {  	s3 =	sand.u32 $0x4000, s31;
	s1 =	sadd.s32 s1, s30  }
0xba: {  	s0 =	sor.u32 s3, s0;
	s1 =	sshll.u32 s1, $0x11  }
0xbb: {  	s0 =	sor.u32 s1, s0  }
0xbc: {  	s0 =	sadd.s32 $0x8F2B, s0  }
0xbd: {  	[sflag:s0] =	ssyncadd.remote.s32 $0x1  }
0xbe: {  	_ =	sfence.sel $0xFFFF  }
0xbf: {  	[dreg:$0x0] =	wrdreg $0xFFFFFFFF;
	(pc) =	sbr.abs _section_cstart, $3  }
0xc0: {  	[dreg:$0x1] =	wrdreg $0xFFFFFFFF  }
0xc1: {  	_ =	task.clear_ibuf [dreg:s6], $0x2FFFF;
	_ =	strace $0x9FFFFFFF  }
0xc2: {  	(tm) =	ssettm $0x7FFFFFFF  }
0xc3: {  	_ =	shalt  }
tec
execute0_lowered:
.L_overlay_start_1:
0x0: {  	(tag) =	ssettag $0x1  }
0x1: {  	s0 =	rddreg [dreg:$0x0]  }
0x2: {  	s1 =	rddreg [dreg:$0x1]  }
0x3: {  	s2 =	srdreg.scid;
	s4 =	simm.s32 $0x0;
	s3 =	simm.s32 $0x0  }
0x4: {  	s20 =	stileid.u32;
	s29 =	simm.s32 $0x8800;
	s30 =	simm.s32 $0x5  }
0x5: {  	s31 =	simm.s32 $0x400;
	s2 =	sand.u32 $0x1, s2;
	[dreg:$0x3] =	wrdreg s3  }
0x6: {  	[smem:$0x7FF] =	sst s4;
	s4 =	sadd.s32 $0x4D600, s0;
	s5 =	sadd.s32 $0x34600, s0  }
0x7: {  	s6 =	sadd.s32 $0x258400, s0;
	s10 =	sshll.u32 s20, $0xD;
	s28 =	smul.u32 $0xC800, s20  }
0x8: {  	s16 =	sor.u32 $0x60, s20;
	s23 =	smul.u32 $0x186A0, s2;
	_ =	strace $0x8000004A  }
0x9: {  	s7 =	ssub.s32 $0x2, s2;
	s9 =	smul.u32 $0xC4000, s2;
	s11 =	sor.u32 $0x40000, s10  }
0xa: {  	s12 =	sor.u32 $0x60000, s10;
	s14 =	sor.u32 $0x80000, s10;
	s15 =	sor.u32 $0xA0000, s10  }
0xb: {  	s18 =	sshll.u32 s16, $0xD;
	p0 =	sgt.u32 s16, $0x61;
	s8 =	sshrl.u32 s7, $0x1  }
0xc: {  	p1 =	seq.s32 s2, $0x0;
	s3 =	sadd.s32 s23, s0;
	s7 =	ssub.s32 s7, s8  }
0xd: {  	s8 =	sor.u32 $0x20000, s10;
	s13 =	sadd.s32 s9, s10;
	s17 =	sadd.s32 s9, s11  }
0xe: {  	s19 =	sadd.s32 s9, s12;
	s21 =	sadd.s32 s9, s14;
	s22 =	sadd.s32 s9, s15  }
0xf: {  	s13 =	sshrl.u32 s13, $0x3;
	s24 =	sadd.s32 s9, s8;
	s25 =	sshrl.u32 s17, $0x3  }
0x10: {  	s26 =	sshrl.u32 s19, $0x3;
	s9 =	sadd.s32 s9, s18;
	s16 =	smax.u32 s7, $0x1  }
0x11: {  	s23 =	sshrl.u32 s22, $0x3;
	s22 =	sadd.s32 s11, s1;
	[dreg:$0xe] =	wrdreg s16  }
0x12: {  	s17 =	sadd.s32 $0x227600, s3;
	s13 =	sadd.s32 s6, s13;
	[dreg:$0x11] =	wrdreg s22  }
0x13: {  	s3 =	simm.s32 $0x80;
	s19 =	sadd.s32 s6, s26;
	[dreg:$0x4] =	wrdreg s13  }
0x14: {  	s13 =	sshrl.u32 s24, $0x3;
	[dreg:$0x7] =	wrdreg s19;
	s19 =	sadd.s32 s10, s1  }
0x15: {  	s24 =	smul.u32 $0x1900, s20;
	s13 =	sadd.s32 s6, s13;
	[dreg:$0xf] =	wrdreg s19  }
0x16: {  	s7 =	simm.s32 $0x600;
	[dreg:$0x5] =	wrdreg s13;
	s13 =	sadd.s32 s6, s25  }
0x17: {  	s9 =	sshrl.u32 s9, $0x3;
	s26 =	sadd.s32 s4, s24;
	[dreg:$0x6] =	wrdreg s13  }
0x18: {  	s13 =	sshrl.u32 s21, $0x3;
	[dreg:$0xb] =	wrdreg s26;
	s21 =	sadd.s32 s8, s1  }
0x19: {  	s16 =	simm.s32 $0x780;
	s26 =	sadd.s32 s18, s1;
	[dreg:$0x10] =	wrdreg s21  }
0x1a: {  	s10 =	simm.s32 $0x2;
	s13 =	sadd.s32 s6, s13;
	[dreg:$0x15] =	wrdreg s26  }
0x1b: {  	s25 =	smul.u32 $0x19000, s20;
	[dreg:$0x8] =	wrdreg s13;
	s13 =	sadd.s32 s6, s23  }
0x1c: {  	s8 =	simm.s32 $0x6;
	s6 =	sadd.s32 s6, s9;
	[dreg:$0x9] =	wrdreg s13  }
0x1d: {  	s18 =	simm.s32 $0xC000;
	s9 =	sadd.s32 s5, s24;
	[dreg:$0xa] =	wrdreg s6  }
.Ltmp0:
0x1e: {  	s23 =	sadd.s32 s12, s1;
	[dreg:$0xc] =	wrdreg s9;
	(pc) =	sbr.rel .LBB2_1-.Ltmp0, $4  }
0x1f: {  	s24 =	sadd.s32 s14, s1;
	s13 =	sadd.s32 $0x97600, s0;
	[dreg:$0x12] =	wrdreg s23  }
0x20: {  	[dreg:$0x13] =	wrdreg s24;
	s24 =	smul.u32 $0x64, s20;
	s0 =	sadd.s32 s13, s25  }
0x21: {  	s6 =	simm.s32 $0x200;
	s25 =	sadd.s32 s15, s1;
	[dreg:$0xd] =	wrdreg s0  }
0x22: {  	v0 =	vimm.f32 $0.0e+00;
	s9 =	simm.s32 $0x3;
	[dreg:$0x14] =	wrdreg s25;
	s0 =	simm.s32 $0x4  }
.LBB2_12:
0x23: {  	s2 =	stileid.u32;
	[bflag:$0x0] =	sbarrier.arrive $0xFFFF  }
0x24: {  	s2 =	sshll.u32 s2, $0x6;
	s11 =	rddreg [dreg:$0xf]  }
0x25: {  	s12 =	rddreg [dreg:$0x4];
	s2 =	sor.u32 $0x1C05, s2;
	s11 =	sshrl.u32 s11, $0x3  }
0x26: {  	[hbm:s12], [sflag:s2] =	dma.local [spmem:s11], $0x400  }
0x27: {  	_ =	swait.ge [sflag:s30], $0x400  }
0x28: {  	[sflag:s30] =	ssyncset.done $0x0;
	s25 =	rddreg [dreg:$0x10]  }
0x29: {  	s26 =	rddreg [dreg:$0x5];
	[sflag:s30] =	ssyncadd.s32 $0xFFFFFC00;
	s11 =	sshrl.u32 s25, $0x3  }
0x2a: {  	[hbm:s26], [sflag:s2] =	dma.local [spmem:s11], $0x400  }
0x2b: {  	_ =	swait.ge [sflag:s30], $0x400  }
0x2c: {  	[sflag:s30] =	ssyncset.done $0x0;
	s12 =	rddreg [dreg:$0x11]  }
0x2d: {  	s14 =	rddreg [dreg:$0x6];
	[sflag:s30] =	ssyncadd.s32 $0xFFFFFC00;
	s11 =	sshrl.u32 s12, $0x3  }
0x2e: {  	[hbm:s14], [sflag:s2] =	dma.local [spmem:s11], $0x400  }
0x2f: {  	_ =	swait.ge [sflag:s30], $0x400  }
0x30: {  	[sflag:s30] =	ssyncset.done $0x0;
	s15 =	rddreg [dreg:$0x12]  }
0x31: {  	s19 =	rddreg [dreg:$0x7];
	[sflag:s30] =	ssyncadd.s32 $0xFFFFFC00;
	s11 =	sshrl.u32 s15, $0x3  }
0x32: {  	[hbm:s19], [sflag:s2] =	dma.local [spmem:s11], $0x400  }
0x33: {  	_ =	swait.ge [sflag:s30], $0x400  }
0x34: {  	[sflag:s30] =	ssyncset.done $0x0;
	s20 =	rddreg [dreg:$0x13]  }
0x35: {  	s21 =	rddreg [dreg:$0x8];
	[sflag:s30] =	ssyncadd.s32 $0xFFFFFC00;
	s11 =	sshrl.u32 s20, $0x3  }
0x36: {  	[hbm:s21], [sflag:s2] =	dma.local [spmem:s11], $0x400  }
0x37: {  	_ =	swait.ge [sflag:s30], $0x400  }
0x38: {  	[sflag:s30] =	ssyncset.done $0x0;
	s22 =	rddreg [dreg:$0x14]  }
0x39: {  	s23 =	rddreg [dreg:$0x9];
	[sflag:s30] =	ssyncadd.s32 $0xFFFFFC00;
	s11 =	sshrl.u32 s22, $0x3  }
0x3a: {  	[hbm:s23], [sflag:s2] =	dma.local [spmem:s11], $0x400  }
0x3b: {  	_ =	swait.ge [sflag:s30], $0x400  }
0x3c: {  	[sflag:s30] =	ssyncset.done $0x0;
	s11 =	rddreg [dreg:$0x15]  }
0x3d: {  	s12 =	rddreg [dreg:$0xa];
	[sflag:s30] =	ssyncadd.s32 $0xFFFFFC00;
	s11 =	sshrl.u32 @!p0 s11, $0x3  }
0x3e: {  	[hbm:s12], [sflag:s2] =	dma.local @!p0 [spmem:s11], $0x400  }
0x3f: {  	s2 =	simm.s32 @!p0 $0x5  }
0x40: {  	_ =	swait.ge @!p0 [sflag:s2], $0x400  }
0x41: {  	s25 =	rddreg [dreg:$0x3]  }
0x42: {  	s26 =	rddreg [dreg:$0xe];
	s11 =	sadd.s32 $0x1, s25  }
0x43: {  	p2 =	sne.s32 s11, s26  }
.Ltmp1:
0x44: {  	_ = 	snop;
	(pc) =	sbr.rel @!p2 .LBB2_13-.Ltmp1, $3  }
0x45: {  	_ =	sdelay $0x1  }
0x46: {  	[sflag:s2] =	ssyncset.done @!p0 $0x0  }
0x47: {  	[sflag:s2] =	ssyncadd.s32 @!p0 $0xFFFFFC00;
	[dreg:$0x3] =	wrdreg s11  }
.LBB2_1:
0x48: {  	s2 =	simm.s32 $0x40;
	s19 =	simm.s32 $0x0  }
.LBB2_2:
0x49: {  	p2 =	sne.s32 s2, $0x7FC0;
	[tilespmem:s19+$0x8800] =	vst v0;
	s19 =	smov.u32 s2;
	s2 =	sadd.s32 $0x40, s2  }
.Ltmp2:
0x4a: {  	(pc) =	sbr.rel @p2 .LBB2_2-.Ltmp2, $2  }
0x4b: {  	_ =	sdelay $0x2  }
0x4c: {  	s19 =	sshra.s32 s19, $0x2  }
0x4d: {  	[tilespmem:s19+$0x8800] =	vst v0;
	s2 =	rddreg [dreg:$0xf]  }
0x4e: {  	[spmem:s2] =	stream.linear.scatter [tilespmem:s29], [sflag:$0x5], $0x2000, $0x38;
	[tilespmem:$0x18C00] =	vst v63  }
0x4f: {  	_ =	swait.ge [sflag:s30], $0x2000  }
0x50: {  	[sflag:s30] =	ssyncset.done $0x0  }
0x51: {  	s20 =	rddreg [dreg:$0x10];
	[sflag:s30] =	ssyncadd.s32 $0xFFFFE000  }
0x52: {  	[spmem:s20] =	stream.linear.scatter [tilespmem:s29], [sflag:$0x5], $0x2000, $0x38;
	[tilespmem:$0x18C00] =	vst v63  }
0x53: {  	_ =	swait.ge [sflag:s30], $0x2000  }
0x54: {  	[sflag:s30] =	ssyncset.done $0x0  }
0x55: {  	s21 =	rddreg [dreg:$0x11];
	[sflag:s30] =	ssyncadd.s32 $0xFFFFE000  }
0x56: {  	[spmem:s21] =	stream.linear.scatter [tilespmem:s29], [sflag:$0x5], $0x2000, $0x38;
	[tilespmem:$0x18C00] =	vst v63  }
0x57: {  	_ =	swait.ge [sflag:s30], $0x2000  }
0x58: {  	[sflag:s30] =	ssyncset.done $0x0  }
0x59: {  	s22 =	rddreg [dreg:$0x12];
	[sflag:s30] =	ssyncadd.s32 $0xFFFFE000  }
0x5a: {  	[spmem:s22] =	stream.linear.scatter [tilespmem:s29], [sflag:$0x5], $0x2000, $0x38;
	[tilespmem:$0x18C00] =	vst v63  }
0x5b: {  	_ =	swait.ge [sflag:s30], $0x2000  }
0x5c: {  	[sflag:s30] =	ssyncset.done $0x0  }
0x5d: {  	s23 =	rddreg [dreg:$0x13];
	[sflag:s30] =	ssyncadd.s32 $0xFFFFE000  }
0x5e: {  	[spmem:s23] =	stream.linear.scatter [tilespmem:s29], [sflag:$0x5], $0x2000, $0x38;
	[tilespmem:$0x18C00] =	vst v63  }
0x5f: {  	_ =	swait.ge [sflag:s30], $0x2000  }
0x60: {  	[sflag:s30] =	ssyncset.done $0x0  }
0x61: {  	s25 =	rddreg [dreg:$0x14];
	[sflag:s30] =	ssyncadd.s32 $0xFFFFE000  }
0x62: {  	[spmem:s25] =	stream.linear.scatter [tilespmem:s29], [sflag:$0x5], $0x2000, $0x38;
	[tilespmem:$0x18C00] =	vst v63  }
0x63: {  	_ =	swait.ge [sflag:s30], $0x2000  }
0x64: {  	[sflag:s30] =	ssyncset.done $0x0  }
0x65: {  	s2 =	simm.s32 @!p0 $0x8800;
	s11 =	rddreg [dreg:$0x15];
	[sflag:s30] =	ssyncadd.s32 $0xFFFFE000  }
0x66: {  	[spmem:s11] =	stream.linear.scatter @!p0 [tilespmem:s2], [sflag:$0x5], $0x2000, $0x38;
	[tilespmem:$0x18C00] =	vst v63  }
0x67: {  	s2 =	simm.s32 @!p0 $0x5  }
0x68: {  	_ =	swait.ge @!p0 [sflag:s2], $0x2000  }
0x69: {  	[sflag:s2] =	ssyncset.done @!p0 $0x0  }
0x6a: {  	[sflag:s2] =	ssyncadd.s32 @!p0 $0xFFFFE000  }
0x6b: {  	[bflag:$0x0] =	sbarrier.arrive $0xFFFF  }
0x6c: {  	s19 =	simm.s32 $0x0;
	s26 =	rddreg [dreg:$0xb]  }
0x6d: {  	[tilespmem:s19], [sflag:$0x1] =	stream.linear.gather [hbm4b:s26+s19], $0x200, $0x38;
	[tilespmem:$0x18C00] =	vst v63  }
0x6e: {  	s11 =	rddreg [dreg:$0xc]  }
0x6f: {  	[tilespmem:s31], [sflag:$0x1] =	stream.linear.gather [hbm4b:s11+s19], $0x200, $0x38;
	[tilespmem:$0x18C00] =	vst v63  }
0x70: {  	s14 =	simm.s32 $0x800;
	s15 =	simm.s32 $0x1;
	s12 =	rddreg [dreg:$0xd]  }
0x71: {  	[tilespmem:s14], [sflag:$0x1] =	stream.linear.gather [hbm4b:s12+s19], $0x2000, $0x38;
	[tilespmem:$0x18C00] =	vst v63  }
0x72: {  	_ =	swait.ge [sflag:s15], $0x200  }
0x73: {  	[sflag:s15] =	ssyncset.done $0x0  }
0x74: {  	[sflag:s15] =	ssyncadd.s32 $0xFFFFFE00  }
0x75: {  	_ =	swait.ge [sflag:s15], $0x200  }
0x76: {  	[sflag:s15] =	ssyncset.done $0x0  }
0x77: {  	[sflag:s15] =	ssyncadd.s32 $0xFFFFFE00  }
0x78: {  	_ =	swait.ge [sflag:s15], $0x2000  }
0x79: {  	[sflag:s15] =	ssyncset.done $0x0  }
0x7a: {  	s20 =	simm.s32 $0x4800;
	[sflag:s15] =	ssyncadd.s32 $0xFFFFE000  }
0x7b: {  	[tilespmem:s20], [sflag:$0x3] =	stream.indirect.gather [hbm4b:s17+s3], $0x10, s19, s3, $0xb8;
	[tilespmem:$0x18C00] =	vst v63  }
0x7c: {  	s21 =	simm.s32 $0x5000  }
0x7d: {  	[tilespmem:s21], [sflag:$0x3] =	stream.indirect.gather [hbm4b:s17+s3], $0x10, s3, s3, $0xb8;
	[tilespmem:$0x18C00] =	vst v63  }
.Ltmp3:
0x7e: {  	_ = 	snop;
	(pc) =	sbr.rel .LBB2_4-.Ltmp3, $4  }
0x7f: {  	s22 =	simm.s32 $0x100;
	s23 =	simm.s32 $0x5800  }
0x80: {  	[tilespmem:s23], [sflag:$0x3] =	stream.indirect.gather [hbm4b:s17+s3], $0x10, s22, s3, $0xb8;
	[tilespmem:$0x18C00] =	vst v63  }
0x81: {  	s25 =	simm.s32 $0x180;
	s26 =	simm.s32 $0x6000  }
0x82: {  	[tilespmem:s26], [sflag:$0x3] =	stream.indirect.gather [hbm4b:s17+s3], $0x10, s25, s3, $0xb8;
	[tilespmem:$0x18C00] =	vst v63  }
.LBB2_7:
0x83: {  	(v2sf) =	vpush v11, $0x2;
	s11 =	spop (v2sf)  }
0x84: {  	v14 =	vld [tilespmem:s23+$0x2800];
	(v2sf) =	vpush v11, $0x3;
	s12 =	spop (v2sf)  }
0x85: {  	[tilespmem:s22+$0xA830] =	vst v13;
	v9 =	vmul.f32 s2, v9;
	(v2sf) =	vpush v10, $0x2;
	s2 =	spop (v2sf)  }
0x86: {  	v13 =	vld [tilespmem:s23+$0x2810];
	(v2sf) =	vpush v10, $0x3;
	s14 =	spop (v2sf)  }
0x87: {  	v61 =	vld [tilespmem:s21+$0x6830];
	s11 =	smov.u32 @p1 s26;
	[tilespmem:s22+$0xA800] =	vst v9;
	(v2sf) =	vpush v12, $0x2;
	s15 =	spop (v2sf)  }
0x88: {  	v8 =	vmul.f32 s11, v8;
	v9 =	vld [tilespmem:s23+$0x2820];
	(v2sf) =	vpush v12, $0x3;
	s11 =	spop (v2sf)  }
0x89: {  	(v2sf) =	vpush v14, $0x2;
	s25 =	spop (v2sf)  }
0x8a: {  	s2 =	smov.u32 @p1 s12;
	(v2sf) =	vpush v14, $0x3;
	s12 =	spop (v2sf)  }
0x8b: {  	v62 =	vld [tilespmem:s23+$0x6800];
	[tilespmem:s22+$0xA810] =	vst v8;
	v5 =	vmul.f32 s2, v5;
	s15 =	smov.u32 @p1 s14;
	(v2sf) =	vpush v13, $0x2;
	s2 =	spop (v2sf)  }
0x8c: {  	v8 =	vld [tilespmem:s23+$0x6810];
	v11 =	vmul.f32 s15, v61;
	(v2sf) =	vpush v13, $0x3;
	s14 =	spop (v2sf)  }
0x8d: {  	v63 =	vld [tilespmem:s23+$0x6820];
	[tilespmem:s22+$0xA820] =	vst v5;
	(v2sf) =	vpush v9, $0x2;
	s15 =	spop (v2sf)  }
0x8e: {  	[tilespmem:s21+$0xA830] =	vst v11;
	(v2sf) =	vpush v9, $0x3;
	s22 =	spop (v2sf)  }
0x8f: {  	v5 =	vld [tilespmem:s20+$0x6830];
	s26 =	spop (v2sf)  }
0x90: {  	s25 =	smov.u32 @p1 s11;
	s11 =	spop (v2sf)  }
0x91: {  	v3 =	vmul.f32 s25, v3;
	s2 =	smov.u32 @p1 s12;
	s12 =	spop (v2sf)  }
0x92: {  	v2 =	vmul.f32 s2, v2;
	s15 =	smov.u32 @p1 s14;
	s2 =	spop (v2sf)  }
0x93: {  	[tilespmem:s21+$0xA800] =	vst v3;
	v1 =	vmul.f32 s15, v1;
	s26 =	smov.u32 @p1 s22;
	s14 =	spop (v2sf)  }
0x94: {  	[tilespmem:s21+$0xA810] =	vst v2;
	v2 =	vmul.f32 s26, v5;
	s15 =	spop (v2sf)  }
0x95: {  	[tilespmem:s21+$0xA820] =	vst v1;
	s21 =	spop (v2sf)  }
0x96: {  	[tilespmem:s20+$0xA830] =	vst v2;
	s22 =	spop (v2sf)  }
0x97: {  	v1 =	vld [tilespmem:s23+$0x6830];
	s25 =	spop (v2sf)  }
0x98: {  	s12 =	smov.u32 @p1 s11;
	s11 =	spop (v2sf)  }
0x99: {  	v2 =	vmul.f32 s12, v7;
	s14 =	smov.u32 @p1 s2;
	s2 =	spop (v2sf)  }
0x9a: {  	v3 =	vmul.f32 s14, v6;
	s21 =	smov.u32 @p1 s15;
	s12 =	spop (v2sf)  }
0x9b: {  	[tilespmem:s20+$0xA800] =	vst v2;
	v4 =	vmul.f32 s21, v4;
	s25 =	smov.u32 @p1 s22;
	s14 =	spop (v2sf)  }
0x9c: {  	[tilespmem:s20+$0xA810] =	vst v3;
	v1 =	vmul.f32 s25, v1;
	s2 =	smov.u32 @p1 s11;
	s11 =	spop (v2sf)  }
0x9d: {  	[tilespmem:s20+$0xA820] =	vst v4;
	v2 =	vmul.f32 s2, v62;
	s14 =	smov.u32 @p1 s12;
	s2 =	spop (v2sf)  }
0x9e: {  	[tilespmem:s23+$0xA830] =	vst v1;
	v1 =	vmul.f32 s14, v8;
	s2 =	smov.u32 @p1 s11  }
0x9f: {  	[tilespmem:s23+$0xA800] =	vst v2;
	v2 =	vmul.f32 s2, v63  }
0xa0: {  	[tilespmem:s23+$0xA810] =	vst v1  }
0xa1: {  	s21 =	simm.s32 $0xA800;
	[tilespmem:s23+$0xA820] =	vst v2  }
0xa2: {  	[spmem:s1] =	stream.indirect.scatter.add.f32 [tilespmem:s21], [sflag:$0x6], $0x10, s7, s3, $0xb8;
	[tilespmem:$0x18C00] =	vst v63  }
0xa3: {  	_ =	swait.ge [sflag:s8], $0x800  }
0xa4: {  	[sflag:s8] =	ssyncset.done $0x0  }
0xa5: {  	s22 =	simm.s32 $0x680;
	s23 =	simm.s32 $0xB000;
	[sflag:s8] =	ssyncadd.s32 $0xFFFFF800  }
0xa6: {  	[spmem:s1] =	stream.indirect.scatter.add.f32 [tilespmem:s23], [sflag:$0x6], $0x10, s22, s3, $0xb8;
	[tilespmem:$0x18C00] =	vst v63  }
0xa7: {  	_ =	swait.ge [sflag:s8], $0x800  }
0xa8: {  	[sflag:s8] =	ssyncset.done $0x0  }
0xa9: {  	s26 =	simm.s32 $0xB800;
	s25 =	simm.s32 $0x700;
	[sflag:s8] =	ssyncadd.s32 $0xFFFFF800  }
0xaa: {  	[spmem:s1] =	stream.indirect.scatter.add.f32 [tilespmem:s26], [sflag:$0x6], $0x10, s25, s3, $0xb8;
	[tilespmem:$0x18C00] =	vst v63  }
0xab: {  	_ =	swait.ge [sflag:s8], $0x800  }
0xac: {  	[sflag:s8] =	ssyncset.done $0x0  }
0xad: {  	s2 =	simm.s32 $0x5;
	[sflag:s8] =	ssyncadd.s32 $0xFFFFF800  }
0xae: {  	[spmem:s1] =	stream.indirect.scatter.add.f32 [tilespmem:s18], [sflag:$0x5], $0x10, s16, s3, $0xb8;
	[tilespmem:$0x18C00] =	vst v63  }
.LBB2_11:
0xaf: {  	s19 =	sadd.s32 $0x1, s19  }
0xb0: {  	p2 =	sne.s32 s19, $0x64  }
.Ltmp4:
0xb1: {  	_ = 	snop;
	(pc) =	sbr.rel @!p2 .LBB2_12-.Ltmp4, $4  }
0xb2: {  	_ = 	snop  }
0xb3: {  	_ =	swait.ge [sflag:s2], $0x800  }
0xb4: {  	[sflag:s2] =	ssyncset.done $0x0  }
0xb5: {  	[sflag:s2] =	ssyncadd.s32 $0xFFFFF800  }
.LBB2_4:
0xb6: {  	s2 =	sand.u32 $0x1, s19  }
0xb7: {  	p2 =	seq.s32 s2, $0x0  }
.Ltmp5:
0xb8: {  	_ = 	snop;
	(pc) =	sbr.rel @!p2 .LBB2_5-.Ltmp5, $1  }
0xb9: {  	_ =	sdelay $0x3  }
0xba: {  	s2 =	sor.u32 $0x1, s19  }
0xbb: {  	s20 =	sshll.u32 s2, $0x9  }
0xbc: {  	s20 =	sadd.s32 s28, s20  }
0xbd: {  	s20 =	sshrl.u32 s20, $0x3  }
0xbe: {  	s22 =	simm.s32 $0x0;
	s2 =	sadd.s32 s24, s2;
	s21 =	sadd.s32 s4, s20  }
0xbf: {  	[tilespmem:s6], [sflag:$0x2] =	stream.linear.gather [hbm4b:s21+s22], $0x200, $0x38;
	[tilespmem:$0x18C00] =	vst v63  }
0xc0: {  	s2 =	sshll.u32 s2, $0xA;
	s20 =	sadd.s32 s5, s20  }
0xc1: {  	[tilespmem:s7], [sflag:$0x2] =	stream.linear.gather [hbm4b:s20+s22], $0x200, $0x38;
	[tilespmem:$0x18C00] =	vst v63  }
0xc2: {  	s11 =	simm.s32 $0x2800;
	s2 =	sadd.s32 s13, s2  }
0xc3: {  	[tilespmem:s11], [sflag:$0x2] =	stream.linear.gather [hbm4b:s2+s22], $0x2000, $0x38;
	[tilespmem:$0x18C00] =	vst v63  }
0xc4: {  	_ =	swait.ge [sflag:s9], $0x800  }
0xc5: {  	[sflag:s9] =	ssyncset.done $0x0  }
0xc6: {  	[sflag:s9] =	ssyncadd.s32 $0xFFFFF800  }
0xc7: {  	_ =	swait.ge [sflag:s9], $0x800  }
0xc8: {  	[sflag:s9] =	ssyncset.done $0x0  }
0xc9: {  	[sflag:s9] =	ssyncadd.s32 $0xFFFFF800  }
0xca: {  	_ =	swait.ge [sflag:s9], $0x800  }
0xcb: {  	[sflag:s9] =	ssyncset.done $0x0  }
0xcc: {  	[sflag:s9] =	ssyncadd.s32 $0xFFFFF800  }
0xcd: {  	_ =	swait.ge [sflag:s9], $0x800  }
0xce: {  	[sflag:s9] =	ssyncset.done $0x0  }
0xcf: {  	[sflag:s9] =	ssyncadd.s32 $0xFFFFF800  }
0xd0: {  	_ =	swait.ge [sflag:s10], $0x200  }
0xd1: {  	[sflag:s10] =	ssyncset.done $0x0  }
0xd2: {  	[sflag:s10] =	ssyncadd.s32 $0xFFFFFE00  }
0xd3: {  	_ =	swait.ge [sflag:s10], $0x200  }
0xd4: {  	[sflag:s10] =	ssyncset.done $0x0  }
0xd5: {  	[sflag:s10] =	ssyncadd.s32 $0xFFFFFE00  }
0xd6: {  	_ =	swait.ge [sflag:s10], $0x2000  }
0xd7: {  	[sflag:s10] =	ssyncset.done $0x0  }
0xd8: {  	s15 =	simm.s32 $0x6800;
	[sflag:s10] =	ssyncadd.s32 $0xFFFFE000  }
0xd9: {  	[tilespmem:s15], [sflag:$0x4] =	stream.indirect.gather [hbm4b:s17+s3], $0x10, s6, s3, $0xb8;
	[tilespmem:$0x18C00] =	vst v63  }
0xda: {  	s21 =	simm.s32 $0x7000;
	s20 =	simm.s32 $0x280  }
0xdb: {  	[tilespmem:s21], [sflag:$0x4] =	stream.indirect.gather [hbm4b:s17+s3], $0x10, s20, s3, $0xb8;
	[tilespmem:$0x18C00] =	vst v63  }
0xdc: {  	s23 =	simm.s32 $0x7800;
	s22 =	simm.s32 $0x300  }
0xdd: {  	[tilespmem:s23], [sflag:$0x4] =	stream.indirect.gather [hbm4b:s17+s3], $0x10, s22, s3, $0xb8;
	[tilespmem:$0x18C00] =	vst v63  }
0xde: {  	s25 =	simm.s32 $0x380;
	s26 =	simm.s32 $0x8000;
	s22 =	simm.s32 $0x0  }
0xdf: {  	[tilespmem:s26], [sflag:$0x4] =	stream.indirect.gather [hbm4b:s17+s3], $0x10, s25, s3, $0xb8;
	[tilespmem:$0x18C00] =	vst v63  }
0xe0: {  	v1 =	vld [tilespmem:s22+$0x830];
	_ =	sdelay $0x1  }
0xe1: {  	v2 =	vld [tilespmem:s22+$0x800];
	_ =	sdelay $0x1  }
0xe2: {  	v3 =	vld [tilespmem:s22+$0x810]  }
0xe3: {  	(v2sf) =	vpush v1, $0x2  }
0xe4: {  	v4 =	vld [tilespmem:s22+$0x820];
	(v2sf) =	vpush v1, $0x3  }
0xe5: {  	s21 =	simm.s32 $0x40;
	(v2sf) =	vpush v2, $0x2  }
0xe6: {  	v1 =	vld [tilespmem:s21+$0x830];
	(v2sf) =	vpush v2, $0x3  }
0xe7: {  	(v2sf) =	vpush v3, $0x2  }
0xe8: {  	v6 =	vld [tilespmem:s21+$0x800];
	(v2sf) =	vpush v3, $0x3  }
0xe9: {  	(v2sf) =	vpush v4, $0x2  }
0xea: {  	v7 =	vld [tilespmem:s21+$0x810];
	(v2sf) =	vpush v4, $0x3  }
0xeb: {  	(v2sf) =	vpush v1, $0x2  }
0xec: {  	v12 =	vld [tilespmem:s21+$0x820];
	(v2sf) =	vpush v1, $0x3  }
0xed: {  	s20 =	simm.s32 $0x80;
	(v2sf) =	vpush v6, $0x2  }
0xee: {  	v4 =	vld [tilespmem:s20+$0x830];
	(v2sf) =	vpush v6, $0x3  }
0xef: {  	(v2sf) =	vpush v7, $0x2  }
0xf0: {  	v14 =	vld [tilespmem:s20+$0x800];
	(v2sf) =	vpush v7, $0x3  }
0xf1: {  	v9 =	vld [tilespmem:s22+$0x4800];
	(v2sf) =	vpush v12, $0x2  }
0xf2: {  	v8 =	vld [tilespmem:s22+$0x4810];
	(v2sf) =	vpush v12, $0x3  }
0xf3: {  	v5 =	vld [tilespmem:s22+$0x4820];
	s2 =	spop (v2sf);
	(v2sf) =	vpush v4, $0x2  }
0xf4: {  	v13 =	vld [tilespmem:s22+$0x4830];
	s25 =	spop (v2sf);
	(v2sf) =	vpush v4, $0x3  }
0xf5: {  	v11 =	vld [tilespmem:s20+$0x810];
	s26 =	spop (v2sf);
	(v2sf) =	vpush v14, $0x2  }
0xf6: {  	v10 =	vld [tilespmem:s20+$0x820];
	s25 =	smov.u32 @p1 s2;
	s2 =	spop (v2sf);
	(v2sf) =	vpush v14, $0x3  }
0xf7: {  	v2 =	vld [tilespmem:s21+$0x4810]  }
0xf8: {  	v3 =	vld [tilespmem:s21+$0x4800]  }
0xf9: {  	v1 =	vld [tilespmem:s21+$0x4820]  }
0xfa: {  	v7 =	vld [tilespmem:s20+$0x4800]  }
0xfb: {  	s23 =	simm.s32 $0xC0;
	v6 =	vld [tilespmem:s20+$0x4810]  }
0xfc: {  	v12 =	vld [tilespmem:s23+$0x830];
	v13 =	vmul.f32 s25, v13  }
0xfd: {  	v4 =	vld [tilespmem:s20+$0x4820];
	s25 =	simm.s32 $0x400;
	s2 =	smov.u32 @p1 s26;
	s26 =	spop (v2sf)  }
.LBB2_9:
0xfe: {  	p2 =	sne.s32 s25, $0x7F00;
	v14 =	vld [tilespmem:s23+$0x800];
	(v2sf) =	vpush v11, $0x2;
	v15 =	vmul.f32 s2, v9;
	[tilespmem:s22+$0x8830] =	vst v13;
	s2 =	spop (v2sf);
	v9 =	vmov v3;
	s11 =	smov.u32 s21  }
0xff: {  	s21 =	smov.u32 s20;
	(v2sf) =	vpush v11, $0x3;
	v13 =	vld [tilespmem:s11+$0x4830];
	s2 =	smov.u32 @p1 s26;
	s26 =	spop (v2sf);
	v3 =	vmov v7  }
0x100: {  	s20 =	smov.u32 s23;
	v11 =	vld [tilespmem:s23+$0x810];
	(v2sf) =	vpush v10, $0x2;
	[tilespmem:s22+$0x8800] =	vst v15;
	v15 =	vmul.f32 s2, v8;
	s2 =	spop (v2sf);
	v8 =	vmovc v2;
	v2 =	vmov v6  }
.Ltmp6:
0x101: {  	(v2sf) =	vpush v10, $0x3;
	v10 =	vld [tilespmem:s20+$0x820];
	s23 =	spop (v2sf);
	s2 =	smov.u32 @p1 s26;
	(pc) =	sbr.rel @p2 .LBB2_9-.Ltmp6, $4  }
0x102: {  	v7 =	vld [tilespmem:s20+$0x4800];
	(v2sf) =	vpush v12, $0x2;
	s26 =	spop (v2sf);
	[tilespmem:s22+$0x8810] =	vst v15;
	v15 =	vmul.f32 s2, v5;
	v5 =	vmovc v1;
	v1 =	vmov v4  }
0x103: {  	v6 =	vld [tilespmem:s20+$0x4810];
	(v2sf) =	vpush v12, $0x3;
	s26 =	smov.u32 @p1 s23;
	s12 =	spop (v2sf)  }
0x104: {  	s23 =	sshra.s32 s25, $0x2;
	v4 =	vld [tilespmem:s20+$0x4820];
	(v2sf) =	vpush v14, $0x2;
	v13 =	vmul.f32 s26, v13;
	s2 =	spop (v2sf);
	[tilespmem:s22+$0x8820] =	vst v15;
	s22 =	smov.u32 s11  }
0x105: {  	s25 =	sadd.s32 $0x100, s25;
	v12 =	vld [tilespmem:s23+$0x830];
	(v2sf) =	vpush v14, $0x3;
	s2 =	smov.u32 @p1 s12;
	s26 =	spop (v2sf)  }
0x106: {  	(v2sf) =	vpush v11, $0x2;
	s11 =	spop (v2sf)  }
0x107: {  	v14 =	vld [tilespmem:s23+$0x800];
	(v2sf) =	vpush v11, $0x3;
	s12 =	spop (v2sf)  }
0x108: {  	[tilespmem:s22+$0x8830] =	vst v13;
	v9 =	vmul.f32 s2, v9;
	(v2sf) =	vpush v10, $0x2;
	s2 =	spop (v2sf)  }
0x109: {  	v13 =	vld [tilespmem:s23+$0x810];
	(v2sf) =	vpush v10, $0x3;
	s25 =	spop (v2sf)  }
0x10a: {  	v61 =	vld [tilespmem:s21+$0x4830];
	s11 =	smov.u32 @p1 s26;
	[tilespmem:s22+$0x8800] =	vst v9;
	(v2sf) =	vpush v12, $0x2;
	s26 =	spop (v2sf)  }
0x10b: {  	v8 =	vmul.f32 s11, v8;
	v9 =	vld [tilespmem:s23+$0x820];
	(v2sf) =	vpush v12, $0x3;
	s11 =	spop (v2sf)  }
0x10c: {  	(v2sf) =	vpush v14, $0x2;
	s14 =	spop (v2sf)  }
0x10d: {  	s2 =	smov.u32 @p1 s12;
	(v2sf) =	vpush v14, $0x3;
	s12 =	spop (v2sf)  }
0x10e: {  	v62 =	vld [tilespmem:s23+$0x4800];
	[tilespmem:s22+$0x8810] =	vst v8;
	v5 =	vmul.f32 s2, v5;
	s26 =	smov.u32 @p1 s25;
	(v2sf) =	vpush v13, $0x2;
	s2 =	spop (v2sf)  }
0x10f: {  	v8 =	vld [tilespmem:s23+$0x4810];
	v11 =	vmul.f32 s26, v61;
	(v2sf) =	vpush v13, $0x3;
	s25 =	spop (v2sf)  }
0x110: {  	v63 =	vld [tilespmem:s23+$0x4820];
	[tilespmem:s22+$0x8820] =	vst v5;
	(v2sf) =	vpush v9, $0x2;
	s22 =	spop (v2sf)  }
0x111: {  	[tilespmem:s21+$0x8830] =	vst v11;
	(v2sf) =	vpush v9, $0x3;
	s26 =	spop (v2sf)  }
0x112: {  	v5 =	vld [tilespmem:s20+$0x4830];
	s15 =	spop (v2sf)  }
0x113: {  	s14 =	smov.u32 @p1 s11;
	s11 =	spop (v2sf)  }
0x114: {  	v3 =	vmul.f32 s14, v3;
	s2 =	smov.u32 @p1 s12;
	s12 =	spop (v2sf)  }
0x115: {  	v2 =	vmul.f32 s2, v2;
	s22 =	smov.u32 @p1 s25;
	s2 =	spop (v2sf)  }
0x116: {  	[tilespmem:s21+$0x8800] =	vst v3;
	v1 =	vmul.f32 s22, v1;
	s15 =	smov.u32 @p1 s26;
	s14 =	spop (v2sf)  }
0x117: {  	[tilespmem:s21+$0x8810] =	vst v2;
	v2 =	vmul.f32 s15, v5;
	s15 =	spop (v2sf)  }
0x118: {  	[tilespmem:s21+$0x8820] =	vst v1;
	s21 =	spop (v2sf)  }
0x119: {  	[tilespmem:s20+$0x8830] =	vst v2;
	s22 =	spop (v2sf)  }
0x11a: {  	v1 =	vld [tilespmem:s23+$0x4830];
	s25 =	spop (v2sf)  }
0x11b: {  	s12 =	smov.u32 @p1 s11;
	s11 =	spop (v2sf)  }
0x11c: {  	v2 =	vmul.f32 s12, v7;
	s14 =	smov.u32 @p1 s2;
	s2 =	spop (v2sf)  }
0x11d: {  	v3 =	vmul.f32 s14, v6;
	s21 =	smov.u32 @p1 s15;
	s12 =	spop (v2sf)  }
0x11e: {  	[tilespmem:s20+$0x8800] =	vst v2;
	v4 =	vmul.f32 s21, v4;
	s25 =	smov.u32 @p1 s22;
	s14 =	spop (v2sf)  }
0x11f: {  	[tilespmem:s20+$0x8810] =	vst v3;
	v1 =	vmul.f32 s25, v1;
	s2 =	smov.u32 @p1 s11;
	s11 =	spop (v2sf)  }
0x120: {  	[tilespmem:s20+$0x8820] =	vst v4;
	v2 =	vmul.f32 s2, v62;
	s14 =	smov.u32 @p1 s12;
	s2 =	spop (v2sf)  }
0x121: {  	[tilespmem:s23+$0x8830] =	vst v1;
	v1 =	vmul.f32 s14, v8;
	s2 =	smov.u32 @p1 s11  }
0x122: {  	[tilespmem:s23+$0x8800] =	vst v2;
	v2 =	vmul.f32 s2, v63  }
0x123: {  	[tilespmem:s23+$0x8810] =	vst v1  }
0x124: {  	s2 =	simm.s32 $0x6;
	[tilespmem:s23+$0x8820] =	vst v2  }
0x125: {  	[spmem:s1] =	stream.indirect.scatter.add.f32 [tilespmem:s29], [sflag:$0x6], $0x10, s31, s3, $0xb8;
	[tilespmem:$0x18C00] =	vst v63  }
0x126: {  	_ =	swait.ge [sflag:s2], $0x800  }
0x127: {  	[sflag:s2] =	ssyncset.done $0x0  }
0x128: {  	s21 =	simm.s32 $0x9000;
	s20 =	simm.s32 $0x480;
	[sflag:s2] =	ssyncadd.s32 $0xFFFFF800  }
0x129: {  	[spmem:s1] =	stream.indirect.scatter.add.f32 [tilespmem:s21], [sflag:$0x6], $0x10, s20, s3, $0xb8;
	[tilespmem:$0x18C00] =	vst v63  }
0x12a: {  	_ =	swait.ge [sflag:s2], $0x800  }
0x12b: {  	[sflag:s2] =	ssyncset.done $0x0  }
0x12c: {  	s22 =	simm.s32 $0x500;
	s23 =	simm.s32 $0x9800;
	[sflag:s2] =	ssyncadd.s32 $0xFFFFF800  }
0x12d: {  	[spmem:s1] =	stream.indirect.scatter.add.f32 [tilespmem:s23], [sflag:$0x6], $0x10, s22, s3, $0xb8;
	[tilespmem:$0x18C00] =	vst v63  }
.Ltmp7:
0x12e: {  	_ = 	snop;
	(pc) =	sbr.rel .LBB2_11-.Ltmp7, $4  }
0x12f: {  	_ =	swait.ge [sflag:s2], $0x800  }
0x130: {  	[sflag:s2] =	ssyncset.done $0x0  }
0x131: {  	s26 =	simm.s32 $0xA000;
	s25 =	simm.s32 $0x580;
	[sflag:s2] =	ssyncadd.s32 $0xFFFFF800  }
0x132: {  	[spmem:s1] =	stream.indirect.scatter.add.f32 [tilespmem:s26], [sflag:$0x6], $0x10, s25, s3, $0xb8;
	[tilespmem:$0x18C00] =	vst v63  }
.LBB2_5:
0x133: {  	p2 =	seq.s32 s19, $0x63  }
0x134: {  	s20 =	sadd.s32 @!p2 $0x1, s19  }
0x135: {  	s2 =	sshll.u32 @!p2 s20, $0x9  }
0x136: {  	s2 =	sadd.s32 @!p2 s28, s2  }
0x137: {  	s21 =	sshrl.u32 @!p2 s2, $0x3  }
0x138: {  	s20 =	sadd.s32 @!p2 s24, s20;
	s2 =	simm.s32 @!p2 $0x0;
	s22 =	sadd.s32 @!p2 s4, s21  }
0x139: {  	[tilespmem:s2], [sflag:$0x1] =	stream.linear.gather @!p2 [hbm4b:s22+s2], $0x200, $0x38;
	[tilespmem:$0x18C00] =	vst v63  }
0x13a: {  	s20 =	sshll.u32 @!p2 s20, $0xA;
	s21 =	sadd.s32 @!p2 s5, s21;
	s22 =	simm.s32 @!p2 $0x400  }
0x13b: {  	[tilespmem:s22], [sflag:$0x1] =	stream.linear.gather @!p2 [hbm4b:s21+s2], $0x200, $0x38;
	[tilespmem:$0x18C00] =	vst v63  }
0x13c: {  	s20 =	sadd.s32 @!p2 s13, s20;
	s21 =	simm.s32 @!p2 $0x800  }
0x13d: {  	[tilespmem:s21], [sflag:$0x1] =	stream.linear.gather @!p2 [hbm4b:s20+s2], $0x2000, $0x38;
	[tilespmem:$0x18C00] =	vst v63  }
0x13e: {  	_ =	swait.ge [sflag:s0], $0x800  }
0x13f: {  	[sflag:s0] =	ssyncset.done $0x0  }
0x140: {  	[sflag:s0] =	ssyncadd.s32 $0xFFFFF800  }
0x141: {  	_ =	swait.ge [sflag:s0], $0x800  }
0x142: {  	[sflag:s0] =	ssyncset.done $0x0  }
0x143: {  	[sflag:s0] =	ssyncadd.s32 $0xFFFFF800  }
0x144: {  	_ =	swait.ge [sflag:s0], $0x800  }
0x145: {  	[sflag:s0] =	ssyncset.done $0x0  }
0x146: {  	[sflag:s0] =	ssyncadd.s32 $0xFFFFF800  }
0x147: {  	_ =	swait.ge [sflag:s0], $0x800  }
0x148: {  	[sflag:s0] =	ssyncset.done $0x0  }
0x149: {  	s11 =	simm.s32 @!p2 $0x1;
	[sflag:s0] =	ssyncadd.s32 $0xFFFFF800  }
0x14a: {  	_ =	swait.ge @!p2 [sflag:s11], $0x200  }
0x14b: {  	[sflag:s11] =	ssyncset.done @!p2 $0x0  }
0x14c: {  	[sflag:s11] =	ssyncadd.s32 @!p2 $0xFFFFFE00  }
0x14d: {  	_ =	swait.ge @!p2 [sflag:s11], $0x200  }
0x14e: {  	[sflag:s11] =	ssyncset.done @!p2 $0x0  }
0x14f: {  	[sflag:s11] =	ssyncadd.s32 @!p2 $0xFFFFFE00  }
0x150: {  	_ =	swait.ge @!p2 [sflag:s11], $0x2000  }
0x151: {  	[sflag:s11] =	ssyncset.done @!p2 $0x0  }
0x152: {  	s12 =	simm.s32 @!p2 $0x4800;
	[sflag:s11] =	ssyncadd.s32 @!p2 $0xFFFFE000;
	s11 =	simm.s32 @!p2 $0x80  }
0x153: {  	[tilespmem:s12], [sflag:$0x3] =	stream.indirect.gather @!p2 [hbm4b:s17+s11], $0x10, s2, s11, $0xb8;
	[tilespmem:$0x18C00] =	vst v63  }
0x154: {  	s2 =	simm.s32 @!p2 $0x5000  }
0x155: {  	[tilespmem:s2], [sflag:$0x3] =	stream.indirect.gather @!p2 [hbm4b:s17+s11], $0x10, s11, s11, $0xb8;
	[tilespmem:$0x18C00] =	vst v63  }
0x156: {  	s12 =	simm.s32 @!p2 $0x5800;
	s2 =	simm.s32 @!p2 $0x100  }
0x157: {  	[tilespmem:s12], [sflag:$0x3] =	stream.indirect.gather @!p2 [hbm4b:s17+s11], $0x10, s2, s11, $0xb8;
	[tilespmem:$0x18C00] =	vst v63  }
0x158: {  	s22 =	simm.s32 $0x0;
	s2 =	simm.s32 @!p2 $0x180;
	s12 =	simm.s32 @!p2 $0x6000  }
0x159: {  	[tilespmem:s12], [sflag:$0x3] =	stream.indirect.gather @!p2 [hbm4b:s17+s11], $0x10, s2, s11, $0xb8;
	[tilespmem:$0x18C00] =	vst v63  }
0x15a: {  	v1 =	vld [tilespmem:s22+$0x2830];
	_ =	sdelay $0x1  }
0x15b: {  	v2 =	vld [tilespmem:s22+$0x2800];
	_ =	sdelay $0x1  }
0x15c: {  	v3 =	vld [tilespmem:s22+$0x2810]  }
0x15d: {  	(v2sf) =	vpush v1, $0x2  }
0x15e: {  	v4 =	vld [tilespmem:s22+$0x2820];
	(v2sf) =	vpush v1, $0x3  }
0x15f: {  	s21 =	simm.s32 $0x40;
	(v2sf) =	vpush v2, $0x2  }
0x160: {  	v1 =	vld [tilespmem:s21+$0x2830];
	(v2sf) =	vpush v2, $0x3  }
0x161: {  	v9 =	vld [tilespmem:s22+$0x6800];
	(v2sf) =	vpush v3, $0x2  }
0x162: {  	v6 =	vld [tilespmem:s21+$0x2800];
	(v2sf) =	vpush v3, $0x3  }
0x163: {  	v8 =	vld [tilespmem:s22+$0x6810];
	(v2sf) =	vpush v4, $0x2  }
0x164: {  	v7 =	vld [tilespmem:s21+$0x2810];
	(v2sf) =	vpush v4, $0x3  }
0x165: {  	v5 =	vld [tilespmem:s22+$0x6820];
	(v2sf) =	vpush v1, $0x2  }
0x166: {  	s20 =	simm.s32 $0x80;
	v12 =	vld [tilespmem:s21+$0x2820];
	(v2sf) =	vpush v1, $0x3  }
0x167: {  	v14 =	vld [tilespmem:s20+$0x2800];
	(v2sf) =	vpush v6, $0x2  }
0x168: {  	v4 =	vld [tilespmem:s20+$0x2830];
	(v2sf) =	vpush v6, $0x3  }
0x169: {  	v13 =	vld [tilespmem:s22+$0x6830];
	(v2sf) =	vpush v7, $0x2  }
0x16a: {  	v11 =	vld [tilespmem:s20+$0x2810];
	(v2sf) =	vpush v7, $0x3  }
0x16b: {  	v10 =	vld [tilespmem:s20+$0x2820];
	(v2sf) =	vpush v12, $0x2  }
0x16c: {  	v2 =	vld [tilespmem:s21+$0x6810];
	(v2sf) =	vpush v12, $0x3  }
0x16d: {  	v3 =	vld [tilespmem:s21+$0x6800];
	s2 =	spop (v2sf);
	(v2sf) =	vpush v4, $0x2  }
0x16e: {  	v1 =	vld [tilespmem:s21+$0x6820];
	s11 =	spop (v2sf);
	(v2sf) =	vpush v4, $0x3  }
0x16f: {  	v7 =	vld [tilespmem:s20+$0x6800];
	s12 =	spop (v2sf);
	(v2sf) =	vpush v14, $0x2  }
0x170: {  	s23 =	simm.s32 $0xC0;
	v6 =	vld [tilespmem:s20+$0x6810];
	s11 =	smov.u32 @p1 s2;
	s2 =	spop (v2sf);
	(v2sf) =	vpush v14, $0x3  }
0x171: {  	v12 =	vld [tilespmem:s23+$0x2830];
	v13 =	vmul.f32 s11, v13  }
0x172: {  	s25 =	simm.s32 $0x400;
	v4 =	vld [tilespmem:s20+$0x6820];
	s2 =	smov.u32 @p1 s12;
	s26 =	spop (v2sf)  }
.LBB2_6:
0x173: {  	p2 =	sne.s32 s25, $0x7F00;
	v14 =	vld [tilespmem:s23+$0x2800];
	(v2sf) =	vpush v11, $0x2;
	v15 =	vmul.f32 s2, v9;
	[tilespmem:s22+$0xA830] =	vst v13;
	s2 =	spop (v2sf);
	v9 =	vmov v3;
	s11 =	smov.u32 s21  }
0x174: {  	v3 =	vmov v7;
	s21 =	smov.u32 s20;
	(v2sf) =	vpush v11, $0x3;
	v13 =	vld [tilespmem:s11+$0x6830];
	s2 =	smov.u32 @p1 s26;
	s12 =	spop (v2sf)  }
0x175: {  	s20 =	smov.u32 s23;
	v11 =	vld [tilespmem:s23+$0x2810];
	(v2sf) =	vpush v10, $0x2;
	[tilespmem:s22+$0xA800] =	vst v15;
	v15 =	vmul.f32 s2, v8;
	s2 =	spop (v2sf);
	v8 =	vmovc v2;
	v2 =	vmov v6  }
.Ltmp8:
0x176: {  	(v2sf) =	vpush v10, $0x3;
	v10 =	vld [tilespmem:s20+$0x2820];
	s14 =	spop (v2sf);
	s2 =	smov.u32 @p1 s12;
	(pc) =	sbr.rel @p2 .LBB2_6-.Ltmp8, $4  }
0x177: {  	v7 =	vld [tilespmem:s20+$0x6800];
	(v2sf) =	vpush v12, $0x2;
	s12 =	spop (v2sf);
	[tilespmem:s22+$0xA810] =	vst v15;
	v15 =	vmul.f32 s2, v5;
	v5 =	vmovc v1;
	v1 =	vmov v4  }
0x178: {  	v6 =	vld [tilespmem:s20+$0x6810];
	(v2sf) =	vpush v12, $0x3;
	s12 =	smov.u32 @p1 s14;
	s14 =	spop (v2sf)  }
0x179: {  	s23 =	sshra.s32 s25, $0x2;
	v4 =	vld [tilespmem:s20+$0x6820];
	(v2sf) =	vpush v14, $0x2;
	v13 =	vmul.f32 s12, v13;
	s2 =	spop (v2sf);
	[tilespmem:s22+$0xA820] =	vst v15;
	s22 =	smov.u32 s11  }
0x17a: {  	s25 =	sadd.s32 $0x100, s25;
	v12 =	vld [tilespmem:s23+$0x2830];
	(v2sf) =	vpush v14, $0x3;
	s2 =	smov.u32 @p1 s14;
	s26 =	spop (v2sf)  }
.Ltmp9:
0x17b: {  	_ = 	snop;
	(pc) =	sbr.rel .LBB2_7-.Ltmp9, $1  }
0x17c: {  	_ =	sdelay $0x3  }
.LBB2_13:
0x17d: {  	_ =	sfence.sel $0x180000  }
0x17e: {  	[bflag:$0x0] =	sbarrier.arrive $0xFFFF  }
0x17f: {  	_ =	strace $0x9000004A  }
0x180: {  	s0 =	stileid.u32;
	[bflag:$0x2] =	sbarrier.arrive $0xFFFF  }
0x181: {  	p0 =	sne.s32 s0, $0x0;
	s0 =	rddreg [dreg:$0x2]  }
0x182: {  	s0 =	sadd.s32 @!p0 $0x100000, s0  }
0x183: {  	[sflag:s0] =	ssyncadd.tile.s32 @!p0 $0x1;
	_ =	shalt  }
.Lfunc_end2:
_tile_overlayer_lowered:
.L_overlay_start_2:
0x184: {  	(tag) =	ssettag $0x2  }
0x185: {  	s0 =	rddreg [dreg:$0x0];
	s2 =	stileid.u32  }
0x186: {  	s1 =	rddreg [dreg:$0x1];
	p0 =	sne.s32 s2, $0x0  }
0x187: {  	s3 =	rddreg [dreg:$0x2];
	[bflag:$0x3] =	sbarrier.arrive $0xFFFF;
	s2 =	simm.s32 @!p0 $0x1C05  }
0x188: {  	[timem:s3], [sflag:s2] =	dma.local @!p0 [hbm:s0], s1  }
0x189: {  	s0 =	simm.s32 @!p0 $0x5  }
0x18a: {  	_ =	swait.ge @!p0 [sflag:s0], s1  }
0x18b: {  	s1 =	ssub.s32 @!p0 $0x0, s1;
	[sflag:s0] =	ssyncset.done @!p0 $0x0  }
0x18c: {  	[sflag:s0] =	ssyncadd.s32 @!p0 s1  }
0x18d: {  	[bflag:$0x3] =	sbarrier.arrive $0xFFFF  }
0x18e: {  	_ =	shalt  }

// kernel: kernel.7.cloned.1.call-start
scs
__scs_entry_jumppad:
0x0: {  	(pc) =	sbr.rel $0x88, $3  }
0x1: {  	(tag) =	ssettag $0x0;
	lr =	simm.s32 $0x1  }
0x2: {  	[smem:$0x3F8F] =	sst lr;
	_ =	strace $0xD0000000  }
0x3: {  	_ = 	snop  }
0x4: {  	_ = 	snop  }
0x5: {  	_ = 	snop  }
0x6: {  	_ = 	snop  }
0x7: {  	_ = 	snop  }
__scs_overlays_trampoline_lowered:
0x8: {  	[smem:$0x3F9E] =	sst s0  }
0x9: {  	[smem:$0x3F9F] =	sst s1  }
0xa: {  	[smem:$0x3FA0] =	sst s2  }
0xb: {  	[smem:$0x3FA1] =	sst s3  }
0xc: {  	[smem:$0x3FA2] =	sst s4  }
0xd: {  	[smem:$0x3FA3] =	sst s5  }
0xe: {  	[smem:$0x3FA4] =	sst s6  }
0xf: {  	[smem:$0x3FA5] =	sst s7  }
0x10: {  	[smem:$0x3FA6] =	sst s8  }
0x11: {  	[smem:$0x3FA7] =	sst s9;
	s0 =	simm.s32 @!p0 $0x0  }
0x12: {  	s1 =	sld [smem:$0x3F8D];
	s0 =	simm.s32 @p0 $0x1  }
0x13: {  	[smem:$0x3FA8] =	sst s0;
	s0 =	simm.s32 @!p1 $0x0  }
0x14: {  	s2 =	sld [smem:$0x3F8C];
	s0 =	simm.s32 @p1 $0x1  }
0x15: {  	[smem:$0x3FA9] =	sst s0;
	s0 =	simm.s32 @!p2 $0x0  }
0x16: {  	s3 =	sld [smem:$0x3FDB];
	s0 =	simm.s32 @p2 $0x1  }
0x17: {  	s4 =	simm.s32 $0x1BF5;
	[smem:$0x3FAB] =	sst s0  }
0x18: {  	s0 =	sld [smem:$0x3F8E];
	_ =	swait.ge [sflag:s4], $0x0  }
0x19: {  	s7 =	sld [smem:$0x3F8F]  }
0x1a: {  	s8 =	sadd.s32 $0xFFFFE003, lr  }
0x1b: {  	s9 =	sadd.s32 $0xFFFFFEF7, lr;
	s5 =	simm.s32 $0xFFFFFFFF;
	p2 =	slt.u32 s8, $0xFFFFF086  }
0x1c: {  	p1 =	slt.u32 s9, $0xF7A;
	s5 =	simm.s32 @!p2 $0x0  }
0x1d: {  	s5 =	simm.s32 @p1 $0x1;
	p0 =	seq.s32 s7, s2  }
0x1e: {  	s7 =	smul.u32 @!p0 $0xF7A, s2;
	p2 =	seq.s32 @!p0 s5, $0x0  }
0x1f: {  	s9 =	smul.u32 $0xF7A, s1;
	s8 =	simm.s32 @!p0 $0x1BF5;
	p2 =	por !p2, p0  }
0x20: {  	[sflag:s8] =	ssyncset.s32 @!p0 $0xFFFFF086;
	s6 =	sadd.s32 @!p0 s3, s7;
	s7 =	simm.s32 @!p0 $0x108  }
0x21: {  	s3 =	sadd.s32 s3, s9;
	s6 =	sadd.s32 @!p0 $0x88, s6;
	s7 =	simm.s32 @p2 $0x1082  }
0x22: {  	[simem:s7], [sflag:s8] =	dma.local @!p0 [hbm:s6], $0xF7A  }
0x23: {  	s9 =	sor.u32 $0xD0000000, s2;
	s6 =	simm.s32 $0x108;
	_ =	swait.ge @!p0 [sflag:s8], $0x0  }
0x24: {  	s3 =	sadd.s32 $0x88, s3;
	s6 =	simm.s32 @!p1 $0x1082;
	[sflag:s4] =	ssyncset.s32 $0xFFFFF086  }
0x25: {  	[simem:s6], [sflag:s4] =	dma.local [hbm:s3], $0xF7A  }
0x26: {  	[smem:$0x3F8F] =	sst s1;
	(tag) =	ssettag s2;
	_ =	strace s9  }
0x27: {  	s1 =	sld [smem:$0x3F9F]  }
0x28: {  	s2 =	sld [smem:$0x3FA0]  }
0x29: {  	s4 =	sld [smem:$0x3FA2]  }
0x2a: {  	p0 =	seq.s32 s5, $0x0;
	s5 =	sld [smem:$0x3FA3]  }
0x2b: {  	s6 =	sld [smem:$0x3FA4]  }
0x2c: {  	s7 =	sld [smem:$0x3FA5]  }
0x2d: {  	s3 =	simm.s32 $0x108;
	s8 =	sld [smem:$0x3FA6]  }
0x2e: {  	s3 =	simm.s32 @!p0 $0x1082;
	s9 =	sld [smem:$0x3FA7]  }
0x2f: {  	lr =	sadd.s32 s0, s3;
	s0 =	sld [smem:$0x3F9E]  }
0x30: {  	s3 =	sld [smem:$0x3FA1]  }
0x31: {  	[smem:$0x3FAA] =	sst s10  }
0x32: {  	s10 =	sld [smem:$0x3FA8];
	_ =	sdelay $0x3  }
0x33: {  	p0 =	seq.s32 s10, $0x1;
	s10 =	sld [smem:$0x3FAA];
	_ =	sdelay $0x3  }
0x34: {  	[smem:$0x3FAA] =	sst s10  }
0x35: {  	s10 =	sld [smem:$0x3FA9];
	_ =	sdelay $0x3  }
0x36: {  	p1 =	seq.s32 s10, $0x1;
	s10 =	sld [smem:$0x3FAA];
	_ =	sdelay $0x3  }
0x37: {  	[smem:$0x3FAA] =	sst s10  }
0x38: {  	s10 =	sld [smem:$0x3FAB]  }
0x39: {  	_ = 	snop;
	(pc) =	sbr.ind lr, $3  }
0x3a: {  	_ = 	snop  }
0x3b: {  	_ = 	snop  }
0x3c: {  	p2 =	seq.s32 s10, $0x1;
	s10 =	sld [smem:$0x3FAA]  }
0x3d: {  	_ =	shalt  }
0x3e: {  	_ =	shalt  }
0x3f: {  	_ =	shalt  }
0x40: {  	_ =	shalt  }
0x41: {  	_ =	shalt  }
0x42: {  	_ =	shalt  }
0x43: {  	_ =	shalt  }
0x44: {  	_ =	shalt  }
0x45: {  	_ =	shalt  }
0x46: {  	_ =	shalt  }
0x47: {  	_ =	shalt  }
0x48: {  	_ =	shalt  }
0x49: {  	_ =	shalt  }
0x4a: {  	_ =	shalt  }
0x4b: {  	_ =	shalt  }
0x4c: {  	_ =	shalt  }
0x4d: {  	_ =	shalt  }
0x4e: {  	_ =	shalt  }
0x4f: {  	_ =	shalt  }
0x50: {  	_ =	shalt  }
0x51: {  	_ =	shalt  }
0x52: {  	_ =	shalt  }
0x53: {  	_ =	shalt  }
0x54: {  	_ =	shalt  }
0x55: {  	_ =	shalt  }
0x56: {  	_ =	shalt  }
0x57: {  	_ =	shalt  }
0x58: {  	_ =	shalt  }
0x59: {  	_ =	shalt  }
0x5a: {  	_ =	shalt  }
0x5b: {  	_ =	shalt  }
0x5c: {  	_ =	shalt  }
0x5d: {  	_ =	shalt  }
0x5e: {  	_ =	shalt  }
0x5f: {  	_ =	shalt  }
0x60: {  	_ =	shalt  }
0x61: {  	_ =	shalt  }
0x62: {  	_ =	shalt  }
0x63: {  	_ =	shalt  }
0x64: {  	_ =	shalt  }
0x65: {  	_ =	shalt  }
0x66: {  	_ =	shalt  }
0x67: {  	_ =	shalt  }
0x68: {  	_ =	shalt  }
0x69: {  	_ =	shalt  }
0x6a: {  	_ =	shalt  }
0x6b: {  	_ =	shalt  }
0x6c: {  	_ =	shalt  }
0x6d: {  	_ =	shalt  }
0x6e: {  	_ =	shalt  }
0x6f: {  	_ =	shalt  }
0x70: {  	_ =	shalt  }
0x71: {  	_ =	shalt  }
0x72: {  	_ =	shalt  }
0x73: {  	_ =	shalt  }
0x74: {  	_ =	shalt  }
0x75: {  	_ =	shalt  }
0x76: {  	_ =	shalt  }
0x77: {  	_ =	shalt  }
0x78: {  	_ =	shalt  }
0x79: {  	_ =	shalt  }
0x7a: {  	_ =	shalt  }
0x7b: {  	_ =	shalt  }
0x7c: {  	_ =	shalt  }
0x7d: {  	_ =	shalt  }
0x7e: {  	_ =	shalt  }
0x7f: {  	_ =	shalt  }
0x80: {  	_ =	shalt  }
0x81: {  	_ =	shalt  }
0x82: {  	_ =	shalt  }
0x83: {  	_ =	shalt  }
0x84: {  	_ =	shalt  }
0x85: {  	_ =	shalt  }
0x86: {  	_ =	shalt  }
0x87: {  	_ =	shalt  }
.Lfunc_end0:
.L_simem_size_0:
called_computation_lowered:
.L_overlay_start_0:
0x88: {  	s2 =	sld [smem:$0x3FD9]  }
0x89: {  	s3 =	sld [smem:$0x3FFE];
	_ =	sdelay $0x1  }
0x8a: {  	s1 =	srdreg.scid  }
0x8b: {  	s0 =	sand.u32 $0x1, s1  }
0x8c: {  	s17 =	sshll.u32 s0, $0xA;
	s2 =	sadd.s32 s3, s2  }
0x8d: {  	s2 =	sadd.s32 s2, s17  }
0x8e: {  	[smem:$0x3FB6] =	sst s2  }
0x8f: {  	_ = 	snop  }
0x90: {  	s2 =	sld [smem:$0x3FD0];
	(tm) =	ssettm $0x1  }
0x91: {  	s18 =	sld [smem:$0x3FFB];
	_ =	sdelay $0x3  }
0x92: {  	_ =	strace s18  }
0x93: {  	s3 =	sld [smem:$0x3FFC];
	_ =	sdelay $0x3  }
0x94: {  	_ =	strace s3  }
0x95: {  	s3 =	sld [smem:$0x3FFD];
	_ =	sdelay $0x3  }
0x96: {  	_ =	strace s3  }
0x97: {  	_ =	strace $0x8FFFFFFF  }
0x98: {  	s19 =	sld [smem:$0x3FDB];
	_ =	sdelay $0x1  }
0x99: {  	s4 =	simm.s32 $_scs_section_size  }
0x9a: {  	s5 =	simm.s32 $_size__tile_overlayer_lowered;
	s6 =	simm.s32 $_tile_overlayer_lowered  }
0x9b: {  	s22 =	simm.s32 $0x1BFF;
	s21 =	sshll.u32 s6, $0x1;
	s3 =	sadd.s32 s4, s19  }
0x9c: {  	s7 =	simm.s32 $0x0;
	s20 =	sshll.u32 s5, $0x1;
	s5 =	sadd.s32 s21, s3  }
0x9d: {  	[timem:s7], [sflag:s22] =	dma.local [hbm:s5], s20  }
0x9e: {  	_ =	swait.ge [sflag:s22], s20  }
0x9f: {  	s4 =	ssub.s32 $0x0, s20;
	[sflag:s22] =	ssyncset.done $0x0  }
0xa0: {  	[sflag:s22] =	ssyncadd.s32 s4;
	_ =	sdelay $0x1  }
0xa1: {  	s23 =	simm.s32 $0x1B8B  }
0xa2: {  	_ =	swait.ge [sflag:s23], $0x1  }
0xa3: {  	[sflag:s23] =	ssyncset.done $0x0  }
0xa4: {  	s25 =	simm.s32 $0x1B8E;
	s24 =	sld [smem:$0x3FFE];
	[sflag:s23] =	ssyncadd.s32 $0xFFFFFFFF  }
0xa5: {  	s26 =	simm.s32 $execute0_lowered;
	[smem:$0x3FD2] =	sst s25  }
0xa6: {  	s5 =	sshll.u32 s26, $0x1;
	_ =	strace $0x80000046;
	[dreg:$0x1] =	wrdreg $0xFFFFFFFF  }
0xa7: {  	s28 =	simm.s32 $_size_execute0_lowered;
	s3 =	sadd.s32 s3, s5;
	[dreg:$0x0] =	wrdreg $0x0  }
0xa8: {  	s5 =	sshll.u32 s28, $0x1;
	[dreg:$0x2] =	wrdreg s3  }
0xa9: {  	[dreg:$0x3] =	wrdreg s5  }
0xaa: {  	[dreg:$0x4] =	wrdreg $0xC0  }
0xab: {  	_ =	task [dreg:s7], $0x5FFFF  }
0xac: {  	[dreg:$0x1] =	wrdreg $0xFFFFFFFF  }
0xad: {  	[dreg:$0x0] =	wrdreg $0x60  }
0xae: {  	[dreg:$0x2] =	wrdreg s24  }
0xaf: {  	[dreg:$0x3] =	wrdreg s2  }
0xb0: {  	[dreg:$0x4] =	wrdreg $0xC8100  }
0xb1: {  	[dreg:$0x5] =	wrdreg $0x9  }
0xb2: {  	_ =	task.clear_ibuf [dreg:s7], $0x6FFFF;
	_ =	strace $0x90000046  }
0xb3: {  	s29 =	simm.s32 $0x9;
	_ =	strace $0x80000048  }
0xb4: {  	_ =	swait.ge [sflag:s29], $0x1  }
0xb5: {  	[sflag:s29] =	ssyncadd.s32 $0xFFFFFFFF  }
0xb6: {  	_ =	strace $0x90000048  }
0xb7: {  	_ =	sfence  }
0xb8: {  	s30 =	sld [smem:$0x0];
	_ =	sdelay $0x2  }
0xb9: {  	s31 =	sshll.u32 s1, $0xD;
	s1 =	sshrl.u32 s1, $0x2  }
0xba: {  	s3 =	sand.u32 $0x4000, s31;
	s1 =	sadd.s32 s1, s30  }
0xbb: {  	s0 =	sor.u32 s3, s0;
	s1 =	sshll.u32 s1, $0x11  }
0xbc: {  	s0 =	sor.u32 s1, s0  }
0xbd: {  	s0 =	sadd.s32 $0x8F2B, s0  }
0xbe: {  	[sflag:s0] =	ssyncadd.remote.s32 $0x1  }
0xbf: {  	_ =	sfence.sel $0xFFFF  }
0xc0: {  	[dreg:$0x0] =	wrdreg $0xFFFFFFFF;
	(pc) =	sbr.abs _section_cstart, $3  }
0xc1: {  	[dreg:$0x1] =	wrdreg $0xFFFFFFFF  }
0xc2: {  	_ =	task.clear_ibuf [dreg:s7], $0x2FFFF;
	_ =	strace $0x9FFFFFFF  }
0xc3: {  	(tm) =	ssettm $0x7FFFFFFF  }
tec
execute0_lowered:
.L_overlay_start_1:
0x0: {  	(tag) =	ssettag $0x1  }
0x1: {  	s0 =	rddreg [dreg:$0x0]  }
0x2: {  	s2 =	rddreg [dreg:$0x2];
	s3 =	simm.s32 $0x0;
	s1 =	srdreg.scid  }
0x3: {  	s14 =	stileid.u32;
	s31 =	simm.s32 $0x7;
	s28 =	simm.s32 $0x2  }
0x4: {  	s29 =	simm.s32 $0x5;
	[smem:$0x7FF] =	sst s3;
	s1 =	sand.u32 $0x1, s1  }
0x5: {  	s5 =	sadd.s32 $0x4D600, s0;
	s4 =	sadd.s32 $0x66600, s0;
	s9 =	sshll.u32 s14, $0xD  }
0x6: {  	_ =	strace $0x80000047;
	s6 =	ssub.s32 $0x2, s1;
	s8 =	sshll.u32 s1, $0x4  }
0x7: {  	s1 =	smul.u32 $0xC4000, s1;
	s10 =	sor.u32 $0x20000, s9;
	s11 =	sor.u32 $0x40000, s9  }
0x8: {  	s12 =	sor.u32 $0x60000, s9;
	s17 =	sor.u32 $0x80000, s9;
	s18 =	sor.u32 $0xA0000, s9  }
0x9: {  	s7 =	sshrl.u32 s6, $0x1;
	s8 =	sor.u32 s14, s8;
	s14 =	sor.u32 $0x60, s14  }
0xa: {  	s30 =	sadd.s32 s11, s2;
	s6 =	ssub.s32 s6, s7;
	s23 =	smul.u32 $0xC80, s8  }
0xb: {  	s13 =	sadd.s32 s1, s9;
	s21 =	sshll.u32 s14, $0xD;
	s24 =	sadd.s32 s1, s10  }
0xc: {  	s15 =	sadd.s32 s1, s11;
	s16 =	sadd.s32 s1, s12;
	p0 =	sgt.u32 s14, $0x61  }
0xd: {  	s20 =	smul.u32 $0x6400, s8;
	s14 =	sadd.s32 $0x1BE00, s0;
	s11 =	simm.s32 $0x600  }
0xe: {  	s7 =	simm.s32 $0x0;
	[dreg:$0x10] =	wrdreg s30;
	s13 =	sshrl.u32 s13, $0x3  }
0xf: {  	s15 =	sshrl.u32 s15, $0x3;
	s16 =	sshrl.u32 s16, $0x3;
	s13 =	sadd.s32 s4, s13  }
0x10: {  	s25 =	sadd.s32 s4, s15;
	s26 =	sadd.s32 s4, s16;
	[dreg:$0x4] =	wrdreg s13  }
0x11: {  	s15 =	sadd.s32 s1, s17;
	s16 =	sadd.s32 s1, s18;
	[dreg:$0x6] =	wrdreg s25  }
0x12: {  	s1 =	sadd.s32 s1, s21;
	s22 =	sadd.s32 s5, s23;
	[dreg:$0x7] =	wrdreg s26  }
0x13: {  	s17 =	sadd.s32 s17, s2;
	s21 =	sadd.s32 s21, s2;
	[dreg:$0xb] =	wrdreg s22  }
0x14: {  	s13 =	sshrl.u32 s24, $0x3;
	s1 =	sshrl.u32 s1, $0x3;
	[dreg:$0x12] =	wrdreg s17  }
0x15: {  	s24 =	smax.u32 s6, $0x1;
	s25 =	sadd.s32 s12, s2;
	[dreg:$0x14] =	wrdreg s21  }
0x16: {  	s26 =	sadd.s32 s18, s2;
	s12 =	simm.s32 $0x680;
	[dreg:$0xd] =	wrdreg s24  }
0x17: {  	s18 =	simm.s32 $0x700;
	s22 =	simm.s32 $0x780;
	[dreg:$0x11] =	wrdreg s25  }
0x18: {  	s13 =	sadd.s32 s4, s13;
	s1 =	sadd.s32 s4, s1;
	[dreg:$0x13] =	wrdreg s26  }
0x19: {  	s24 =	simm.s32 $0x6;
	s25 =	simm.s32 $0x200;
	s26 =	simm.s32 $0x3  }
0x1a: {  	[dreg:$0x5] =	wrdreg s13;
	s13 =	sshrl.u32 s15, $0x3;
	s15 =	sshrl.u32 s16, $0x3  }
0x1b: {  	[dreg:$0xa] =	wrdreg s1;
	s16 =	sadd.s32 $0x97600, s0;
	s13 =	sadd.s32 s4, s13  }
0x1c: {  	s19 =	sadd.s32 s4, s15;
	s15 =	sadd.s32 $0x3600, s0;
	[dreg:$0x8] =	wrdreg s13  }
.Ltmp0:
0x1d: {  	[dreg:$0x9] =	wrdreg s19;
	s13 =	sadd.s32 $0x34600, s0;
	(pc) =	sbr.rel .LBB2_1-.Ltmp0, $4  }
0x1e: {  	s19 =	sor.u32 $0x200, s20;
	s20 =	smul.u32 $0x32, s8;
	s8 =	sadd.s32 s9, s2  }
0x1f: {  	s4 =	simm.s32 $0x80;
	s23 =	sadd.s32 s13, s23;
	[dreg:$0xe] =	wrdreg s8  }
0x20: {  	s0 =	simm.s32 $0x8800;
	[dreg:$0xc] =	wrdreg s23;
	s23 =	sadd.s32 s10, s2  }
0x21: {  	v0 =	vimm.f32 $0.0e+00;
	s9 =	simm.s32 $0x4;
	s10 =	simm.s32 $0xA800;
	[dreg:$0xf] =	wrdreg s23  }
.LBB2_12:
0x22: {  	s1 =	stileid.u32;
	[bflag:$0x0] =	sbarrier.arrive $0xFFFF  }
0x23: {  	s1 =	sshll.u32 s1, $0x6;
	s8 =	rddreg [dreg:$0xe]  }
0x24: {  	s7 =	rddreg [dreg:$0x4];
	s1 =	sor.u32 $0x1C07, s1;
	s6 =	sshrl.u32 s8, $0x3  }
0x25: {  	[hbm:s7], [sflag:s1] =	dma.local [spmem:s6], $0x400  }
0x26: {  	_ =	swait.ge [sflag:s31], $0x400  }
0x27: {  	[sflag:s31] =	ssyncset.done $0x0;
	s23 =	rddreg [dreg:$0xf]  }
0x28: {  	s21 =	rddreg [dreg:$0x5];
	[sflag:s31] =	ssyncadd.s32 $0xFFFFFC00;
	s17 =	sshrl.u32 s23, $0x3  }
0x29: {  	[hbm:s21], [sflag:s1] =	dma.local [spmem:s17], $0x400  }
0x2a: {  	_ =	swait.ge [sflag:s31], $0x400  }
0x2b: {  	[sflag:s31] =	ssyncset.done $0x0;
	s30 =	rddreg [dreg:$0x10]  }
0x2c: {  	s21 =	rddreg [dreg:$0x6];
	[sflag:s31] =	ssyncadd.s32 $0xFFFFFC00;
	s17 =	sshrl.u32 s30, $0x3  }
0x2d: {  	[hbm:s21], [sflag:s1] =	dma.local [spmem:s17], $0x400  }
0x2e: {  	_ =	swait.ge [sflag:s31], $0x400  }
0x2f: {  	[sflag:s31] =	ssyncset.done $0x0;
	s17 =	rddreg [dreg:$0x11]  }
0x30: {  	s21 =	rddreg [dreg:$0x7];
	[sflag:s31] =	ssyncadd.s32 $0xFFFFFC00;
	s6 =	sshrl.u32 s17, $0x3  }
0x31: {  	[hbm:s21], [sflag:s1] =	dma.local [spmem:s6], $0x400  }
0x32: {  	_ =	swait.ge [sflag:s31], $0x400  }
0x33: {  	[sflag:s31] =	ssyncset.done $0x0;
	s17 =	rddreg [dreg:$0x12]  }
0x34: {  	s21 =	rddreg [dreg:$0x8];
	[sflag:s31] =	ssyncadd.s32 $0xFFFFFC00;
	s7 =	sshrl.u32 s17, $0x3  }
0x35: {  	[hbm:s21], [sflag:s1] =	dma.local [spmem:s7], $0x400  }
0x36: {  	_ =	swait.ge [sflag:s31], $0x400  }
0x37: {  	[sflag:s31] =	ssyncset.done $0x0;
	s7 =	rddreg [dreg:$0x13]  }
0x38: {  	s21 =	rddreg [dreg:$0x9];
	[sflag:s31] =	ssyncadd.s32 $0xFFFFFC00;
	s6 =	sshrl.u32 s7, $0x3  }
0x39: {  	[hbm:s21], [sflag:s1] =	dma.local [spmem:s6], $0x400  }
0x3a: {  	_ =	swait.ge [sflag:s31], $0x400  }
0x3b: {  	[sflag:s31] =	ssyncset.done $0x0;
	s21 =	rddreg [dreg:$0x14]  }
0x3c: {  	s7 =	rddreg [dreg:$0xa];
	[sflag:s31] =	ssyncadd.s32 $0xFFFFFC00;
	s6 =	sshrl.u32 @!p0 s21, $0x3  }
0x3d: {  	[hbm:s7], [sflag:s1] =	dma.local @!p0 [spmem:s6], $0x400  }
0x3e: {  	s1 =	simm.s32 @!p0 $0x7  }
0x3f: {  	_ =	swait.ge @!p0 [sflag:s1], $0x400  }
0x40: {  	s6 =	rddreg [dreg:$0x15]  }
0x41: {  	s7 =	sadd.s32 $0x1, s6;
	s6 =	rddreg [dreg:$0xd]  }
0x42: {  	p1 =	sne.s32 s7, s6  }
.Ltmp1:
0x43: {  	_ = 	snop;
	(pc) =	sbr.rel @!p1 .LBB2_13-.Ltmp1, $3  }
0x44: {  	_ =	sdelay $0x1  }
0x45: {  	[sflag:s1] =	ssyncset.done @!p0 $0x0  }
0x46: {  	[sflag:s1] =	ssyncadd.s32 @!p0 $0xFFFFFC00  }
.LBB2_1:
0x47: {  	s1 =	rddreg [dreg:$0x1];
	s6 =	simm.s32 $0xC800  }
0x48: {  	[tilespmem:s6], [sflag:$0x7] =	stream.linear.gather [hbm4b:s1+s3], $0x10, $0x38;
	[tilespmem:$0x18C10] =	vst v63  }
0x49: {  	_ =	swait.ge [sflag:s31], $0x10  }
0x4a: {  	[sflag:s31] =	ssyncset.done $0x0  }
0x4b: {  	s1 =	simm.s32 $0x40;
	s6 =	simm.s32 $0x0;
	[sflag:s31] =	ssyncadd.s32 $0xFFFFFFF0  }
.LBB2_2:
0x4c: {  	p1 =	sne.s32 s1, $0x7FC0;
	[tilespmem:s6+$0x8800] =	vst v0;
	s6 =	smov.u32 s1;
	s1 =	sadd.s32 $0x40, s1  }
.Ltmp2:
0x4d: {  	(pc) =	sbr.rel @p1 .LBB2_2-.Ltmp2, $2  }
0x4e: {  	_ =	sdelay $0x2  }
0x4f: {  	s6 =	sshra.s32 s6, $0x2  }
0x50: {  	[dreg:$0x15] =	wrdreg s7;
	[tilespmem:s6+$0x8800] =	vst v0  }
0x51: {  	[spmem:s8] =	stream.linear.scatter [tilespmem:s0], [sflag:$0x7], $0x2000, $0x38;
	[tilespmem:$0x18C10] =	vst v63  }
0x52: {  	_ =	swait.ge [sflag:s31], $0x2000  }
0x53: {  	[sflag:s31] =	ssyncset.done $0x0  }
0x54: {  	[sflag:s31] =	ssyncadd.s32 $0xFFFFE000  }
0x55: {  	[spmem:s23] =	stream.linear.scatter [tilespmem:s0], [sflag:$0x7], $0x2000, $0x38;
	[tilespmem:$0x18C10] =	vst v63  }
0x56: {  	_ =	swait.ge [sflag:s31], $0x2000  }
0x57: {  	[sflag:s31] =	ssyncset.done $0x0  }
0x58: {  	[sflag:s31] =	ssyncadd.s32 $0xFFFFE000  }
0x59: {  	[spmem:s30] =	stream.linear.scatter [tilespmem:s0], [sflag:$0x7], $0x2000, $0x38;
	[tilespmem:$0x18C10] =	vst v63  }
0x5a: {  	_ =	swait.ge [sflag:s31], $0x2000  }
0x5b: {  	[sflag:s31] =	ssyncset.done $0x0  }
0x5c: {  	s1 =	rddreg [dreg:$0x11];
	[sflag:s31] =	ssyncadd.s32 $0xFFFFE000  }
0x5d: {  	[spmem:s1] =	stream.linear.scatter [tilespmem:s0], [sflag:$0x7], $0x2000, $0x38;
	[tilespmem:$0x18C10] =	vst v63  }
0x5e: {  	_ =	swait.ge [sflag:s31], $0x2000  }
0x5f: {  	[sflag:s31] =	ssyncset.done $0x0  }
0x60: {  	[sflag:s31] =	ssyncadd.s32 $0xFFFFE000  }
0x61: {  	[spmem:s17] =	stream.linear.scatter [tilespmem:s0], [sflag:$0x7], $0x2000, $0x38;
	[tilespmem:$0x18C10] =	vst v63  }
0x62: {  	_ =	swait.ge [sflag:s31], $0x2000  }
0x63: {  	[sflag:s31] =	ssyncset.done $0x0  }
0x64: {  	s23 =	rddreg [dreg:$0x13];
	[sflag:s31] =	ssyncadd.s32 $0xFFFFE000  }
0x65: {  	[spmem:s23] =	stream.linear.scatter [tilespmem:s0], [sflag:$0x7], $0x2000, $0x38;
	[tilespmem:$0x18C10] =	vst v63  }
0x66: {  	_ =	swait.ge [sflag:s31], $0x2000  }
0x67: {  	[sflag:s31] =	ssyncset.done $0x0  }
0x68: {  	s1 =	simm.s32 @!p0 $0x8800;
	[sflag:s31] =	ssyncadd.s32 $0xFFFFE000  }
0x69: {  	[spmem:s21] =	stream.linear.scatter @!p0 [tilespmem:s1], [sflag:$0x7], $0x2000, $0x38;
	[tilespmem:$0x18C10] =	vst v63  }
0x6a: {  	s1 =	simm.s32 @!p0 $0x7  }
0x6b: {  	_ =	swait.ge @!p0 [sflag:s1], $0x2000  }
0x6c: {  	[sflag:s1] =	ssyncset.done @!p0 $0x0  }
0x6d: {  	[sflag:s1] =	ssyncadd.s32 @!p0 $0xFFFFE000  }
0x6e: {  	[bflag:$0x0] =	sbarrier.arrive $0xFFFF  }
0x6f: {  	s30 =	simm.s32 $0x0;
	s6 =	rddreg [dreg:$0xb]  }
0x70: {  	[tilespmem:s30], [sflag:$0x1] =	stream.linear.gather [hbm4b:s6+s30], $0x200, $0x38;
	[tilespmem:$0x18C10] =	vst v63  }
0x71: {  	s8 =	simm.s32 $0x400;
	s17 =	simm.s32 $0x1;
	s7 =	rddreg [dreg:$0xc]  }
0x72: {  	[tilespmem:s8], [sflag:$0x1] =	stream.linear.gather [hbm4b:s7+s30], $0x200, $0x38;
	[tilespmem:$0x18C10] =	vst v63  }
0x73: {  	_ =	swait.ge [sflag:s17], $0x200  }
0x74: {  	[sflag:s17] =	ssyncset.done $0x0  }
0x75: {  	[sflag:s17] =	ssyncadd.s32 $0xFFFFFE00  }
0x76: {  	_ =	swait.ge [sflag:s17], $0x200  }
0x77: {  	[sflag:s17] =	ssyncset.done $0x0  }
0x78: {  	s21 =	simm.s32 $0x800;
	[sflag:s17] =	ssyncadd.s32 $0xFFFFFE00  }
0x79: {  	[tilespmem:s21], [sflag:$0x3] =	stream.indirect.gather [hbm4b:s14+s4], $0x10, s30, s4, $0xb8;
	[tilespmem:$0x18C10] =	vst v63  }
0x7a: {  	s23 =	simm.s32 $0x4800  }
0x7b: {  	[tilespmem:s23], [sflag:$0x3] =	stream.indirect.gather [hbm4b:s15+s4], $0x10, s8, s4, $0xb8;
	[tilespmem:$0x18C10] =	vst v63  }
0x7c: {  	s7 =	simm.s32 $0x1000  }
0x7d: {  	[tilespmem:s7], [sflag:$0x3] =	stream.indirect.gather [hbm4b:s14+s4], $0x10, s4, s4, $0xb8;
	[tilespmem:$0x18C10] =	vst v63  }
0x7e: {  	s17 =	simm.s32 $0x5000;
	s8 =	simm.s32 $0x480  }
0x7f: {  	[tilespmem:s17], [sflag:$0x3] =	stream.indirect.gather [hbm4b:s15+s4], $0x10, s8, s4, $0xb8;
	[tilespmem:$0x18C10] =	vst v63  }
0x80: {  	s21 =	simm.s32 $0x100;
	s23 =	simm.s32 $0x1800  }
0x81: {  	[tilespmem:s23], [sflag:$0x3] =	stream.indirect.gather [hbm4b:s14+s4], $0x10, s21, s4, $0xb8;
	[tilespmem:$0x18C10] =	vst v63  }
0x82: {  	s6 =	simm.s32 $0x500;
	s7 =	simm.s32 $0x5800  }
0x83: {  	[tilespmem:s7], [sflag:$0x3] =	stream.indirect.gather [hbm4b:s15+s4], $0x10, s6, s4, $0xb8;
	[tilespmem:$0x18C10] =	vst v63  }
.Ltmp3:
0x84: {  	_ = 	snop;
	(pc) =	sbr.rel .LBB2_4-.Ltmp3, $4  }
0x85: {  	s8 =	simm.s32 $0x180;
	s17 =	simm.s32 $0x2000  }
0x86: {  	[tilespmem:s17], [sflag:$0x3] =	stream.indirect.gather [hbm4b:s14+s4], $0x10, s8, s4, $0xb8;
	[tilespmem:$0x18C10] =	vst v63  }
0x87: {  	s21 =	simm.s32 $0x580;
	s23 =	simm.s32 $0x6000  }
0x88: {  	[tilespmem:s23], [sflag:$0x3] =	stream.indirect.gather [hbm4b:s15+s4], $0x10, s21, s4, $0xb8;
	[tilespmem:$0x18C10] =	vst v63  }
.LBB2_11:
0x89: {  	s30 =	sadd.s32 $0x1, s30  }
0x8a: {  	p1 =	sne.s32 s30, $0x32  }
.Ltmp4:
0x8b: {  	_ = 	snop;
	(pc) =	sbr.rel @!p1 .LBB2_12-.Ltmp4, $1  }
0x8c: {  	_ =	sdelay $0x3  }
.LBB2_4:
0x8d: {  	s6 =	sand.u32 $0x1, s30  }
0x8e: {  	p1 =	seq.s32 s6, $0x1  }
.Ltmp5:
0x8f: {  	_ = 	snop;
	(pc) =	sbr.rel @p1 .LBB2_8-.Ltmp5, $1  }
0x90: {  	_ =	sdelay $0x3  }
0x91: {  	s1 =	sshll.u32 s30, $0x9  }
0x92: {  	s1 =	sadd.s32 s1, s19  }
0x93: {  	s1 =	sshrl.u32 s1, $0x3  }
0x94: {  	s8 =	simm.s32 $0x0;
	s7 =	sadd.s32 s5, s1  }
0x95: {  	[tilespmem:s25], [sflag:$0x2] =	stream.linear.gather [hbm4b:s7+s8], $0x200, $0x38;
	[tilespmem:$0x18C10] =	vst v63  }
0x96: {  	s1 =	sadd.s32 s13, s1  }
0x97: {  	[tilespmem:s11], [sflag:$0x2] =	stream.linear.gather [hbm4b:s1+s8], $0x200, $0x38;
	[tilespmem:$0x18C10] =	vst v63  }
0x98: {  	_ =	swait.ge [sflag:s26], $0x800  }
0x99: {  	[sflag:s26] =	ssyncset.done $0x0  }
0x9a: {  	[sflag:s26] =	ssyncadd.s32 $0xFFFFF800  }
0x9b: {  	_ =	swait.ge [sflag:s26], $0x800  }
0x9c: {  	[sflag:s26] =	ssyncset.done $0x0  }
0x9d: {  	[sflag:s26] =	ssyncadd.s32 $0xFFFFF800  }
0x9e: {  	_ =	swait.ge [sflag:s26], $0x800  }
0x9f: {  	[sflag:s26] =	ssyncset.done $0x0  }
0xa0: {  	[sflag:s26] =	ssyncadd.s32 $0xFFFFF800  }
0xa1: {  	_ =	swait.ge [sflag:s26], $0x800  }
0xa2: {  	[sflag:s26] =	ssyncset.done $0x0  }
0xa3: {  	[sflag:s26] =	ssyncadd.s32 $0xFFFFF800  }
0xa4: {  	_ =	swait.ge [sflag:s26], $0x800  }
0xa5: {  	[sflag:s26] =	ssyncset.done $0x0  }
0xa6: {  	[sflag:s26] =	ssyncadd.s32 $0xFFFFF800  }
0xa7: {  	_ =	swait.ge [sflag:s26], $0x800  }
0xa8: {  	[sflag:s26] =	ssyncset.done $0x0  }
0xa9: {  	[sflag:s26] =	ssyncadd.s32 $0xFFFFF800  }
0xaa: {  	_ =	swait.ge [sflag:s26], $0x800  }
0xab: {  	[sflag:s26] =	ssyncset.done $0x0  }
0xac: {  	[sflag:s26] =	ssyncadd.s32 $0xFFFFF800  }
0xad: {  	_ =	swait.ge [sflag:s26], $0x800  }
0xae: {  	[sflag:s26] =	ssyncset.done $0x0  }
0xaf: {  	[sflag:s26] =	ssyncadd.s32 $0xFFFFF800  }
0xb0: {  	_ =	swait.ge [sflag:s28], $0x200  }
0xb1: {  	[sflag:s28] =	ssyncset.done $0x0  }
0xb2: {  	[sflag:s28] =	ssyncadd.s32 $0xFFFFFE00  }
0xb3: {  	_ =	swait.ge [sflag:s28], $0x200  }
0xb4: {  	[sflag:s28] =	ssyncset.done $0x0  }
0xb5: {  	s21 =	simm.s32 $0x2800;
	[sflag:s28] =	ssyncadd.s32 $0xFFFFFE00  }
0xb6: {  	[tilespmem:s21], [sflag:$0x4] =	stream.indirect.gather [hbm4b:s14+s4], $0x10, s25, s4, $0xb8;
	[tilespmem:$0x18C10] =	vst v63  }
0xb7: {  	s23 =	simm.s32 $0x6800  }
0xb8: {  	[tilespmem:s23], [sflag:$0x4] =	stream.indirect.gather [hbm4b:s15+s4], $0x10, s11, s4, $0xb8;
	[tilespmem:$0x18C10] =	vst v63  }
0xb9: {  	s7 =	simm.s32 $0x280;
	s8 =	simm.s32 $0x3000  }
0xba: {  	[tilespmem:s8], [sflag:$0x4] =	stream.indirect.gather [hbm4b:s14+s4], $0x10, s7, s4, $0xb8;
	[tilespmem:$0x18C10] =	vst v63  }
0xbb: {  	s17 =	simm.s32 $0x7000  }
0xbc: {  	[tilespmem:s17], [sflag:$0x4] =	stream.indirect.gather [hbm4b:s15+s4], $0x10, s12, s4, $0xb8;
	[tilespmem:$0x18C10] =	vst v63  }
0xbd: {  	s21 =	simm.s32 $0x300;
	s23 =	simm.s32 $0x3800  }
0xbe: {  	[tilespmem:s23], [sflag:$0x4] =	stream.indirect.gather [hbm4b:s14+s4], $0x10, s21, s4, $0xb8;
	[tilespmem:$0x18C10] =	vst v63  }
0xbf: {  	s8 =	simm.s32 $0x7800  }
0xc0: {  	[tilespmem:s8], [sflag:$0x4] =	stream.indirect.gather [hbm4b:s15+s4], $0x10, s18, s4, $0xb8;
	[tilespmem:$0x18C10] =	vst v63  }
0xc1: {  	s17 =	simm.s32 $0x380;
	s21 =	simm.s32 $0x4000  }
0xc2: {  	[tilespmem:s21], [sflag:$0x4] =	stream.indirect.gather [hbm4b:s14+s4], $0x10, s17, s4, $0xb8;
	[tilespmem:$0x18C10] =	vst v63  }
0xc3: {  	s23 =	simm.s32 $0x8000  }
0xc4: {  	[tilespmem:s23], [sflag:$0x4] =	stream.indirect.gather [hbm4b:s15+s4], $0x10, s22, s4, $0xb8;
	[tilespmem:$0x18C10] =	vst v63  }
0xc5: {  	s8 =	simm.s32 $0x0;
	v1 =	vld [tilespmem:$0xC800]  }
0xc6: {  	v2 =	vld [tilespmem:s8+$0x830]  }
0xc7: {  	v3 =	vld [tilespmem:s8+$0x4830]  }
0xc8: {  	v4 =	vld [tilespmem:s8+$0x800]  }
0xc9: {  	v5 =	vld [tilespmem:s8+$0x4800]  }
0xca: {  	v6 =	vld [tilespmem:s8+$0x810]  }
0xcb: {  	v7 =	vld [tilespmem:s8+$0x4810]  }
0xcc: {  	s7 =	simm.s32 $0x40;
	v8 =	vld [tilespmem:s8+$0x820]  }
0xcd: {  	v9 =	vld [tilespmem:s7+$0x830];
	v2 =	vadd.f32 v3, v2  }
0xce: {  	v3 =	vld [tilespmem:s8+$0x4820];
	v4 =	vadd.f32 v5, v4  }
0xcf: {  	v10 =	vld [tilespmem:s7+$0x4830];
	v5 =	vmul.f32 $2.000000030e-01, v2  }
0xd0: {  	v11 =	vld [tilespmem:s7+$0x800];
	v6 =	vadd.f32 v7, v6;
	v12 =	vmul.f32 $2.000000030e-01, v4  }
0xd1: {  	v2 =	vmax.f32 v2, v5;
	v5 =	vld [tilespmem:s7+$0x4800]  }
0xd2: {  	v13 =	vld [tilespmem:s7+$0x820];
	v4 =	vmax.f32 v4, v12;
	v12 =	vmul.f32 $2.000000030e-01, v6;
	v2 =	vsub.f32 v2, v1  }
0xd3: {  	v7 =	vld [tilespmem:s7+$0x810];
	v3 =	vadd.f32 v3, v8;
	v4 =	vsub.f32 v4, v1  }
0xd4: {  	v9 =	vadd.f32 v10, v9;
	v8 =	vld [tilespmem:s7+$0x4810];
	v6 =	vmax.f32 v6, v12;
	v2 =	vmul.f32 $1.442695020e+00, v2  }
0xd5: {  	v12 =	vld [tilespmem:s7+$0x4820];
	v10 =	vmul.f32 $2.000000030e-01, v3;
	v4 =	vmul.f32 $1.442695020e+00, v4;
	v6 =	vsub.f32 v6, v1  }
0xd6: {  	s1 =	simm.s32 $0x80;
	(erf) = vpow2.f32 v2;
	v2 =	vadd.f32 v5, v11;
	v5 =	vmul.f32 $2.000000030e-01, v9  }
0xd7: {  	v14 =	vld [tilespmem:s1+$0x830];
	v3 =	vmax.f32 v3, v10;
	v6 =	vmul.f32 $1.442695020e+00, v6  }
0xd8: {  	v10 =	vld [tilespmem:s1+$0x4830];
	v3 =	vsub.f32 v3, v1;
	(erf) = vpow2.f32 v4;
	v5 =	vmax.f32 v9, v5  }
0xd9: {  	v15 =	vld [tilespmem:s1+$0x4800];
	v8 =	vadd.f32 v8, v7;
	v4 =	vmul.f32 $2.000000030e-01, v2;
	v5 =	vsub.f32 v5, v1  }
0xda: {  	v11 =	vld [tilespmem:s1+$0x800];
	(erf) = vpow2.f32 v6;
	v12 =	vadd.f32 v12, v13;
	v7 =	vmul.f32 $1.442695020e+00, v3  }
0xdb: {  	v6 =	vld [tilespmem:s1+$0x4810];
	v2 =	vmax.f32 v2, v4;
	v4 =	vmul.f32 $2.000000030e-01, v8;
	v13 =	vmul.f32 $1.442695020e+00, v5  }
0xdc: {  	v3 =	vld [tilespmem:s1+$0x810];
	v9 =	vsub.f32 v2, v1;
	(erf) = vpow2.f32 v7  }
0xdd: {  	v2 =	vld [tilespmem:s1+$0x820];
	v7 =	vadd.f32 v10, v14;
	v14 =	vmul.f32 $2.000000030e-01, v12;
	v4 =	vmax.f32 v8, v4  }
0xde: {  	s17 =	simm.s32 $0xC0;
	v5 =	vld [tilespmem:s1+$0x4820];
	v9 =	vmul.f32 $1.442695020e+00, v9;
	v10 =	vsub.f32 v4, v1;
	(erf) = vpow2.f32 v13  }
0xdf: {  	s21 =	simm.s32 $0x400;
	v8 =	vadd.f32 v15, v11;
	v4 =	vld [tilespmem:s17+$0x830];
	v11 =	vmul.f32 $2.000000030e-01, v7;
	v12 =	vmax.f32 v12, v14;
	v13 =	vpop (erf)  }
.LBB2_6:
0xe0: {  	p1 =	sne.s32 s21, $0x7F00;
	v14 =	vld [tilespmem:s17+$0x4830];
	v10 =	vmul.f32 $1.442695020e+00, v10;
	v12 =	vsub.f32 v12, v1;
	(erf) = vpow2.f32 v9;
	[tilespmem:s8+$0x8830] =	vst v13  }
0xe1: {  	v13 =	vld [tilespmem:s17+$0x800];
	v9 =	vmul.f32 $2.000000030e-01, v8;
	v15 =	vadd.f32 v6, v3;
	v3 =	vmax.f32 v7, v11;
	v6 =	vpop (erf)  }
0xe2: {  	v11 =	vld [tilespmem:s17+$0x4800];
	v7 =	vsub.f32 v3, v1;
	v12 =	vmul.f32 $1.442695020e+00, v12;
	(erf) = vpow2.f32 v10;
	[tilespmem:s8+$0x8800] =	vst v6  }
.Ltmp6:
0xe3: {  	v3 =	vld [tilespmem:s17+$0x810];
	v8 =	vmax.f32 v8, v9;
	v9 =	vmul.f32 $2.000000030e-01, v15;
	v16 =	vadd.f32 v5, v2;
	v2 =	vpop (erf);
	(pc) =	sbr.rel @p1 .LBB2_6-.Ltmp6, $4  }
0xe4: {  	v6 =	vld [tilespmem:s17+$0x4810];
	v8 =	vsub.f32 v8, v1;
	v17 =	vmul.f32 $1.442695020e+00, v7;
	(erf) = vpow2.f32 v12;
	[tilespmem:s8+$0x8810] =	vst v2  }
0xe5: {  	v2 =	vld [tilespmem:s17+$0x820];
	v7 =	vadd.f32 v14, v4;
	v4 =	vmax.f32 v15, v9;
	v12 =	vmul.f32 $2.000000030e-01, v16;
	v14 =	vpop (erf)  }
0xe6: {  	s23 =	sshra.s32 s21, $0x2;
	v5 =	vld [tilespmem:s17+$0x4820];
	v9 =	vmul.f32 $1.442695020e+00, v8;
	v10 =	vsub.f32 v4, v1;
	(erf) = vpow2.f32 v17;
	[tilespmem:s8+$0x8820] =	vst v14;
	s8 =	smov.u32 s7;
	s7 =	smov.u32 s1  }
0xe7: {  	s21 =	sadd.s32 $0x100, s21;
	s1 =	smov.u32 s17;
	s17 =	smov.u32 s23;
	v4 =	vld [tilespmem:s23+$0x830];
	v8 =	vadd.f32 v11, v13;
	v11 =	vmul.f32 $2.000000030e-01, v7;
	v12 =	vmax.f32 v16, v12;
	v13 =	vpop (erf)  }
0xe8: {  	v14 =	vld [tilespmem:s17+$0x4830];
	[tilespmem:s8+$0x8830] =	vst v13  }
0xe9: {  	v10 =	vmul.f32 $1.442695020e+00, v10;
	v12 =	vsub.f32 v12, v1;
	v13 =	vld [tilespmem:s17+$0x800];
	v15 =	vpop (erf)  }
0xea: {  	v16 =	vld [tilespmem:s17+$0x4800];
	v48 =	vmul.f32 $2.000000030e-01, v8;
	v3 =	vadd.f32 v6, v3;
	v49 =	vmax.f32 v7, v11;
	[tilespmem:s8+$0x8800] =	vst v15  }
0xeb: {  	(erf) = vpow2.f32 v9;
	v6 =	vsub.f32 v49, v1;
	v52 =	vmul.f32 $1.442695020e+00, v12;
	v47 =	vld [tilespmem:s17+$0x810];
	v50 =	vpop (erf)  }
0xec: {  	v51 =	vld [tilespmem:s17+$0x4810];
	v8 =	vmax.f32 v8, v48;
	v53 =	vmul.f32 $2.000000030e-01, v3;
	v2 =	vadd.f32 v5, v2;
	[tilespmem:s8+$0x8810] =	vst v50  }
0xed: {  	(erf) = vpow2.f32 v10;
	v8 =	vsub.f32 v8, v1;
	v6 =	vmul.f32 $1.442695020e+00, v6;
	v54 =	vld [tilespmem:s17+$0x820]  }
0xee: {  	v55 =	vld [tilespmem:s17+$0x4820];
	v4 =	vadd.f32 v14, v4;
	v3 =	vmax.f32 v3, v53;
	v56 =	vmul.f32 $2.000000030e-01, v2  }
0xef: {  	(erf) = vpow2.f32 v52;
	v8 =	vmul.f32 $1.442695020e+00, v8;
	v3 =	vsub.f32 v3, v1  }
0xf0: {  	v57 =	vadd.f32 v16, v13;
	v58 =	vmul.f32 $2.000000030e-01, v4;
	v2 =	vmax.f32 v2, v56  }
0xf1: {  	(erf) = vpow2.f32 v6;
	v3 =	vmul.f32 $1.442695020e+00, v3;
	v2 =	vsub.f32 v2, v1  }
0xf2: {  	v9 =	vadd.f32 v51, v47;
	v59 =	vmul.f32 $2.000000030e-01, v57;
	v4 =	vmax.f32 v4, v58  }
0xf3: {  	(erf) = vpow2.f32 v8;
	v5 =	vadd.f32 v55, v54;
	v4 =	vsub.f32 v4, v1  }
0xf4: {  	v60 =	vmul.f32 $2.000000030e-01, v9;
	v2 =	vmul.f32 $1.442695020e+00, v2;
	v6 =	vmax.f32 v57, v59  }
0xf5: {  	(erf) = vpow2.f32 v3;
	v3 =	vsub.f32 v6, v1;
	v61 =	vmul.f32 $2.000000030e-01, v5  }
0xf6: {  	v62 =	vmax.f32 v9, v60  }
0xf7: {  	v4 =	vmul.f32 $1.442695020e+00, v4;
	(erf) = vpow2.f32 v2;
	v5 =	vmax.f32 v5, v61  }
0xf8: {  	v6 =	vsub.f32 v62, v1;
	v2 =	vmul.f32 $1.442695020e+00, v3;
	v1 =	vsub.f32 v5, v1  }
0xf9: {  	v3 =	vpop (erf);
	(erf) = vpow2.f32 v4  }
0xfa: {  	v63 =	vmul.f32 $1.442695020e+00, v6;
	v1 =	vmul.f32 $1.442695020e+00, v1  }
0xfb: {  	[tilespmem:s8+$0x8820] =	vst v3;
	v3 =	vpop (erf);
	(erf) = vpow2.f32 v2  }
0xfc: {  	[tilespmem:s7+$0x8830] =	vst v3;
	v2 =	vpop (erf);
	(erf) = vpow2.f32 v63  }
0xfd: {  	[tilespmem:s7+$0x8800] =	vst v2;
	v2 =	vpop (erf);
	(erf) = vpow2.f32 v1  }
0xfe: {  	[tilespmem:s7+$0x8810] =	vst v2;
	v1 =	vpop (erf)  }
0xff: {  	v2 =	vpop (erf);
	[tilespmem:s7+$0x8820] =	vst v1  }
0x100: {  	v1 =	vpop (erf);
	[tilespmem:s1+$0x8830] =	vst v2  }
0x101: {  	v2 =	vpop (erf);
	[tilespmem:s1+$0x8800] =	vst v1  }
0x102: {  	[tilespmem:s1+$0x8810] =	vst v2;
	v1 =	vpop (erf)  }
0x103: {  	[tilespmem:s1+$0x8820] =	vst v1;
	v1 =	vpop (erf)  }
0x104: {  	s8 =	sadd.s32 s20, s30;
	[tilespmem:s17+$0x8830] =	vst v1;
	v1 =	vpop (erf)  }
0x105: {  	s1 =	sshll.u32 s8, $0xA;
	[tilespmem:s17+$0x8800] =	vst v1;
	v1 =	vpop (erf)  }
0x106: {  	s1 =	sand.u32 $0x1FFFF800, s1;
	[tilespmem:s17+$0x8810] =	vst v1;
	v1 =	vpop (erf)  }
0x107: {  	s1 =	sadd.s32 s16, s1;
	[tilespmem:s17+$0x8820] =	vst v1  }
0x108: {  	[hbm4b:s1+s3] =	stream.linear.scatter [tilespmem:s0], [sflag:$0x5], $0x2000, $0x38;
	[tilespmem:$0x18C10] =	vst v63  }
0x109: {  	s17 =	simm.s32 $0x400  }
0x10a: {  	[spmem:s2] =	stream.indirect.scatter.add.f32 [tilespmem:s0], [sflag:$0x7], $0x10, s17, s4, $0xb8;
	[tilespmem:$0x18C10] =	vst v63  }
0x10b: {  	_ =	swait.ge [sflag:s31], $0x800  }
0x10c: {  	[sflag:s31] =	ssyncset.done $0x0  }
0x10d: {  	s21 =	simm.s32 $0x480;
	s23 =	simm.s32 $0x9000;
	[sflag:s31] =	ssyncadd.s32 $0xFFFFF800  }
0x10e: {  	[spmem:s2] =	stream.indirect.scatter.add.f32 [tilespmem:s23], [sflag:$0x7], $0x10, s21, s4, $0xb8;
	[tilespmem:$0x18C10] =	vst v63  }
0x10f: {  	_ =	swait.ge [sflag:s31], $0x800  }
0x110: {  	[sflag:s31] =	ssyncset.done $0x0  }
0x111: {  	s8 =	simm.s32 $0x500;
	s17 =	simm.s32 $0x9800;
	[sflag:s31] =	ssyncadd.s32 $0xFFFFF800  }
0x112: {  	[spmem:s2] =	stream.indirect.scatter.add.f32 [tilespmem:s17], [sflag:$0x7], $0x10, s8, s4, $0xb8;
	[tilespmem:$0x18C10] =	vst v63  }
0x113: {  	_ =	swait.ge [sflag:s31], $0x800  }
0x114: {  	[sflag:s31] =	ssyncset.done $0x0  }
0x115: {  	s21 =	simm.s32 $0x580;
	s23 =	simm.s32 $0xA000;
	[sflag:s31] =	ssyncadd.s32 $0xFFFFF800  }
0x116: {  	[spmem:s2] =	stream.indirect.scatter.add.f32 [tilespmem:s23], [sflag:$0x7], $0x10, s21, s4, $0xb8;
	[tilespmem:$0x18C10] =	vst v63  }
0x117: {  	p1 =	seq.s32 s6, $0x0;
	_ =	swait.ge [sflag:s31], $0x800  }
.Ltmp7:
0x118: {  	[sflag:s31] =	ssyncset.done $0x0;
	(pc) =	sbr.rel @p1 .LBB2_11-.Ltmp7, $4  }
0x119: {  	[sflag:s31] =	ssyncadd.s32 $0xFFFFF800  }
0x11a: {  	_ =	swait.ge [sflag:s29], $0x2000  }
0x11b: {  	[sflag:s29] =	ssyncset.done $0x0  }
0x11c: {  	[sflag:s29] =	ssyncadd.s32 $0xFFFFE000  }
.LBB2_8:
0x11d: {  	p1 =	seq.s32 s30, $0x31  }
0x11e: {  	s1 =	sshll.u32 @!p1 s30, $0x9  }
0x11f: {  	s1 =	sadd.s32 @!p1 s1, s19  }
0x120: {  	s1 =	sshrl.u32 @!p1 s1, $0x3  }
0x121: {  	s7 =	simm.s32 @!p1 $0x0;
	s6 =	sadd.s32 @!p1 s5, s1  }
0x122: {  	[tilespmem:s7], [sflag:$0x1] =	stream.linear.gather @!p1 [hbm4b:s6+s7], $0x200, $0x38;
	[tilespmem:$0x18C10] =	vst v63  }
0x123: {  	s1 =	sadd.s32 @!p1 s13, s1;
	s6 =	simm.s32 @!p1 $0x400  }
0x124: {  	[tilespmem:s6], [sflag:$0x1] =	stream.linear.gather @!p1 [hbm4b:s1+s7], $0x200, $0x38;
	[tilespmem:$0x18C10] =	vst v63  }
0x125: {  	_ =	swait.ge [sflag:s9], $0x800  }
0x126: {  	[sflag:s9] =	ssyncset.done $0x0  }
0x127: {  	[sflag:s9] =	ssyncadd.s32 $0xFFFFF800  }
0x128: {  	_ =	swait.ge [sflag:s9], $0x800  }
0x129: {  	[sflag:s9] =	ssyncset.done $0x0  }
0x12a: {  	[sflag:s9] =	ssyncadd.s32 $0xFFFFF800  }
0x12b: {  	_ =	swait.ge [sflag:s9], $0x800  }
0x12c: {  	[sflag:s9] =	ssyncset.done $0x0  }
0x12d: {  	[sflag:s9] =	ssyncadd.s32 $0xFFFFF800  }
0x12e: {  	_ =	swait.ge [sflag:s9], $0x800  }
0x12f: {  	[sflag:s9] =	ssyncset.done $0x0  }
0x130: {  	[sflag:s9] =	ssyncadd.s32 $0xFFFFF800  }
0x131: {  	_ =	swait.ge [sflag:s9], $0x800  }
0x132: {  	[sflag:s9] =	ssyncset.done $0x0  }
0x133: {  	[sflag:s9] =	ssyncadd.s32 $0xFFFFF800  }
0x134: {  	_ =	swait.ge [sflag:s9], $0x800  }
0x135: {  	[sflag:s9] =	ssyncset.done $0x0  }
0x136: {  	[sflag:s9] =	ssyncadd.s32 $0xFFFFF800  }
0x137: {  	_ =	swait.ge [sflag:s9], $0x800  }
0x138: {  	[sflag:s9] =	ssyncset.done $0x0  }
0x139: {  	[sflag:s9] =	ssyncadd.s32 $0xFFFFF800  }
0x13a: {  	_ =	swait.ge [sflag:s9], $0x800  }
0x13b: {  	[sflag:s9] =	ssyncset.done $0x0  }
0x13c: {  	s1 =	simm.s32 @!p1 $0x1;
	[sflag:s9] =	ssyncadd.s32 $0xFFFFF800  }
0x13d: {  	_ =	swait.ge @!p1 [sflag:s1], $0x200  }
0x13e: {  	[sflag:s1] =	ssyncset.done @!p1 $0x0  }
0x13f: {  	[sflag:s1] =	ssyncadd.s32 @!p1 $0xFFFFFE00  }
0x140: {  	_ =	swait.ge @!p1 [sflag:s1], $0x200  }
0x141: {  	[sflag:s1] =	ssyncset.done @!p1 $0x0  }
0x142: {  	s8 =	simm.s32 @!p1 $0x800;
	[sflag:s1] =	ssyncadd.s32 @!p1 $0xFFFFFE00;
	s1 =	simm.s32 @!p1 $0x80  }
0x143: {  	[tilespmem:s8], [sflag:$0x3] =	stream.indirect.gather @!p1 [hbm4b:s14+s1], $0x10, s7, s1, $0xb8;
	[tilespmem:$0x18C10] =	vst v63  }
0x144: {  	s7 =	simm.s32 @!p1 $0x4800  }
0x145: {  	[tilespmem:s7], [sflag:$0x3] =	stream.indirect.gather @!p1 [hbm4b:s15+s1], $0x10, s6, s1, $0xb8;
	[tilespmem:$0x18C10] =	vst v63  }
0x146: {  	s6 =	simm.s32 @!p1 $0x1000  }
0x147: {  	[tilespmem:s6], [sflag:$0x3] =	stream.indirect.gather @!p1 [hbm4b:s14+s1], $0x10, s1, s1, $0xb8;
	[tilespmem:$0x18C10] =	vst v63  }
0x148: {  	s7 =	simm.s32 @!p1 $0x5000;
	s6 =	simm.s32 @!p1 $0x480  }
0x149: {  	[tilespmem:s7], [sflag:$0x3] =	stream.indirect.gather @!p1 [hbm4b:s15+s1], $0x10, s6, s1, $0xb8;
	[tilespmem:$0x18C10] =	vst v63  }
0x14a: {  	s6 =	simm.s32 @!p1 $0x100;
	s7 =	simm.s32 @!p1 $0x1800  }
0x14b: {  	[tilespmem:s7], [sflag:$0x3] =	stream.indirect.gather @!p1 [hbm4b:s14+s1], $0x10, s6, s1, $0xb8;
	[tilespmem:$0x18C10] =	vst v63  }
0x14c: {  	s6 =	simm.s32 @!p1 $0x500;
	s7 =	simm.s32 @!p1 $0x5800  }
0x14d: {  	[tilespmem:s7], [sflag:$0x3] =	stream.indirect.gather @!p1 [hbm4b:s15+s1], $0x10, s6, s1, $0xb8;
	[tilespmem:$0x18C10] =	vst v63  }
0x14e: {  	s6 =	simm.s32 @!p1 $0x180;
	s7 =	simm.s32 @!p1 $0x2000  }
0x14f: {  	[tilespmem:s7], [sflag:$0x3] =	stream.indirect.gather @!p1 [hbm4b:s14+s1], $0x10, s6, s1, $0xb8;
	[tilespmem:$0x18C10] =	vst v63  }
0x150: {  	s6 =	simm.s32 @!p1 $0x580;
	s7 =	simm.s32 @!p1 $0x6000  }
0x151: {  	[tilespmem:s7], [sflag:$0x3] =	stream.indirect.gather @!p1 [hbm4b:s15+s1], $0x10, s6, s1, $0xb8;
	[tilespmem:$0x18C10] =	vst v63  }
0x152: {  	s7 =	simm.s32 $0x0;
	v1 =	vld [tilespmem:$0xC800]  }
0x153: {  	v2 =	vld [tilespmem:s7+$0x2830]  }
0x154: {  	v3 =	vld [tilespmem:s7+$0x6830]  }
0x155: {  	v4 =	vld [tilespmem:s7+$0x2800]  }
0x156: {  	v5 =	vld [tilespmem:s7+$0x6800]  }
0x157: {  	v6 =	vld [tilespmem:s7+$0x2810]  }
0x158: {  	v7 =	vld [tilespmem:s7+$0x6810]  }
0x159: {  	s6 =	simm.s32 $0x40;
	v8 =	vld [tilespmem:s7+$0x2820]  }
0x15a: {  	v9 =	vld [tilespmem:s6+$0x2830];
	v2 =	vadd.f32 v3, v2  }
0x15b: {  	v3 =	vld [tilespmem:s7+$0x6820];
	v4 =	vadd.f32 v5, v4  }
0x15c: {  	v10 =	vld [tilespmem:s6+$0x6830];
	v5 =	vmul.f32 $2.000000030e-01, v2  }
0x15d: {  	v11 =	vld [tilespmem:s6+$0x2800];
	v6 =	vadd.f32 v7, v6;
	v12 =	vmul.f32 $2.000000030e-01, v4  }
0x15e: {  	v2 =	vmax.f32 v2, v5;
	v5 =	vld [tilespmem:s6+$0x6800]  }
0x15f: {  	v13 =	vld [tilespmem:s6+$0x2820];
	v4 =	vmax.f32 v4, v12;
	v12 =	vmul.f32 $2.000000030e-01, v6;
	v2 =	vsub.f32 v2, v1  }
0x160: {  	v7 =	vld [tilespmem:s6+$0x2810];
	v3 =	vadd.f32 v3, v8;
	v4 =	vsub.f32 v4, v1  }
0x161: {  	v9 =	vadd.f32 v10, v9;
	v8 =	vld [tilespmem:s6+$0x6810];
	v6 =	vmax.f32 v6, v12;
	v2 =	vmul.f32 $1.442695020e+00, v2  }
0x162: {  	v12 =	vld [tilespmem:s6+$0x6820];
	v10 =	vmul.f32 $2.000000030e-01, v3;
	v4 =	vmul.f32 $1.442695020e+00, v4;
	v6 =	vsub.f32 v6, v1  }
0x163: {  	s1 =	simm.s32 $0x80;
	(erf) = vpow2.f32 v2;
	v2 =	vadd.f32 v5, v11;
	v5 =	vmul.f32 $2.000000030e-01, v9  }
0x164: {  	v14 =	vld [tilespmem:s1+$0x2830];
	v3 =	vmax.f32 v3, v10;
	v6 =	vmul.f32 $1.442695020e+00, v6  }
0x165: {  	v10 =	vld [tilespmem:s1+$0x6830];
	v3 =	vsub.f32 v3, v1;
	(erf) = vpow2.f32 v4;
	v5 =	vmax.f32 v9, v5  }
0x166: {  	v15 =	vld [tilespmem:s1+$0x6800];
	v8 =	vadd.f32 v8, v7;
	v4 =	vmul.f32 $2.000000030e-01, v2;
	v5 =	vsub.f32 v5, v1  }
0x167: {  	v11 =	vld [tilespmem:s1+$0x2800];
	(erf) = vpow2.f32 v6;
	v12 =	vadd.f32 v12, v13;
	v7 =	vmul.f32 $1.442695020e+00, v3  }
0x168: {  	v6 =	vld [tilespmem:s1+$0x6810];
	v2 =	vmax.f32 v2, v4;
	v4 =	vmul.f32 $2.000000030e-01, v8;
	v13 =	vmul.f32 $1.442695020e+00, v5  }
0x169: {  	v3 =	vld [tilespmem:s1+$0x2810];
	v9 =	vsub.f32 v2, v1;
	(erf) = vpow2.f32 v7  }
0x16a: {  	v2 =	vld [tilespmem:s1+$0x2820];
	v7 =	vadd.f32 v10, v14;
	v14 =	vmul.f32 $2.000000030e-01, v12;
	v4 =	vmax.f32 v8, v4  }
0x16b: {  	s8 =	simm.s32 $0xC0;
	v5 =	vld [tilespmem:s1+$0x6820];
	v9 =	vmul.f32 $1.442695020e+00, v9;
	v10 =	vsub.f32 v4, v1;
	(erf) = vpow2.f32 v13  }
0x16c: {  	s17 =	simm.s32 $0x400;
	v8 =	vadd.f32 v15, v11;
	v4 =	vld [tilespmem:s8+$0x2830];
	v11 =	vmul.f32 $2.000000030e-01, v7;
	v12 =	vmax.f32 v12, v14;
	v13 =	vpop (erf)  }
.LBB2_9:
0x16d: {  	p1 =	sne.s32 s17, $0x7F00;
	v14 =	vld [tilespmem:s8+$0x6830];
	v10 =	vmul.f32 $1.442695020e+00, v10;
	v12 =	vsub.f32 v12, v1;
	(erf) = vpow2.f32 v9;
	[tilespmem:s7+$0xA830] =	vst v13  }
0x16e: {  	v13 =	vld [tilespmem:s8+$0x2800];
	v9 =	vmul.f32 $2.000000030e-01, v8;
	v15 =	vadd.f32 v6, v3;
	v3 =	vmax.f32 v7, v11;
	v6 =	vpop (erf)  }
0x16f: {  	v11 =	vld [tilespmem:s8+$0x6800];
	v7 =	vsub.f32 v3, v1;
	v12 =	vmul.f32 $1.442695020e+00, v12;
	(erf) = vpow2.f32 v10;
	[tilespmem:s7+$0xA800] =	vst v6  }
.Ltmp8:
0x170: {  	v3 =	vld [tilespmem:s8+$0x2810];
	v8 =	vmax.f32 v8, v9;
	v9 =	vmul.f32 $2.000000030e-01, v15;
	v16 =	vadd.f32 v5, v2;
	v2 =	vpop (erf);
	(pc) =	sbr.rel @p1 .LBB2_9-.Ltmp8, $4  }
0x171: {  	v6 =	vld [tilespmem:s8+$0x6810];
	v8 =	vsub.f32 v8, v1;
	v17 =	vmul.f32 $1.442695020e+00, v7;
	(erf) = vpow2.f32 v12;
	[tilespmem:s7+$0xA810] =	vst v2  }
0x172: {  	v2 =	vld [tilespmem:s8+$0x2820];
	v7 =	vadd.f32 v14, v4;
	v4 =	vmax.f32 v15, v9;
	v12 =	vmul.f32 $2.000000030e-01, v16;
	v14 =	vpop (erf)  }
0x173: {  	s21 =	sshra.s32 s17, $0x2;
	v5 =	vld [tilespmem:s8+$0x6820];
	v9 =	vmul.f32 $1.442695020e+00, v8;
	v10 =	vsub.f32 v4, v1;
	(erf) = vpow2.f32 v17;
	[tilespmem:s7+$0xA820] =	vst v14;
	s7 =	smov.u32 s6;
	s6 =	smov.u32 s1  }
0x174: {  	s17 =	sadd.s32 $0x100, s17;
	s1 =	smov.u32 s8;
	s8 =	smov.u32 s21;
	v4 =	vld [tilespmem:s21+$0x2830];
	v8 =	vadd.f32 v11, v13;
	v11 =	vmul.f32 $2.000000030e-01, v7;
	v12 =	vmax.f32 v16, v12;
	v13 =	vpop (erf)  }
0x175: {  	v14 =	vld [tilespmem:s8+$0x6830];
	[tilespmem:s7+$0xA830] =	vst v13  }
0x176: {  	v10 =	vmul.f32 $1.442695020e+00, v10;
	v12 =	vsub.f32 v12, v1;
	v13 =	vld [tilespmem:s8+$0x2800];
	v15 =	vpop (erf)  }
0x177: {  	v16 =	vld [tilespmem:s8+$0x6800];
	v48 =	vmul.f32 $2.000000030e-01, v8;
	v3 =	vadd.f32 v6, v3;
	v49 =	vmax.f32 v7, v11;
	[tilespmem:s7+$0xA800] =	vst v15  }
0x178: {  	(erf) = vpow2.f32 v9;
	v6 =	vsub.f32 v49, v1;
	v52 =	vmul.f32 $1.442695020e+00, v12;
	v47 =	vld [tilespmem:s8+$0x2810];
	v50 =	vpop (erf)  }
0x179: {  	v51 =	vld [tilespmem:s8+$0x6810];
	v8 =	vmax.f32 v8, v48;
	v53 =	vmul.f32 $2.000000030e-01, v3;
	v2 =	vadd.f32 v5, v2;
	[tilespmem:s7+$0xA810] =	vst v50  }
0x17a: {  	(erf) = vpow2.f32 v10;
	v8 =	vsub.f32 v8, v1;
	v6 =	vmul.f32 $1.442695020e+00, v6;
	v54 =	vld [tilespmem:s8+$0x2820]  }
0x17b: {  	v55 =	vld [tilespmem:s8+$0x6820];
	v4 =	vadd.f32 v14, v4;
	v3 =	vmax.f32 v3, v53;
	v56 =	vmul.f32 $2.000000030e-01, v2  }
0x17c: {  	(erf) = vpow2.f32 v52;
	v8 =	vmul.f32 $1.442695020e+00, v8;
	v3 =	vsub.f32 v3, v1  }
0x17d: {  	v57 =	vadd.f32 v16, v13;
	v58 =	vmul.f32 $2.000000030e-01, v4;
	v2 =	vmax.f32 v2, v56  }
0x17e: {  	(erf) = vpow2.f32 v6;
	v3 =	vmul.f32 $1.442695020e+00, v3;
	v2 =	vsub.f32 v2, v1  }
0x17f: {  	v9 =	vadd.f32 v51, v47;
	v59 =	vmul.f32 $2.000000030e-01, v57;
	v4 =	vmax.f32 v4, v58  }
0x180: {  	(erf) = vpow2.f32 v8;
	v5 =	vadd.f32 v55, v54;
	v4 =	vsub.f32 v4, v1  }
0x181: {  	v60 =	vmul.f32 $2.000000030e-01, v9;
	v2 =	vmul.f32 $1.442695020e+00, v2;
	v6 =	vmax.f32 v57, v59  }
0x182: {  	(erf) = vpow2.f32 v3;
	v3 =	vsub.f32 v6, v1;
	v61 =	vmul.f32 $2.000000030e-01, v5  }
0x183: {  	v62 =	vmax.f32 v9, v60  }
0x184: {  	v4 =	vmul.f32 $1.442695020e+00, v4;
	(erf) = vpow2.f32 v2;
	v5 =	vmax.f32 v5, v61  }
0x185: {  	v6 =	vsub.f32 v62, v1;
	v2 =	vmul.f32 $1.442695020e+00, v3;
	v1 =	vsub.f32 v5, v1  }
0x186: {  	v3 =	vpop (erf);
	(erf) = vpow2.f32 v4  }
0x187: {  	v63 =	vmul.f32 $1.442695020e+00, v6;
	v1 =	vmul.f32 $1.442695020e+00, v1  }
0x188: {  	[tilespmem:s7+$0xA820] =	vst v3;
	v3 =	vpop (erf);
	(erf) = vpow2.f32 v2  }
0x189: {  	[tilespmem:s6+$0xA830] =	vst v3;
	v2 =	vpop (erf);
	(erf) = vpow2.f32 v63  }
0x18a: {  	[tilespmem:s6+$0xA800] =	vst v2;
	v2 =	vpop (erf);
	(erf) = vpow2.f32 v1  }
0x18b: {  	[tilespmem:s6+$0xA810] =	vst v2;
	v1 =	vpop (erf)  }
0x18c: {  	v2 =	vpop (erf);
	[tilespmem:s6+$0xA820] =	vst v1  }
0x18d: {  	v1 =	vpop (erf);
	[tilespmem:s1+$0xA830] =	vst v2  }
0x18e: {  	v2 =	vpop (erf);
	[tilespmem:s1+$0xA800] =	vst v1  }
0x18f: {  	[tilespmem:s1+$0xA810] =	vst v2;
	v1 =	vpop (erf)  }
0x190: {  	[tilespmem:s1+$0xA820] =	vst v1;
	v1 =	vpop (erf)  }
0x191: {  	[tilespmem:s8+$0xA830] =	vst v1;
	v1 =	vpop (erf)  }
0x192: {  	s7 =	sadd.s32 s20, s30;
	[tilespmem:s8+$0xA800] =	vst v1;
	v1 =	vpop (erf)  }
0x193: {  	s1 =	sshll.u32 s7, $0xA;
	[tilespmem:s8+$0xA810] =	vst v1;
	v1 =	vpop (erf)  }
0x194: {  	s1 =	sadd.s32 s16, s1;
	[tilespmem:s8+$0xA820] =	vst v1  }
0x195: {  	[hbm4b:s1+s3] =	stream.linear.scatter [tilespmem:s10], [sflag:$0x6], $0x2000, $0x38;
	[tilespmem:$0x18C10] =	vst v63  }
0x196: {  	_ = 	snop  }
0x197: {  	[spmem:s2] =	stream.indirect.scatter.add.f32 [tilespmem:s10], [sflag:$0x7], $0x10, s11, s4, $0xb8;
	[tilespmem:$0x18C10] =	vst v63  }
0x198: {  	_ =	swait.ge [sflag:s31], $0x800  }
0x199: {  	[sflag:s31] =	ssyncset.done $0x0  }
0x19a: {  	s17 =	simm.s32 $0xB000;
	[sflag:s31] =	ssyncadd.s32 $0xFFFFF800  }
0x19b: {  	[spmem:s2] =	stream.indirect.scatter.add.f32 [tilespmem:s17], [sflag:$0x7], $0x10, s12, s4, $0xb8;
	[tilespmem:$0x18C10] =	vst v63  }
0x19c: {  	_ =	swait.ge [sflag:s31], $0x800  }
0x19d: {  	[sflag:s31] =	ssyncset.done $0x0  }
0x19e: {  	s21 =	simm.s32 $0xB800;
	[sflag:s31] =	ssyncadd.s32 $0xFFFFF800  }
0x19f: {  	[spmem:s2] =	stream.indirect.scatter.add.f32 [tilespmem:s21], [sflag:$0x7], $0x10, s18, s4, $0xb8;
	[tilespmem:$0x18C10] =	vst v63  }
0x1a0: {  	_ =	swait.ge [sflag:s31], $0x800  }
0x1a1: {  	[sflag:s31] =	ssyncset.done $0x0  }
0x1a2: {  	s23 =	simm.s32 $0xC000;
	[sflag:s31] =	ssyncadd.s32 $0xFFFFF800  }
0x1a3: {  	[spmem:s2] =	stream.indirect.scatter.add.f32 [tilespmem:s23], [sflag:$0x7], $0x10, s22, s4, $0xb8;
	[tilespmem:$0x18C10] =	vst v63  }
0x1a4: {  	_ =	swait.ge [sflag:s31], $0x800  }
.Ltmp9:
0x1a5: {  	[sflag:s31] =	ssyncset.done $0x0;
	(pc) =	sbr.rel .LBB2_11-.Ltmp9, $4  }
0x1a6: {  	[sflag:s31] =	ssyncadd.s32 $0xFFFFF800  }
0x1a7: {  	_ =	swait.ge [sflag:s24], $0x2000  }
0x1a8: {  	[sflag:s24] =	ssyncset.done $0x0  }
0x1a9: {  	[sflag:s24] =	ssyncadd.s32 $0xFFFFE000  }
.LBB2_13:
0x1aa: {  	_ =	sfence.sel $0x180000  }
0x1ab: {  	[bflag:$0x0] =	sbarrier.arrive $0xFFFF  }
0x1ac: {  	_ =	strace $0x90000047  }
0x1ad: {  	s0 =	stileid.u32;
	[bflag:$0x2] =	sbarrier.arrive $0xFFFF  }
0x1ae: {  	p0 =	sne.s32 s0, $0x0;
	s0 =	rddreg [dreg:$0x3]  }
0x1af: {  	s0 =	sadd.s32 @!p0 $0x100000, s0  }
0x1b0: {  	[sflag:s0] =	ssyncadd.tile.s32 @!p0 $0x1;
	_ =	shalt  }
.Lfunc_end2:
_tile_overlayer_lowered:
.L_overlay_start_2:
0x1b1: {  	(tag) =	ssettag $0x2  }
0x1b2: {  	s0 =	rddreg [dreg:$0x0];
	s2 =	stileid.u32  }
0x1b3: {  	s1 =	rddreg [dreg:$0x1];
	p0 =	sne.s32 s2, $0x0  }
0x1b4: {  	s3 =	rddreg [dreg:$0x2];
	[bflag:$0x3] =	sbarrier.arrive $0xFFFF;
	s2 =	simm.s32 @!p0 $0x1C07  }
0x1b5: {  	[timem:s3], [sflag:s2] =	dma.local @!p0 [hbm:s0], s1  }
0x1b6: {  	s0 =	simm.s32 @!p0 $0x7  }
0x1b7: {  	_ =	swait.ge @!p0 [sflag:s0], s1  }
0x1b8: {  	s1 =	ssub.s32 @!p0 $0x0, s1;
	[sflag:s0] =	ssyncset.done @!p0 $0x0  }
0x1b9: {  	[sflag:s0] =	ssyncadd.s32 @!p0 s1  }
0x1ba: {  	[bflag:$0x3] =	sbarrier.arrive $0xFFFF  }
0x1bb: {  	_ =	shalt  }

</sc_bundles>
